<compile_context>
chip_gen: v7x
topology: tpu7x:2x2x1
jax: 0.10.2.dev20260603
libtpu: 0.0.44.dev20260713+nightly
codegen_flags: <defaults>
</compile_context>

<pallas_src>
import functools

import jax
import jax.numpy as jnp
from jax import lax
from jax.experimental import pallas as pl
from jax.experimental.pallas import tpu as pltpu
from jax.experimental.pallas import tpu_sc as plsc

B = 4096
L = 200
D = 32
VOCAB = 1000000

NC = 2
NS = 16
NW = NC * NS
SEQ_PER = B // NW

_L_STARTS = tuple(range(0, L - 16, 16)) + (L - 16,)


def _body(x_hbm, table_hbm, emb_hbm, len_hbm, idx_v, rows_v, outT_v, len_v, sem):
    wid = lax.axis_index("s") * NC + lax.axis_index("c")
    iota = lax.iota(jnp.int32, 16)
    lane0 = iota == 0
    tail_mask = iota >= 8

    def seq_body(i, carry):
        seq = wid * SEQ_PER + i
        pltpu.sync_copy(x_hbm.at[seq, pl.ds(0, 128)], idx_v.at[0])
        pltpu.sync_copy(x_hbm.at[seq, pl.ds(128, 72)], idx_v.at[1, pl.ds(0, 72)])

        cp0 = pltpu.async_copy(table_hbm.at[idx_v.at[0]], rows_v.at[pl.ds(0, 128)], sem)
        cp1 = pltpu.async_copy(
            table_hbm.at[idx_v.at[1, pl.ds(0, 72)]], rows_v.at[pl.ds(128, 72)], sem
        )

        cnt = jnp.zeros((16,), jnp.int32)
        one = jnp.ones((16,), jnp.int32)
        zero = jnp.zeros((16,), jnp.int32)
        for c in range(8):
            v = idx_v[0, pl.ds(c * 16, 16)]
            cnt = cnt + jnp.where(v != 0, one, zero)
        for c in range(4):
            v = idx_v[1, pl.ds(c * 16, 16)]
            cnt = cnt + jnp.where(v != 0, one, zero)
        v = idx_v[1, pl.ds(56, 16)]
        cnt = cnt + jnp.where((v != 0) & tail_mask, one, zero)
        total = jnp.full((16,), jnp.sum(cnt), jnp.int32)
        plsc.store_scatter(len_v, [jnp.full((16,), i, jnp.int32)], total, mask=lane0)

        cp0.wait()
        cp1.wait()

        for d in range(D):
            col = jnp.full((16,), d, jnp.int32)
            for l0 in _L_STARTS:
                vec = plsc.load_gather(rows_v, [iota + l0, col])
                outT_v[d, pl.ds(l0, 16)] = vec

        pltpu.sync_copy(outT_v, emb_hbm.at[seq])
        return carry

    lax.fori_loop(0, SEQ_PER, seq_body, 0)
    pltpu.sync_copy(len_v, len_hbm.at[pl.ds(wid * SEQ_PER, SEQ_PER)])


@jax.jit
def _run(x, table):
    mesh = plsc.VectorSubcoreMesh(core_axis_name="c", subcore_axis_name="s")
    return pl.kernel(
        _body,
        out_type=(
            jax.ShapeDtypeStruct((B, D, L), jnp.float32),
            jax.ShapeDtypeStruct((B,), jnp.int32),
        ),
        mesh=mesh,
        compiler_params=pltpu.CompilerParams(
            needs_layout_passes=False, use_tc_tiling_on_sc=False
        ),
        scratch_types=(
            pltpu.VMEM((2, 128), jnp.int32),
            pltpu.VMEM((L, D), jnp.float32),
            pltpu.VMEM((D, L), jnp.float32),
            pltpu.VMEM((SEQ_PER,), jnp.int32),
            pltpu.SemaphoreType.DMA,
        ),
    )(x, table)


def kernel(x, table):
    return _run(x, table)

# --- scband reference (transcript-rebuilt; emitter-appended) ---
"""Pipeline reference for scband-embedding-model-24550033064387 (READ-ONLY COPY).

The authoritative reference and input builder live on the scoring server;
editing this copy changes nothing except your own understanding.
"""

import jax, jax.numpy as jnp
import numpy as np

VOCAB = 1000000
D_MODEL = 32
PADDING_IDX = 0

def setup_inputs(seed: int = 0) -> dict:
    key = jax.random.key(seed)
    k1, k2 = jax.random.split(key)
    x = jax.random.randint(k1, (4096, 200), 0, VOCAB, dtype=jnp.int64 if jax.config.jax_enable_x64 else jnp.int32).astype(jnp.int32)
    table = jax.random.normal(k2, (VOCAB, D_MODEL), dtype=jnp.float32)
    # nn.Embedding with padding_idx zeros that row at init
    table = table.at[PADDING_IDX].set(0.0)
    return {"x": x, "table": table}

def reference(x, table):
    # lengths: count of non-padding tokens per sequence
    non_padding_mask = (x != PADDING_IDX)
    lengths = non_padding_mask.sum(axis=-1)
    # embedding lookup (gather)
    emb = jnp.take(table, x, axis=0)  # (B, L, D)
    # permute (0, 2, 1) -> (B, D, L)
    emb = jnp.transpose(emb, (0, 2, 1))
    return (emb, lengths)

if __name__ == "__main__":
    import jax
    _d = setup_inputs()
    print(jax.jit(kernel)(*tuple(_d.values())))

</pallas_src>

<mosaic_0001>
#map = affine_map<(d0, d1) -> (0, 0)>
#map1 = affine_map<(d0, d1) -> (0, 0, 0)>
#map2 = affine_map<(d0, d1) -> (0)>
module attributes {stable_mosaic.version = 14 : i64} {
  func.func @_body(%arg0: i32, %arg1: i32, %arg2: memref<4096x200xi32, #tpu.memory_space<hbm>>, %arg3: memref<1000000x32xf32, #tpu.memory_space<hbm>>, %arg4: memref<4096x32x200xf32, #tpu.memory_space<hbm>>, %arg5: memref<4096xi32, #tpu.memory_space<hbm>>, %arg6: memref<2x128xi32, #tpu.memory_space<vmem>>, %arg7: memref<200x32xf32, #tpu.memory_space<vmem>>, %arg8: memref<32x200xf32, #tpu.memory_space<vmem>>, %arg9: memref<128xi32, #tpu.memory_space<vmem>>, %arg10: memref<!tpu.dma_semaphore, #tpu.memory_space<semaphore_mem>>) attributes {dimension_semantics = [#tpu.dimension_semantics<core_parallel>, #tpu.dimension_semantics<subcore_parallel>], iteration_bounds = array<i64: 2, 16>, scalar_prefetch = 0 : i64, scratch_operands = 5 : i64, tpu.core_type = #tpu.core_type<sc_vector_subcore>, window_params = [{transform_indices = #map}, {transform_indices = #map}, {transform_indices = #map1}, {transform_indices = #map2}]} {
    %mul3A = arith.constant 2 : i32
    %mul3A_0 = arith.muli %arg1, %mul3A : i32
    %add3A = arith.addi %mul3A_0, %arg0 : i32
    %iota3A = tpu.iota {dimensions = array<i32: 0>} : vector<16xi32>
    %eq3A = arith.constant 0 : i32
    %eq3A_1 = vector.broadcast %eq3A : i32 to vector<16xi32>
    %eq3A_2 = arith.cmpi eq, %iota3A, %eq3A_1 : vector<16xi32>
    %ge3A = arith.constant 8 : i32
    %ge3A_3 = vector.broadcast %ge3A : i32 to vector<16xi32>
    %ge3A_4 = arith.cmpi sge, %iota3A, %ge3A_3 : vector<16xi32>
    %scan3A = arith.constant 0 : i32
    %scan3A_5 = arith.constant 0 : i32
    %scan3A_6 = arith.constant 128 : i32
    %scan3A_7 = arith.addi %scan3A_5, %scan3A_6 : i32
    %scan3A_8 = arith.constant 1 : i32
    scf.for %scan3A_12 = %scan3A_5 to %scan3A_7 step %scan3A_8  : i32 {
      %mul3A_13 = arith.constant 128 : i32
      %mul3A_14 = arith.muli %add3A, %mul3A_13 : i32
      %add3A_15 = arith.addi %mul3A_14, %scan3A_12 : i32
      %run_scoped3A = arith.constant 0 : i32
      "tpu.region"() ({
        %run_scoped3A_3569 = tpu.sem_alloc : memref<!tpu.dma_semaphore, #tpu.memory_space<semaphore_mem>>
        %dma_start3A_3570 = arith.constant 0 : i32
        %dma_start3A_3571 = tpu.memref_slice %arg6[%run_scoped3A, %dma_start3A_3570] : memref<2x128xi32, #tpu.memory_space<vmem>> -> memref<1x128xi32, #tpu.memory_space<vmem>>
        %dma_start3A_3572 = tpu.memref_squeeze %dma_start3A_3571 : memref<1x128xi32, #tpu.memory_space<vmem>> -> memref<128xi32, #tpu.memory_space<vmem>>
        %dma_start3A_3573 = arith.constant 0 : i32
        %dma_start3A_3574 = tpu.memref_slice %arg2[%add3A_15, %dma_start3A_3573] : memref<4096x200xi32, #tpu.memory_space<hbm>> -> memref<1x128xi32, #tpu.memory_space<hbm>>
        %dma_start3A_3575 = tpu.memref_squeeze %dma_start3A_3574 : memref<1x128xi32, #tpu.memory_space<hbm>> -> memref<128xi32, #tpu.memory_space<hbm>>
        %dma_start3A_3576 = arith.constant 0 : i32
        %dma_start3A_3577 = tpu.memref_slice %arg6[%run_scoped3A, %dma_start3A_3576] : memref<2x128xi32, #tpu.memory_space<vmem>> -> memref<1x128xi32, #tpu.memory_space<vmem>>
        %dma_start3A_3578 = tpu.memref_squeeze %dma_start3A_3577 : memref<1x128xi32, #tpu.memory_space<vmem>> -> memref<128xi32, #tpu.memory_space<vmem>>
        %dma_start3A_3579 = arith.constant 0 : i32
        %dma_start3A_3580 = tpu.memref_slice %arg2[%add3A_15, %dma_start3A_3579] : memref<4096x200xi32, #tpu.memory_space<hbm>> -> memref<1x128xi32, #tpu.memory_space<hbm>>
        %dma_start3A_3581 = tpu.memref_squeeze %dma_start3A_3580 : memref<1x128xi32, #tpu.memory_space<hbm>> -> memref<128xi32, #tpu.memory_space<hbm>>
        tpu.enqueue_dma source(%dma_start3A_3581 : memref<128xi32, #tpu.memory_space<hbm>>) target(%dma_start3A_3578 : memref<128xi32, #tpu.memory_space<vmem>>) target_semaphore(%run_scoped3A_3569 : memref<!tpu.dma_semaphore, #tpu.memory_space<semaphore_mem>>)
        %dma_wait3A_3582 = arith.constant 0 : i32
        %dma_wait3A_3583 = tpu.memref_slice %arg6[%run_scoped3A, %dma_wait3A_3582] : memref<2x128xi32, #tpu.memory_space<vmem>> -> memref<1x128xi32, #tpu.memory_space<vmem>>
        %dma_wait3A_3584 = tpu.memref_squeeze %dma_wait3A_3583 : memref<1x128xi32, #tpu.memory_space<vmem>> -> memref<128xi32, #tpu.memory_space<vmem>>
        %dma_wait3A_3585 = arith.constant 0 : i32
        %dma_wait3A_3586 = tpu.memref_slice %arg2[%add3A_15, %dma_wait3A_3585] : memref<4096x200xi32, #tpu.memory_space<hbm>> -> memref<1x128xi32, #tpu.memory_space<hbm>>
        %dma_wait3A_3587 = tpu.memref_squeeze %dma_wait3A_3586 : memref<1x128xi32, #tpu.memory_space<hbm>> -> memref<128xi32, #tpu.memory_space<hbm>>
        %dma_wait3A_3588 = arith.constant 0 : i32
        %dma_wait3A_3589 = tpu.memref_slice %arg6[%run_scoped3A, %dma_wait3A_3588] : memref<2x128xi32, #tpu.memory_space<vmem>> -> memref<1x128xi32, #tpu.memory_space<vmem>>
        %dma_wait3A_3590 = tpu.memref_squeeze %dma_wait3A_3589 : memref<1x128xi32, #tpu.memory_space<vmem>> -> memref<128xi32, #tpu.memory_space<vmem>>
        %dma_wait3A_3591 = arith.constant 0 : i32
        %dma_wait3A_3592 = tpu.memref_slice %arg2[%add3A_15, %dma_wait3A_3591] : memref<4096x200xi32, #tpu.memory_space<hbm>> -> memref<1x128xi32, #tpu.memory_space<hbm>>
        %dma_wait3A_3593 = tpu.memref_squeeze %dma_wait3A_3592 : memref<1x128xi32, #tpu.memory_space<hbm>> -> memref<128xi32, #tpu.memory_space<hbm>>
        tpu.wait_dma2 semaphore(%run_scoped3A_3569 : memref<!tpu.dma_semaphore, #tpu.memory_space<semaphore_mem>>) src(%dma_wait3A_3593 : memref<128xi32, #tpu.memory_space<hbm>>) dst(%dma_wait3A_3590 : memref<128xi32, #tpu.memory_space<vmem>>)
        tpu.yield
      }) : () -> ()
      %run_scoped3A_16 = arith.constant 1 : i32
      "tpu.region"() ({
        %run_scoped3A_3569 = tpu.sem_alloc : memref<!tpu.dma_semaphore, #tpu.memory_space<semaphore_mem>>
        %dma_start3A_3570 = arith.constant 0 : i32
        %dma_start3A_3571 = tpu.memref_slice %arg6[%run_scoped3A_16, %dma_start3A_3570] : memref<2x128xi32, #tpu.memory_space<vmem>> -> memref<1x72xi32, #tpu.memory_space<vmem>>
        %dma_start3A_3572 = tpu.memref_squeeze %dma_start3A_3571 : memref<1x72xi32, #tpu.memory_space<vmem>> -> memref<72xi32, #tpu.memory_space<vmem>>
        %dma_start3A_3573 = arith.constant 128 : i32
        %dma_start3A_3574 = tpu.memref_slice %arg2[%add3A_15, %dma_start3A_3573] : memref<4096x200xi32, #tpu.memory_space<hbm>> -> memref<1x72xi32, #tpu.memory_space<hbm>>
        %dma_start3A_3575 = tpu.memref_squeeze %dma_start3A_3574 : memref<1x72xi32, #tpu.memory_space<hbm>> -> memref<72xi32, #tpu.memory_space<hbm>>
        %dma_start3A_3576 = arith.constant 0 : i32
        %dma_start3A_3577 = tpu.memref_slice %arg6[%run_scoped3A_16, %dma_start3A_3576] : memref<2x128xi32, #tpu.memory_space<vmem>> -> memref<1x72xi32, #tpu.memory_space<vmem>>
        %dma_start3A_3578 = tpu.memref_squeeze %dma_start3A_3577 : memref<1x72xi32, #tpu.memory_space<vmem>> -> memref<72xi32, #tpu.memory_space<vmem>>
        %dma_start3A_3579 = arith.constant 128 : i32
        %dma_start3A_3580 = tpu.memref_slice %arg2[%add3A_15, %dma_start3A_3579] : memref<4096x200xi32, #tpu.memory_space<hbm>> -> memref<1x72xi32, #tpu.memory_space<hbm>>
        %dma_start3A_3581 = tpu.memref_squeeze %dma_start3A_3580 : memref<1x72xi32, #tpu.memory_space<hbm>> -> memref<72xi32, #tpu.memory_space<hbm>>
        tpu.enqueue_dma source(%dma_start3A_3581 : memref<72xi32, #tpu.memory_space<hbm>>) target(%dma_start3A_3578 : memref<72xi32, #tpu.memory_space<vmem>>) target_semaphore(%run_scoped3A_3569 : memref<!tpu.dma_semaphore, #tpu.memory_space<semaphore_mem>>)
        %dma_wait3A_3582 = arith.constant 0 : i32
        %dma_wait3A_3583 = tpu.memref_slice %arg6[%run_scoped3A_16, %dma_wait3A_3582] : memref<2x128xi32, #tpu.memory_space<vmem>> -> memref<1x72xi32, #tpu.memory_space<vmem>>
        %dma_wait3A_3584 = tpu.memref_squeeze %dma_wait3A_3583 : memref<1x72xi32, #tpu.memory_space<vmem>> -> memref<72xi32, #tpu.memory_space<vmem>>
        %dma_wait3A_3585 = arith.constant 128 : i32
        %dma_wait3A_3586 = tpu.memref_slice %arg2[%add3A_15, %dma_wait3A_3585] : memref<4096x200xi32, #tpu.memory_space<hbm>> -> memref<1x72xi32, #tpu.memory_space<hbm>>
        %dma_wait3A_3587 = tpu.memref_squeeze %dma_wait3A_3586 : memref<1x72xi32, #tpu.memory_space<hbm>> -> memref<72xi32, #tpu.memory_space<hbm>>
        %dma_wait3A_3588 = arith.constant 0 : i32
        %dma_wait3A_3589 = tpu.memref_slice %arg6[%run_scoped3A_16, %dma_wait3A_3588] : memref<2x128xi32, #tpu.memory_space<vmem>> -> memref<1x72xi32, #tpu.memory_space<vmem>>
        %dma_wait3A_3590 = tpu.memref_squeeze %dma_wait3A_3589 : memref<1x72xi32, #tpu.memory_space<vmem>> -> memref<72xi32, #tpu.memory_space<vmem>>
        %dma_wait3A_3591 = arith.constant 128 : i32
        %dma_wait3A_3592 = tpu.memref_slice %arg2[%add3A_15, %dma_wait3A_3591] : memref<4096x200xi32, #tpu.memory_space<hbm>> -> memref<1x72xi32, #tpu.memory_space<hbm>>
        %dma_wait3A_3593 = tpu.memref_squeeze %dma_wait3A_3592 : memref<1x72xi32, #tpu.memory_space<hbm>> -> memref<72xi32, #tpu.memory_space<hbm>>
        tpu.wait_dma2 semaphore(%run_scoped3A_3569 : memref<!tpu.dma_semaphore, #tpu.memory_space<semaphore_mem>>) src(%dma_wait3A_3593 : memref<72xi32, #tpu.memory_space<hbm>>) dst(%dma_wait3A_3590 : memref<72xi32, #tpu.memory_space<vmem>>)
        tpu.yield
      }) : () -> ()
      %dma_start3A = arith.constant 0 : i32
      %dma_start3A_17 = arith.constant 0 : i32
      %dma_start3A_18 = arith.constant 0 : i32
      %dma_start3A_19 = tpu.memref_slice %arg7[%dma_start3A_17, %dma_start3A_18] : memref<200x32xf32, #tpu.memory_space<vmem>> -> memref<128x32xf32, #tpu.memory_space<vmem>>
      %dma_start3A_20 = arith.constant 0 : i32
      %dma_start3A_21 = tpu.memref_slice %arg6[%dma_start3A, %dma_start3A_20] : memref<2x128xi32, #tpu.memory_space<vmem>> -> memref<1x128xi32, #tpu.memory_space<vmem>>
      %dma_start3A_22 = tpu.memref_squeeze %dma_start3A_21 : memref<1x128xi32, #tpu.memory_space<vmem>> -> memref<128xi32, #tpu.memory_space<vmem>>
      %dma_start3A_23 = arith.constant 0 : i32
      %dma_start3A_24 = arith.constant 0 : i32
      %dma_start3A_25 = tpu.memref_slice %arg3[%dma_start3A_23, %dma_start3A_24] : memref<1000000x32xf32, #tpu.memory_space<hbm>> -> memref<1000000x32xf32, #tpu.memory_space<hbm>>
      tpu.enqueue_indirect_dma source(%dma_start3A_25 : memref<1000000x32xf32, #tpu.memory_space<hbm>>) target(%dma_start3A_19 : memref<128x32xf32, #tpu.memory_space<vmem>>) offsets(%dma_start3A_22 : memref<128xi32, #tpu.memory_space<vmem>>) semaphore(%arg10 : memref<!tpu.dma_semaphore, #tpu.memory_space<semaphore_mem>>)
      %dma_start3A_26 = arith.constant 1 : i32
      %dma_start3A_27 = arith.constant 128 : i32
      %dma_start3A_28 = arith.constant 0 : i32
      %dma_start3A_29 = tpu.memref_slice %arg7[%dma_start3A_27, %dma_start3A_28] : memref<200x32xf32, #tpu.memory_space<vmem>> -> memref<72x32xf32, #tpu.memory_space<vmem>>
      %dma_start3A_30 = arith.constant 0 : i32
      %dma_start3A_31 = tpu.memref_slice %arg6[%dma_start3A_26, %dma_start3A_30] : memref<2x128xi32, #tpu.memory_space<vmem>> -> memref<1x72xi32, #tpu.memory_space<vmem>>
      %dma_start3A_32 = tpu.memref_squeeze %dma_start3A_31 : memref<1x72xi32, #tpu.memory_space<vmem>> -> memref<72xi32, #tpu.memory_space<vmem>>
      %dma_start3A_33 = arith.constant 0 : i32
      %dma_start3A_34 = arith.constant 0 : i32
      %dma_start3A_35 = tpu.memref_slice %arg3[%dma_start3A_33, %dma_start3A_34] : memref<1000000x32xf32, #tpu.memory_space<hbm>> -> memref<1000000x32xf32, #tpu.memory_space<hbm>>
      tpu.enqueue_indirect_dma source(%dma_start3A_35 : memref<1000000x32xf32, #tpu.memory_space<hbm>>) target(%dma_start3A_29 : memref<72x32xf32, #tpu.memory_space<vmem>>) offsets(%dma_start3A_32 : memref<72xi32, #tpu.memory_space<vmem>>) semaphore(%arg10 : memref<!tpu.dma_semaphore, #tpu.memory_space<semaphore_mem>>)
      %broadcast_in_dim3A = arith.constant 0 : i32
      %broadcast_in_dim3A_36 = vector.broadcast %broadcast_in_dim3A : i32 to vector<16xi32>
      %broadcast_in_dim3A_37 = arith.constant 1 : i32
      %broadcast_in_dim3A_38 = vector.broadcast %broadcast_in_dim3A_37 : i32 to vector<16xi32>
      %broadcast_in_dim3A_39 = arith.constant 0 : i32
      %broadcast_in_dim3A_40 = vector.broadcast %broadcast_in_dim3A_39 : i32 to vector<16xi32>
      %get3A = arith.constant 0 : i32
      %get3A_41 = arith.index_cast %get3A : i32 to index
      %get3A_42 = arith.constant 0 : index
      %get3A_43 = tpu.vector_load %arg6[%get3A_41, %get3A_42] {strides = array<i32>} : memref<2x128xi32, #tpu.memory_space<vmem>>, vector<16xi32>,
      %ne3A = arith.constant 0 : i32
      %ne3A_44 = vector.broadcast %ne3A : i32 to vector<16xi32>
      %ne3A_45 = arith.cmpi ne, %get3A_43, %ne3A_44 : vector<16xi32>
      %select_n3A = arith.select %ne3A_45, %broadcast_in_dim3A_38, %broadcast_in_dim3A_40 : vector<16xi1>, vector<16xi32>
      %add3A_46 = arith.addi %broadcast_in_dim3A_36, %select_n3A : vector<16xi32>
      %get3A_47 = arith.constant 0 : i32
      %get3A_48 = arith.index_cast %get3A_47 : i32 to index
      %get3A_49 = arith.constant 16 : index
      %get3A_50 = tpu.vector_load %arg6[%get3A_48, %get3A_49] {strides = array<i32>} : memref<2x128xi32, #tpu.memory_space<vmem>>, vector<16xi32>,
      %ne3A_51 = arith.constant 0 : i32
      %ne3A_52 = vector.broadcast %ne3A_51 : i32 to vector<16xi32>
      %ne3A_53 = arith.cmpi ne, %get3A_50, %ne3A_52 : vector<16xi32>
      %select_n3A_54 = arith.select %ne3A_53, %broadcast_in_dim3A_38, %broadcast_in_dim3A_40 : vector<16xi1>, vector<16xi32>
      %add3A_55 = arith.addi %add3A_46, %select_n3A_54 : vector<16xi32>
      %get3A_56 = arith.constant 0 : i32
      %get3A_57 = arith.index_cast %get3A_56 : i32 to index
      %get3A_58 = arith.constant 32 : index
      %get3A_59 = tpu.vector_load %arg6[%get3A_57, %get3A_58] {strides = array<i32>} : memref<2x128xi32, #tpu.memory_space<vmem>>, vector<16xi32>,
      %ne3A_60 = arith.constant 0 : i32
      %ne3A_61 = vector.broadcast %ne3A_60 : i32 to vector<16xi32>
      %ne3A_62 = arith.cmpi ne, %get3A_59, %ne3A_61 : vector<16xi32>
      %select_n3A_63 = arith.select %ne3A_62, %broadcast_in_dim3A_38, %broadcast_in_dim3A_40 : vector<16xi1>, vector<16xi32>
      %add3A_64 = arith.addi %add3A_55, %select_n3A_63 : vector<16xi32>
      %get3A_65 = arith.constant 0 : i32
      %get3A_66 = arith.index_cast %get3A_65 : i32 to index
      %get3A_67 = arith.constant 48 : index
      %get3A_68 = tpu.vector_load %arg6[%get3A_66, %get3A_67] {strides = array<i32>} : memref<2x128xi32, #tpu.memory_space<vmem>>, vector<16xi32>,
      %ne3A_69 = arith.constant 0 : i32
      %ne3A_70 = vector.broadcast %ne3A_69 : i32 to vector<16xi32>
      %ne3A_71 = arith.cmpi ne, %get3A_68, %ne3A_70 : vector<16xi32>
      %select_n3A_72 = arith.select %ne3A_71, %broadcast_in_dim3A_38, %broadcast_in_dim3A_40 : vector<16xi1>, vector<16xi32>
      %add3A_73 = arith.addi %add3A_64, %select_n3A_72 : vector<16xi32>
      %get3A_74 = arith.constant 0 : i32
      %get3A_75 = arith.index_cast %get3A_74 : i32 to index
      %get3A_76 = arith.constant 64 : index
      %get3A_77 = tpu.vector_load %arg6[%get3A_75, %get3A_76] {strides = array<i32>} : memref<2x128xi32, #tpu.memory_space<vmem>>, vector<16xi32>,
      %ne3A_78 = arith.constant 0 : i32
      %ne3A_79 = vector.broadcast %ne3A_78 : i32 to vector<16xi32>
      %ne3A_80 = arith.cmpi ne, %get3A_77, %ne3A_79 : vector<16xi32>
      %select_n3A_81 = arith.select %ne3A_80, %broadcast_in_dim3A_38, %broadcast_in_dim3A_40 : vector<16xi1>, vector<16xi32>
      %add3A_82 = arith.addi %add3A_73, %select_n3A_81 : vector<16xi32>
      %get3A_83 = arith.constant 0 : i32
      %get3A_84 = arith.index_cast %get3A_83 : i32 to index
      %get3A_85 = arith.constant 80 : index
      %get3A_86 = tpu.vector_load %arg6[%get3A_84, %get3A_85] {strides = array<i32>} : memref<2x128xi32, #tpu.memory_space<vmem>>, vector<16xi32>,
      %ne3A_87 = arith.constant 0 : i32
      %ne3A_88 = vector.broadcast %ne3A_87 : i32 to vector<16xi32>
      %ne3A_89 = arith.cmpi ne, %get3A_86, %ne3A_88 : vector<16xi32>
      %select_n3A_90 = arith.select %ne3A_89, %broadcast_in_dim3A_38, %broadcast_in_dim3A_40 : vector<16xi1>, vector<16xi32>
      %add3A_91 = arith.addi %add3A_82, %select_n3A_90 : vector<16xi32>
      %get3A_92 = arith.constant 0 : i32
      %get3A_93 = arith.index_cast %get3A_92 : i32 to index
      %get3A_94 = arith.constant 96 : index
      %get3A_95 = tpu.vector_load %arg6[%get3A_93, %get3A_94] {strides = array<i32>} : memref<2x128xi32, #tpu.memory_space<vmem>>, vector<16xi32>,
      %ne3A_96 = arith.constant 0 : i32
      %ne3A_97 = vector.broadcast %ne3A_96 : i32 to vector<16xi32>
      %ne3A_98 = arith.cmpi ne, %get3A_95, %ne3A_97 : vector<16xi32>
      %select_n3A_99 = arith.select %ne3A_98, %broadcast_in_dim3A_38, %broadcast_in_dim3A_40 : vector<16xi1>, vector<16xi32>
      %add3A_100 = arith.addi %add3A_91, %select_n3A_99 : vector<16xi32>
      %get3A_101 = arith.constant 0 : i32
      %get3A_102 = arith.index_cast %get3A_101 : i32 to index
      %get3A_103 = arith.constant 112 : index
      %get3A_104 = tpu.vector_load %arg6[%get3A_102, %get3A_103] {strides = array<i32>} : memref<2x128xi32, #tpu.memory_space<vmem>>, vector<16xi32>,
      %ne3A_105 = arith.constant 0 : i32
      %ne3A_106 = vector.broadcast %ne3A_105 : i32 to vector<16xi32>
      %ne3A_107 = arith.cmpi ne, %get3A_104, %ne3A_106 : vector<16xi32>
      %select_n3A_108 = arith.select %ne3A_107, %broadcast_in_dim3A_38, %broadcast_in_dim3A_40 : vector<16xi1>, vector<16xi32>
      %add3A_109 = arith.addi %add3A_100, %select_n3A_108 : vector<16xi32>
      %get3A_110 = arith.constant 1 : i32
      %get3A_111 = arith.index_cast %get3A_110 : i32 to index
      %get3A_112 = arith.constant 0 : index
      %get3A_113 = tpu.vector_load %arg6[%get3A_111, %get3A_112] {strides = array<i32>} : memref<2x128xi32, #tpu.memory_space<vmem>>, vector<16xi32>,
      %ne3A_114 = arith.constant 0 : i32
      %ne3A_115 = vector.broadcast %ne3A_114 : i32 to vector<16xi32>
      %ne3A_116 = arith.cmpi ne, %get3A_113, %ne3A_115 : vector<16xi32>
      %select_n3A_117 = arith.select %ne3A_116, %broadcast_in_dim3A_38, %broadcast_in_dim3A_40 : vector<16xi1>, vector<16xi32>
      %add3A_118 = arith.addi %add3A_109, %select_n3A_117 : vector<16xi32>
      %get3A_119 = arith.constant 1 : i32
      %get3A_120 = arith.index_cast %get3A_119 : i32 to index
      %get3A_121 = arith.constant 16 : index
      %get3A_122 = tpu.vector_load %arg6[%get3A_120, %get3A_121] {strides = array<i32>} : memref<2x128xi32, #tpu.memory_space<vmem>>, vector<16xi32>,
      %ne3A_123 = arith.constant 0 : i32
      %ne3A_124 = vector.broadcast %ne3A_123 : i32 to vector<16xi32>
      %ne3A_125 = arith.cmpi ne, %get3A_122, %ne3A_124 : vector<16xi32>
      %select_n3A_126 = arith.select %ne3A_125, %broadcast_in_dim3A_38, %broadcast_in_dim3A_40 : vector<16xi1>, vector<16xi32>
      %add3A_127 = arith.addi %add3A_118, %select_n3A_126 : vector<16xi32>
      %get3A_128 = arith.constant 1 : i32
      %get3A_129 = arith.index_cast %get3A_128 : i32 to index
      %get3A_130 = arith.constant 32 : index
      %get3A_131 = tpu.vector_load %arg6[%get3A_129, %get3A_130] {strides = array<i32>} : memref<2x128xi32, #tpu.memory_space<vmem>>, vector<16xi32>,
      %ne3A_132 = arith.constant 0 : i32
      %ne3A_133 = vector.broadcast %ne3A_132 : i32 to vector<16xi32>
      %ne3A_134 = arith.cmpi ne, %get3A_131, %ne3A_133 : vector<16xi32>
      %select_n3A_135 = arith.select %ne3A_134, %broadcast_in_dim3A_38, %broadcast_in_dim3A_40 : vector<16xi1>, vector<16xi32>
      %add3A_136 = arith.addi %add3A_127, %select_n3A_135 : vector<16xi32>
      %get3A_137 = arith.constant 1 : i32
      %get3A_138 = arith.index_cast %get3A_137 : i32 to index
      %get3A_139 = arith.constant 48 : index
      %get3A_140 = tpu.vector_load %arg6[%get3A_138, %get3A_139] {strides = array<i32>} : memref<2x128xi32, #tpu.memory_space<vmem>>, vector<16xi32>,
      %ne3A_141 = arith.constant 0 : i32
      %ne3A_142 = vector.broadcast %ne3A_141 : i32 to vector<16xi32>
      %ne3A_143 = arith.cmpi ne, %get3A_140, %ne3A_142 : vector<16xi32>
      %select_n3A_144 = arith.select %ne3A_143, %broadcast_in_dim3A_38, %broadcast_in_dim3A_40 : vector<16xi1>, vector<16xi32>
      %add3A_145 = arith.addi %add3A_136, %select_n3A_144 : vector<16xi32>
      %get3A_146 = arith.constant 1 : i32
      %get3A_147 = arith.index_cast %get3A_146 : i32 to index
      %get3A_148 = arith.constant 56 : index
      %get3A_149 = tpu.vector_load %arg6[%get3A_147, %get3A_148] {strides = array<i32>} : memref<2x128xi32, #tpu.memory_space<vmem>>, vector<16xi32>,
      %ne3A_150 = arith.constant 0 : i32
      %ne3A_151 = vector.broadcast %ne3A_150 : i32 to vector<16xi32>
      %ne3A_152 = arith.cmpi ne, %get3A_149, %ne3A_151 : vector<16xi32>
      %and3A = arith.andi %ne3A_152, %ge3A_4 : vector<16xi1>
      %select_n3A_153 = arith.select %and3A, %broadcast_in_dim3A_38, %broadcast_in_dim3A_40 : vector<16xi1>, vector<16xi32>
      %add3A_154 = arith.addi %add3A_145, %select_n3A_153 : vector<16xi32>
      %reduce_sum3A = arith.constant true
      %reduce_sum3A_155 = vector.broadcast %reduce_sum3A : i1 to vector<16xi1>
      %reduce_sum3A_156 = tpu.scan <sum>, %add3A_154 masked %reduce_sum3A_155 : vector<16xi32>, vector<16xi1> -> vector<16xi32>
      %reduce_sum3A_157 = vector.extract %reduce_sum3A_156[15] : i32 from vector<16xi32>
      %broadcast_in_dim3A_158 = vector.broadcast %reduce_sum3A_157 : i32 to vector<16xi32>
      %broadcast_in_dim3A_159 = vector.broadcast %scan3A_12 : i32 to vector<16xi32>
      tpu.vector_store_idx %arg9[%broadcast_in_dim3A_159], %broadcast_in_dim3A_158 masked %eq3A_2 : memref<128xi32, #tpu.memory_space<vmem>>[vector<16xi32>], vector<16xi32>, vector<16xi1>
      %dma_wait3A = arith.constant 0 : i32
      %dma_wait3A_160 = arith.constant 0 : i32
      %dma_wait3A_161 = arith.constant 0 : i32
      %dma_wait3A_162 = tpu.memref_slice %arg7[%dma_wait3A_160, %dma_wait3A_161] : memref<200x32xf32, #tpu.memory_space<vmem>> -> memref<128x32xf32, #tpu.memory_space<vmem>>
      %dma_wait3A_163 = arith.constant 0 : i32
      %dma_wait3A_164 = tpu.memref_slice %arg6[%dma_wait3A, %dma_wait3A_163] : memref<2x128xi32, #tpu.memory_space<vmem>> -> memref<1x128xi32, #tpu.memory_space<vmem>>
      %dma_wait3A_165 = tpu.memref_squeeze %dma_wait3A_164 : memref<1x128xi32, #tpu.memory_space<vmem>> -> memref<128xi32, #tpu.memory_space<vmem>>
      %dma_wait3A_166 = arith.constant 0 : i32
      %dma_wait3A_167 = arith.constant 0 : i32
      %dma_wait3A_168 = tpu.memref_slice %arg3[%dma_wait3A_166, %dma_wait3A_167] : memref<1000000x32xf32, #tpu.memory_space<hbm>> -> memref<1000000x32xf32, #tpu.memory_space<hbm>>
      tpu.wait_indirect_dma semaphore(%arg10 : memref<!tpu.dma_semaphore, #tpu.memory_space<semaphore_mem>>) src(%dma_wait3A_168 : memref<1000000x32xf32, #tpu.memory_space<hbm>>) dst(%dma_wait3A_162 : memref<128x32xf32, #tpu.memory_space<vmem>>)
      %dma_wait3A_169 = arith.constant 1 : i32
      %dma_wait3A_170 = arith.constant 128 : i32
      %dma_wait3A_171 = arith.constant 0 : i32
      %dma_wait3A_172 = tpu.memref_slice %arg7[%dma_wait3A_170, %dma_wait3A_171] : memref<200x32xf32, #tpu.memory_space<vmem>> -> memref<72x32xf32, #tpu.memory_space<vmem>>
      %dma_wait3A_173 = arith.constant 0 : i32
      %dma_wait3A_174 = tpu.memref_slice %arg6[%dma_wait3A_169, %dma_wait3A_173] : memref<2x128xi32, #tpu.memory_space<vmem>> -> memref<1x72xi32, #tpu.memory_space<vmem>>
      %dma_wait3A_175 = tpu.memref_squeeze %dma_wait3A_174 : memref<1x72xi32, #tpu.memory_space<vmem>> -> memref<72xi32, #tpu.memory_space<vmem>>
      %dma_wait3A_176 = arith.constant 0 : i32
      %dma_wait3A_177 = arith.constant 0 : i32
      %dma_wait3A_178 = tpu.memref_slice %arg3[%dma_wait3A_176, %dma_wait3A_177] : memref<1000000x32xf32, #tpu.memory_space<hbm>> -> memref<1000000x32xf32, #tpu.memory_space<hbm>>
      tpu.wait_indirect_dma semaphore(%arg10 : memref<!tpu.dma_semaphore, #tpu.memory_space<semaphore_mem>>) src(%dma_wait3A_178 : memref<1000000x32xf32, #tpu.memory_space<hbm>>) dst(%dma_wait3A_172 : memref<72x32xf32, #tpu.memory_space<vmem>>)
      %broadcast_in_dim3A_179 = arith.constant 0 : i32
      %broadcast_in_dim3A_180 = vector.broadcast %broadcast_in_dim3A_179 : i32 to vector<16xi32>
      %add3A_181 = arith.constant 0 : i32
      %add3A_182 = vector.broadcast %add3A_181 : i32 to vector<16xi32>
      %add3A_183 = arith.addi %iota3A, %add3A_182 : vector<16xi32>
      %gather3A = tpu.vector_load_idx %arg7[%add3A_183, %broadcast_in_dim3A_180] : memref<200x32xf32, #tpu.memory_space<vmem>>[vector<16xi32>, vector<16xi32>], vector<16xf32>,
      %swap3A = arith.constant 0 : i32
      %swap3A_184 = arith.index_cast %swap3A : i32 to index
      %swap3A_185 = arith.constant 0 : index
      %swap3A_186 = tpu.vector_load %arg8[%swap3A_184, %swap3A_185] {strides = array<i32>} : memref<32x200xf32, #tpu.memory_space<vmem>>, vector<16xf32>,
      tpu.vector_store %arg8[%swap3A_184, %swap3A_185], %gather3A {strides = array<i32>} : memref<32x200xf32, #tpu.memory_space<vmem>>, vector<16xf32>,
      %add3A_187 = arith.constant 16 : i32
      %add3A_188 = vector.broadcast %add3A_187 : i32 to vector<16xi32>
      %add3A_189 = arith.addi %iota3A, %add3A_188 : vector<16xi32>
      %gather3A_190 = tpu.vector_load_idx %arg7[%add3A_189, %broadcast_in_dim3A_180] : memref<200x32xf32, #tpu.memory_space<vmem>>[vector<16xi32>, vector<16xi32>], vector<16xf32>,
      %swap3A_191 = arith.constant 0 : i32
      %swap3A_192 = arith.index_cast %swap3A_191 : i32 to index
      %swap3A_193 = arith.constant 16 : index
      %swap3A_194 = tpu.vector_load %arg8[%swap3A_192, %swap3A_193] {strides = array<i32>} : memref<32x200xf32, #tpu.memory_space<vmem>>, vector<16xf32>,
      tpu.vector_store %arg8[%swap3A_192, %swap3A_193], %gather3A_190 {strides = array<i32>} : memref<32x200xf32, #tpu.memory_space<vmem>>, vector<16xf32>,
      %add3A_195 = arith.constant 32 : i32
      %add3A_196 = vector.broadcast %add3A_195 : i32 to vector<16xi32>
      %add3A_197 = arith.addi %iota3A, %add3A_196 : vector<16xi32>
      %gather3A_198 = tpu.vector_load_idx %arg7[%add3A_197, %broadcast_in_dim3A_180] : memref<200x32xf32, #tpu.memory_space<vmem>>[vector<16xi32>, vector<16xi32>], vector<16xf32>,
      %swap3A_199 = arith.constant 0 : i32
      %swap3A_200 = arith.index_cast %swap3A_199 : i32 to index
      %swap3A_201 = arith.constant 32 : index
      %swap3A_202 = tpu.vector_load %arg8[%swap3A_200, %swap3A_201] {strides = array<i32>} : memref<32x200xf32, #tpu.memory_space<vmem>>, vector<16xf32>,
      tpu.vector_store %arg8[%swap3A_200, %swap3A_201], %gather3A_198 {strides = array<i32>} : memref<32x200xf32, #tpu.memory_space<vmem>>, vector<16xf32>,
      %add3A_203 = arith.constant 48 : i32
      %add3A_204 = vector.broadcast %add3A_203 : i32 to vector<16xi32>
      %add3A_205 = arith.addi %iota3A, %add3A_204 : vector<16xi32>
      %gather3A_206 = tpu.vector_load_idx %arg7[%add3A_205, %broadcast_in_dim3A_180] : memref<200x32xf32, #tpu.memory_space<vmem>>[vector<16xi32>, vector<16xi32>], vector<16xf32>,
      %swap3A_207 = arith.constant 0 : i32
      %swap3A_208 = arith.index_cast %swap3A_207 : i32 to index
      %swap3A_209 = arith.constant 48 : index
      %swap3A_210 = tpu.vector_load %arg8[%swap3A_208, %swap3A_209] {strides = array<i32>} : memref<32x200xf32, #tpu.memory_space<vmem>>, vector<16xf32>,
      tpu.vector_store %arg8[%swap3A_208, %swap3A_209], %gather3A_206 {strides = array<i32>} : memref<32x200xf32, #tpu.memory_space<vmem>>, vector<16xf32>,
      %add3A_211 = arith.constant 64 : i32
      %add3A_212 = vector.broadcast %add3A_211 : i32 to vector<16xi32>
      %add3A_213 = arith.addi %iota3A, %add3A_212 : vector<16xi32>
      %gather3A_214 = tpu.vector_load_idx %arg7[%add3A_213, %broadcast_in_dim3A_180] : memref<200x32xf32, #tpu.memory_space<vmem>>[vector<16xi32>, vector<16xi32>], vector<16xf32>,
      %swap3A_215 = arith.constant 0 : i32
      %swap3A_216 = arith.index_cast %swap3A_215 : i32 to index
      %swap3A_217 = arith.constant 64 : index
      %swap3A_218 = tpu.vector_load %arg8[%swap3A_216, %swap3A_217] {strides = array<i32>} : memref<32x200xf32, #tpu.memory_space<vmem>>, vector<16xf32>,
      tpu.vector_store %arg8[%swap3A_216, %swap3A_217], %gather3A_214 {strides = array<i32>} : memref<32x200xf32, #tpu.memory_space<vmem>>, vector<16xf32>,
      %add3A_219 = arith.constant 80 : i32
      %add3A_220 = vector.broadcast %add3A_219 : i32 to vector<16xi32>
      %add3A_221 = arith.addi %iota3A, %add3A_220 : vector<16xi32>
      %gather3A_222 = tpu.vector_load_idx %arg7[%add3A_221, %broadcast_in_dim3A_180] : memref<200x32xf32, #tpu.memory_space<vmem>>[vector<16xi32>, vector<16xi32>], vector<16xf32>,
      %swap3A_223 = arith.constant 0 : i32
      %swap3A_224 = arith.index_cast %swap3A_223 : i32 to index
      %swap3A_225 = arith.constant 80 : index
      %swap3A_226 = tpu.vector_load %arg8[%swap3A_224, %swap3A_225] {strides = array<i32>} : memref<32x200xf32, #tpu.memory_space<vmem>>, vector<16xf32>,
      tpu.vector_store %arg8[%swap3A_224, %swap3A_225], %gather3A_222 {strides = array<i32>} : memref<32x200xf32, #tpu.memory_space<vmem>>, vector<16xf32>,
      %add3A_227 = arith.constant 96 : i32
      %add3A_228 = vector.broadcast %add3A_227 : i32 to vector<16xi32>
      %add3A_229 = arith.addi %iota3A, %add3A_228 : vector<16xi32>
      %gather3A_230 = tpu.vector_load_idx %arg7[%add3A_229, %broadcast_in_dim3A_180] : memref<200x32xf32, #tpu.memory_space<vmem>>[vector<16xi32>, vector<16xi32>], vector<16xf32>,
      %swap3A_231 = arith.constant 0 : i32
      %swap3A_232 = arith.index_cast %swap3A_231 : i32 to index
      %swap3A_233 = arith.constant 96 : index
      %swap3A_234 = tpu.vector_load %arg8[%swap3A_232, %swap3A_233] {strides = array<i32>} : memref<32x200xf32, #tpu.memory_space<vmem>>, vector<16xf32>,
      tpu.vector_store %arg8[%swap3A_232, %swap3A_233], %gather3A_230 {strides = array<i32>} : memref<32x200xf32, #tpu.memory_space<vmem>>, vector<16xf32>,
      %add3A_235 = arith.constant 112 : i32
      %add3A_236 = vector.broadcast %add3A_235 : i32 to vector<16xi32>
      %add3A_237 = arith.addi %iota3A, %add3A_236 : vector<16xi32>
      %gather3A_238 = tpu.vector_load_idx %arg7[%add3A_237, %broadcast_in_dim3A_180] : memref<200x32xf32, #tpu.memory_space<vmem>>[vector<16xi32>, vector<16xi32>], vector<16xf32>,
      %swap3A_239 = arith.constant 0 : i32
      %swap3A_240 = arith.index_cast %swap3A_239 : i32 to index
      %swap3A_241 = arith.constant 112 : index
      %swap3A_242 = tpu.vector_load %arg8[%swap3A_240, %swap3A_241] {strides = array<i32>} : memref<32x200xf32, #tpu.memory_space<vmem>>, vector<16xf32>,
      tpu.vector_store %arg8[%swap3A_240, %swap3A_241], %gather3A_238 {strides = array<i32>} : memref<32x200xf32, #tpu.memory_space<vmem>>, vector<16xf32>,
      %add3A_243 = arith.constant 128 : i32
      %add3A_244 = vector.broadcast %add3A_243 : i32 to vector<16xi32>
      %add3A_245 = arith.addi %iota3A, %add3A_244 : vector<16xi32>
      %gather3A_246 = tpu.vector_load_idx %arg7[%add3A_245, %broadcast_in_dim3A_180] : memref<200x32xf32, #tpu.memory_space<vmem>>[vector<16xi32>, vector<16xi32>], vector<16xf32>,
      %swap3A_247 = arith.constant 0 : i32
      %swap3A_248 = arith.index_cast %swap3A_247 : i32 to index
      %swap3A_249 = arith.constant 128 : index
      %swap3A_250 = tpu.vector_load %arg8[%swap3A_248, %swap3A_249] {strides = array<i32>} : memref<32x200xf32, #tpu.memory_space<vmem>>, vector<16xf32>,
      tpu.vector_store %arg8[%swap3A_248, %swap3A_249], %gather3A_246 {strides = array<i32>} : memref<32x200xf32, #tpu.memory_space<vmem>>, vector<16xf32>,
      %add3A_251 = arith.constant 144 : i32
      %add3A_252 = vector.broadcast %add3A_251 : i32 to vector<16xi32>
      %add3A_253 = arith.addi %iota3A, %add3A_252 : vector<16xi32>
      %gather3A_254 = tpu.vector_load_idx %arg7[%add3A_253, %broadcast_in_dim3A_180] : memref<200x32xf32, #tpu.memory_space<vmem>>[vector<16xi32>, vector<16xi32>], vector<16xf32>,
      %swap3A_255 = arith.constant 0 : i32
      %swap3A_256 = arith.index_cast %swap3A_255 : i32 to index
      %swap3A_257 = arith.constant 144 : index
      %swap3A_258 = tpu.vector_load %arg8[%swap3A_256, %swap3A_257] {strides = array<i32>} : memref<32x200xf32, #tpu.memory_space<vmem>>, vector<16xf32>,
      tpu.vector_store %arg8[%swap3A_256, %swap3A_257], %gather3A_254 {strides = array<i32>} : memref<32x200xf32, #tpu.memory_space<vmem>>, vector<16xf32>,
      %add3A_259 = arith.constant 160 : i32
      %add3A_260 = vector.broadcast %add3A_259 : i32 to vector<16xi32>
      %add3A_261 = arith.addi %iota3A, %add3A_260 : vector<16xi32>
      %gather3A_262 = tpu.vector_load_idx %arg7[%add3A_261, %broadcast_in_dim3A_180] : memref<200x32xf32, #tpu.memory_space<vmem>>[vector<16xi32>, vector<16xi32>], vector<16xf32>,
      %swap3A_263 = arith.constant 0 : i32
      %swap3A_264 = arith.index_cast %swap3A_263 : i32 to index
      %swap3A_265 = arith.constant 160 : index
      %swap3A_266 = tpu.vector_load %arg8[%swap3A_264, %swap3A_265] {strides = array<i32>} : memref<32x200xf32, #tpu.memory_space<vmem>>, vector<16xf32>,
      tpu.vector_store %arg8[%swap3A_264, %swap3A_265], %gather3A_262 {strides = array<i32>} : memref<32x200xf32, #tpu.memory_space<vmem>>, vector<16xf32>,
      %add3A_267 = arith.constant 176 : i32
      %add3A_268 = vector.broadcast %add3A_267 : i32 to vector<16xi32>
      %add3A_269 = arith.addi %iota3A, %add3A_268 : vector<16xi32>
      %gather3A_270 = tpu.vector_load_idx %arg7[%add3A_269, %broadcast_in_dim3A_180] : memref<200x32xf32, #tpu.memory_space<vmem>>[vector<16xi32>, vector<16xi32>], vector<16xf32>,
      %swap3A_271 = arith.constant 0 : i32
      %swap3A_272 = arith.index_cast %swap3A_271 : i32 to index
      %swap3A_273 = arith.constant 176 : index
      %swap3A_274 = tpu.vector_load %arg8[%swap3A_272, %swap3A_273] {strides = array<i32>} : memref<32x200xf32, #tpu.memory_space<vmem>>, vector<16xf32>,
      tpu.vector_store %arg8[%swap3A_272, %swap3A_273], %gather3A_270 {strides = array<i32>} : memref<32x200xf32, #tpu.memory_space<vmem>>, vector<16xf32>,
      %add3A_275 = arith.constant 184 : i32
      %add3A_276 = vector.broadcast %add3A_275 : i32 to vector<16xi32>
      %add3A_277 = arith.addi %iota3A, %add3A_276 : vector<16xi32>
      %gather3A_278 = tpu.vector_load_idx %arg7[%add3A_277, %broadcast_in_dim3A_180] : memref<200x32xf32, #tpu.memory_space<vmem>>[vector<16xi32>, vector<16xi32>], vector<16xf32>,
      %swap3A_279 = arith.constant 0 : i32
      %swap3A_280 = arith.index_cast %swap3A_279 : i32 to index
      %swap3A_281 = arith.constant 184 : index
      %swap3A_282 = tpu.vector_load %arg8[%swap3A_280, %swap3A_281] {strides = array<i32>} : memref<32x200xf32, #tpu.memory_space<vmem>>, vector<16xf32>,
      tpu.vector_store %arg8[%swap3A_280, %swap3A_281], %gather3A_278 {strides = array<i32>} : memref<32x200xf32, #tpu.memory_space<vmem>>, vector<16xf32>,
      %broadcast_in_dim3A_283 = arith.constant 1 : i32
      %broadcast_in_dim3A_284 = vector.broadcast %broadcast_in_dim3A_283 : i32 to vector<16xi32>
      %add3A_285 = arith.constant 0 : i32
      %add3A_286 = vector.broadcast %add3A_285 : i32 to vector<16xi32>
      %add3A_287 = arith.addi %iota3A, %add3A_286 : vector<16xi32>
      %gather3A_288 = tpu.vector_load_idx %arg7[%add3A_287, %broadcast_in_dim3A_284] : memref<200x32xf32, #tpu.memory_space<vmem>>[vector<16xi32>, vector<16xi32>], vector<16xf32>,
      %swap3A_289 = arith.constant 1 : i32
      %swap3A_290 = arith.index_cast %swap3A_289 : i32 to index
      %swap3A_291 = arith.constant 0 : index
      %swap3A_292 = tpu.vector_load %arg8[%swap3A_290, %swap3A_291] {strides = array<i32>} : memref<32x200xf32, #tpu.memory_space<vmem>>, vector<16xf32>,
      tpu.vector_store %arg8[%swap3A_290, %swap3A_291], %gather3A_288 {strides = array<i32>} : memref<32x200xf32, #tpu.memory_space<vmem>>, vector<16xf32>,
      %add3A_293 = arith.constant 16 : i32
      %add3A_294 = vector.broadcast %add3A_293 : i32 to vector<16xi32>
      %add3A_295 = arith.addi %iota3A, %add3A_294 : vector<16xi32>
      %gather3A_296 = tpu.vector_load_idx %arg7[%add3A_295, %broadcast_in_dim3A_284] : memref<200x32xf32, #tpu.memory_space<vmem>>[vector<16xi32>, vector<16xi32>], vector<16xf32>,
      %swap3A_297 = arith.constant 1 : i32
      %swap3A_298 = arith.index_cast %swap3A_297 : i32 to index
      %swap3A_299 = arith.constant 16 : index
      %swap3A_300 = tpu.vector_load %arg8[%swap3A_298, %swap3A_299] {strides = array<i32>} : memref<32x200xf32, #tpu.memory_space<vmem>>, vector<16xf32>,
      tpu.vector_store %arg8[%swap3A_298, %swap3A_299], %gather3A_296 {strides = array<i32>} : memref<32x200xf32, #tpu.memory_space<vmem>>, vector<16xf32>,
      %add3A_301 = arith.constant 32 : i32
      %add3A_302 = vector.broadcast %add3A_301 : i32 to vector<16xi32>
      %add3A_303 = arith.addi %iota3A, %add3A_302 : vector<16xi32>
      %gather3A_304 = tpu.vector_load_idx %arg7[%add3A_303, %broadcast_in_dim3A_284] : memref<200x32xf32, #tpu.memory_space<vmem>>[vector<16xi32>, vector<16xi32>], vector<16xf32>,
      %swap3A_305 = arith.constant 1 : i32
      %swap3A_306 = arith.index_cast %swap3A_305 : i32 to index
      %swap3A_307 = arith.constant 32 : index
      %swap3A_308 = tpu.vector_load %arg8[%swap3A_306, %swap3A_307] {strides = array<i32>} : memref<32x200xf32, #tpu.memory_space<vmem>>, vector<16xf32>,
      tpu.vector_store %arg8[%swap3A_306, %swap3A_307], %gather3A_304 {strides = array<i32>} : memref<32x200xf32, #tpu.memory_space<vmem>>, vector<16xf32>,
      %add3A_309 = arith.constant 48 : i32
      %add3A_310 = vector.broadcast %add3A_309 : i32 to vector<16xi32>
      %add3A_311 = arith.addi %iota3A, %add3A_310 : vector<16xi32>
      %gather3A_312 = tpu.vector_load_idx %arg7[%add3A_311, %broadcast_in_dim3A_284] : memref<200x32xf32, #tpu.memory_space<vmem>>[vector<16xi32>, vector<16xi32>], vector<16xf32>,
      %swap3A_313 = arith.constant 1 : i32
      %swap3A_314 = arith.index_cast %swap3A_313 : i32 to index
      %swap3A_315 = arith.constant 48 : index
      %swap3A_316 = tpu.vector_load %arg8[%swap3A_314, %swap3A_315] {strides = array<i32>} : memref<32x200xf32, #tpu.memory_space<vmem>>, vector<16xf32>,
      tpu.vector_store %arg8[%swap3A_314, %swap3A_315], %gather3A_312 {strides = array<i32>} : memref<32x200xf32, #tpu.memory_space<vmem>>, vector<16xf32>,
      %add3A_317 = arith.constant 64 : i32
      %add3A_318 = vector.broadcast %add3A_317 : i32 to vector<16xi32>
      %add3A_319 = arith.addi %iota3A, %add3A_318 : vector<16xi32>
      %gather3A_320 = tpu.vector_load_idx %arg7[%add3A_319, %broadcast_in_dim3A_284] : memref<200x32xf32, #tpu.memory_space<vmem>>[vector<16xi32>, vector<16xi32>], vector<16xf32>,
      %swap3A_321 = arith.constant 1 : i32
      %swap3A_322 = arith.index_cast %swap3A_321 : i32 to index
      %swap3A_323 = arith.constant 64 : index
      %swap3A_324 = tpu.vector_load %arg8[%swap3A_322, %swap3A_323] {strides = array<i32>} : memref<32x200xf32, #tpu.memory_space<vmem>>, vector<16xf32>,
      tpu.vector_store %arg8[%swap3A_322, %swap3A_323], %gather3A_320 {strides = array<i32>} : memref<32x200xf32, #tpu.memory_space<vmem>>, vector<16xf32>,
      %add3A_325 = arith.constant 80 : i32
      %add3A_326 = vector.broadcast %add3A_325 : i32 to vector<16xi32>
      %add3A_327 = arith.addi %iota3A, %add3A_326 : vector<16xi32>
      %gather3A_328 = tpu.vector_load_idx %arg7[%add3A_327, %broadcast_in_dim3A_284] : memref<200x32xf32, #tpu.memory_space<vmem>>[vector<16xi32>, vector<16xi32>], vector<16xf32>,
      %swap3A_329 = arith.constant 1 : i32
      %swap3A_330 = arith.index_cast %swap3A_329 : i32 to index
      %swap3A_331 = arith.constant 80 : index
      %swap3A_332 = tpu.vector_load %arg8[%swap3A_330, %swap3A_331] {strides = array<i32>} : memref<32x200xf32, #tpu.memory_space<vmem>>, vector<16xf32>,
      tpu.vector_store %arg8[%swap3A_330, %swap3A_331], %gather3A_328 {strides = array<i32>} : memref<32x200xf32, #tpu.memory_space<vmem>>, vector<16xf32>,
      %add3A_333 = arith.constant 96 : i32
      %add3A_334 = vector.broadcast %add3A_333 : i32 to vector<16xi32>
      %add3A_335 = arith.addi %iota3A, %add3A_334 : vector<16xi32>
      %gather3A_336 = tpu.vector_load_idx %arg7[%add3A_335, %broadcast_in_dim3A_284] : memref<200x32xf32, #tpu.memory_space<vmem>>[vector<16xi32>, vector<16xi32>], vector<16xf32>,
      %swap3A_337 = arith.constant 1 : i32
      %swap3A_338 = arith.index_cast %swap3A_337 : i32 to index
      %swap3A_339 = arith.constant 96 : index
      %swap3A_340 = tpu.vector_load %arg8[%swap3A_338, %swap3A_339] {strides = array<i32>} : memref<32x200xf32, #tpu.memory_space<vmem>>, vector<16xf32>,
      tpu.vector_store %arg8[%swap3A_338, %swap3A_339], %gather3A_336 {strides = array<i32>} : memref<32x200xf32, #tpu.memory_space<vmem>>, vector<16xf32>,
      %add3A_341 = arith.constant 112 : i32
      %add3A_342 = vector.broadcast %add3A_341 : i32 to vector<16xi32>
      %add3A_343 = arith.addi %iota3A, %add3A_342 : vector<16xi32>
      %gather3A_344 = tpu.vector_load_idx %arg7[%add3A_343, %broadcast_in_dim3A_284] : memref<200x32xf32, #tpu.memory_space<vmem>>[vector<16xi32>, vector<16xi32>], vector<16xf32>,
      %swap3A_345 = arith.constant 1 : i32
      %swap3A_346 = arith.index_cast %swap3A_345 : i32 to index
      %swap3A_347 = arith.constant 112 : index
      %swap3A_348 = tpu.vector_load %arg8[%swap3A_346, %swap3A_347] {strides = array<i32>} : memref<32x200xf32, #tpu.memory_space<vmem>>, vector<16xf32>,
      tpu.vector_store %arg8[%swap3A_346, %swap3A_347], %gather3A_344 {strides = array<i32>} : memref<32x200xf32, #tpu.memory_space<vmem>>, vector<16xf32>,
      %add3A_349 = arith.constant 128 : i32
      %add3A_350 = vector.broadcast %add3A_349 : i32 to vector<16xi32>
      %add3A_351 = arith.addi %iota3A, %add3A_350 : vector<16xi32>
      %gather3A_352 = tpu.vector_load_idx %arg7[%add3A_351, %broadcast_in_dim3A_284] : memref<200x32xf32, #tpu.memory_space<vmem>>[vector<16xi32>, vector<16xi32>], vector<16xf32>,
      %swap3A_353 = arith.constant 1 : i32
      %swap3A_354 = arith.index_cast %swap3A_353 : i32 to index
      %swap3A_355 = arith.constant 128 : index
      %swap3A_356 = tpu.vector_load %arg8[%swap3A_354, %swap3A_355] {strides = array<i32>} : memref<32x200xf32, #tpu.memory_space<vmem>>, vector<16xf32>,
      tpu.vector_store %arg8[%swap3A_354, %swap3A_355], %gather3A_352 {strides = array<i32>} : memref<32x200xf32, #tpu.memory_space<vmem>>, vector<16xf32>,
      %add3A_357 = arith.constant 144 : i32
      %add3A_358 = vector.broadcast %add3A_357 : i32 to vector<16xi32>
      %add3A_359 = arith.addi %iota3A, %add3A_358 : vector<16xi32>
      %gather3A_360 = tpu.vector_load_idx %arg7[%add3A_359, %broadcast_in_dim3A_284] : memref<200x32xf32, #tpu.memory_space<vmem>>[vector<16xi32>, vector<16xi32>], vector<16xf32>,
      %swap3A_361 = arith.constant 1 : i32
      %swap3A_362 = arith.index_cast %swap3A_361 : i32 to index
      %swap3A_363 = arith.constant 144 : index
      %swap3A_364 = tpu.vector_load %arg8[%swap3A_362, %swap3A_363] {strides = array<i32>} : memref<32x200xf32, #tpu.memory_space<vmem>>, vector<16xf32>,
      tpu.vector_store %arg8[%swap3A_362, %swap3A_363], %gather3A_360 {strides = array<i32>} : memref<32x200xf32, #tpu.memory_space<vmem>>, vector<16xf32>,
      %add3A_365 = arith.constant 160 : i32
      %add3A_366 = vector.broadcast %add3A_365 : i32 to vector<16xi32>
      %add3A_367 = arith.addi %iota3A, %add3A_366 : vector<16xi32>
      %gather3A_368 = tpu.vector_load_idx %arg7[%add3A_367, %broadcast_in_dim3A_284] : memref<200x32xf32, #tpu.memory_space<vmem>>[vector<16xi32>, vector<16xi32>], vector<16xf32>,
      %swap3A_369 = arith.constant 1 : i32
      %swap3A_370 = arith.index_cast %swap3A_369 : i32 to index
      %swap3A_371 = arith.constant 160 : index
      %swap3A_372 = tpu.vector_load %arg8[%swap3A_370, %swap3A_371] {strides = array<i32>} : memref<32x200xf32, #tpu.memory_space<vmem>>, vector<16xf32>,
      tpu.vector_store %arg8[%swap3A_370, %swap3A_371], %gather3A_368 {strides = array<i32>} : memref<32x200xf32, #tpu.memory_space<vmem>>, vector<16xf32>,
      %add3A_373 = arith.constant 176 : i32
      %add3A_374 = vector.broadcast %add3A_373 : i32 to vector<16xi32>
      %add3A_375 = arith.addi %iota3A, %add3A_374 : vector<16xi32>
      %gather3A_376 = tpu.vector_load_idx %arg7[%add3A_375, %broadcast_in_dim3A_284] : memref<200x32xf32, #tpu.memory_space<vmem>>[vector<16xi32>, vector<16xi32>], vector<16xf32>,
      %swap3A_377 = arith.constant 1 : i32
      %swap3A_378 = arith.index_cast %swap3A_377 : i32 to index
      %swap3A_379 = arith.constant 176 : index
      %swap3A_380 = tpu.vector_load %arg8[%swap3A_378, %swap3A_379] {strides = array<i32>} : memref<32x200xf32, #tpu.memory_space<vmem>>, vector<16xf32>,
      tpu.vector_store %arg8[%swap3A_378, %swap3A_379], %gather3A_376 {strides = array<i32>} : memref<32x200xf32, #tpu.memory_space<vmem>>, vector<16xf32>,
      %add3A_381 = arith.constant 184 : i32
      %add3A_382 = vector.broadcast %add3A_381 : i32 to vector<16xi32>
      %add3A_383 = arith.addi %iota3A, %add3A_382 : vector<16xi32>
      %gather3A_384 = tpu.vector_load_idx %arg7[%add3A_383, %broadcast_in_dim3A_284] : memref<200x32xf32, #tpu.memory_space<vmem>>[vector<16xi32>, vector<16xi32>], vector<16xf32>,
      %swap3A_385 = arith.constant 1 : i32
      %swap3A_386 = arith.index_cast %swap3A_385 : i32 to index
      %swap3A_387 = arith.constant 184 : index
      %swap3A_388 = tpu.vector_load %arg8[%swap3A_386, %swap3A_387] {strides = array<i32>} : memref<32x200xf32, #tpu.memory_space<vmem>>, vector<16xf32>,
      tpu.vector_store %arg8[%swap3A_386, %swap3A_387], %gather3A_384 {strides = array<i32>} : memref<32x200xf32, #tpu.memory_space<vmem>>, vector<16xf32>,
      %broadcast_in_dim3A_389 = arith.constant 2 : i32
      %broadcast_in_dim3A_390 = vector.broadcast %broadcast_in_dim3A_389 : i32 to vector<16xi32>
      %add3A_391 = arith.constant 0 : i32
      %add3A_392 = vector.broadcast %add3A_391 : i32 to vector<16xi32>
      %add3A_393 = arith.addi %iota3A, %add3A_392 : vector<16xi32>
      %gather3A_394 = tpu.vector_load_idx %arg7[%add3A_393, %broadcast_in_dim3A_390] : memref<200x32xf32, #tpu.memory_space<vmem>>[vector<16xi32>, vector<16xi32>], vector<16xf32>,
      %swap3A_395 = arith.constant 2 : i32
      %swap3A_396 = arith.index_cast %swap3A_395 : i32 to index
      %swap3A_397 = arith.constant 0 : index
      %swap3A_398 = tpu.vector_load %arg8[%swap3A_396, %swap3A_397] {strides = array<i32>} : memref<32x200xf32, #tpu.memory_space<vmem>>, vector<16xf32>,
      tpu.vector_store %arg8[%swap3A_396, %swap3A_397], %gather3A_394 {strides = array<i32>} : memref<32x200xf32, #tpu.memory_space<vmem>>, vector<16xf32>,
      %add3A_399 = arith.constant 16 : i32
      %add3A_400 = vector.broadcast %add3A_399 : i32 to vector<16xi32>
      %add3A_401 = arith.addi %iota3A, %add3A_400 : vector<16xi32>
      %gather3A_402 = tpu.vector_load_idx %arg7[%add3A_401, %broadcast_in_dim3A_390] : memref<200x32xf32, #tpu.memory_space<vmem>>[vector<16xi32>, vector<16xi32>], vector<16xf32>,
      %swap3A_403 = arith.constant 2 : i32
      %swap3A_404 = arith.index_cast %swap3A_403 : i32 to index
      %swap3A_405 = arith.constant 16 : index
      %swap3A_406 = tpu.vector_load %arg8[%swap3A_404, %swap3A_405] {strides = array<i32>} : memref<32x200xf32, #tpu.memory_space<vmem>>, vector<16xf32>,
      tpu.vector_store %arg8[%swap3A_404, %swap3A_405], %gather3A_402 {strides = array<i32>} : memref<32x200xf32, #tpu.memory_space<vmem>>, vector<16xf32>,
      %add3A_407 = arith.constant 32 : i32
      %add3A_408 = vector.broadcast %add3A_407 : i32 to vector<16xi32>
      %add3A_409 = arith.addi %iota3A, %add3A_408 : vector<16xi32>
      %gather3A_410 = tpu.vector_load_idx %arg7[%add3A_409, %broadcast_in_dim3A_390] : memref<200x32xf32, #tpu.memory_space<vmem>>[vector<16xi32>, vector<16xi32>], vector<16xf32>,
      %swap3A_411 = arith.constant 2 : i32
      %swap3A_412 = arith.index_cast %swap3A_411 : i32 to index
      %swap3A_413 = arith.constant 32 : index
      %swap3A_414 = tpu.vector_load %arg8[%swap3A_412, %swap3A_413] {strides = array<i32>} : memref<32x200xf32, #tpu.memory_space<vmem>>, vector<16xf32>,
      tpu.vector_store %arg8[%swap3A_412, %swap3A_413], %gather3A_410 {strides = array<i32>} : memref<32x200xf32, #tpu.memory_space<vmem>>, vector<16xf32>,
      %add3A_415 = arith.constant 48 : i32
      %add3A_416 = vector.broadcast %add3A_415 : i32 to vector<16xi32>
      %add3A_417 = arith.addi %iota3A, %add3A_416 : vector<16xi32>
      %gather3A_418 = tpu.vector_load_idx %arg7[%add3A_417, %broadcast_in_dim3A_390] : memref<200x32xf32, #tpu.memory_space<vmem>>[vector<16xi32>, vector<16xi32>], vector<16xf32>,
      %swap3A_419 = arith.constant 2 : i32
      %swap3A_420 = arith.index_cast %swap3A_419 : i32 to index
      %swap3A_421 = arith.constant 48 : index
      %swap3A_422 = tpu.vector_load %arg8[%swap3A_420, %swap3A_421] {strides = array<i32>} : memref<32x200xf32, #tpu.memory_space<vmem>>, vector<16xf32>,
      tpu.vector_store %arg8[%swap3A_420, %swap3A_421], %gather3A_418 {strides = array<i32>} : memref<32x200xf32, #tpu.memory_space<vmem>>, vector<16xf32>,
      %add3A_423 = arith.constant 64 : i32
      %add3A_424 = vector.broadcast %add3A_423 : i32 to vector<16xi32>
      %add3A_425 = arith.addi %iota3A, %add3A_424 : vector<16xi32>
      %gather3A_426 = tpu.vector_load_idx %arg7[%add3A_425, %broadcast_in_dim3A_390] : memref<200x32xf32, #tpu.memory_space<vmem>>[vector<16xi32>, vector<16xi32>], vector<16xf32>,
      %swap3A_427 = arith.constant 2 : i32
      %swap3A_428 = arith.index_cast %swap3A_427 : i32 to index
      %swap3A_429 = arith.constant 64 : index
      %swap3A_430 = tpu.vector_load %arg8[%swap3A_428, %swap3A_429] {strides = array<i32>} : memref<32x200xf32, #tpu.memory_space<vmem>>, vector<16xf32>,
      tpu.vector_store %arg8[%swap3A_428, %swap3A_429], %gather3A_426 {strides = array<i32>} : memref<32x200xf32, #tpu.memory_space<vmem>>, vector<16xf32>,
      %add3A_431 = arith.constant 80 : i32
      %add3A_432 = vector.broadcast %add3A_431 : i32 to vector<16xi32>
      %add3A_433 = arith.addi %iota3A, %add3A_432 : vector<16xi32>
      %gather3A_434 = tpu.vector_load_idx %arg7[%add3A_433, %broadcast_in_dim3A_390] : memref<200x32xf32, #tpu.memory_space<vmem>>[vector<16xi32>, vector<16xi32>], vector<16xf32>,
      %swap3A_435 = arith.constant 2 : i32
      %swap3A_436 = arith.index_cast %swap3A_435 : i32 to index
      %swap3A_437 = arith.constant 80 : index
      %swap3A_438 = tpu.vector_load %arg8[%swap3A_436, %swap3A_437] {strides = array<i32>} : memref<32x200xf32, #tpu.memory_space<vmem>>, vector<16xf32>,
      tpu.vector_store %arg8[%swap3A_436, %swap3A_437], %gather3A_434 {strides = array<i32>} : memref<32x200xf32, #tpu.memory_space<vmem>>, vector<16xf32>,
      %add3A_439 = arith.constant 96 : i32
      %add3A_440 = vector.broadcast %add3A_439 : i32 to vector<16xi32>
      %add3A_441 = arith.addi %iota3A, %add3A_440 : vector<16xi32>
      %gather3A_442 = tpu.vector_load_idx %arg7[%add3A_441, %broadcast_in_dim3A_390] : memref<200x32xf32, #tpu.memory_space<vmem>>[vector<16xi32>, vector<16xi32>], vector<16xf32>,
      %swap3A_443 = arith.constant 2 : i32
      %swap3A_444 = arith.index_cast %swap3A_443 : i32 to index
      %swap3A_445 = arith.constant 96 : index
      %swap3A_446 = tpu.vector_load %arg8[%swap3A_444, %swap3A_445] {strides = array<i32>} : memref<32x200xf32, #tpu.memory_space<vmem>>, vector<16xf32>,
      tpu.vector_store %arg8[%swap3A_444, %swap3A_445], %gather3A_442 {strides = array<i32>} : memref<32x200xf32, #tpu.memory_space<vmem>>, vector<16xf32>,
      %add3A_447 = arith.constant 112 : i32
      %add3A_448 = vector.broadcast %add3A_447 : i32 to vector<16xi32>
      %add3A_449 = arith.addi %iota3A, %add3A_448 : vector<16xi32>
      %gather3A_450 = tpu.vector_load_idx %arg7[%add3A_449, %broadcast_in_dim3A_390] : memref<200x32xf32, #tpu.memory_space<vmem>>[vector<16xi32>, vector<16xi32>], vector<16xf32>,
      %swap3A_451 = arith.constant 2 : i32
      %swap3A_452 = arith.index_cast %swap3A_451 : i32 to index
      %swap3A_453 = arith.constant 112 : index
      %swap3A_454 = tpu.vector_load %arg8[%swap3A_452, %swap3A_453] {strides = array<i32>} : memref<32x200xf32, #tpu.memory_space<vmem>>, vector<16xf32>,
      tpu.vector_store %arg8[%swap3A_452, %swap3A_453], %gather3A_450 {strides = array<i32>} : memref<32x200xf32, #tpu.memory_space<vmem>>, vector<16xf32>,
      %add3A_455 = arith.constant 128 : i32
      %add3A_456 = vector.broadcast %add3A_455 : i32 to vector<16xi32>
      %add3A_457 = arith.addi %iota3A, %add3A_456 : vector<16xi32>
      %gather3A_458 = tpu.vector_load_idx %arg7[%add3A_457, %broadcast_in_dim3A_390] : memref<200x32xf32, #tpu.memory_space<vmem>>[vector<16xi32>, vector<16xi32>], vector<16xf32>,
      %swap3A_459 = arith.constant 2 : i32
      %swap3A_460 = arith.index_cast %swap3A_459 : i32 to index
      %swap3A_461 = arith.constant 128 : index
      %swap3A_462 = tpu.vector_load %arg8[%swap3A_460, %swap3A_461] {strides = array<i32>} : memref<32x200xf32, #tpu.memory_space<vmem>>, vector<16xf32>,
      tpu.vector_store %arg8[%swap3A_460, %swap3A_461], %gather3A_458 {strides = array<i32>} : memref<32x200xf32, #tpu.memory_space<vmem>>, vector<16xf32>,
      %add3A_463 = arith.constant 144 : i32
      %add3A_464 = vector.broadcast %add3A_463 : i32 to vector<16xi32>
      %add3A_465 = arith.addi %iota3A, %add3A_464 : vector<16xi32>
      %gather3A_466 = tpu.vector_load_idx %arg7[%add3A_465, %broadcast_in_dim3A_390] : memref<200x32xf32, #tpu.memory_space<vmem>>[vector<16xi32>, vector<16xi32>], vector<16xf32>,
      %swap3A_467 = arith.constant 2 : i32
      %swap3A_468 = arith.index_cast %swap3A_467 : i32 to index
      %swap3A_469 = arith.constant 144 : index
      %swap3A_470 = tpu.vector_load %arg8[%swap3A_468, %swap3A_469] {strides = array<i32>} : memref<32x200xf32, #tpu.memory_space<vmem>>, vector<16xf32>,
      tpu.vector_store %arg8[%swap3A_468, %swap3A_469], %gather3A_466 {strides = array<i32>} : memref<32x200xf32, #tpu.memory_space<vmem>>, vector<16xf32>,
      %add3A_471 = arith.constant 160 : i32
      %add3A_472 = vector.broadcast %add3A_471 : i32 to vector<16xi32>
      %add3A_473 = arith.addi %iota3A, %add3A_472 : vector<16xi32>
      %gather3A_474 = tpu.vector_load_idx %arg7[%add3A_473, %broadcast_in_dim3A_390] : memref<200x32xf32, #tpu.memory_space<vmem>>[vector<16xi32>, vector<16xi32>], vector<16xf32>,
      %swap3A_475 = arith.constant 2 : i32
      %swap3A_476 = arith.index_cast %swap3A_475 : i32 to index
      %swap3A_477 = arith.constant 160 : index
      %swap3A_478 = tpu.vector_load %arg8[%swap3A_476, %swap3A_477] {strides = array<i32>} : memref<32x200xf32, #tpu.memory_space<vmem>>, vector<16xf32>,
      tpu.vector_store %arg8[%swap3A_476, %swap3A_477], %gather3A_474 {strides = array<i32>} : memref<32x200xf32, #tpu.memory_space<vmem>>, vector<16xf32>,
      %add3A_479 = arith.constant 176 : i32
      %add3A_480 = vector.broadcast %add3A_479 : i32 to vector<16xi32>
      %add3A_481 = arith.addi %iota3A, %add3A_480 : vector<16xi32>
      %gather3A_482 = tpu.vector_load_idx %arg7[%add3A_481, %broadcast_in_dim3A_390] : memref<200x32xf32, #tpu.memory_space<vmem>>[vector<16xi32>, vector<16xi32>], vector<16xf32>,
      %swap3A_483 = arith.constant 2 : i32
      %swap3A_484 = arith.index_cast %swap3A_483 : i32 to index
      %swap3A_485 = arith.constant 176 : index
      %swap3A_486 = tpu.vector_load %arg8[%swap3A_484, %swap3A_485] {strides = array<i32>} : memref<32x200xf32, #tpu.memory_space<vmem>>, vector<16xf32>,
      tpu.vector_store %arg8[%swap3A_484, %swap3A_485], %gather3A_482 {strides = array<i32>} : memref<32x200xf32, #tpu.memory_space<vmem>>, vector<16xf32>,
      %add3A_487 = arith.constant 184 : i32
      %add3A_488 = vector.broadcast %add3A_487 : i32 to vector<16xi32>
      %add3A_489 = arith.addi %iota3A, %add3A_488 : vector<16xi32>
      %gather3A_490 = tpu.vector_load_idx %arg7[%add3A_489, %broadcast_in_dim3A_390] : memref<200x32xf32, #tpu.memory_space<vmem>>[vector<16xi32>, vector<16xi32>], vector<16xf32>,
      %swap3A_491 = arith.constant 2 : i32
      %swap3A_492 = arith.index_cast %swap3A_491 : i32 to index
      %swap3A_493 = arith.constant 184 : index
      %swap3A_494 = tpu.vector_load %arg8[%swap3A_492, %swap3A_493] {strides = array<i32>} : memref<32x200xf32, #tpu.memory_space<vmem>>, vector<16xf32>,
      tpu.vector_store %arg8[%swap3A_492, %swap3A_493], %gather3A_490 {strides = array<i32>} : memref<32x200xf32, #tpu.memory_space<vmem>>, vector<16xf32>,
      %broadcast_in_dim3A_495 = arith.constant 3 : i32
      %broadcast_in_dim3A_496 = vector.broadcast %broadcast_in_dim3A_495 : i32 to vector<16xi32>
      %add3A_497 = arith.constant 0 : i32
      %add3A_498 = vector.broadcast %add3A_497 : i32 to vector<16xi32>
      %add3A_499 = arith.addi %iota3A, %add3A_498 : vector<16xi32>
      %gather3A_500 = tpu.vector_load_idx %arg7[%add3A_499, %broadcast_in_dim3A_496] : memref<200x32xf32, #tpu.memory_space<vmem>>[vector<16xi32>, vector<16xi32>], vector<16xf32>,
      %swap3A_501 = arith.constant 3 : i32
      %swap3A_502 = arith.index_cast %swap3A_501 : i32 to index
      %swap3A_503 = arith.constant 0 : index
      %swap3A_504 = tpu.vector_load %arg8[%swap3A_502, %swap3A_503] {strides = array<i32>} : memref<32x200xf32, #tpu.memory_space<vmem>>, vector<16xf32>,
      tpu.vector_store %arg8[%swap3A_502, %swap3A_503], %gather3A_500 {strides = array<i32>} : memref<32x200xf32, #tpu.memory_space<vmem>>, vector<16xf32>,
      %add3A_505 = arith.constant 16 : i32
      %add3A_506 = vector.broadcast %add3A_505 : i32 to vector<16xi32>
      %add3A_507 = arith.addi %iota3A, %add3A_506 : vector<16xi32>
      %gather3A_508 = tpu.vector_load_idx %arg7[%add3A_507, %broadcast_in_dim3A_496] : memref<200x32xf32, #tpu.memory_space<vmem>>[vector<16xi32>, vector<16xi32>], vector<16xf32>,
      %swap3A_509 = arith.constant 3 : i32
      %swap3A_510 = arith.index_cast %swap3A_509 : i32 to index
      %swap3A_511 = arith.constant 16 : index
      %swap3A_512 = tpu.vector_load %arg8[%swap3A_510, %swap3A_511] {strides = array<i32>} : memref<32x200xf32, #tpu.memory_space<vmem>>, vector<16xf32>,
      tpu.vector_store %arg8[%swap3A_510, %swap3A_511], %gather3A_508 {strides = array<i32>} : memref<32x200xf32, #tpu.memory_space<vmem>>, vector<16xf32>,
      %add3A_513 = arith.constant 32 : i32
      %add3A_514 = vector.broadcast %add3A_513 : i32 to vector<16xi32>
      %add3A_515 = arith.addi %iota3A, %add3A_514 : vector<16xi32>
      %gather3A_516 = tpu.vector_load_idx %arg7[%add3A_515, %broadcast_in_dim3A_496] : memref<200x32xf32, #tpu.memory_space<vmem>>[vector<16xi32>, vector<16xi32>], vector<16xf32>,
      %swap3A_517 = arith.constant 3 : i32
      %swap3A_518 = arith.index_cast %swap3A_517 : i32 to index
      %swap3A_519 = arith.constant 32 : index
      %swap3A_520 = tpu.vector_load %arg8[%swap3A_518, %swap3A_519] {strides = array<i32>} : memref<32x200xf32, #tpu.memory_space<vmem>>, vector<16xf32>,
      tpu.vector_store %arg8[%swap3A_518, %swap3A_519], %gather3A_516 {strides = array<i32>} : memref<32x200xf32, #tpu.memory_space<vmem>>, vector<16xf32>,
      %add3A_521 = arith.constant 48 : i32
      %add3A_522 = vector.broadcast %add3A_521 : i32 to vector<16xi32>
      %add3A_523 = arith.addi %iota3A, %add3A_522 : vector<16xi32>
      %gather3A_524 = tpu.vector_load_idx %arg7[%add3A_523, %broadcast_in_dim3A_496] : memref<200x32xf32, #tpu.memory_space<vmem>>[vector<16xi32>, vector<16xi32>], vector<16xf32>,
      %swap3A_525 = arith.constant 3 : i32
      %swap3A_526 = arith.index_cast %swap3A_525 : i32 to index
      %swap3A_527 = arith.constant 48 : index
      %swap3A_528 = tpu.vector_load %arg8[%swap3A_526, %swap3A_527] {strides = array<i32>} : memref<32x200xf32, #tpu.memory_space<vmem>>, vector<16xf32>,
      tpu.vector_store %arg8[%swap3A_526, %swap3A_527], %gather3A_524 {strides = array<i32>} : memref<32x200xf32, #tpu.memory_space<vmem>>, vector<16xf32>,
      %add3A_529 = arith.constant 64 : i32
      %add3A_530 = vector.broadcast %add3A_529 : i32 to vector<16xi32>
      %add3A_531 = arith.addi %iota3A, %add3A_530 : vector<16xi32>
      %gather3A_532 = tpu.vector_load_idx %arg7[%add3A_531, %broadcast_in_dim3A_496] : memref<200x32xf32, #tpu.memory_space<vmem>>[vector<16xi32>, vector<16xi32>], vector<16xf32>,
      %swap3A_533 = arith.constant 3 : i32
      %swap3A_534 = arith.index_cast %swap3A_533 : i32 to index
      %swap3A_535 = arith.constant 64 : index
      %swap3A_536 = tpu.vector_load %arg8[%swap3A_534, %swap3A_535] {strides = array<i32>} : memref<32x200xf32, #tpu.memory_space<vmem>>, vector<16xf32>,
      tpu.vector_store %arg8[%swap3A_534, %swap3A_535], %gather3A_532 {strides = array<i32>} : memref<32x200xf32, #tpu.memory_space<vmem>>, vector<16xf32>,
      %add3A_537 = arith.constant 80 : i32
      %add3A_538 = vector.broadcast %add3A_537 : i32 to vector<16xi32>
      %add3A_539 = arith.addi %iota3A, %add3A_538 : vector<16xi32>
      %gather3A_540 = tpu.vector_load_idx %arg7[%add3A_539, %broadcast_in_dim3A_496] : memref<200x32xf32, #tpu.memory_space<vmem>>[vector<16xi32>, vector<16xi32>], vector<16xf32>,
      %swap3A_541 = arith.constant 3 : i32
      %swap3A_542 = arith.index_cast %swap3A_541 : i32 to index
      %swap3A_543 = arith.constant 80 : index
      %swap3A_544 = tpu.vector_load %arg8[%swap3A_542, %swap3A_543] {strides = array<i32>} : memref<32x200xf32, #tpu.memory_space<vmem>>, vector<16xf32>,
      tpu.vector_store %arg8[%swap3A_542, %swap3A_543], %gather3A_540 {strides = array<i32>} : memref<32x200xf32, #tpu.memory_space<vmem>>, vector<16xf32>,
      %add3A_545 = arith.constant 96 : i32
      %add3A_546 = vector.broadcast %add3A_545 : i32 to vector<16xi32>
      %add3A_547 = arith.addi %iota3A, %add3A_546 : vector<16xi32>
      %gather3A_548 = tpu.vector_load_idx %arg7[%add3A_547, %broadcast_in_dim3A_496] : memref<200x32xf32, #tpu.memory_space<vmem>>[vector<16xi32>, vector<16xi32>], vector<16xf32>,
      %swap3A_549 = arith.constant 3 : i32
      %swap3A_550 = arith.index_cast %swap3A_549 : i32 to index
      %swap3A_551 = arith.constant 96 : index
      %swap3A_552 = tpu.vector_load %arg8[%swap3A_550, %swap3A_551] {strides = array<i32>} : memref<32x200xf32, #tpu.memory_space<vmem>>, vector<16xf32>,
      tpu.vector_store %arg8[%swap3A_550, %swap3A_551], %gather3A_548 {strides = array<i32>} : memref<32x200xf32, #tpu.memory_space<vmem>>, vector<16xf32>,
      %add3A_553 = arith.constant 112 : i32
      %add3A_554 = vector.broadcast %add3A_553 : i32 to vector<16xi32>
      %add3A_555 = arith.addi %iota3A, %add3A_554 : vector<16xi32>
      %gather3A_556 = tpu.vector_load_idx %arg7[%add3A_555, %broadcast_in_dim3A_496] : memref<200x32xf32, #tpu.memory_space<vmem>>[vector<16xi32>, vector<16xi32>], vector<16xf32>,
      %swap3A_557 = arith.constant 3 : i32
      %swap3A_558 = arith.index_cast %swap3A_557 : i32 to index
      %swap3A_559 = arith.constant 112 : index
      %swap3A_560 = tpu.vector_load %arg8[%swap3A_558, %swap3A_559] {strides = array<i32>} : memref<32x200xf32, #tpu.memory_space<vmem>>, vector<16xf32>,
      tpu.vector_store %arg8[%swap3A_558, %swap3A_559], %gather3A_556 {strides = array<i32>} : memref<32x200xf32, #tpu.memory_space<vmem>>, vector<16xf32>,
      %add3A_561 = arith.constant 128 : i32
      %add3A_562 = vector.broadcast %add3A_561 : i32 to vector<16xi32>
      %add3A_563 = arith.addi %iota3A, %add3A_562 : vector<16xi32>
      %gather3A_564 = tpu.vector_load_idx %arg7[%add3A_563, %broadcast_in_dim3A_496] : memref<200x32xf32, #tpu.memory_space<vmem>>[vector<16xi32>, vector<16xi32>], vector<16xf32>,
      %swap3A_565 = arith.constant 3 : i32
      %swap3A_566 = arith.index_cast %swap3A_565 : i32 to index
      %swap3A_567 = arith.constant 128 : index
      %swap3A_568 = tpu.vector_load %arg8[%swap3A_566, %swap3A_567] {strides = array<i32>} : memref<32x200xf32, #tpu.memory_space<vmem>>, vector<16xf32>,
      tpu.vector_store %arg8[%swap3A_566, %swap3A_567], %gather3A_564 {strides = array<i32>} : memref<32x200xf32, #tpu.memory_space<vmem>>, vector<16xf32>,
      %add3A_569 = arith.constant 144 : i32
      %add3A_570 = vector.broadcast %add3A_569 : i32 to vector<16xi32>
      %add3A_571 = arith.addi %iota3A, %add3A_570 : vector<16xi32>
      %gather3A_572 = tpu.vector_load_idx %arg7[%add3A_571, %broadcast_in_dim3A_496] : memref<200x32xf32, #tpu.memory_space<vmem>>[vector<16xi32>, vector<16xi32>], vector<16xf32>,
      %swap3A_573 = arith.constant 3 : i32
      %swap3A_574 = arith.index_cast %swap3A_573 : i32 to index
      %swap3A_575 = arith.constant 144 : index
      %swap3A_576 = tpu.vector_load %arg8[%swap3A_574, %swap3A_575] {strides = array<i32>} : memref<32x200xf32, #tpu.memory_space<vmem>>, vector<16xf32>,
      tpu.vector_store %arg8[%swap3A_574, %swap3A_575], %gather3A_572 {strides = array<i32>} : memref<32x200xf32, #tpu.memory_space<vmem>>, vector<16xf32>,
      %add3A_577 = arith.constant 160 : i32
      %add3A_578 = vector.broadcast %add3A_577 : i32 to vector<16xi32>
      %add3A_579 = arith.addi %iota3A, %add3A_578 : vector<16xi32>
      %gather3A_580 = tpu.vector_load_idx %arg7[%add3A_579, %broadcast_in_dim3A_496] : memref<200x32xf32, #tpu.memory_space<vmem>>[vector<16xi32>, vector<16xi32>], vector<16xf32>,
      %swap3A_581 = arith.constant 3 : i32
      %swap3A_582 = arith.index_cast %swap3A_581 : i32 to index
      %swap3A_583 = arith.constant 160 : index
      %swap3A_584 = tpu.vector_load %arg8[%swap3A_582, %swap3A_583] {strides = array<i32>} : memref<32x200xf32, #tpu.memory_space<vmem>>, vector<16xf32>,
      tpu.vector_store %arg8[%swap3A_582, %swap3A_583], %gather3A_580 {strides = array<i32>} : memref<32x200xf32, #tpu.memory_space<vmem>>, vector<16xf32>,
      %add3A_585 = arith.constant 176 : i32
      %add3A_586 = vector.broadcast %add3A_585 : i32 to vector<16xi32>
      %add3A_587 = arith.addi %iota3A, %add3A_586 : vector<16xi32>
      %gather3A_588 = tpu.vector_load_idx %arg7[%add3A_587, %broadcast_in_dim3A_496] : memref<200x32xf32, #tpu.memory_space<vmem>>[vector<16xi32>, vector<16xi32>], vector<16xf32>,
      %swap3A_589 = arith.constant 3 : i32
      %swap3A_590 = arith.index_cast %swap3A_589 : i32 to index
      %swap3A_591 = arith.constant 176 : index
      %swap3A_592 = tpu.vector_load %arg8[%swap3A_590, %swap3A_591] {strides = array<i32>} : memref<32x200xf32, #tpu.memory_space<vmem>>, vector<16xf32>,
      tpu.vector_store %arg8[%swap3A_590, %swap3A_591], %gather3A_588 {strides = array<i32>} : memref<32x200xf32, #tpu.memory_space<vmem>>, vector<16xf32>,
      %add3A_593 = arith.constant 184 : i32
      %add3A_594 = vector.broadcast %add3A_593 : i32 to vector<16xi32>
      %add3A_595 = arith.addi %iota3A, %add3A_594 : vector<16xi32>
      %gather3A_596 = tpu.vector_load_idx %arg7[%add3A_595, %broadcast_in_dim3A_496] : memref<200x32xf32, #tpu.memory_space<vmem>>[vector<16xi32>, vector<16xi32>], vector<16xf32>,
      %swap3A_597 = arith.constant 3 : i32
      %swap3A_598 = arith.index_cast %swap3A_597 : i32 to index
      %swap3A_599 = arith.constant 184 : index
      %swap3A_600 = tpu.vector_load %arg8[%swap3A_598, %swap3A_599] {strides = array<i32>} : memref<32x200xf32, #tpu.memory_space<vmem>>, vector<16xf32>,
      tpu.vector_store %arg8[%swap3A_598, %swap3A_599], %gather3A_596 {strides = array<i32>} : memref<32x200xf32, #tpu.memory_space<vmem>>, vector<16xf32>,
      %broadcast_in_dim3A_601 = arith.constant 4 : i32
      %broadcast_in_dim3A_602 = vector.broadcast %broadcast_in_dim3A_601 : i32 to vector<16xi32>
      %add3A_603 = arith.constant 0 : i32
      %add3A_604 = vector.broadcast %add3A_603 : i32 to vector<16xi32>
      %add3A_605 = arith.addi %iota3A, %add3A_604 : vector<16xi32>
      %gather3A_606 = tpu.vector_load_idx %arg7[%add3A_605, %broadcast_in_dim3A_602] : memref<200x32xf32, #tpu.memory_space<vmem>>[vector<16xi32>, vector<16xi32>], vector<16xf32>,
      %swap3A_607 = arith.constant 4 : i32
      %swap3A_608 = arith.index_cast %swap3A_607 : i32 to index
      %swap3A_609 = arith.constant 0 : index
      %swap3A_610 = tpu.vector_load %arg8[%swap3A_608, %swap3A_609] {strides = array<i32>} : memref<32x200xf32, #tpu.memory_space<vmem>>, vector<16xf32>,
      tpu.vector_store %arg8[%swap3A_608, %swap3A_609], %gather3A_606 {strides = array<i32>} : memref<32x200xf32, #tpu.memory_space<vmem>>, vector<16xf32>,
      %add3A_611 = arith.constant 16 : i32
      %add3A_612 = vector.broadcast %add3A_611 : i32 to vector<16xi32>
      %add3A_613 = arith.addi %iota3A, %add3A_612 : vector<16xi32>
      %gather3A_614 = tpu.vector_load_idx %arg7[%add3A_613, %broadcast_in_dim3A_602] : memref<200x32xf32, #tpu.memory_space<vmem>>[vector<16xi32>, vector<16xi32>], vector<16xf32>,
      %swap3A_615 = arith.constant 4 : i32
      %swap3A_616 = arith.index_cast %swap3A_615 : i32 to index
      %swap3A_617 = arith.constant 16 : index
      %swap3A_618 = tpu.vector_load %arg8[%swap3A_616, %swap3A_617] {strides = array<i32>} : memref<32x200xf32, #tpu.memory_space<vmem>>, vector<16xf32>,
      tpu.vector_store %arg8[%swap3A_616, %swap3A_617], %gather3A_614 {strides = array<i32>} : memref<32x200xf32, #tpu.memory_space<vmem>>, vector<16xf32>,
      %add3A_619 = arith.constant 32 : i32
      %add3A_620 = vector.broadcast %add3A_619 : i32 to vector<16xi32>
      %add3A_621 = arith.addi %iota3A, %add3A_620 : vector<16xi32>
      %gather3A_622 = tpu.vector_load_idx %arg7[%add3A_621, %broadcast_in_dim3A_602] : memref<200x32xf32, #tpu.memory_space<vmem>>[vector<16xi32>, vector<16xi32>], vector<16xf32>,
      %swap3A_623 = arith.constant 4 : i32
      %swap3A_624 = arith.index_cast %swap3A_623 : i32 to index
      %swap3A_625 = arith.constant 32 : index
      %swap3A_626 = tpu.vector_load %arg8[%swap3A_624, %swap3A_625] {strides = array<i32>} : memref<32x200xf32, #tpu.memory_space<vmem>>, vector<16xf32>,
      tpu.vector_store %arg8[%swap3A_624, %swap3A_625], %gather3A_622 {strides = array<i32>} : memref<32x200xf32, #tpu.memory_space<vmem>>, vector<16xf32>,
      %add3A_627 = arith.constant 48 : i32
      %add3A_628 = vector.broadcast %add3A_627 : i32 to vector<16xi32>
      %add3A_629 = arith.addi %iota3A, %add3A_628 : vector<16xi32>
      %gather3A_630 = tpu.vector_load_idx %arg7[%add3A_629, %broadcast_in_dim3A_602] : memref<200x32xf32, #tpu.memory_space<vmem>>[vector<16xi32>, vector<16xi32>], vector<16xf32>,
      %swap3A_631 = arith.constant 4 : i32
      %swap3A_632 = arith.index_cast %swap3A_631 : i32 to index
      %swap3A_633 = arith.constant 48 : index
      %swap3A_634 = tpu.vector_load %arg8[%swap3A_632, %swap3A_633] {strides = array<i32>} : memref<32x200xf32, #tpu.memory_space<vmem>>, vector<16xf32>,
      tpu.vector_store %arg8[%swap3A_632, %swap3A_633], %gather3A_630 {strides = array<i32>} : memref<32x200xf32, #tpu.memory_space<vmem>>, vector<16xf32>,
      %add3A_635 = arith.constant 64 : i32
      %add3A_636 = vector.broadcast %add3A_635 : i32 to vector<16xi32>
      %add3A_637 = arith.addi %iota3A, %add3A_636 : vector<16xi32>
      %gather3A_638 = tpu.vector_load_idx %arg7[%add3A_637, %broadcast_in_dim3A_602] : memref<200x32xf32, #tpu.memory_space<vmem>>[vector<16xi32>, vector<16xi32>], vector<16xf32>,
      %swap3A_639 = arith.constant 4 : i32
      %swap3A_640 = arith.index_cast %swap3A_639 : i32 to index
      %swap3A_641 = arith.constant 64 : index
      %swap3A_642 = tpu.vector_load %arg8[%swap3A_640, %swap3A_641] {strides = array<i32>} : memref<32x200xf32, #tpu.memory_space<vmem>>, vector<16xf32>,
      tpu.vector_store %arg8[%swap3A_640, %swap3A_641], %gather3A_638 {strides = array<i32>} : memref<32x200xf32, #tpu.memory_space<vmem>>, vector<16xf32>,
      %add3A_643 = arith.constant 80 : i32
      %add3A_644 = vector.broadcast %add3A_643 : i32 to vector<16xi32>
      %add3A_645 = arith.addi %iota3A, %add3A_644 : vector<16xi32>
      %gather3A_646 = tpu.vector_load_idx %arg7[%add3A_645, %broadcast_in_dim3A_602] : memref<200x32xf32, #tpu.memory_space<vmem>>[vector<16xi32>, vector<16xi32>], vector<16xf32>,
      %swap3A_647 = arith.constant 4 : i32
      %swap3A_648 = arith.index_cast %swap3A_647 : i32 to index
      %swap3A_649 = arith.constant 80 : index
      %swap3A_650 = tpu.vector_load %arg8[%swap3A_648, %swap3A_649] {strides = array<i32>} : memref<32x200xf32, #tpu.memory_space<vmem>>, vector<16xf32>,
      tpu.vector_store %arg8[%swap3A_648, %swap3A_649], %gather3A_646 {strides = array<i32>} : memref<32x200xf32, #tpu.memory_space<vmem>>, vector<16xf32>,
      %add3A_651 = arith.constant 96 : i32
      %add3A_652 = vector.broadcast %add3A_651 : i32 to vector<16xi32>
      %add3A_653 = arith.addi %iota3A, %add3A_652 : vector<16xi32>
      %gather3A_654 = tpu.vector_load_idx %arg7[%add3A_653, %broadcast_in_dim3A_602] : memref<200x32xf32, #tpu.memory_space<vmem>>[vector<16xi32>, vector<16xi32>], vector<16xf32>,
      %swap3A_655 = arith.constant 4 : i32
      %swap3A_656 = arith.index_cast %swap3A_655 : i32 to index
      %swap3A_657 = arith.constant 96 : index
      %swap3A_658 = tpu.vector_load %arg8[%swap3A_656, %swap3A_657] {strides = array<i32>} : memref<32x200xf32, #tpu.memory_space<vmem>>, vector<16xf32>,
      tpu.vector_store %arg8[%swap3A_656, %swap3A_657], %gather3A_654 {strides = array<i32>} : memref<32x200xf32, #tpu.memory_space<vmem>>, vector<16xf32>,
      %add3A_659 = arith.constant 112 : i32
      %add3A_660 = vector.broadcast %add3A_659 : i32 to vector<16xi32>
      %add3A_661 = arith.addi %iota3A, %add3A_660 : vector<16xi32>
      %gather3A_662 = tpu.vector_load_idx %arg7[%add3A_661, %broadcast_in_dim3A_602] : memref<200x32xf32, #tpu.memory_space<vmem>>[vector<16xi32>, vector<16xi32>], vector<16xf32>,
      %swap3A_663 = arith.constant 4 : i32
      %swap3A_664 = arith.index_cast %swap3A_663 : i32 to index
      %swap3A_665 = arith.constant 112 : index
      %swap3A_666 = tpu.vector_load %arg8[%swap3A_664, %swap3A_665] {strides = array<i32>} : memref<32x200xf32, #tpu.memory_space<vmem>>, vector<16xf32>,
      tpu.vector_store %arg8[%swap3A_664, %swap3A_665], %gather3A_662 {strides = array<i32>} : memref<32x200xf32, #tpu.memory_space<vmem>>, vector<16xf32>,
      %add3A_667 = arith.constant 128 : i32
      %add3A_668 = vector.broadcast %add3A_667 : i32 to vector<16xi32>
      %add3A_669 = arith.addi %iota3A, %add3A_668 : vector<16xi32>
      %gather3A_670 = tpu.vector_load_idx %arg7[%add3A_669, %broadcast_in_dim3A_602] : memref<200x32xf32, #tpu.memory_space<vmem>>[vector<16xi32>, vector<16xi32>], vector<16xf32>,
      %swap3A_671 = arith.constant 4 : i32
      %swap3A_672 = arith.index_cast %swap3A_671 : i32 to index
      %swap3A_673 = arith.constant 128 : index
      %swap3A_674 = tpu.vector_load %arg8[%swap3A_672, %swap3A_673] {strides = array<i32>} : memref<32x200xf32, #tpu.memory_space<vmem>>, vector<16xf32>,
      tpu.vector_store %arg8[%swap3A_672, %swap3A_673], %gather3A_670 {strides = array<i32>} : memref<32x200xf32, #tpu.memory_space<vmem>>, vector<16xf32>,
      %add3A_675 = arith.constant 144 : i32
      %add3A_676 = vector.broadcast %add3A_675 : i32 to vector<16xi32>
      %add3A_677 = arith.addi %iota3A, %add3A_676 : vector<16xi32>
      %gather3A_678 = tpu.vector_load_idx %arg7[%add3A_677, %broadcast_in_dim3A_602] : memref<200x32xf32, #tpu.memory_space<vmem>>[vector<16xi32>, vector<16xi32>], vector<16xf32>,
      %swap3A_679 = arith.constant 4 : i32
      %swap3A_680 = arith.index_cast %swap3A_679 : i32 to index
      %swap3A_681 = arith.constant 144 : index
      %swap3A_682 = tpu.vector_load %arg8[%swap3A_680, %swap3A_681] {strides = array<i32>} : memref<32x200xf32, #tpu.memory_space<vmem>>, vector<16xf32>,
      tpu.vector_store %arg8[%swap3A_680, %swap3A_681], %gather3A_678 {strides = array<i32>} : memref<32x200xf32, #tpu.memory_space<vmem>>, vector<16xf32>,
      %add3A_683 = arith.constant 160 : i32
      %add3A_684 = vector.broadcast %add3A_683 : i32 to vector<16xi32>
      %add3A_685 = arith.addi %iota3A, %add3A_684 : vector<16xi32>
      %gather3A_686 = tpu.vector_load_idx %arg7[%add3A_685, %broadcast_in_dim3A_602] : memref<200x32xf32, #tpu.memory_space<vmem>>[vector<16xi32>, vector<16xi32>], vector<16xf32>,
      %swap3A_687 = arith.constant 4 : i32
      %swap3A_688 = arith.index_cast %swap3A_687 : i32 to index
      %swap3A_689 = arith.constant 160 : index
      %swap3A_690 = tpu.vector_load %arg8[%swap3A_688, %swap3A_689] {strides = array<i32>} : memref<32x200xf32, #tpu.memory_space<vmem>>, vector<16xf32>,
      tpu.vector_store %arg8[%swap3A_688, %swap3A_689], %gather3A_686 {strides = array<i32>} : memref<32x200xf32, #tpu.memory_space<vmem>>, vector<16xf32>,
      %add3A_691 = arith.constant 176 : i32
      %add3A_692 = vector.broadcast %add3A_691 : i32 to vector<16xi32>
      %add3A_693 = arith.addi %iota3A, %add3A_692 : vector<16xi32>
      %gather3A_694 = tpu.vector_load_idx %arg7[%add3A_693, %broadcast_in_dim3A_602] : memref<200x32xf32, #tpu.memory_space<vmem>>[vector<16xi32>, vector<16xi32>], vector<16xf32>,
      %swap3A_695 = arith.constant 4 : i32
      %swap3A_696 = arith.index_cast %swap3A_695 : i32 to index
      %swap3A_697 = arith.constant 176 : index
      %swap3A_698 = tpu.vector_load %arg8[%swap3A_696, %swap3A_697] {strides = array<i32>} : memref<32x200xf32, #tpu.memory_space<vmem>>, vector<16xf32>,
      tpu.vector_store %arg8[%swap3A_696, %swap3A_697], %gather3A_694 {strides = array<i32>} : memref<32x200xf32, #tpu.memory_space<vmem>>, vector<16xf32>,
      %add3A_699 = arith.constant 184 : i32
      %add3A_700 = vector.broadcast %add3A_699 : i32 to vector<16xi32>
      %add3A_701 = arith.addi %iota3A, %add3A_700 : vector<16xi32>
      %gather3A_702 = tpu.vector_load_idx %arg7[%add3A_701, %broadcast_in_dim3A_602] : memref<200x32xf32, #tpu.memory_space<vmem>>[vector<16xi32>, vector<16xi32>], vector<16xf32>,
      %swap3A_703 = arith.constant 4 : i32
      %swap3A_704 = arith.index_cast %swap3A_703 : i32 to index
      %swap3A_705 = arith.constant 184 : index
      %swap3A_706 = tpu.vector_load %arg8[%swap3A_704, %swap3A_705] {strides = array<i32>} : memref<32x200xf32, #tpu.memory_space<vmem>>, vector<16xf32>,
      tpu.vector_store %arg8[%swap3A_704, %swap3A_705], %gather3A_702 {strides = array<i32>} : memref<32x200xf32, #tpu.memory_space<vmem>>, vector<16xf32>,
      %broadcast_in_dim3A_707 = arith.constant 5 : i32
      %broadcast_in_dim3A_708 = vector.broadcast %broadcast_in_dim3A_707 : i32 to vector<16xi32>
      %add3A_709 = arith.constant 0 : i32
      %add3A_710 = vector.broadcast %add3A_709 : i32 to vector<16xi32>
      %add3A_711 = arith.addi %iota3A, %add3A_710 : vector<16xi32>
      %gather3A_712 = tpu.vector_load_idx %arg7[%add3A_711, %broadcast_in_dim3A_708] : memref<200x32xf32, #tpu.memory_space<vmem>>[vector<16xi32>, vector<16xi32>], vector<16xf32>,
      %swap3A_713 = arith.constant 5 : i32
      %swap3A_714 = arith.index_cast %swap3A_713 : i32 to index
      %swap3A_715 = arith.constant 0 : index
      %swap3A_716 = tpu.vector_load %arg8[%swap3A_714, %swap3A_715] {strides = array<i32>} : memref<32x200xf32, #tpu.memory_space<vmem>>, vector<16xf32>,
      tpu.vector_store %arg8[%swap3A_714, %swap3A_715], %gather3A_712 {strides = array<i32>} : memref<32x200xf32, #tpu.memory_space<vmem>>, vector<16xf32>,
      %add3A_717 = arith.constant 16 : i32
      %add3A_718 = vector.broadcast %add3A_717 : i32 to vector<16xi32>
      %add3A_719 = arith.addi %iota3A, %add3A_718 : vector<16xi32>
      %gather3A_720 = tpu.vector_load_idx %arg7[%add3A_719, %broadcast_in_dim3A_708] : memref<200x32xf32, #tpu.memory_space<vmem>>[vector<16xi32>, vector<16xi32>], vector<16xf32>,
      %swap3A_721 = arith.constant 5 : i32
      %swap3A_722 = arith.index_cast %swap3A_721 : i32 to index
      %swap3A_723 = arith.constant 16 : index
      %swap3A_724 = tpu.vector_load %arg8[%swap3A_722, %swap3A_723] {strides = array<i32>} : memref<32x200xf32, #tpu.memory_space<vmem>>, vector<16xf32>,
      tpu.vector_store %arg8[%swap3A_722, %swap3A_723], %gather3A_720 {strides = array<i32>} : memref<32x200xf32, #tpu.memory_space<vmem>>, vector<16xf32>,
      %add3A_725 = arith.constant 32 : i32
      %add3A_726 = vector.broadcast %add3A_725 : i32 to vector<16xi32>
      %add3A_727 = arith.addi %iota3A, %add3A_726 : vector<16xi32>
      %gather3A_728 = tpu.vector_load_idx %arg7[%add3A_727, %broadcast_in_dim3A_708] : memref<200x32xf32, #tpu.memory_space<vmem>>[vector<16xi32>, vector<16xi32>], vector<16xf32>,
      %swap3A_729 = arith.constant 5 : i32
      %swap3A_730 = arith.index_cast %swap3A_729 : i32 to index
      %swap3A_731 = arith.constant 32 : index
      %swap3A_732 = tpu.vector_load %arg8[%swap3A_730, %swap3A_731] {strides = array<i32>} : memref<32x200xf32, #tpu.memory_space<vmem>>, vector<16xf32>,
      tpu.vector_store %arg8[%swap3A_730, %swap3A_731], %gather3A_728 {strides = array<i32>} : memref<32x200xf32, #tpu.memory_space<vmem>>, vector<16xf32>,
      %add3A_733 = arith.constant 48 : i32
      %add3A_734 = vector.broadcast %add3A_733 : i32 to vector<16xi32>
      %add3A_735 = arith.addi %iota3A, %add3A_734 : vector<16xi32>
      %gather3A_736 = tpu.vector_load_idx %arg7[%add3A_735, %broadcast_in_dim3A_708] : memref<200x32xf32, #tpu.memory_space<vmem>>[vector<16xi32>, vector<16xi32>], vector<16xf32>,
      %swap3A_737 = arith.constant 5 : i32
      %swap3A_738 = arith.index_cast %swap3A_737 : i32 to index
      %swap3A_739 = arith.constant 48 : index
      %swap3A_740 = tpu.vector_load %arg8[%swap3A_738, %swap3A_739] {strides = array<i32>} : memref<32x200xf32, #tpu.memory_space<vmem>>, vector<16xf32>,
      tpu.vector_store %arg8[%swap3A_738, %swap3A_739], %gather3A_736 {strides = array<i32>} : memref<32x200xf32, #tpu.memory_space<vmem>>, vector<16xf32>,
      %add3A_741 = arith.constant 64 : i32
      %add3A_742 = vector.broadcast %add3A_741 : i32 to vector<16xi32>
      %add3A_743 = arith.addi %iota3A, %add3A_742 : vector<16xi32>
      %gather3A_744 = tpu.vector_load_idx %arg7[%add3A_743, %broadcast_in_dim3A_708] : memref<200x32xf32, #tpu.memory_space<vmem>>[vector<16xi32>, vector<16xi32>], vector<16xf32>,
      %swap3A_745 = arith.constant 5 : i32
      %swap3A_746 = arith.index_cast %swap3A_745 : i32 to index
      %swap3A_747 = arith.constant 64 : index
      %swap3A_748 = tpu.vector_load %arg8[%swap3A_746, %swap3A_747] {strides = array<i32>} : memref<32x200xf32, #tpu.memory_space<vmem>>, vector<16xf32>,
      tpu.vector_store %arg8[%swap3A_746, %swap3A_747], %gather3A_744 {strides = array<i32>} : memref<32x200xf32, #tpu.memory_space<vmem>>, vector<16xf32>,
      %add3A_749 = arith.constant 80 : i32
      %add3A_750 = vector.broadcast %add3A_749 : i32 to vector<16xi32>
      %add3A_751 = arith.addi %iota3A, %add3A_750 : vector<16xi32>
      %gather3A_752 = tpu.vector_load_idx %arg7[%add3A_751, %broadcast_in_dim3A_708] : memref<200x32xf32, #tpu.memory_space<vmem>>[vector<16xi32>, vector<16xi32>], vector<16xf32>,
      %swap3A_753 = arith.constant 5 : i32
      %swap3A_754 = arith.index_cast %swap3A_753 : i32 to index
      %swap3A_755 = arith.constant 80 : index
      %swap3A_756 = tpu.vector_load %arg8[%swap3A_754, %swap3A_755] {strides = array<i32>} : memref<32x200xf32, #tpu.memory_space<vmem>>, vector<16xf32>,
      tpu.vector_store %arg8[%swap3A_754, %swap3A_755], %gather3A_752 {strides = array<i32>} : memref<32x200xf32, #tpu.memory_space<vmem>>, vector<16xf32>,
      %add3A_757 = arith.constant 96 : i32
      %add3A_758 = vector.broadcast %add3A_757 : i32 to vector<16xi32>
      %add3A_759 = arith.addi %iota3A, %add3A_758 : vector<16xi32>
      %gather3A_760 = tpu.vector_load_idx %arg7[%add3A_759, %broadcast_in_dim3A_708] : memref<200x32xf32, #tpu.memory_space<vmem>>[vector<16xi32>, vector<16xi32>], vector<16xf32>,
      %swap3A_761 = arith.constant 5 : i32
      %swap3A_762 = arith.index_cast %swap3A_761 : i32 to index
      %swap3A_763 = arith.constant 96 : index
      %swap3A_764 = tpu.vector_load %arg8[%swap3A_762, %swap3A_763] {strides = array<i32>} : memref<32x200xf32, #tpu.memory_space<vmem>>, vector<16xf32>,
      tpu.vector_store %arg8[%swap3A_762, %swap3A_763], %gather3A_760 {strides = array<i32>} : memref<32x200xf32, #tpu.memory_space<vmem>>, vector<16xf32>,
      %add3A_765 = arith.constant 112 : i32
      %add3A_766 = vector.broadcast %add3A_765 : i32 to vector<16xi32>
      %add3A_767 = arith.addi %iota3A, %add3A_766 : vector<16xi32>
      %gather3A_768 = tpu.vector_load_idx %arg7[%add3A_767, %broadcast_in_dim3A_708] : memref<200x32xf32, #tpu.memory_space<vmem>>[vector<16xi32>, vector<16xi32>], vector<16xf32>,
      %swap3A_769 = arith.constant 5 : i32
      %swap3A_770 = arith.index_cast %swap3A_769 : i32 to index
      %swap3A_771 = arith.constant 112 : index
      %swap3A_772 = tpu.vector_load %arg8[%swap3A_770, %swap3A_771] {strides = array<i32>} : memref<32x200xf32, #tpu.memory_space<vmem>>, vector<16xf32>,
      tpu.vector_store %arg8[%swap3A_770, %swap3A_771], %gather3A_768 {strides = array<i32>} : memref<32x200xf32, #tpu.memory_space<vmem>>, vector<16xf32>,
      %add3A_773 = arith.constant 128 : i32
      %add3A_774 = vector.broadcast %add3A_773 : i32 to vector<16xi32>
      %add3A_775 = arith.addi %iota3A, %add3A_774 : vector<16xi32>
      %gather3A_776 = tpu.vector_load_idx %arg7[%add3A_775, %broadcast_in_dim3A_708] : memref<200x32xf32, #tpu.memory_space<vmem>>[vector<16xi32>, vector<16xi32>], vector<16xf32>,
      %swap3A_777 = arith.constant 5 : i32
      %swap3A_778 = arith.index_cast %swap3A_777 : i32 to index
      %swap3A_779 = arith.constant 128 : index
      %swap3A_780 = tpu.vector_load %arg8[%swap3A_778, %swap3A_779] {strides = array<i32>} : memref<32x200xf32, #tpu.memory_space<vmem>>, vector<16xf32>,
      tpu.vector_store %arg8[%swap3A_778, %swap3A_779], %gather3A_776 {strides = array<i32>} : memref<32x200xf32, #tpu.memory_space<vmem>>, vector<16xf32>,
      %add3A_781 = arith.constant 144 : i32
      %add3A_782 = vector.broadcast %add3A_781 : i32 to vector<16xi32>
      %add3A_783 = arith.addi %iota3A, %add3A_782 : vector<16xi32>
      %gather3A_784 = tpu.vector_load_idx %arg7[%add3A_783, %broadcast_in_dim3A_708] : memref<200x32xf32, #tpu.memory_space<vmem>>[vector<16xi32>, vector<16xi32>], vector<16xf32>,
      %swap3A_785 = arith.constant 5 : i32
      %swap3A_786 = arith.index_cast %swap3A_785 : i32 to index
      %swap3A_787 = arith.constant 144 : index
      %swap3A_788 = tpu.vector_load %arg8[%swap3A_786, %swap3A_787] {strides = array<i32>} : memref<32x200xf32, #tpu.memory_space<vmem>>, vector<16xf32>,
      tpu.vector_store %arg8[%swap3A_786, %swap3A_787], %gather3A_784 {strides = array<i32>} : memref<32x200xf32, #tpu.memory_space<vmem>>, vector<16xf32>,
      %add3A_789 = arith.constant 160 : i32
      %add3A_790 = vector.broadcast %add3A_789 : i32 to vector<16xi32>
      %add3A_791 = arith.addi %iota3A, %add3A_790 : vector<16xi32>
      %gather3A_792 = tpu.vector_load_idx %arg7[%add3A_791, %broadcast_in_dim3A_708] : memref<200x32xf32, #tpu.memory_space<vmem>>[vector<16xi32>, vector<16xi32>], vector<16xf32>,
      %swap3A_793 = arith.constant 5 : i32
      %swap3A_794 = arith.index_cast %swap3A_793 : i32 to index
      %swap3A_795 = arith.constant 160 : index
      %swap3A_796 = tpu.vector_load %arg8[%swap3A_794, %swap3A_795] {strides = array<i32>} : memref<32x200xf32, #tpu.memory_space<vmem>>, vector<16xf32>,
      tpu.vector_store %arg8[%swap3A_794, %swap3A_795], %gather3A_792 {strides = array<i32>} : memref<32x200xf32, #tpu.memory_space<vmem>>, vector<16xf32>,
      %add3A_797 = arith.constant 176 : i32
      %add3A_798 = vector.broadcast %add3A_797 : i32 to vector<16xi32>
      %add3A_799 = arith.addi %iota3A, %add3A_798 : vector<16xi32>
      %gather3A_800 = tpu.vector_load_idx %arg7[%add3A_799, %broadcast_in_dim3A_708] : memref<200x32xf32, #tpu.memory_space<vmem>>[vector<16xi32>, vector<16xi32>], vector<16xf32>,
      %swap3A_801 = arith.constant 5 : i32
      %swap3A_802 = arith.index_cast %swap3A_801 : i32 to index
      %swap3A_803 = arith.constant 176 : index
      %swap3A_804 = tpu.vector_load %arg8[%swap3A_802, %swap3A_803] {strides = array<i32>} : memref<32x200xf32, #tpu.memory_space<vmem>>, vector<16xf32>,
      tpu.vector_store %arg8[%swap3A_802, %swap3A_803], %gather3A_800 {strides = array<i32>} : memref<32x200xf32, #tpu.memory_space<vmem>>, vector<16xf32>,
      %add3A_805 = arith.constant 184 : i32
      %add3A_806 = vector.broadcast %add3A_805 : i32 to vector<16xi32>
      %add3A_807 = arith.addi %iota3A, %add3A_806 : vector<16xi32>
      %gather3A_808 = tpu.vector_load_idx %arg7[%add3A_807, %broadcast_in_dim3A_708] : memref<200x32xf32, #tpu.memory_space<vmem>>[vector<16xi32>, vector<16xi32>], vector<16xf32>,
      %swap3A_809 = arith.constant 5 : i32
      %swap3A_810 = arith.index_cast %swap3A_809 : i32 to index
      %swap3A_811 = arith.constant 184 : index
      %swap3A_812 = tpu.vector_load %arg8[%swap3A_810, %swap3A_811] {strides = array<i32>} : memref<32x200xf32, #tpu.memory_space<vmem>>, vector<16xf32>,
      tpu.vector_store %arg8[%swap3A_810, %swap3A_811], %gather3A_808 {strides = array<i32>} : memref<32x200xf32, #tpu.memory_space<vmem>>, vector<16xf32>,
      %broadcast_in_dim3A_813 = arith.constant 6 : i32
      %broadcast_in_dim3A_814 = vector.broadcast %broadcast_in_dim3A_813 : i32 to vector<16xi32>
      %add3A_815 = arith.constant 0 : i32
      %add3A_816 = vector.broadcast %add3A_815 : i32 to vector<16xi32>
      %add3A_817 = arith.addi %iota3A, %add3A_816 : vector<16xi32>
      %gather3A_818 = tpu.vector_load_idx %arg7[%add3A_817, %broadcast_in_dim3A_814] : memref<200x32xf32, #tpu.memory_space<vmem>>[vector<16xi32>, vector<16xi32>], vector<16xf32>,
      %swap3A_819 = arith.constant 6 : i32
      %swap3A_820 = arith.index_cast %swap3A_819 : i32 to index
      %swap3A_821 = arith.constant 0 : index
      %swap3A_822 = tpu.vector_load %arg8[%swap3A_820, %swap3A_821] {strides = array<i32>} : memref<32x200xf32, #tpu.memory_space<vmem>>, vector<16xf32>,
      tpu.vector_store %arg8[%swap3A_820, %swap3A_821], %gather3A_818 {strides = array<i32>} : memref<32x200xf32, #tpu.memory_space<vmem>>, vector<16xf32>,
      %add3A_823 = arith.constant 16 : i32
      %add3A_824 = vector.broadcast %add3A_823 : i32 to vector<16xi32>
      %add3A_825 = arith.addi %iota3A, %add3A_824 : vector<16xi32>
      %gather3A_826 = tpu.vector_load_idx %arg7[%add3A_825, %broadcast_in_dim3A_814] : memref<200x32xf32, #tpu.memory_space<vmem>>[vector<16xi32>, vector<16xi32>], vector<16xf32>,
      %swap3A_827 = arith.constant 6 : i32
      %swap3A_828 = arith.index_cast %swap3A_827 : i32 to index
      %swap3A_829 = arith.constant 16 : index
      %swap3A_830 = tpu.vector_load %arg8[%swap3A_828, %swap3A_829] {strides = array<i32>} : memref<32x200xf32, #tpu.memory_space<vmem>>, vector<16xf32>,
      tpu.vector_store %arg8[%swap3A_828, %swap3A_829], %gather3A_826 {strides = array<i32>} : memref<32x200xf32, #tpu.memory_space<vmem>>, vector<16xf32>,
      %add3A_831 = arith.constant 32 : i32
      %add3A_832 = vector.broadcast %add3A_831 : i32 to vector<16xi32>
      %add3A_833 = arith.addi %iota3A, %add3A_832 : vector<16xi32>
      %gather3A_834 = tpu.vector_load_idx %arg7[%add3A_833, %broadcast_in_dim3A_814] : memref<200x32xf32, #tpu.memory_space<vmem>>[vector<16xi32>, vector<16xi32>], vector<16xf32>,
      %swap3A_835 = arith.constant 6 : i32
      %swap3A_836 = arith.index_cast %swap3A_835 : i32 to index
      %swap3A_837 = arith.constant 32 : index
      %swap3A_838 = tpu.vector_load %arg8[%swap3A_836, %swap3A_837] {strides = array<i32>} : memref<32x200xf32, #tpu.memory_space<vmem>>, vector<16xf32>,
      tpu.vector_store %arg8[%swap3A_836, %swap3A_837], %gather3A_834 {strides = array<i32>} : memref<32x200xf32, #tpu.memory_space<vmem>>, vector<16xf32>,
      %add3A_839 = arith.constant 48 : i32
      %add3A_840 = vector.broadcast %add3A_839 : i32 to vector<16xi32>
      %add3A_841 = arith.addi %iota3A, %add3A_840 : vector<16xi32>
      %gather3A_842 = tpu.vector_load_idx %arg7[%add3A_841, %broadcast_in_dim3A_814] : memref<200x32xf32, #tpu.memory_space<vmem>>[vector<16xi32>, vector<16xi32>], vector<16xf32>,
      %swap3A_843 = arith.constant 6 : i32
      %swap3A_844 = arith.index_cast %swap3A_843 : i32 to index
      %swap3A_845 = arith.constant 48 : index
      %swap3A_846 = tpu.vector_load %arg8[%swap3A_844, %swap3A_845] {strides = array<i32>} : memref<32x200xf32, #tpu.memory_space<vmem>>, vector<16xf32>,
      tpu.vector_store %arg8[%swap3A_844, %swap3A_845], %gather3A_842 {strides = array<i32>} : memref<32x200xf32, #tpu.memory_space<vmem>>, vector<16xf32>,
      %add3A_847 = arith.constant 64 : i32
      %add3A_848 = vector.broadcast %add3A_847 : i32 to vector<16xi32>
      %add3A_849 = arith.addi %iota3A, %add3A_848 : vector<16xi32>
      %gather3A_850 = tpu.vector_load_idx %arg7[%add3A_849, %broadcast_in_dim3A_814] : memref<200x32xf32, #tpu.memory_space<vmem>>[vector<16xi32>, vector<16xi32>], vector<16xf32>,
      %swap3A_851 = arith.constant 6 : i32
      %swap3A_852 = arith.index_cast %swap3A_851 : i32 to index
      %swap3A_853 = arith.constant 64 : index
      %swap3A_854 = tpu.vector_load %arg8[%swap3A_852, %swap3A_853] {strides = array<i32>} : memref<32x200xf32, #tpu.memory_space<vmem>>, vector<16xf32>,
      tpu.vector_store %arg8[%swap3A_852, %swap3A_853], %gather3A_850 {strides = array<i32>} : memref<32x200xf32, #tpu.memory_space<vmem>>, vector<16xf32>,
      %add3A_855 = arith.constant 80 : i32
      %add3A_856 = vector.broadcast %add3A_855 : i32 to vector<16xi32>
      %add3A_857 = arith.addi %iota3A, %add3A_856 : vector<16xi32>
      %gather3A_858 = tpu.vector_load_idx %arg7[%add3A_857, %broadcast_in_dim3A_814] : memref<200x32xf32, #tpu.memory_space<vmem>>[vector<16xi32>, vector<16xi32>], vector<16xf32>,
      %swap3A_859 = arith.constant 6 : i32
      %swap3A_860 = arith.index_cast %swap3A_859 : i32 to index
      %swap3A_861 = arith.constant 80 : index
      %swap3A_862 = tpu.vector_load %arg8[%swap3A_860, %swap3A_861] {strides = array<i32>} : memref<32x200xf32, #tpu.memory_space<vmem>>, vector<16xf32>,
      tpu.vector_store %arg8[%swap3A_860, %swap3A_861], %gather3A_858 {strides = array<i32>} : memref<32x200xf32, #tpu.memory_space<vmem>>, vector<16xf32>,
      %add3A_863 = arith.constant 96 : i32
      %add3A_864 = vector.broadcast %add3A_863 : i32 to vector<16xi32>
      %add3A_865 = arith.addi %iota3A, %add3A_864 : vector<16xi32>
      %gather3A_866 = tpu.vector_load_idx %arg7[%add3A_865, %broadcast_in_dim3A_814] : memref<200x32xf32, #tpu.memory_space<vmem>>[vector<16xi32>, vector<16xi32>], vector<16xf32>,
      %swap3A_867 = arith.constant 6 : i32
      %swap3A_868 = arith.index_cast %swap3A_867 : i32 to index
      %swap3A_869 = arith.constant 96 : index
      %swap3A_870 = tpu.vector_load %arg8[%swap3A_868, %swap3A_869] {strides = array<i32>} : memref<32x200xf32, #tpu.memory_space<vmem>>, vector<16xf32>,
      tpu.vector_store %arg8[%swap3A_868, %swap3A_869], %gather3A_866 {strides = array<i32>} : memref<32x200xf32, #tpu.memory_space<vmem>>, vector<16xf32>,
      %add3A_871 = arith.constant 112 : i32
      %add3A_872 = vector.broadcast %add3A_871 : i32 to vector<16xi32>
      %add3A_873 = arith.addi %iota3A, %add3A_872 : vector<16xi32>
      %gather3A_874 = tpu.vector_load_idx %arg7[%add3A_873, %broadcast_in_dim3A_814] : memref<200x32xf32, #tpu.memory_space<vmem>>[vector<16xi32>, vector<16xi32>], vector<16xf32>,
      %swap3A_875 = arith.constant 6 : i32
      %swap3A_876 = arith.index_cast %swap3A_875 : i32 to index
      %swap3A_877 = arith.constant 112 : index
      %swap3A_878 = tpu.vector_load %arg8[%swap3A_876, %swap3A_877] {strides = array<i32>} : memref<32x200xf32, #tpu.memory_space<vmem>>, vector<16xf32>,
      tpu.vector_store %arg8[%swap3A_876, %swap3A_877], %gather3A_874 {strides = array<i32>} : memref<32x200xf32, #tpu.memory_space<vmem>>, vector<16xf32>,
      %add3A_879 = arith.constant 128 : i32
      %add3A_880 = vector.broadcast %add3A_879 : i32 to vector<16xi32>
      %add3A_881 = arith.addi %iota3A, %add3A_880 : vector<16xi32>
      %gather3A_882 = tpu.vector_load_idx %arg7[%add3A_881, %broadcast_in_dim3A_814] : memref<200x32xf32, #tpu.memory_space<vmem>>[vector<16xi32>, vector<16xi32>], vector<16xf32>,
      %swap3A_883 = arith.constant 6 : i32
      %swap3A_884 = arith.index_cast %swap3A_883 : i32 to index
      %swap3A_885 = arith.constant 128 : index
      %swap3A_886 = tpu.vector_load %arg8[%swap3A_884, %swap3A_885] {strides = array<i32>} : memref<32x200xf32, #tpu.memory_space<vmem>>, vector<16xf32>,
      tpu.vector_store %arg8[%swap3A_884, %swap3A_885], %gather3A_882 {strides = array<i32>} : memref<32x200xf32, #tpu.memory_space<vmem>>, vector<16xf32>,
      %add3A_887 = arith.constant 144 : i32
      %add3A_888 = vector.broadcast %add3A_887 : i32 to vector<16xi32>
      %add3A_889 = arith.addi %iota3A, %add3A_888 : vector<16xi32>
      %gather3A_890 = tpu.vector_load_idx %arg7[%add3A_889, %broadcast_in_dim3A_814] : memref<200x32xf32, #tpu.memory_space<vmem>>[vector<16xi32>, vector<16xi32>], vector<16xf32>,
      %swap3A_891 = arith.constant 6 : i32
      %swap3A_892 = arith.index_cast %swap3A_891 : i32 to index
      %swap3A_893 = arith.constant 144 : index
      %swap3A_894 = tpu.vector_load %arg8[%swap3A_892, %swap3A_893] {strides = array<i32>} : memref<32x200xf32, #tpu.memory_space<vmem>>, vector<16xf32>,
      tpu.vector_store %arg8[%swap3A_892, %swap3A_893], %gather3A_890 {strides = array<i32>} : memref<32x200xf32, #tpu.memory_space<vmem>>, vector<16xf32>,
      %add3A_895 = arith.constant 160 : i32
      %add3A_896 = vector.broadcast %add3A_895 : i32 to vector<16xi32>
      %add3A_897 = arith.addi %iota3A, %add3A_896 : vector<16xi32>
      %gather3A_898 = tpu.vector_load_idx %arg7[%add3A_897, %broadcast_in_dim3A_814] : memref<200x32xf32, #tpu.memory_space<vmem>>[vector<16xi32>, vector<16xi32>], vector<16xf32>,
      %swap3A_899 = arith.constant 6 : i32
      %swap3A_900 = arith.index_cast %swap3A_899 : i32 to index
      %swap3A_901 = arith.constant 160 : index
      %swap3A_902 = tpu.vector_load %arg8[%swap3A_900, %swap3A_901] {strides = array<i32>} : memref<32x200xf32, #tpu.memory_space<vmem>>, vector<16xf32>,
      tpu.vector_store %arg8[%swap3A_900, %swap3A_901], %gather3A_898 {strides = array<i32>} : memref<32x200xf32, #tpu.memory_space<vmem>>, vector<16xf32>,
      %add3A_903 = arith.constant 176 : i32
      %add3A_904 = vector.broadcast %add3A_903 : i32 to vector<16xi32>
      %add3A_905 = arith.addi %iota3A, %add3A_904 : vector<16xi32>
      %gather3A_906 = tpu.vector_load_idx %arg7[%add3A_905, %broadcast_in_dim3A_814] : memref<200x32xf32, #tpu.memory_space<vmem>>[vector<16xi32>, vector<16xi32>], vector<16xf32>,
      %swap3A_907 = arith.constant 6 : i32
      %swap3A_908 = arith.index_cast %swap3A_907 : i32 to index
      %swap3A_909 = arith.constant 176 : index
      %swap3A_910 = tpu.vector_load %arg8[%swap3A_908, %swap3A_909] {strides = array<i32>} : memref<32x200xf32, #tpu.memory_space<vmem>>, vector<16xf32>,
      tpu.vector_store %arg8[%swap3A_908, %swap3A_909], %gather3A_906 {strides = array<i32>} : memref<32x200xf32, #tpu.memory_space<vmem>>, vector<16xf32>,
      %add3A_911 = arith.constant 184 : i32
      %add3A_912 = vector.broadcast %add3A_911 : i32 to vector<16xi32>
      %add3A_913 = arith.addi %iota3A, %add3A_912 : vector<16xi32>
      %gather3A_914 = tpu.vector_load_idx %arg7[%add3A_913, %broadcast_in_dim3A_814] : memref<200x32xf32, #tpu.memory_space<vmem>>[vector<16xi32>, vector<16xi32>], vector<16xf32>,
      %swap3A_915 = arith.constant 6 : i32
      %swap3A_916 = arith.index_cast %swap3A_915 : i32 to index
      %swap3A_917 = arith.constant 184 : index
      %swap3A_918 = tpu.vector_load %arg8[%swap3A_916, %swap3A_917] {strides = array<i32>} : memref<32x200xf32, #tpu.memory_space<vmem>>, vector<16xf32>,
      tpu.vector_store %arg8[%swap3A_916, %swap3A_917], %gather3A_914 {strides = array<i32>} : memref<32x200xf32, #tpu.memory_space<vmem>>, vector<16xf32>,
      %broadcast_in_dim3A_919 = arith.constant 7 : i32
      %broadcast_in_dim3A_920 = vector.broadcast %broadcast_in_dim3A_919 : i32 to vector<16xi32>
      %add3A_921 = arith.constant 0 : i32
      %add3A_922 = vector.broadcast %add3A_921 : i32 to vector<16xi32>
      %add3A_923 = arith.addi %iota3A, %add3A_922 : vector<16xi32>
      %gather3A_924 = tpu.vector_load_idx %arg7[%add3A_923, %broadcast_in_dim3A_920] : memref<200x32xf32, #tpu.memory_space<vmem>>[vector<16xi32>, vector<16xi32>], vector<16xf32>,
      %swap3A_925 = arith.constant 7 : i32
      %swap3A_926 = arith.index_cast %swap3A_925 : i32 to index
      %swap3A_927 = arith.constant 0 : index
      %swap3A_928 = tpu.vector_load %arg8[%swap3A_926, %swap3A_927] {strides = array<i32>} : memref<32x200xf32, #tpu.memory_space<vmem>>, vector<16xf32>,
      tpu.vector_store %arg8[%swap3A_926, %swap3A_927], %gather3A_924 {strides = array<i32>} : memref<32x200xf32, #tpu.memory_space<vmem>>, vector<16xf32>,
      %add3A_929 = arith.constant 16 : i32
      %add3A_930 = vector.broadcast %add3A_929 : i32 to vector<16xi32>
      %add3A_931 = arith.addi %iota3A, %add3A_930 : vector<16xi32>
      %gather3A_932 = tpu.vector_load_idx %arg7[%add3A_931, %broadcast_in_dim3A_920] : memref<200x32xf32, #tpu.memory_space<vmem>>[vector<16xi32>, vector<16xi32>], vector<16xf32>,
      %swap3A_933 = arith.constant 7 : i32
      %swap3A_934 = arith.index_cast %swap3A_933 : i32 to index
      %swap3A_935 = arith.constant 16 : index
      %swap3A_936 = tpu.vector_load %arg8[%swap3A_934, %swap3A_935] {strides = array<i32>} : memref<32x200xf32, #tpu.memory_space<vmem>>, vector<16xf32>,
      tpu.vector_store %arg8[%swap3A_934, %swap3A_935], %gather3A_932 {strides = array<i32>} : memref<32x200xf32, #tpu.memory_space<vmem>>, vector<16xf32>,
      %add3A_937 = arith.constant 32 : i32
      %add3A_938 = vector.broadcast %add3A_937 : i32 to vector<16xi32>
      %add3A_939 = arith.addi %iota3A, %add3A_938 : vector<16xi32>
      %gather3A_940 = tpu.vector_load_idx %arg7[%add3A_939, %broadcast_in_dim3A_920] : memref<200x32xf32, #tpu.memory_space<vmem>>[vector<16xi32>, vector<16xi32>], vector<16xf32>,
      %swap3A_941 = arith.constant 7 : i32
      %swap3A_942 = arith.index_cast %swap3A_941 : i32 to index
      %swap3A_943 = arith.constant 32 : index
      %swap3A_944 = tpu.vector_load %arg8[%swap3A_942, %swap3A_943] {strides = array<i32>} : memref<32x200xf32, #tpu.memory_space<vmem>>, vector<16xf32>,
      tpu.vector_store %arg8[%swap3A_942, %swap3A_943], %gather3A_940 {strides = array<i32>} : memref<32x200xf32, #tpu.memory_space<vmem>>, vector<16xf32>,
      %add3A_945 = arith.constant 48 : i32
      %add3A_946 = vector.broadcast %add3A_945 : i32 to vector<16xi32>
      %add3A_947 = arith.addi %iota3A, %add3A_946 : vector<16xi32>
      %gather3A_948 = tpu.vector_load_idx %arg7[%add3A_947, %broadcast_in_dim3A_920] : memref<200x32xf32, #tpu.memory_space<vmem>>[vector<16xi32>, vector<16xi32>], vector<16xf32>,
      %swap3A_949 = arith.constant 7 : i32
      %swap3A_950 = arith.index_cast %swap3A_949 : i32 to index
      %swap3A_951 = arith.constant 48 : index
      %swap3A_952 = tpu.vector_load %arg8[%swap3A_950, %swap3A_951] {strides = array<i32>} : memref<32x200xf32, #tpu.memory_space<vmem>>, vector<16xf32>,
      tpu.vector_store %arg8[%swap3A_950, %swap3A_951], %gather3A_948 {strides = array<i32>} : memref<32x200xf32, #tpu.memory_space<vmem>>, vector<16xf32>,
      %add3A_953 = arith.constant 64 : i32
      %add3A_954 = vector.broadcast %add3A_953 : i32 to vector<16xi32>
      %add3A_955 = arith.addi %iota3A, %add3A_954 : vector<16xi32>
      %gather3A_956 = tpu.vector_load_idx %arg7[%add3A_955, %broadcast_in_dim3A_920] : memref<200x32xf32, #tpu.memory_space<vmem>>[vector<16xi32>, vector<16xi32>], vector<16xf32>,
      %swap3A_957 = arith.constant 7 : i32
      %swap3A_958 = arith.index_cast %swap3A_957 : i32 to index
      %swap3A_959 = arith.constant 64 : index
      %swap3A_960 = tpu.vector_load %arg8[%swap3A_958, %swap3A_959] {strides = array<i32>} : memref<32x200xf32, #tpu.memory_space<vmem>>, vector<16xf32>,
      tpu.vector_store %arg8[%swap3A_958, %swap3A_959], %gather3A_956 {strides = array<i32>} : memref<32x200xf32, #tpu.memory_space<vmem>>, vector<16xf32>,
      %add3A_961 = arith.constant 80 : i32
      %add3A_962 = vector.broadcast %add3A_961 : i32 to vector<16xi32>
      %add3A_963 = arith.addi %iota3A, %add3A_962 : vector<16xi32>
      %gather3A_964 = tpu.vector_load_idx %arg7[%add3A_963, %broadcast_in_dim3A_920] : memref<200x32xf32, #tpu.memory_space<vmem>>[vector<16xi32>, vector<16xi32>], vector<16xf32>,
      %swap3A_965 = arith.constant 7 : i32
      %swap3A_966 = arith.index_cast %swap3A_965 : i32 to index
      %swap3A_967 = arith.constant 80 : index
      %swap3A_968 = tpu.vector_load %arg8[%swap3A_966, %swap3A_967] {strides = array<i32>} : memref<32x200xf32, #tpu.memory_space<vmem>>, vector<16xf32>,
      tpu.vector_store %arg8[%swap3A_966, %swap3A_967], %gather3A_964 {strides = array<i32>} : memref<32x200xf32, #tpu.memory_space<vmem>>, vector<16xf32>,
      %add3A_969 = arith.constant 96 : i32
      %add3A_970 = vector.broadcast %add3A_969 : i32 to vector<16xi32>
      %add3A_971 = arith.addi %iota3A, %add3A_970 : vector<16xi32>
      %gather3A_972 = tpu.vector_load_idx %arg7[%add3A_971, %broadcast_in_dim3A_920] : memref<200x32xf32, #tpu.memory_space<vmem>>[vector<16xi32>, vector<16xi32>], vector<16xf32>,
      %swap3A_973 = arith.constant 7 : i32
      %swap3A_974 = arith.index_cast %swap3A_973 : i32 to index
      %swap3A_975 = arith.constant 96 : index
      %swap3A_976 = tpu.vector_load %arg8[%swap3A_974, %swap3A_975] {strides = array<i32>} : memref<32x200xf32, #tpu.memory_space<vmem>>, vector<16xf32>,
      tpu.vector_store %arg8[%swap3A_974, %swap3A_975], %gather3A_972 {strides = array<i32>} : memref<32x200xf32, #tpu.memory_space<vmem>>, vector<16xf32>,
      %add3A_977 = arith.constant 112 : i32
      %add3A_978 = vector.broadcast %add3A_977 : i32 to vector<16xi32>
      %add3A_979 = arith.addi %iota3A, %add3A_978 : vector<16xi32>
      %gather3A_980 = tpu.vector_load_idx %arg7[%add3A_979, %broadcast_in_dim3A_920] : memref<200x32xf32, #tpu.memory_space<vmem>>[vector<16xi32>, vector<16xi32>], vector<16xf32>,
      %swap3A_981 = arith.constant 7 : i32
      %swap3A_982 = arith.index_cast %swap3A_981 : i32 to index
      %swap3A_983 = arith.constant 112 : index
      %swap3A_984 = tpu.vector_load %arg8[%swap3A_982, %swap3A_983] {strides = array<i32>} : memref<32x200xf32, #tpu.memory_space<vmem>>, vector<16xf32>,
      tpu.vector_store %arg8[%swap3A_982, %swap3A_983], %gather3A_980 {strides = array<i32>} : memref<32x200xf32, #tpu.memory_space<vmem>>, vector<16xf32>,
      %add3A_985 = arith.constant 128 : i32
      %add3A_986 = vector.broadcast %add3A_985 : i32 to vector<16xi32>
      %add3A_987 = arith.addi %iota3A, %add3A_986 : vector<16xi32>
      %gather3A_988 = tpu.vector_load_idx %arg7[%add3A_987, %broadcast_in_dim3A_920] : memref<200x32xf32, #tpu.memory_space<vmem>>[vector<16xi32>, vector<16xi32>], vector<16xf32>,
      %swap3A_989 = arith.constant 7 : i32
      %swap3A_990 = arith.index_cast %swap3A_989 : i32 to index
      %swap3A_991 = arith.constant 128 : index
      %swap3A_992 = tpu.vector_load %arg8[%swap3A_990, %swap3A_991] {strides = array<i32>} : memref<32x200xf32, #tpu.memory_space<vmem>>, vector<16xf32>,
      tpu.vector_store %arg8[%swap3A_990, %swap3A_991], %gather3A_988 {strides = array<i32>} : memref<32x200xf32, #tpu.memory_space<vmem>>, vector<16xf32>,
      %add3A_993 = arith.constant 144 : i32
      %add3A_994 = vector.broadcast %add3A_993 : i32 to vector<16xi32>
      %add3A_995 = arith.addi %iota3A, %add3A_994 : vector<16xi32>
      %gather3A_996 = tpu.vector_load_idx %arg7[%add3A_995, %broadcast_in_dim3A_920] : memref<200x32xf32, #tpu.memory_space<vmem>>[vector<16xi32>, vector<16xi32>], vector<16xf32>,
      %swap3A_997 = arith.constant 7 : i32
      %swap3A_998 = arith.index_cast %swap3A_997 : i32 to index
      %swap3A_999 = arith.constant 144 : index
      %swap3A_1000 = tpu.vector_load %arg8[%swap3A_998, %swap3A_999] {strides = array<i32>} : memref<32x200xf32, #tpu.memory_space<vmem>>, vector<16xf32>,
      tpu.vector_store %arg8[%swap3A_998, %swap3A_999], %gather3A_996 {strides = array<i32>} : memref<32x200xf32, #tpu.memory_space<vmem>>, vector<16xf32>,
      %add3A_1001 = arith.constant 160 : i32
      %add3A_1002 = vector.broadcast %add3A_1001 : i32 to vector<16xi32>
      %add3A_1003 = arith.addi %iota3A, %add3A_1002 : vector<16xi32>
      %gather3A_1004 = tpu.vector_load_idx %arg7[%add3A_1003, %broadcast_in_dim3A_920] : memref<200x32xf32, #tpu.memory_space<vmem>>[vector<16xi32>, vector<16xi32>], vector<16xf32>,
      %swap3A_1005 = arith.constant 7 : i32
      %swap3A_1006 = arith.index_cast %swap3A_1005 : i32 to index
      %swap3A_1007 = arith.constant 160 : index
      %swap3A_1008 = tpu.vector_load %arg8[%swap3A_1006, %swap3A_1007] {strides = array<i32>} : memref<32x200xf32, #tpu.memory_space<vmem>>, vector<16xf32>,
      tpu.vector_store %arg8[%swap3A_1006, %swap3A_1007], %gather3A_1004 {strides = array<i32>} : memref<32x200xf32, #tpu.memory_space<vmem>>, vector<16xf32>,
      %add3A_1009 = arith.constant 176 : i32
      %add3A_1010 = vector.broadcast %add3A_1009 : i32 to vector<16xi32>
      %add3A_1011 = arith.addi %iota3A, %add3A_1010 : vector<16xi32>
      %gather3A_1012 = tpu.vector_load_idx %arg7[%add3A_1011, %broadcast_in_dim3A_920] : memref<200x32xf32, #tpu.memory_space<vmem>>[vector<16xi32>, vector<16xi32>], vector<16xf32>,
      %swap3A_1013 = arith.constant 7 : i32
      %swap3A_1014 = arith.index_cast %swap3A_1013 : i32 to index
      %swap3A_1015 = arith.constant 176 : index
      %swap3A_1016 = tpu.vector_load %arg8[%swap3A_1014, %swap3A_1015] {strides = array<i32>} : memref<32x200xf32, #tpu.memory_space<vmem>>, vector<16xf32>,
      tpu.vector_store %arg8[%swap3A_1014, %swap3A_1015], %gather3A_1012 {strides = array<i32>} : memref<32x200xf32, #tpu.memory_space<vmem>>, vector<16xf32>,
      %add3A_1017 = arith.constant 184 : i32
      %add3A_1018 = vector.broadcast %add3A_1017 : i32 to vector<16xi32>
      %add3A_1019 = arith.addi %iota3A, %add3A_1018 : vector<16xi32>
      %gather3A_1020 = tpu.vector_load_idx %arg7[%add3A_1019, %broadcast_in_dim3A_920] : memref<200x32xf32, #tpu.memory_space<vmem>>[vector<16xi32>, vector<16xi32>], vector<16xf32>,
      %swap3A_1021 = arith.constant 7 : i32
      %swap3A_1022 = arith.index_cast %swap3A_1021 : i32 to index
      %swap3A_1023 = arith.constant 184 : index
      %swap3A_1024 = tpu.vector_load %arg8[%swap3A_1022, %swap3A_1023] {strides = array<i32>} : memref<32x200xf32, #tpu.memory_space<vmem>>, vector<16xf32>,
      tpu.vector_store %arg8[%swap3A_1022, %swap3A_1023], %gather3A_1020 {strides = array<i32>} : memref<32x200xf32, #tpu.memory_space<vmem>>, vector<16xf32>,
      %broadcast_in_dim3A_1025 = arith.constant 8 : i32
      %broadcast_in_dim3A_1026 = vector.broadcast %broadcast_in_dim3A_1025 : i32 to vector<16xi32>
      %add3A_1027 = arith.constant 0 : i32
      %add3A_1028 = vector.broadcast %add3A_1027 : i32 to vector<16xi32>
      %add3A_1029 = arith.addi %iota3A, %add3A_1028 : vector<16xi32>
      %gather3A_1030 = tpu.vector_load_idx %arg7[%add3A_1029, %broadcast_in_dim3A_1026] : memref<200x32xf32, #tpu.memory_space<vmem>>[vector<16xi32>, vector<16xi32>], vector<16xf32>,
      %swap3A_1031 = arith.constant 8 : i32
      %swap3A_1032 = arith.index_cast %swap3A_1031 : i32 to index
      %swap3A_1033 = arith.constant 0 : index
      %swap3A_1034 = tpu.vector_load %arg8[%swap3A_1032, %swap3A_1033] {strides = array<i32>} : memref<32x200xf32, #tpu.memory_space<vmem>>, vector<16xf32>,
      tpu.vector_store %arg8[%swap3A_1032, %swap3A_1033], %gather3A_1030 {strides = array<i32>} : memref<32x200xf32, #tpu.memory_space<vmem>>, vector<16xf32>,
      %add3A_1035 = arith.constant 16 : i32
      %add3A_1036 = vector.broadcast %add3A_1035 : i32 to vector<16xi32>
      %add3A_1037 = arith.addi %iota3A, %add3A_1036 : vector<16xi32>
      %gather3A_1038 = tpu.vector_load_idx %arg7[%add3A_1037, %broadcast_in_dim3A_1026] : memref<200x32xf32, #tpu.memory_space<vmem>>[vector<16xi32>, vector<16xi32>], vector<16xf32>,
      %swap3A_1039 = arith.constant 8 : i32
      %swap3A_1040 = arith.index_cast %swap3A_1039 : i32 to index
      %swap3A_1041 = arith.constant 16 : index
      %swap3A_1042 = tpu.vector_load %arg8[%swap3A_1040, %swap3A_1041] {strides = array<i32>} : memref<32x200xf32, #tpu.memory_space<vmem>>, vector<16xf32>,
      tpu.vector_store %arg8[%swap3A_1040, %swap3A_1041], %gather3A_1038 {strides = array<i32>} : memref<32x200xf32, #tpu.memory_space<vmem>>, vector<16xf32>,
      %add3A_1043 = arith.constant 32 : i32
      %add3A_1044 = vector.broadcast %add3A_1043 : i32 to vector<16xi32>
      %add3A_1045 = arith.addi %iota3A, %add3A_1044 : vector<16xi32>
      %gather3A_1046 = tpu.vector_load_idx %arg7[%add3A_1045, %broadcast_in_dim3A_1026] : memref<200x32xf32, #tpu.memory_space<vmem>>[vector<16xi32>, vector<16xi32>], vector<16xf32>,
      %swap3A_1047 = arith.constant 8 : i32
      %swap3A_1048 = arith.index_cast %swap3A_1047 : i32 to index
      %swap3A_1049 = arith.constant 32 : index
      %swap3A_1050 = tpu.vector_load %arg8[%swap3A_1048, %swap3A_1049] {strides = array<i32>} : memref<32x200xf32, #tpu.memory_space<vmem>>, vector<16xf32>,
      tpu.vector_store %arg8[%swap3A_1048, %swap3A_1049], %gather3A_1046 {strides = array<i32>} : memref<32x200xf32, #tpu.memory_space<vmem>>, vector<16xf32>,
      %add3A_1051 = arith.constant 48 : i32
      %add3A_1052 = vector.broadcast %add3A_1051 : i32 to vector<16xi32>
      %add3A_1053 = arith.addi %iota3A, %add3A_1052 : vector<16xi32>
      %gather3A_1054 = tpu.vector_load_idx %arg7[%add3A_1053, %broadcast_in_dim3A_1026] : memref<200x32xf32, #tpu.memory_space<vmem>>[vector<16xi32>, vector<16xi32>], vector<16xf32>,
      %swap3A_1055 = arith.constant 8 : i32
      %swap3A_1056 = arith.index_cast %swap3A_1055 : i32 to index
      %swap3A_1057 = arith.constant 48 : index
      %swap3A_1058 = tpu.vector_load %arg8[%swap3A_1056, %swap3A_1057] {strides = array<i32>} : memref<32x200xf32, #tpu.memory_space<vmem>>, vector<16xf32>,
      tpu.vector_store %arg8[%swap3A_1056, %swap3A_1057], %gather3A_1054 {strides = array<i32>} : memref<32x200xf32, #tpu.memory_space<vmem>>, vector<16xf32>,
      %add3A_1059 = arith.constant 64 : i32
      %add3A_1060 = vector.broadcast %add3A_1059 : i32 to vector<16xi32>
      %add3A_1061 = arith.addi %iota3A, %add3A_1060 : vector<16xi32>
      %gather3A_1062 = tpu.vector_load_idx %arg7[%add3A_1061, %broadcast_in_dim3A_1026] : memref<200x32xf32, #tpu.memory_space<vmem>>[vector<16xi32>, vector<16xi32>], vector<16xf32>,
      %swap3A_1063 = arith.constant 8 : i32
      %swap3A_1064 = arith.index_cast %swap3A_1063 : i32 to index
      %swap3A_1065 = arith.constant 64 : index
      %swap3A_1066 = tpu.vector_load %arg8[%swap3A_1064, %swap3A_1065] {strides = array<i32>} : memref<32x200xf32, #tpu.memory_space<vmem>>, vector<16xf32>,
      tpu.vector_store %arg8[%swap3A_1064, %swap3A_1065], %gather3A_1062 {strides = array<i32>} : memref<32x200xf32, #tpu.memory_space<vmem>>, vector<16xf32>,
      %add3A_1067 = arith.constant 80 : i32
      %add3A_1068 = vector.broadcast %add3A_1067 : i32 to vector<16xi32>
      %add3A_1069 = arith.addi %iota3A, %add3A_1068 : vector<16xi32>
      %gather3A_1070 = tpu.vector_load_idx %arg7[%add3A_1069, %broadcast_in_dim3A_1026] : memref<200x32xf32, #tpu.memory_space<vmem>>[vector<16xi32>, vector<16xi32>], vector<16xf32>,
      %swap3A_1071 = arith.constant 8 : i32
      %swap3A_1072 = arith.index_cast %swap3A_1071 : i32 to index
      %swap3A_1073 = arith.constant 80 : index
      %swap3A_1074 = tpu.vector_load %arg8[%swap3A_1072, %swap3A_1073] {strides = array<i32>} : memref<32x200xf32, #tpu.memory_space<vmem>>, vector<16xf32>,
      tpu.vector_store %arg8[%swap3A_1072, %swap3A_1073], %gather3A_1070 {strides = array<i32>} : memref<32x200xf32, #tpu.memory_space<vmem>>, vector<16xf32>,
      %add3A_1075 = arith.constant 96 : i32
      %add3A_1076 = vector.broadcast %add3A_1075 : i32 to vector<16xi32>
      %add3A_1077 = arith.addi %iota3A, %add3A_1076 : vector<16xi32>
      %gather3A_1078 = tpu.vector_load_idx %arg7[%add3A_1077, %broadcast_in_dim3A_1026] : memref<200x32xf32, #tpu.memory_space<vmem>>[vector<16xi32>, vector<16xi32>], vector<16xf32>,
      %swap3A_1079 = arith.constant 8 : i32
      %swap3A_1080 = arith.index_cast %swap3A_1079 : i32 to index
      %swap3A_1081 = arith.constant 96 : index
      %swap3A_1082 = tpu.vector_load %arg8[%swap3A_1080, %swap3A_1081] {strides = array<i32>} : memref<32x200xf32, #tpu.memory_space<vmem>>, vector<16xf32>,
      tpu.vector_store %arg8[%swap3A_1080, %swap3A_1081], %gather3A_1078 {strides = array<i32>} : memref<32x200xf32, #tpu.memory_space<vmem>>, vector<16xf32>,
      %add3A_1083 = arith.constant 112 : i32
      %add3A_1084 = vector.broadcast %add3A_1083 : i32 to vector<16xi32>
      %add3A_1085 = arith.addi %iota3A, %add3A_1084 : vector<16xi32>
      %gather3A_1086 = tpu.vector_load_idx %arg7[%add3A_1085, %broadcast_in_dim3A_1026] : memref<200x32xf32, #tpu.memory_space<vmem>>[vector<16xi32>, vector<16xi32>], vector<16xf32>,
      %swap3A_1087 = arith.constant 8 : i32
      %swap3A_1088 = arith.index_cast %swap3A_1087 : i32 to index
      %swap3A_1089 = arith.constant 112 : index
      %swap3A_1090 = tpu.vector_load %arg8[%swap3A_1088, %swap3A_1089] {strides = array<i32>} : memref<32x200xf32, #tpu.memory_space<vmem>>, vector<16xf32>,
      tpu.vector_store %arg8[%swap3A_1088, %swap3A_1089], %gather3A_1086 {strides = array<i32>} : memref<32x200xf32, #tpu.memory_space<vmem>>, vector<16xf32>,
      %add3A_1091 = arith.constant 128 : i32
      %add3A_1092 = vector.broadcast %add3A_1091 : i32 to vector<16xi32>
      %add3A_1093 = arith.addi %iota3A, %add3A_1092 : vector<16xi32>
      %gather3A_1094 = tpu.vector_load_idx %arg7[%add3A_1093, %broadcast_in_dim3A_1026] : memref<200x32xf32, #tpu.memory_space<vmem>>[vector<16xi32>, vector<16xi32>], vector<16xf32>,
      %swap3A_1095 = arith.constant 8 : i32
      %swap3A_1096 = arith.index_cast %swap3A_1095 : i32 to index
      %swap3A_1097 = arith.constant 128 : index
      %swap3A_1098 = tpu.vector_load %arg8[%swap3A_1096, %swap3A_1097] {strides = array<i32>} : memref<32x200xf32, #tpu.memory_space<vmem>>, vector<16xf32>,
      tpu.vector_store %arg8[%swap3A_1096, %swap3A_1097], %gather3A_1094 {strides = array<i32>} : memref<32x200xf32, #tpu.memory_space<vmem>>, vector<16xf32>,
      %add3A_1099 = arith.constant 144 : i32
      %add3A_1100 = vector.broadcast %add3A_1099 : i32 to vector<16xi32>
      %add3A_1101 = arith.addi %iota3A, %add3A_1100 : vector<16xi32>
      %gather3A_1102 = tpu.vector_load_idx %arg7[%add3A_1101, %broadcast_in_dim3A_1026] : memref<200x32xf32, #tpu.memory_space<vmem>>[vector<16xi32>, vector<16xi32>], vector<16xf32>,
      %swap3A_1103 = arith.constant 8 : i32
      %swap3A_1104 = arith.index_cast %swap3A_1103 : i32 to index
      %swap3A_1105 = arith.constant 144 : index
      %swap3A_1106 = tpu.vector_load %arg8[%swap3A_1104, %swap3A_1105] {strides = array<i32>} : memref<32x200xf32, #tpu.memory_space<vmem>>, vector<16xf32>,
      tpu.vector_store %arg8[%swap3A_1104, %swap3A_1105], %gather3A_1102 {strides = array<i32>} : memref<32x200xf32, #tpu.memory_space<vmem>>, vector<16xf32>,
      %add3A_1107 = arith.constant 160 : i32
      %add3A_1108 = vector.broadcast %add3A_1107 : i32 to vector<16xi32>
      %add3A_1109 = arith.addi %iota3A, %add3A_1108 : vector<16xi32>
      %gather3A_1110 = tpu.vector_load_idx %arg7[%add3A_1109, %broadcast_in_dim3A_1026] : memref<200x32xf32, #tpu.memory_space<vmem>>[vector<16xi32>, vector<16xi32>], vector<16xf32>,
      %swap3A_1111 = arith.constant 8 : i32
      %swap3A_1112 = arith.index_cast %swap3A_1111 : i32 to index
      %swap3A_1113 = arith.constant 160 : index
      %swap3A_1114 = tpu.vector_load %arg8[%swap3A_1112, %swap3A_1113] {strides = array<i32>} : memref<32x200xf32, #tpu.memory_space<vmem>>, vector<16xf32>,
      tpu.vector_store %arg8[%swap3A_1112, %swap3A_1113], %gather3A_1110 {strides = array<i32>} : memref<32x200xf32, #tpu.memory_space<vmem>>, vector<16xf32>,
      %add3A_1115 = arith.constant 176 : i32
      %add3A_1116 = vector.broadcast %add3A_1115 : i32 to vector<16xi32>
      %add3A_1117 = arith.addi %iota3A, %add3A_1116 : vector<16xi32>
      %gather3A_1118 = tpu.vector_load_idx %arg7[%add3A_1117, %broadcast_in_dim3A_1026] : memref<200x32xf32, #tpu.memory_space<vmem>>[vector<16xi32>, vector<16xi32>], vector<16xf32>,
      %swap3A_1119 = arith.constant 8 : i32
      %swap3A_1120 = arith.index_cast %swap3A_1119 : i32 to index
      %swap3A_1121 = arith.constant 176 : index
      %swap3A_1122 = tpu.vector_load %arg8[%swap3A_1120, %swap3A_1121] {strides = array<i32>} : memref<32x200xf32, #tpu.memory_space<vmem>>, vector<16xf32>,
      tpu.vector_store %arg8[%swap3A_1120, %swap3A_1121], %gather3A_1118 {strides = array<i32>} : memref<32x200xf32, #tpu.memory_space<vmem>>, vector<16xf32>,
      %add3A_1123 = arith.constant 184 : i32
      %add3A_1124 = vector.broadcast %add3A_1123 : i32 to vector<16xi32>
      %add3A_1125 = arith.addi %iota3A, %add3A_1124 : vector<16xi32>
      %gather3A_1126 = tpu.vector_load_idx %arg7[%add3A_1125, %broadcast_in_dim3A_1026] : memref<200x32xf32, #tpu.memory_space<vmem>>[vector<16xi32>, vector<16xi32>], vector<16xf32>,
      %swap3A_1127 = arith.constant 8 : i32
      %swap3A_1128 = arith.index_cast %swap3A_1127 : i32 to index
      %swap3A_1129 = arith.constant 184 : index
      %swap3A_1130 = tpu.vector_load %arg8[%swap3A_1128, %swap3A_1129] {strides = array<i32>} : memref<32x200xf32, #tpu.memory_space<vmem>>, vector<16xf32>,
      tpu.vector_store %arg8[%swap3A_1128, %swap3A_1129], %gather3A_1126 {strides = array<i32>} : memref<32x200xf32, #tpu.memory_space<vmem>>, vector<16xf32>,
      %broadcast_in_dim3A_1131 = arith.constant 9 : i32
      %broadcast_in_dim3A_1132 = vector.broadcast %broadcast_in_dim3A_1131 : i32 to vector<16xi32>
      %add3A_1133 = arith.constant 0 : i32
      %add3A_1134 = vector.broadcast %add3A_1133 : i32 to vector<16xi32>
      %add3A_1135 = arith.addi %iota3A, %add3A_1134 : vector<16xi32>
      %gather3A_1136 = tpu.vector_load_idx %arg7[%add3A_1135, %broadcast_in_dim3A_1132] : memref<200x32xf32, #tpu.memory_space<vmem>>[vector<16xi32>, vector<16xi32>], vector<16xf32>,
      %swap3A_1137 = arith.constant 9 : i32
      %swap3A_1138 = arith.index_cast %swap3A_1137 : i32 to index
      %swap3A_1139 = arith.constant 0 : index
      %swap3A_1140 = tpu.vector_load %arg8[%swap3A_1138, %swap3A_1139] {strides = array<i32>} : memref<32x200xf32, #tpu.memory_space<vmem>>, vector<16xf32>,
      tpu.vector_store %arg8[%swap3A_1138, %swap3A_1139], %gather3A_1136 {strides = array<i32>} : memref<32x200xf32, #tpu.memory_space<vmem>>, vector<16xf32>,
      %add3A_1141 = arith.constant 16 : i32
      %add3A_1142 = vector.broadcast %add3A_1141 : i32 to vector<16xi32>
      %add3A_1143 = arith.addi %iota3A, %add3A_1142 : vector<16xi32>
      %gather3A_1144 = tpu.vector_load_idx %arg7[%add3A_1143, %broadcast_in_dim3A_1132] : memref<200x32xf32, #tpu.memory_space<vmem>>[vector<16xi32>, vector<16xi32>], vector<16xf32>,
      %swap3A_1145 = arith.constant 9 : i32
      %swap3A_1146 = arith.index_cast %swap3A_1145 : i32 to index
      %swap3A_1147 = arith.constant 16 : index
      %swap3A_1148 = tpu.vector_load %arg8[%swap3A_1146, %swap3A_1147] {strides = array<i32>} : memref<32x200xf32, #tpu.memory_space<vmem>>, vector<16xf32>,
      tpu.vector_store %arg8[%swap3A_1146, %swap3A_1147], %gather3A_1144 {strides = array<i32>} : memref<32x200xf32, #tpu.memory_space<vmem>>, vector<16xf32>,
      %add3A_1149 = arith.constant 32 : i32
      %add3A_1150 = vector.broadcast %add3A_1149 : i32 to vector<16xi32>
      %add3A_1151 = arith.addi %iota3A, %add3A_1150 : vector<16xi32>
      %gather3A_1152 = tpu.vector_load_idx %arg7[%add3A_1151, %broadcast_in_dim3A_1132] : memref<200x32xf32, #tpu.memory_space<vmem>>[vector<16xi32>, vector<16xi32>], vector<16xf32>,
      %swap3A_1153 = arith.constant 9 : i32
      %swap3A_1154 = arith.index_cast %swap3A_1153 : i32 to index
      %swap3A_1155 = arith.constant 32 : index
      %swap3A_1156 = tpu.vector_load %arg8[%swap3A_1154, %swap3A_1155] {strides = array<i32>} : memref<32x200xf32, #tpu.memory_space<vmem>>, vector<16xf32>,
      tpu.vector_store %arg8[%swap3A_1154, %swap3A_1155], %gather3A_1152 {strides = array<i32>} : memref<32x200xf32, #tpu.memory_space<vmem>>, vector<16xf32>,
      %add3A_1157 = arith.constant 48 : i32
      %add3A_1158 = vector.broadcast %add3A_1157 : i32 to vector<16xi32>
      %add3A_1159 = arith.addi %iota3A, %add3A_1158 : vector<16xi32>
      %gather3A_1160 = tpu.vector_load_idx %arg7[%add3A_1159, %broadcast_in_dim3A_1132] : memref<200x32xf32, #tpu.memory_space<vmem>>[vector<16xi32>, vector<16xi32>], vector<16xf32>,
      %swap3A_1161 = arith.constant 9 : i32
      %swap3A_1162 = arith.index_cast %swap3A_1161 : i32 to index
      %swap3A_1163 = arith.constant 48 : index
      %swap3A_1164 = tpu.vector_load %arg8[%swap3A_1162, %swap3A_1163] {strides = array<i32>} : memref<32x200xf32, #tpu.memory_space<vmem>>, vector<16xf32>,
      tpu.vector_store %arg8[%swap3A_1162, %swap3A_1163], %gather3A_1160 {strides = array<i32>} : memref<32x200xf32, #tpu.memory_space<vmem>>, vector<16xf32>,
      %add3A_1165 = arith.constant 64 : i32
      %add3A_1166 = vector.broadcast %add3A_1165 : i32 to vector<16xi32>
      %add3A_1167 = arith.addi %iota3A, %add3A_1166 : vector<16xi32>
      %gather3A_1168 = tpu.vector_load_idx %arg7[%add3A_1167, %broadcast_in_dim3A_1132] : memref<200x32xf32, #tpu.memory_space<vmem>>[vector<16xi32>, vector<16xi32>], vector<16xf32>,
      %swap3A_1169 = arith.constant 9 : i32
      %swap3A_1170 = arith.index_cast %swap3A_1169 : i32 to index
      %swap3A_1171 = arith.constant 64 : index
      %swap3A_1172 = tpu.vector_load %arg8[%swap3A_1170, %swap3A_1171] {strides = array<i32>} : memref<32x200xf32, #tpu.memory_space<vmem>>, vector<16xf32>,
      tpu.vector_store %arg8[%swap3A_1170, %swap3A_1171], %gather3A_1168 {strides = array<i32>} : memref<32x200xf32, #tpu.memory_space<vmem>>, vector<16xf32>,
      %add3A_1173 = arith.constant 80 : i32
      %add3A_1174 = vector.broadcast %add3A_1173 : i32 to vector<16xi32>
      %add3A_1175 = arith.addi %iota3A, %add3A_1174 : vector<16xi32>
      %gather3A_1176 = tpu.vector_load_idx %arg7[%add3A_1175, %broadcast_in_dim3A_1132] : memref<200x32xf32, #tpu.memory_space<vmem>>[vector<16xi32>, vector<16xi32>], vector<16xf32>,
      %swap3A_1177 = arith.constant 9 : i32
      %swap3A_1178 = arith.index_cast %swap3A_1177 : i32 to index
      %swap3A_1179 = arith.constant 80 : index
      %swap3A_1180 = tpu.vector_load %arg8[%swap3A_1178, %swap3A_1179] {strides = array<i32>} : memref<32x200xf32, #tpu.memory_space<vmem>>, vector<16xf32>,
      tpu.vector_store %arg8[%swap3A_1178, %swap3A_1179], %gather3A_1176 {strides = array<i32>} : memref<32x200xf32, #tpu.memory_space<vmem>>, vector<16xf32>,
      %add3A_1181 = arith.constant 96 : i32
      %add3A_1182 = vector.broadcast %add3A_1181 : i32 to vector<16xi32>
      %add3A_1183 = arith.addi %iota3A, %add3A_1182 : vector<16xi32>
      %gather3A_1184 = tpu.vector_load_idx %arg7[%add3A_1183, %broadcast_in_dim3A_1132] : memref<200x32xf32, #tpu.memory_space<vmem>>[vector<16xi32>, vector<16xi32>], vector<16xf32>,
      %swap3A_1185 = arith.constant 9 : i32
      %swap3A_1186 = arith.index_cast %swap3A_1185 : i32 to index
      %swap3A_1187 = arith.constant 96 : index
      %swap3A_1188 = tpu.vector_load %arg8[%swap3A_1186, %swap3A_1187] {strides = array<i32>} : memref<32x200xf32, #tpu.memory_space<vmem>>, vector<16xf32>,
      tpu.vector_store %arg8[%swap3A_1186, %swap3A_1187], %gather3A_1184 {strides = array<i32>} : memref<32x200xf32, #tpu.memory_space<vmem>>, vector<16xf32>,
      %add3A_1189 = arith.constant 112 : i32
      %add3A_1190 = vector.broadcast %add3A_1189 : i32 to vector<16xi32>
      %add3A_1191 = arith.addi %iota3A, %add3A_1190 : vector<16xi32>
      %gather3A_1192 = tpu.vector_load_idx %arg7[%add3A_1191, %broadcast_in_dim3A_1132] : memref<200x32xf32, #tpu.memory_space<vmem>>[vector<16xi32>, vector<16xi32>], vector<16xf32>,
      %swap3A_1193 = arith.constant 9 : i32
      %swap3A_1194 = arith.index_cast %swap3A_1193 : i32 to index
      %swap3A_1195 = arith.constant 112 : index
      %swap3A_1196 = tpu.vector_load %arg8[%swap3A_1194, %swap3A_1195] {strides = array<i32>} : memref<32x200xf32, #tpu.memory_space<vmem>>, vector<16xf32>,
      tpu.vector_store %arg8[%swap3A_1194, %swap3A_1195], %gather3A_1192 {strides = array<i32>} : memref<32x200xf32, #tpu.memory_space<vmem>>, vector<16xf32>,
      %add3A_1197 = arith.constant 128 : i32
      %add3A_1198 = vector.broadcast %add3A_1197 : i32 to vector<16xi32>
      %add3A_1199 = arith.addi %iota3A, %add3A_1198 : vector<16xi32>
      %gather3A_1200 = tpu.vector_load_idx %arg7[%add3A_1199, %broadcast_in_dim3A_1132] : memref<200x32xf32, #tpu.memory_space<vmem>>[vector<16xi32>, vector<16xi32>], vector<16xf32>,
      %swap3A_1201 = arith.constant 9 : i32
      %swap3A_1202 = arith.index_cast %swap3A_1201 : i32 to index
      %swap3A_1203 = arith.constant 128 : index
      %swap3A_1204 = tpu.vector_load %arg8[%swap3A_1202, %swap3A_1203] {strides = array<i32>} : memref<32x200xf32, #tpu.memory_space<vmem>>, vector<16xf32>,
      tpu.vector_store %arg8[%swap3A_1202, %swap3A_1203], %gather3A_1200 {strides = array<i32>} : memref<32x200xf32, #tpu.memory_space<vmem>>, vector<16xf32>,
      %add3A_1205 = arith.constant 144 : i32
      %add3A_1206 = vector.broadcast %add3A_1205 : i32 to vector<16xi32>
      %add3A_1207 = arith.addi %iota3A, %add3A_1206 : vector<16xi32>
      %gather3A_1208 = tpu.vector_load_idx %arg7[%add3A_1207, %broadcast_in_dim3A_1132] : memref<200x32xf32, #tpu.memory_space<vmem>>[vector<16xi32>, vector<16xi32>], vector<16xf32>,
      %swap3A_1209 = arith.constant 9 : i32
      %swap3A_1210 = arith.index_cast %swap3A_1209 : i32 to index
      %swap3A_1211 = arith.constant 144 : index
      %swap3A_1212 = tpu.vector_load %arg8[%swap3A_1210, %swap3A_1211] {strides = array<i32>} : memref<32x200xf32, #tpu.memory_space<vmem>>, vector<16xf32>,
      tpu.vector_store %arg8[%swap3A_1210, %swap3A_1211], %gather3A_1208 {strides = array<i32>} : memref<32x200xf32, #tpu.memory_space<vmem>>, vector<16xf32>,
      %add3A_1213 = arith.constant 160 : i32
      %add3A_1214 = vector.broadcast %add3A_1213 : i32 to vector<16xi32>
      %add3A_1215 = arith.addi %iota3A, %add3A_1214 : vector<16xi32>
      %gather3A_1216 = tpu.vector_load_idx %arg7[%add3A_1215, %broadcast_in_dim3A_1132] : memref<200x32xf32, #tpu.memory_space<vmem>>[vector<16xi32>, vector<16xi32>], vector<16xf32>,
      %swap3A_1217 = arith.constant 9 : i32
      %swap3A_1218 = arith.index_cast %swap3A_1217 : i32 to index
      %swap3A_1219 = arith.constant 160 : index
      %swap3A_1220 = tpu.vector_load %arg8[%swap3A_1218, %swap3A_1219] {strides = array<i32>} : memref<32x200xf32, #tpu.memory_space<vmem>>, vector<16xf32>,
      tpu.vector_store %arg8[%swap3A_1218, %swap3A_1219], %gather3A_1216 {strides = array<i32>} : memref<32x200xf32, #tpu.memory_space<vmem>>, vector<16xf32>,
      %add3A_1221 = arith.constant 176 : i32
      %add3A_1222 = vector.broadcast %add3A_1221 : i32 to vector<16xi32>
      %add3A_1223 = arith.addi %iota3A, %add3A_1222 : vector<16xi32>
      %gather3A_1224 = tpu.vector_load_idx %arg7[%add3A_1223, %broadcast_in_dim3A_1132] : memref<200x32xf32, #tpu.memory_space<vmem>>[vector<16xi32>, vector<16xi32>], vector<16xf32>,
      %swap3A_1225 = arith.constant 9 : i32
      %swap3A_1226 = arith.index_cast %swap3A_1225 : i32 to index
      %swap3A_1227 = arith.constant 176 : index
      %swap3A_1228 = tpu.vector_load %arg8[%swap3A_1226, %swap3A_1227] {strides = array<i32>} : memref<32x200xf32, #tpu.memory_space<vmem>>, vector<16xf32>,
      tpu.vector_store %arg8[%swap3A_1226, %swap3A_1227], %gather3A_1224 {strides = array<i32>} : memref<32x200xf32, #tpu.memory_space<vmem>>, vector<16xf32>,
      %add3A_1229 = arith.constant 184 : i32
      %add3A_1230 = vector.broadcast %add3A_1229 : i32 to vector<16xi32>
      %add3A_1231 = arith.addi %iota3A, %add3A_1230 : vector<16xi32>
      %gather3A_1232 = tpu.vector_load_idx %arg7[%add3A_1231, %broadcast_in_dim3A_1132] : memref<200x32xf32, #tpu.memory_space<vmem>>[vector<16xi32>, vector<16xi32>], vector<16xf32>,
      %swap3A_1233 = arith.constant 9 : i32
      %swap3A_1234 = arith.index_cast %swap3A_1233 : i32 to index
      %swap3A_1235 = arith.constant 184 : index
      %swap3A_1236 = tpu.vector_load %arg8[%swap3A_1234, %swap3A_1235] {strides = array<i32>} : memref<32x200xf32, #tpu.memory_space<vmem>>, vector<16xf32>,
      tpu.vector_store %arg8[%swap3A_1234, %swap3A_1235], %gather3A_1232 {strides = array<i32>} : memref<32x200xf32, #tpu.memory_space<vmem>>, vector<16xf32>,
      %broadcast_in_dim3A_1237 = arith.constant 10 : i32
      %broadcast_in_dim3A_1238 = vector.broadcast %broadcast_in_dim3A_1237 : i32 to vector<16xi32>
      %add3A_1239 = arith.constant 0 : i32
      %add3A_1240 = vector.broadcast %add3A_1239 : i32 to vector<16xi32>
      %add3A_1241 = arith.addi %iota3A, %add3A_1240 : vector<16xi32>
      %gather3A_1242 = tpu.vector_load_idx %arg7[%add3A_1241, %broadcast_in_dim3A_1238] : memref<200x32xf32, #tpu.memory_space<vmem>>[vector<16xi32>, vector<16xi32>], vector<16xf32>,
      %swap3A_1243 = arith.constant 10 : i32
      %swap3A_1244 = arith.index_cast %swap3A_1243 : i32 to index
      %swap3A_1245 = arith.constant 0 : index
      %swap3A_1246 = tpu.vector_load %arg8[%swap3A_1244, %swap3A_1245] {strides = array<i32>} : memref<32x200xf32, #tpu.memory_space<vmem>>, vector<16xf32>,
      tpu.vector_store %arg8[%swap3A_1244, %swap3A_1245], %gather3A_1242 {strides = array<i32>} : memref<32x200xf32, #tpu.memory_space<vmem>>, vector<16xf32>,
      %add3A_1247 = arith.constant 16 : i32
      %add3A_1248 = vector.broadcast %add3A_1247 : i32 to vector<16xi32>
      %add3A_1249 = arith.addi %iota3A, %add3A_1248 : vector<16xi32>
      %gather3A_1250 = tpu.vector_load_idx %arg7[%add3A_1249, %broadcast_in_dim3A_1238] : memref<200x32xf32, #tpu.memory_space<vmem>>[vector<16xi32>, vector<16xi32>], vector<16xf32>,
      %swap3A_1251 = arith.constant 10 : i32
      %swap3A_1252 = arith.index_cast %swap3A_1251 : i32 to index
      %swap3A_1253 = arith.constant 16 : index
      %swap3A_1254 = tpu.vector_load %arg8[%swap3A_1252, %swap3A_1253] {strides = array<i32>} : memref<32x200xf32, #tpu.memory_space<vmem>>, vector<16xf32>,
      tpu.vector_store %arg8[%swap3A_1252, %swap3A_1253], %gather3A_1250 {strides = array<i32>} : memref<32x200xf32, #tpu.memory_space<vmem>>, vector<16xf32>,
      %add3A_1255 = arith.constant 32 : i32
      %add3A_1256 = vector.broadcast %add3A_1255 : i32 to vector<16xi32>
      %add3A_1257 = arith.addi %iota3A, %add3A_1256 : vector<16xi32>
      %gather3A_1258 = tpu.vector_load_idx %arg7[%add3A_1257, %broadcast_in_dim3A_1238] : memref<200x32xf32, #tpu.memory_space<vmem>>[vector<16xi32>, vector<16xi32>], vector<16xf32>,
      %swap3A_1259 = arith.constant 10 : i32
      %swap3A_1260 = arith.index_cast %swap3A_1259 : i32 to index
      %swap3A_1261 = arith.constant 32 : index
      %swap3A_1262 = tpu.vector_load %arg8[%swap3A_1260, %swap3A_1261] {strides = array<i32>} : memref<32x200xf32, #tpu.memory_space<vmem>>, vector<16xf32>,
      tpu.vector_store %arg8[%swap3A_1260, %swap3A_1261], %gather3A_1258 {strides = array<i32>} : memref<32x200xf32, #tpu.memory_space<vmem>>, vector<16xf32>,
      %add3A_1263 = arith.constant 48 : i32
      %add3A_1264 = vector.broadcast %add3A_1263 : i32 to vector<16xi32>
      %add3A_1265 = arith.addi %iota3A, %add3A_1264 : vector<16xi32>
      %gather3A_1266 = tpu.vector_load_idx %arg7[%add3A_1265, %broadcast_in_dim3A_1238] : memref<200x32xf32, #tpu.memory_space<vmem>>[vector<16xi32>, vector<16xi32>], vector<16xf32>,
      %swap3A_1267 = arith.constant 10 : i32
      %swap3A_1268 = arith.index_cast %swap3A_1267 : i32 to index
      %swap3A_1269 = arith.constant 48 : index
      %swap3A_1270 = tpu.vector_load %arg8[%swap3A_1268, %swap3A_1269] {strides = array<i32>} : memref<32x200xf32, #tpu.memory_space<vmem>>, vector<16xf32>,
      tpu.vector_store %arg8[%swap3A_1268, %swap3A_1269], %gather3A_1266 {strides = array<i32>} : memref<32x200xf32, #tpu.memory_space<vmem>>, vector<16xf32>,
      %add3A_1271 = arith.constant 64 : i32
      %add3A_1272 = vector.broadcast %add3A_1271 : i32 to vector<16xi32>
      %add3A_1273 = arith.addi %iota3A, %add3A_1272 : vector<16xi32>
      %gather3A_1274 = tpu.vector_load_idx %arg7[%add3A_1273, %broadcast_in_dim3A_1238] : memref<200x32xf32, #tpu.memory_space<vmem>>[vector<16xi32>, vector<16xi32>], vector<16xf32>,
      %swap3A_1275 = arith.constant 10 : i32
      %swap3A_1276 = arith.index_cast %swap3A_1275 : i32 to index
      %swap3A_1277 = arith.constant 64 : index
      %swap3A_1278 = tpu.vector_load %arg8[%swap3A_1276, %swap3A_1277] {strides = array<i32>} : memref<32x200xf32, #tpu.memory_space<vmem>>, vector<16xf32>,
      tpu.vector_store %arg8[%swap3A_1276, %swap3A_1277], %gather3A_1274 {strides = array<i32>} : memref<32x200xf32, #tpu.memory_space<vmem>>, vector<16xf32>,
      %add3A_1279 = arith.constant 80 : i32
      %add3A_1280 = vector.broadcast %add3A_1279 : i32 to vector<16xi32>
      %add3A_1281 = arith.addi %iota3A, %add3A_1280 : vector<16xi32>
      %gather3A_1282 = tpu.vector_load_idx %arg7[%add3A_1281, %broadcast_in_dim3A_1238] : memref<200x32xf32, #tpu.memory_space<vmem>>[vector<16xi32>, vector<16xi32>], vector<16xf32>,
      %swap3A_1283 = arith.constant 10 : i32
      %swap3A_1284 = arith.index_cast %swap3A_1283 : i32 to index
      %swap3A_1285 = arith.constant 80 : index
      %swap3A_1286 = tpu.vector_load %arg8[%swap3A_1284, %swap3A_1285] {strides = array<i32>} : memref<32x200xf32, #tpu.memory_space<vmem>>, vector<16xf32>,
      tpu.vector_store %arg8[%swap3A_1284, %swap3A_1285], %gather3A_1282 {strides = array<i32>} : memref<32x200xf32, #tpu.memory_space<vmem>>, vector<16xf32>,
      %add3A_1287 = arith.constant 96 : i32
      %add3A_1288 = vector.broadcast %add3A_1287 : i32 to vector<16xi32>
      %add3A_1289 = arith.addi %iota3A, %add3A_1288 : vector<16xi32>
      %gather3A_1290 = tpu.vector_load_idx %arg7[%add3A_1289, %broadcast_in_dim3A_1238] : memref<200x32xf32, #tpu.memory_space<vmem>>[vector<16xi32>, vector<16xi32>], vector<16xf32>,
      %swap3A_1291 = arith.constant 10 : i32
      %swap3A_1292 = arith.index_cast %swap3A_1291 : i32 to index
      %swap3A_1293 = arith.constant 96 : index
      %swap3A_1294 = tpu.vector_load %arg8[%swap3A_1292, %swap3A_1293] {strides = array<i32>} : memref<32x200xf32, #tpu.memory_space<vmem>>, vector<16xf32>,
      tpu.vector_store %arg8[%swap3A_1292, %swap3A_1293], %gather3A_1290 {strides = array<i32>} : memref<32x200xf32, #tpu.memory_space<vmem>>, vector<16xf32>,
      %add3A_1295 = arith.constant 112 : i32
      %add3A_1296 = vector.broadcast %add3A_1295 : i32 to vector<16xi32>
      %add3A_1297 = arith.addi %iota3A, %add3A_1296 : vector<16xi32>
      %gather3A_1298 = tpu.vector_load_idx %arg7[%add3A_1297, %broadcast_in_dim3A_1238] : memref<200x32xf32, #tpu.memory_space<vmem>>[vector<16xi32>, vector<16xi32>], vector<16xf32>,
      %swap3A_1299 = arith.constant 10 : i32
      %swap3A_1300 = arith.index_cast %swap3A_1299 : i32 to index
      %swap3A_1301 = arith.constant 112 : index
      %swap3A_1302 = tpu.vector_load %arg8[%swap3A_1300, %swap3A_1301] {strides = array<i32>} : memref<32x200xf32, #tpu.memory_space<vmem>>, vector<16xf32>,
      tpu.vector_store %arg8[%swap3A_1300, %swap3A_1301], %gather3A_1298 {strides = array<i32>} : memref<32x200xf32, #tpu.memory_space<vmem>>, vector<16xf32>,
      %add3A_1303 = arith.constant 128 : i32
      %add3A_1304 = vector.broadcast %add3A_1303 : i32 to vector<16xi32>
      %add3A_1305 = arith.addi %iota3A, %add3A_1304 : vector<16xi32>
      %gather3A_1306 = tpu.vector_load_idx %arg7[%add3A_1305, %broadcast_in_dim3A_1238] : memref<200x32xf32, #tpu.memory_space<vmem>>[vector<16xi32>, vector<16xi32>], vector<16xf32>,
      %swap3A_1307 = arith.constant 10 : i32
      %swap3A_1308 = arith.index_cast %swap3A_1307 : i32 to index
      %swap3A_1309 = arith.constant 128 : index
      %swap3A_1310 = tpu.vector_load %arg8[%swap3A_1308, %swap3A_1309] {strides = array<i32>} : memref<32x200xf32, #tpu.memory_space<vmem>>, vector<16xf32>,
      tpu.vector_store %arg8[%swap3A_1308, %swap3A_1309], %gather3A_1306 {strides = array<i32>} : memref<32x200xf32, #tpu.memory_space<vmem>>, vector<16xf32>,
      %add3A_1311 = arith.constant 144 : i32
      %add3A_1312 = vector.broadcast %add3A_1311 : i32 to vector<16xi32>
      %add3A_1313 = arith.addi %iota3A, %add3A_1312 : vector<16xi32>
      %gather3A_1314 = tpu.vector_load_idx %arg7[%add3A_1313, %broadcast_in_dim3A_1238] : memref<200x32xf32, #tpu.memory_space<vmem>>[vector<16xi32>, vector<16xi32>], vector<16xf32>,
      %swap3A_1315 = arith.constant 10 : i32
      %swap3A_1316 = arith.index_cast %swap3A_1315 : i32 to index
      %swap3A_1317 = arith.constant 144 : index
      %swap3A_1318 = tpu.vector_load %arg8[%swap3A_1316, %swap3A_1317] {strides = array<i32>} : memref<32x200xf32, #tpu.memory_space<vmem>>, vector<16xf32>,
      tpu.vector_store %arg8[%swap3A_1316, %swap3A_1317], %gather3A_1314 {strides = array<i32>} : memref<32x200xf32, #tpu.memory_space<vmem>>, vector<16xf32>,
      %add3A_1319 = arith.constant 160 : i32
      %add3A_1320 = vector.broadcast %add3A_1319 : i32 to vector<16xi32>
      %add3A_1321 = arith.addi %iota3A, %add3A_1320 : vector<16xi32>
      %gather3A_1322 = tpu.vector_load_idx %arg7[%add3A_1321, %broadcast_in_dim3A_1238] : memref<200x32xf32, #tpu.memory_space<vmem>>[vector<16xi32>, vector<16xi32>], vector<16xf32>,
      %swap3A_1323 = arith.constant 10 : i32
      %swap3A_1324 = arith.index_cast %swap3A_1323 : i32 to index
      %swap3A_1325 = arith.constant 160 : index
      %swap3A_1326 = tpu.vector_load %arg8[%swap3A_1324, %swap3A_1325] {strides = array<i32>} : memref<32x200xf32, #tpu.memory_space<vmem>>, vector<16xf32>,
      tpu.vector_store %arg8[%swap3A_1324, %swap3A_1325], %gather3A_1322 {strides = array<i32>} : memref<32x200xf32, #tpu.memory_space<vmem>>, vector<16xf32>,
      %add3A_1327 = arith.constant 176 : i32
      %add3A_1328 = vector.broadcast %add3A_1327 : i32 to vector<16xi32>
      %add3A_1329 = arith.addi %iota3A, %add3A_1328 : vector<16xi32>
      %gather3A_1330 = tpu.vector_load_idx %arg7[%add3A_1329, %broadcast_in_dim3A_1238] : memref<200x32xf32, #tpu.memory_space<vmem>>[vector<16xi32>, vector<16xi32>], vector<16xf32>,
      %swap3A_1331 = arith.constant 10 : i32
      %swap3A_1332 = arith.index_cast %swap3A_1331 : i32 to index
      %swap3A_1333 = arith.constant 176 : index
      %swap3A_1334 = tpu.vector_load %arg8[%swap3A_1332, %swap3A_1333] {strides = array<i32>} : memref<32x200xf32, #tpu.memory_space<vmem>>, vector<16xf32>,
      tpu.vector_store %arg8[%swap3A_1332, %swap3A_1333], %gather3A_1330 {strides = array<i32>} : memref<32x200xf32, #tpu.memory_space<vmem>>, vector<16xf32>,
      %add3A_1335 = arith.constant 184 : i32
      %add3A_1336 = vector.broadcast %add3A_1335 : i32 to vector<16xi32>
      %add3A_1337 = arith.addi %iota3A, %add3A_1336 : vector<16xi32>
      %gather3A_1338 = tpu.vector_load_idx %arg7[%add3A_1337, %broadcast_in_dim3A_1238] : memref<200x32xf32, #tpu.memory_space<vmem>>[vector<16xi32>, vector<16xi32>], vector<16xf32>,
      %swap3A_1339 = arith.constant 10 : i32
      %swap3A_1340 = arith.index_cast %swap3A_1339 : i32 to index
      %swap3A_1341 = arith.constant 184 : index
      %swap3A_1342 = tpu.vector_load %arg8[%swap3A_1340, %swap3A_1341] {strides = array<i32>} : memref<32x200xf32, #tpu.memory_space<vmem>>, vector<16xf32>,
      tpu.vector_store %arg8[%swap3A_1340, %swap3A_1341], %gather3A_1338 {strides = array<i32>} : memref<32x200xf32, #tpu.memory_space<vmem>>, vector<16xf32>,
      %broadcast_in_dim3A_1343 = arith.constant 11 : i32
      %broadcast_in_dim3A_1344 = vector.broadcast %broadcast_in_dim3A_1343 : i32 to vector<16xi32>
      %add3A_1345 = arith.constant 0 : i32
      %add3A_1346 = vector.broadcast %add3A_1345 : i32 to vector<16xi32>
      %add3A_1347 = arith.addi %iota3A, %add3A_1346 : vector<16xi32>
      %gather3A_1348 = tpu.vector_load_idx %arg7[%add3A_1347, %broadcast_in_dim3A_1344] : memref<200x32xf32, #tpu.memory_space<vmem>>[vector<16xi32>, vector<16xi32>], vector<16xf32>,
      %swap3A_1349 = arith.constant 11 : i32
      %swap3A_1350 = arith.index_cast %swap3A_1349 : i32 to index
      %swap3A_1351 = arith.constant 0 : index
      %swap3A_1352 = tpu.vector_load %arg8[%swap3A_1350, %swap3A_1351] {strides = array<i32>} : memref<32x200xf32, #tpu.memory_space<vmem>>, vector<16xf32>,
      tpu.vector_store %arg8[%swap3A_1350, %swap3A_1351], %gather3A_1348 {strides = array<i32>} : memref<32x200xf32, #tpu.memory_space<vmem>>, vector<16xf32>,
      %add3A_1353 = arith.constant 16 : i32
      %add3A_1354 = vector.broadcast %add3A_1353 : i32 to vector<16xi32>
      %add3A_1355 = arith.addi %iota3A, %add3A_1354 : vector<16xi32>
      %gather3A_1356 = tpu.vector_load_idx %arg7[%add3A_1355, %broadcast_in_dim3A_1344] : memref<200x32xf32, #tpu.memory_space<vmem>>[vector<16xi32>, vector<16xi32>], vector<16xf32>,
      %swap3A_1357 = arith.constant 11 : i32
      %swap3A_1358 = arith.index_cast %swap3A_1357 : i32 to index
      %swap3A_1359 = arith.constant 16 : index
      %swap3A_1360 = tpu.vector_load %arg8[%swap3A_1358, %swap3A_1359] {strides = array<i32>} : memref<32x200xf32, #tpu.memory_space<vmem>>, vector<16xf32>,
      tpu.vector_store %arg8[%swap3A_1358, %swap3A_1359], %gather3A_1356 {strides = array<i32>} : memref<32x200xf32, #tpu.memory_space<vmem>>, vector<16xf32>,
      %add3A_1361 = arith.constant 32 : i32
      %add3A_1362 = vector.broadcast %add3A_1361 : i32 to vector<16xi32>
      %add3A_1363 = arith.addi %iota3A, %add3A_1362 : vector<16xi32>
      %gather3A_1364 = tpu.vector_load_idx %arg7[%add3A_1363, %broadcast_in_dim3A_1344] : memref<200x32xf32, #tpu.memory_space<vmem>>[vector<16xi32>, vector<16xi32>], vector<16xf32>,
      %swap3A_1365 = arith.constant 11 : i32
      %swap3A_1366 = arith.index_cast %swap3A_1365 : i32 to index
      %swap3A_1367 = arith.constant 32 : index
      %swap3A_1368 = tpu.vector_load %arg8[%swap3A_1366, %swap3A_1367] {strides = array<i32>} : memref<32x200xf32, #tpu.memory_space<vmem>>, vector<16xf32>,
      tpu.vector_store %arg8[%swap3A_1366, %swap3A_1367], %gather3A_1364 {strides = array<i32>} : memref<32x200xf32, #tpu.memory_space<vmem>>, vector<16xf32>,
      %add3A_1369 = arith.constant 48 : i32
      %add3A_1370 = vector.broadcast %add3A_1369 : i32 to vector<16xi32>
      %add3A_1371 = arith.addi %iota3A, %add3A_1370 : vector<16xi32>
      %gather3A_1372 = tpu.vector_load_idx %arg7[%add3A_1371, %broadcast_in_dim3A_1344] : memref<200x32xf32, #tpu.memory_space<vmem>>[vector<16xi32>, vector<16xi32>], vector<16xf32>,
      %swap3A_1373 = arith.constant 11 : i32
      %swap3A_1374 = arith.index_cast %swap3A_1373 : i32 to index
      %swap3A_1375 = arith.constant 48 : index
      %swap3A_1376 = tpu.vector_load %arg8[%swap3A_1374, %swap3A_1375] {strides = array<i32>} : memref<32x200xf32, #tpu.memory_space<vmem>>, vector<16xf32>,
      tpu.vector_store %arg8[%swap3A_1374, %swap3A_1375], %gather3A_1372 {strides = array<i32>} : memref<32x200xf32, #tpu.memory_space<vmem>>, vector<16xf32>,
      %add3A_1377 = arith.constant 64 : i32
      %add3A_1378 = vector.broadcast %add3A_1377 : i32 to vector<16xi32>
      %add3A_1379 = arith.addi %iota3A, %add3A_1378 : vector<16xi32>
      %gather3A_1380 = tpu.vector_load_idx %arg7[%add3A_1379, %broadcast_in_dim3A_1344] : memref<200x32xf32, #tpu.memory_space<vmem>>[vector<16xi32>, vector<16xi32>], vector<16xf32>,
      %swap3A_1381 = arith.constant 11 : i32
      %swap3A_1382 = arith.index_cast %swap3A_1381 : i32 to index
      %swap3A_1383 = arith.constant 64 : index
      %swap3A_1384 = tpu.vector_load %arg8[%swap3A_1382, %swap3A_1383] {strides = array<i32>} : memref<32x200xf32, #tpu.memory_space<vmem>>, vector<16xf32>,
      tpu.vector_store %arg8[%swap3A_1382, %swap3A_1383], %gather3A_1380 {strides = array<i32>} : memref<32x200xf32, #tpu.memory_space<vmem>>, vector<16xf32>,
      %add3A_1385 = arith.constant 80 : i32
      %add3A_1386 = vector.broadcast %add3A_1385 : i32 to vector<16xi32>
      %add3A_1387 = arith.addi %iota3A, %add3A_1386 : vector<16xi32>
      %gather3A_1388 = tpu.vector_load_idx %arg7[%add3A_1387, %broadcast_in_dim3A_1344] : memref<200x32xf32, #tpu.memory_space<vmem>>[vector<16xi32>, vector<16xi32>], vector<16xf32>,
      %swap3A_1389 = arith.constant 11 : i32
      %swap3A_1390 = arith.index_cast %swap3A_1389 : i32 to index
      %swap3A_1391 = arith.constant 80 : index
      %swap3A_1392 = tpu.vector_load %arg8[%swap3A_1390, %swap3A_1391] {strides = array<i32>} : memref<32x200xf32, #tpu.memory_space<vmem>>, vector<16xf32>,
      tpu.vector_store %arg8[%swap3A_1390, %swap3A_1391], %gather3A_1388 {strides = array<i32>} : memref<32x200xf32, #tpu.memory_space<vmem>>, vector<16xf32>,
      %add3A_1393 = arith.constant 96 : i32
      %add3A_1394 = vector.broadcast %add3A_1393 : i32 to vector<16xi32>
      %add3A_1395 = arith.addi %iota3A, %add3A_1394 : vector<16xi32>
      %gather3A_1396 = tpu.vector_load_idx %arg7[%add3A_1395, %broadcast_in_dim3A_1344] : memref<200x32xf32, #tpu.memory_space<vmem>>[vector<16xi32>, vector<16xi32>], vector<16xf32>,
      %swap3A_1397 = arith.constant 11 : i32
      %swap3A_1398 = arith.index_cast %swap3A_1397 : i32 to index
      %swap3A_1399 = arith.constant 96 : index
      %swap3A_1400 = tpu.vector_load %arg8[%swap3A_1398, %swap3A_1399] {strides = array<i32>} : memref<32x200xf32, #tpu.memory_space<vmem>>, vector<16xf32>,
      tpu.vector_store %arg8[%swap3A_1398, %swap3A_1399], %gather3A_1396 {strides = array<i32>} : memref<32x200xf32, #tpu.memory_space<vmem>>, vector<16xf32>,
      %add3A_1401 = arith.constant 112 : i32
      %add3A_1402 = vector.broadcast %add3A_1401 : i32 to vector<16xi32>
      %add3A_1403 = arith.addi %iota3A, %add3A_1402 : vector<16xi32>
      %gather3A_1404 = tpu.vector_load_idx %arg7[%add3A_1403, %broadcast_in_dim3A_1344] : memref<200x32xf32, #tpu.memory_space<vmem>>[vector<16xi32>, vector<16xi32>], vector<16xf32>,
      %swap3A_1405 = arith.constant 11 : i32
      %swap3A_1406 = arith.index_cast %swap3A_1405 : i32 to index
      %swap3A_1407 = arith.constant 112 : index
      %swap3A_1408 = tpu.vector_load %arg8[%swap3A_1406, %swap3A_1407] {strides = array<i32>} : memref<32x200xf32, #tpu.memory_space<vmem>>, vector<16xf32>,
      tpu.vector_store %arg8[%swap3A_1406, %swap3A_1407], %gather3A_1404 {strides = array<i32>} : memref<32x200xf32, #tpu.memory_space<vmem>>, vector<16xf32>,
      %add3A_1409 = arith.constant 128 : i32
      %add3A_1410 = vector.broadcast %add3A_1409 : i32 to vector<16xi32>
      %add3A_1411 = arith.addi %iota3A, %add3A_1410 : vector<16xi32>
      %gather3A_1412 = tpu.vector_load_idx %arg7[%add3A_1411, %broadcast_in_dim3A_1344] : memref<200x32xf32, #tpu.memory_space<vmem>>[vector<16xi32>, vector<16xi32>], vector<16xf32>,
      %swap3A_1413 = arith.constant 11 : i32
      %swap3A_1414 = arith.index_cast %swap3A_1413 : i32 to index
      %swap3A_1415 = arith.constant 128 : index
      %swap3A_1416 = tpu.vector_load %arg8[%swap3A_1414, %swap3A_1415] {strides = array<i32>} : memref<32x200xf32, #tpu.memory_space<vmem>>, vector<16xf32>,
      tpu.vector_store %arg8[%swap3A_1414, %swap3A_1415], %gather3A_1412 {strides = array<i32>} : memref<32x200xf32, #tpu.memory_space<vmem>>, vector<16xf32>,
      %add3A_1417 = arith.constant 144 : i32
      %add3A_1418 = vector.broadcast %add3A_1417 : i32 to vector<16xi32>
      %add3A_1419 = arith.addi %iota3A, %add3A_1418 : vector<16xi32>
      %gather3A_1420 = tpu.vector_load_idx %arg7[%add3A_1419, %broadcast_in_dim3A_1344] : memref<200x32xf32, #tpu.memory_space<vmem>>[vector<16xi32>, vector<16xi32>], vector<16xf32>,
      %swap3A_1421 = arith.constant 11 : i32
      %swap3A_1422 = arith.index_cast %swap3A_1421 : i32 to index
      %swap3A_1423 = arith.constant 144 : index
      %swap3A_1424 = tpu.vector_load %arg8[%swap3A_1422, %swap3A_1423] {strides = array<i32>} : memref<32x200xf32, #tpu.memory_space<vmem>>, vector<16xf32>,
      tpu.vector_store %arg8[%swap3A_1422, %swap3A_1423], %gather3A_1420 {strides = array<i32>} : memref<32x200xf32, #tpu.memory_space<vmem>>, vector<16xf32>,
      %add3A_1425 = arith.constant 160 : i32
      %add3A_1426 = vector.broadcast %add3A_1425 : i32 to vector<16xi32>
      %add3A_1427 = arith.addi %iota3A, %add3A_1426 : vector<16xi32>
      %gather3A_1428 = tpu.vector_load_idx %arg7[%add3A_1427, %broadcast_in_dim3A_1344] : memref<200x32xf32, #tpu.memory_space<vmem>>[vector<16xi32>, vector<16xi32>], vector<16xf32>,
      %swap3A_1429 = arith.constant 11 : i32
      %swap3A_1430 = arith.index_cast %swap3A_1429 : i32 to index
      %swap3A_1431 = arith.constant 160 : index
      %swap3A_1432 = tpu.vector_load %arg8[%swap3A_1430, %swap3A_1431] {strides = array<i32>} : memref<32x200xf32, #tpu.memory_space<vmem>>, vector<16xf32>,
      tpu.vector_store %arg8[%swap3A_1430, %swap3A_1431], %gather3A_1428 {strides = array<i32>} : memref<32x200xf32, #tpu.memory_space<vmem>>, vector<16xf32>,
      %add3A_1433 = arith.constant 176 : i32
      %add3A_1434 = vector.broadcast %add3A_1433 : i32 to vector<16xi32>
      %add3A_1435 = arith.addi %iota3A, %add3A_1434 : vector<16xi32>
      %gather3A_1436 = tpu.vector_load_idx %arg7[%add3A_1435, %broadcast_in_dim3A_1344] : memref<200x32xf32, #tpu.memory_space<vmem>>[vector<16xi32>, vector<16xi32>], vector<16xf32>,
      %swap3A_1437 = arith.constant 11 : i32
      %swap3A_1438 = arith.index_cast %swap3A_1437 : i32 to index
      %swap3A_1439 = arith.constant 176 : index
      %swap3A_1440 = tpu.vector_load %arg8[%swap3A_1438, %swap3A_1439] {strides = array<i32>} : memref<32x200xf32, #tpu.memory_space<vmem>>, vector<16xf32>,
      tpu.vector_store %arg8[%swap3A_1438, %swap3A_1439], %gather3A_1436 {strides = array<i32>} : memref<32x200xf32, #tpu.memory_space<vmem>>, vector<16xf32>,
      %add3A_1441 = arith.constant 184 : i32
      %add3A_1442 = vector.broadcast %add3A_1441 : i32 to vector<16xi32>
      %add3A_1443 = arith.addi %iota3A, %add3A_1442 : vector<16xi32>
      %gather3A_1444 = tpu.vector_load_idx %arg7[%add3A_1443, %broadcast_in_dim3A_1344] : memref<200x32xf32, #tpu.memory_space<vmem>>[vector<16xi32>, vector<16xi32>], vector<16xf32>,
      %swap3A_1445 = arith.constant 11 : i32
      %swap3A_1446 = arith.index_cast %swap3A_1445 : i32 to index
      %swap3A_1447 = arith.constant 184 : index
      %swap3A_1448 = tpu.vector_load %arg8[%swap3A_1446, %swap3A_1447] {strides = array<i32>} : memref<32x200xf32, #tpu.memory_space<vmem>>, vector<16xf32>,
      tpu.vector_store %arg8[%swap3A_1446, %swap3A_1447], %gather3A_1444 {strides = array<i32>} : memref<32x200xf32, #tpu.memory_space<vmem>>, vector<16xf32>,
      %broadcast_in_dim3A_1449 = arith.constant 12 : i32
      %broadcast_in_dim3A_1450 = vector.broadcast %broadcast_in_dim3A_1449 : i32 to vector<16xi32>
      %add3A_1451 = arith.constant 0 : i32
      %add3A_1452 = vector.broadcast %add3A_1451 : i32 to vector<16xi32>
      %add3A_1453 = arith.addi %iota3A, %add3A_1452 : vector<16xi32>
      %gather3A_1454 = tpu.vector_load_idx %arg7[%add3A_1453, %broadcast_in_dim3A_1450] : memref<200x32xf32, #tpu.memory_space<vmem>>[vector<16xi32>, vector<16xi32>], vector<16xf32>,
      %swap3A_1455 = arith.constant 12 : i32
      %swap3A_1456 = arith.index_cast %swap3A_1455 : i32 to index
      %swap3A_1457 = arith.constant 0 : index
      %swap3A_1458 = tpu.vector_load %arg8[%swap3A_1456, %swap3A_1457] {strides = array<i32>} : memref<32x200xf32, #tpu.memory_space<vmem>>, vector<16xf32>,
      tpu.vector_store %arg8[%swap3A_1456, %swap3A_1457], %gather3A_1454 {strides = array<i32>} : memref<32x200xf32, #tpu.memory_space<vmem>>, vector<16xf32>,
      %add3A_1459 = arith.constant 16 : i32
      %add3A_1460 = vector.broadcast %add3A_1459 : i32 to vector<16xi32>
      %add3A_1461 = arith.addi %iota3A, %add3A_1460 : vector<16xi32>
      %gather3A_1462 = tpu.vector_load_idx %arg7[%add3A_1461, %broadcast_in_dim3A_1450] : memref<200x32xf32, #tpu.memory_space<vmem>>[vector<16xi32>, vector<16xi32>], vector<16xf32>,
      %swap3A_1463 = arith.constant 12 : i32
      %swap3A_1464 = arith.index_cast %swap3A_1463 : i32 to index
      %swap3A_1465 = arith.constant 16 : index
      %swap3A_1466 = tpu.vector_load %arg8[%swap3A_1464, %swap3A_1465] {strides = array<i32>} : memref<32x200xf32, #tpu.memory_space<vmem>>, vector<16xf32>,
      tpu.vector_store %arg8[%swap3A_1464, %swap3A_1465], %gather3A_1462 {strides = array<i32>} : memref<32x200xf32, #tpu.memory_space<vmem>>, vector<16xf32>,
      %add3A_1467 = arith.constant 32 : i32
      %add3A_1468 = vector.broadcast %add3A_1467 : i32 to vector<16xi32>
      %add3A_1469 = arith.addi %iota3A, %add3A_1468 : vector<16xi32>
      %gather3A_1470 = tpu.vector_load_idx %arg7[%add3A_1469, %broadcast_in_dim3A_1450] : memref<200x32xf32, #tpu.memory_space<vmem>>[vector<16xi32>, vector<16xi32>], vector<16xf32>,
      %swap3A_1471 = arith.constant 12 : i32
      %swap3A_1472 = arith.index_cast %swap3A_1471 : i32 to index
      %swap3A_1473 = arith.constant 32 : index
      %swap3A_1474 = tpu.vector_load %arg8[%swap3A_1472, %swap3A_1473] {strides = array<i32>} : memref<32x200xf32, #tpu.memory_space<vmem>>, vector<16xf32>,
      tpu.vector_store %arg8[%swap3A_1472, %swap3A_1473], %gather3A_1470 {strides = array<i32>} : memref<32x200xf32, #tpu.memory_space<vmem>>, vector<16xf32>,
      %add3A_1475 = arith.constant 48 : i32
      %add3A_1476 = vector.broadcast %add3A_1475 : i32 to vector<16xi32>
      %add3A_1477 = arith.addi %iota3A, %add3A_1476 : vector<16xi32>
      %gather3A_1478 = tpu.vector_load_idx %arg7[%add3A_1477, %broadcast_in_dim3A_1450] : memref<200x32xf32, #tpu.memory_space<vmem>>[vector<16xi32>, vector<16xi32>], vector<16xf32>,
      %swap3A_1479 = arith.constant 12 : i32
      %swap3A_1480 = arith.index_cast %swap3A_1479 : i32 to index
      %swap3A_1481 = arith.constant 48 : index
      %swap3A_1482 = tpu.vector_load %arg8[%swap3A_1480, %swap3A_1481] {strides = array<i32>} : memref<32x200xf32, #tpu.memory_space<vmem>>, vector<16xf32>,
      tpu.vector_store %arg8[%swap3A_1480, %swap3A_1481], %gather3A_1478 {strides = array<i32>} : memref<32x200xf32, #tpu.memory_space<vmem>>, vector<16xf32>,
      %add3A_1483 = arith.constant 64 : i32
      %add3A_1484 = vector.broadcast %add3A_1483 : i32 to vector<16xi32>
      %add3A_1485 = arith.addi %iota3A, %add3A_1484 : vector<16xi32>
      %gather3A_1486 = tpu.vector_load_idx %arg7[%add3A_1485, %broadcast_in_dim3A_1450] : memref<200x32xf32, #tpu.memory_space<vmem>>[vector<16xi32>, vector<16xi32>], vector<16xf32>,
      %swap3A_1487 = arith.constant 12 : i32
      %swap3A_1488 = arith.index_cast %swap3A_1487 : i32 to index
      %swap3A_1489 = arith.constant 64 : index
      %swap3A_1490 = tpu.vector_load %arg8[%swap3A_1488, %swap3A_1489] {strides = array<i32>} : memref<32x200xf32, #tpu.memory_space<vmem>>, vector<16xf32>,
      tpu.vector_store %arg8[%swap3A_1488, %swap3A_1489], %gather3A_1486 {strides = array<i32>} : memref<32x200xf32, #tpu.memory_space<vmem>>, vector<16xf32>,
      %add3A_1491 = arith.constant 80 : i32
      %add3A_1492 = vector.broadcast %add3A_1491 : i32 to vector<16xi32>
      %add3A_1493 = arith.addi %iota3A, %add3A_1492 : vector<16xi32>
      %gather3A_1494 = tpu.vector_load_idx %arg7[%add3A_1493, %broadcast_in_dim3A_1450] : memref<200x32xf32, #tpu.memory_space<vmem>>[vector<16xi32>, vector<16xi32>], vector<16xf32>,
      %swap3A_1495 = arith.constant 12 : i32
      %swap3A_1496 = arith.index_cast %swap3A_1495 : i32 to index
      %swap3A_1497 = arith.constant 80 : index
      %swap3A_1498 = tpu.vector_load %arg8[%swap3A_1496, %swap3A_1497] {strides = array<i32>} : memref<32x200xf32, #tpu.memory_space<vmem>>, vector<16xf32>,
      tpu.vector_store %arg8[%swap3A_1496, %swap3A_1497], %gather3A_1494 {strides = array<i32>} : memref<32x200xf32, #tpu.memory_space<vmem>>, vector<16xf32>,
      %add3A_1499 = arith.constant 96 : i32
      %add3A_1500 = vector.broadcast %add3A_1499 : i32 to vector<16xi32>
      %add3A_1501 = arith.addi %iota3A, %add3A_1500 : vector<16xi32>
      %gather3A_1502 = tpu.vector_load_idx %arg7[%add3A_1501, %broadcast_in_dim3A_1450] : memref<200x32xf32, #tpu.memory_space<vmem>>[vector<16xi32>, vector<16xi32>], vector<16xf32>,
      %swap3A_1503 = arith.constant 12 : i32
      %swap3A_1504 = arith.index_cast %swap3A_1503 : i32 to index
      %swap3A_1505 = arith.constant 96 : index
      %swap3A_1506 = tpu.vector_load %arg8[%swap3A_1504, %swap3A_1505] {strides = array<i32>} : memref<32x200xf32, #tpu.memory_space<vmem>>, vector<16xf32>,
      tpu.vector_store %arg8[%swap3A_1504, %swap3A_1505], %gather3A_1502 {strides = array<i32>} : memref<32x200xf32, #tpu.memory_space<vmem>>, vector<16xf32>,
      %add3A_1507 = arith.constant 112 : i32
      %add3A_1508 = vector.broadcast %add3A_1507 : i32 to vector<16xi32>
      %add3A_1509 = arith.addi %iota3A, %add3A_1508 : vector<16xi32>
      %gather3A_1510 = tpu.vector_load_idx %arg7[%add3A_1509, %broadcast_in_dim3A_1450] : memref<200x32xf32, #tpu.memory_space<vmem>>[vector<16xi32>, vector<16xi32>], vector<16xf32>,
      %swap3A_1511 = arith.constant 12 : i32
      %swap3A_1512 = arith.index_cast %swap3A_1511 : i32 to index
      %swap3A_1513 = arith.constant 112 : index
      %swap3A_1514 = tpu.vector_load %arg8[%swap3A_1512, %swap3A_1513] {strides = array<i32>} : memref<32x200xf32, #tpu.memory_space<vmem>>, vector<16xf32>,
      tpu.vector_store %arg8[%swap3A_1512, %swap3A_1513], %gather3A_1510 {strides = array<i32>} : memref<32x200xf32, #tpu.memory_space<vmem>>, vector<16xf32>,
      %add3A_1515 = arith.constant 128 : i32
      %add3A_1516 = vector.broadcast %add3A_1515 : i32 to vector<16xi32>
      %add3A_1517 = arith.addi %iota3A, %add3A_1516 : vector<16xi32>
      %gather3A_1518 = tpu.vector_load_idx %arg7[%add3A_1517, %broadcast_in_dim3A_1450] : memref<200x32xf32, #tpu.memory_space<vmem>>[vector<16xi32>, vector<16xi32>], vector<16xf32>,
      %swap3A_1519 = arith.constant 12 : i32
      %swap3A_1520 = arith.index_cast %swap3A_1519 : i32 to index
      %swap3A_1521 = arith.constant 128 : index
      %swap3A_1522 = tpu.vector_load %arg8[%swap3A_1520, %swap3A_1521] {strides = array<i32>} : memref<32x200xf32, #tpu.memory_space<vmem>>, vector<16xf32>,
      tpu.vector_store %arg8[%swap3A_1520, %swap3A_1521], %gather3A_1518 {strides = array<i32>} : memref<32x200xf32, #tpu.memory_space<vmem>>, vector<16xf32>,
      %add3A_1523 = arith.constant 144 : i32
      %add3A_1524 = vector.broadcast %add3A_1523 : i32 to vector<16xi32>
      %add3A_1525 = arith.addi %iota3A, %add3A_1524 : vector<16xi32>
      %gather3A_1526 = tpu.vector_load_idx %arg7[%add3A_1525, %broadcast_in_dim3A_1450] : memref<200x32xf32, #tpu.memory_space<vmem>>[vector<16xi32>, vector<16xi32>], vector<16xf32>,
      %swap3A_1527 = arith.constant 12 : i32
      %swap3A_1528 = arith.index_cast %swap3A_1527 : i32 to index
      %swap3A_1529 = arith.constant 144 : index
      %swap3A_1530 = tpu.vector_load %arg8[%swap3A_1528, %swap3A_1529] {strides = array<i32>} : memref<32x200xf32, #tpu.memory_space<vmem>>, vector<16xf32>,
      tpu.vector_store %arg8[%swap3A_1528, %swap3A_1529], %gather3A_1526 {strides = array<i32>} : memref<32x200xf32, #tpu.memory_space<vmem>>, vector<16xf32>,
      %add3A_1531 = arith.constant 160 : i32
      %add3A_1532 = vector.broadcast %add3A_1531 : i32 to vector<16xi32>
      %add3A_1533 = arith.addi %iota3A, %add3A_1532 : vector<16xi32>
      %gather3A_1534 = tpu.vector_load_idx %arg7[%add3A_1533, %broadcast_in_dim3A_1450] : memref<200x32xf32, #tpu.memory_space<vmem>>[vector<16xi32>, vector<16xi32>], vector<16xf32>,
      %swap3A_1535 = arith.constant 12 : i32
      %swap3A_1536 = arith.index_cast %swap3A_1535 : i32 to index
      %swap3A_1537 = arith.constant 160 : index
      %swap3A_1538 = tpu.vector_load %arg8[%swap3A_1536, %swap3A_1537] {strides = array<i32>} : memref<32x200xf32, #tpu.memory_space<vmem>>, vector<16xf32>,
      tpu.vector_store %arg8[%swap3A_1536, %swap3A_1537], %gather3A_1534 {strides = array<i32>} : memref<32x200xf32, #tpu.memory_space<vmem>>, vector<16xf32>,
      %add3A_1539 = arith.constant 176 : i32
      %add3A_1540 = vector.broadcast %add3A_1539 : i32 to vector<16xi32>
      %add3A_1541 = arith.addi %iota3A, %add3A_1540 : vector<16xi32>
      %gather3A_1542 = tpu.vector_load_idx %arg7[%add3A_1541, %broadcast_in_dim3A_1450] : memref<200x32xf32, #tpu.memory_space<vmem>>[vector<16xi32>, vector<16xi32>], vector<16xf32>,
      %swap3A_1543 = arith.constant 12 : i32
      %swap3A_1544 = arith.index_cast %swap3A_1543 : i32 to index
      %swap3A_1545 = arith.constant 176 : index
      %swap3A_1546 = tpu.vector_load %arg8[%swap3A_1544, %swap3A_1545] {strides = array<i32>} : memref<32x200xf32, #tpu.memory_space<vmem>>, vector<16xf32>,
      tpu.vector_store %arg8[%swap3A_1544, %swap3A_1545], %gather3A_1542 {strides = array<i32>} : memref<32x200xf32, #tpu.memory_space<vmem>>, vector<16xf32>,
      %add3A_1547 = arith.constant 184 : i32
      %add3A_1548 = vector.broadcast %add3A_1547 : i32 to vector<16xi32>
      %add3A_1549 = arith.addi %iota3A, %add3A_1548 : vector<16xi32>
      %gather3A_1550 = tpu.vector_load_idx %arg7[%add3A_1549, %broadcast_in_dim3A_1450] : memref<200x32xf32, #tpu.memory_space<vmem>>[vector<16xi32>, vector<16xi32>], vector<16xf32>,
      %swap3A_1551 = arith.constant 12 : i32
      %swap3A_1552 = arith.index_cast %swap3A_1551 : i32 to index
      %swap3A_1553 = arith.constant 184 : index
      %swap3A_1554 = tpu.vector_load %arg8[%swap3A_1552, %swap3A_1553] {strides = array<i32>} : memref<32x200xf32, #tpu.memory_space<vmem>>, vector<16xf32>,
      tpu.vector_store %arg8[%swap3A_1552, %swap3A_1553], %gather3A_1550 {strides = array<i32>} : memref<32x200xf32, #tpu.memory_space<vmem>>, vector<16xf32>,
      %broadcast_in_dim3A_1555 = arith.constant 13 : i32
      %broadcast_in_dim3A_1556 = vector.broadcast %broadcast_in_dim3A_1555 : i32 to vector<16xi32>
      %add3A_1557 = arith.constant 0 : i32
      %add3A_1558 = vector.broadcast %add3A_1557 : i32 to vector<16xi32>
      %add3A_1559 = arith.addi %iota3A, %add3A_1558 : vector<16xi32>
      %gather3A_1560 = tpu.vector_load_idx %arg7[%add3A_1559, %broadcast_in_dim3A_1556] : memref<200x32xf32, #tpu.memory_space<vmem>>[vector<16xi32>, vector<16xi32>], vector<16xf32>,
      %swap3A_1561 = arith.constant 13 : i32
      %swap3A_1562 = arith.index_cast %swap3A_1561 : i32 to index
      %swap3A_1563 = arith.constant 0 : index
      %swap3A_1564 = tpu.vector_load %arg8[%swap3A_1562, %swap3A_1563] {strides = array<i32>} : memref<32x200xf32, #tpu.memory_space<vmem>>, vector<16xf32>,
      tpu.vector_store %arg8[%swap3A_1562, %swap3A_1563], %gather3A_1560 {strides = array<i32>} : memref<32x200xf32, #tpu.memory_space<vmem>>, vector<16xf32>,
      %add3A_1565 = arith.constant 16 : i32
      %add3A_1566 = vector.broadcast %add3A_1565 : i32 to vector<16xi32>
      %add3A_1567 = arith.addi %iota3A, %add3A_1566 : vector<16xi32>
      %gather3A_1568 = tpu.vector_load_idx %arg7[%add3A_1567, %broadcast_in_dim3A_1556] : memref<200x32xf32, #tpu.memory_space<vmem>>[vector<16xi32>, vector<16xi32>], vector<16xf32>,
      %swap3A_1569 = arith.constant 13 : i32
      %swap3A_1570 = arith.index_cast %swap3A_1569 : i32 to index
      %swap3A_1571 = arith.constant 16 : index
      %swap3A_1572 = tpu.vector_load %arg8[%swap3A_1570, %swap3A_1571] {strides = array<i32>} : memref<32x200xf32, #tpu.memory_space<vmem>>, vector<16xf32>,
      tpu.vector_store %arg8[%swap3A_1570, %swap3A_1571], %gather3A_1568 {strides = array<i32>} : memref<32x200xf32, #tpu.memory_space<vmem>>, vector<16xf32>,
      %add3A_1573 = arith.constant 32 : i32
      %add3A_1574 = vector.broadcast %add3A_1573 : i32 to vector<16xi32>
      %add3A_1575 = arith.addi %iota3A, %add3A_1574 : vector<16xi32>
      %gather3A_1576 = tpu.vector_load_idx %arg7[%add3A_1575, %broadcast_in_dim3A_1556] : memref<200x32xf32, #tpu.memory_space<vmem>>[vector<16xi32>, vector<16xi32>], vector<16xf32>,
      %swap3A_1577 = arith.constant 13 : i32
      %swap3A_1578 = arith.index_cast %swap3A_1577 : i32 to index
      %swap3A_1579 = arith.constant 32 : index
      %swap3A_1580 = tpu.vector_load %arg8[%swap3A_1578, %swap3A_1579] {strides = array<i32>} : memref<32x200xf32, #tpu.memory_space<vmem>>, vector<16xf32>,
      tpu.vector_store %arg8[%swap3A_1578, %swap3A_1579], %gather3A_1576 {strides = array<i32>} : memref<32x200xf32, #tpu.memory_space<vmem>>, vector<16xf32>,
      %add3A_1581 = arith.constant 48 : i32
      %add3A_1582 = vector.broadcast %add3A_1581 : i32 to vector<16xi32>
      %add3A_1583 = arith.addi %iota3A, %add3A_1582 : vector<16xi32>
      %gather3A_1584 = tpu.vector_load_idx %arg7[%add3A_1583, %broadcast_in_dim3A_1556] : memref<200x32xf32, #tpu.memory_space<vmem>>[vector<16xi32>, vector<16xi32>], vector<16xf32>,
      %swap3A_1585 = arith.constant 13 : i32
      %swap3A_1586 = arith.index_cast %swap3A_1585 : i32 to index
      %swap3A_1587 = arith.constant 48 : index
      %swap3A_1588 = tpu.vector_load %arg8[%swap3A_1586, %swap3A_1587] {strides = array<i32>} : memref<32x200xf32, #tpu.memory_space<vmem>>, vector<16xf32>,
      tpu.vector_store %arg8[%swap3A_1586, %swap3A_1587], %gather3A_1584 {strides = array<i32>} : memref<32x200xf32, #tpu.memory_space<vmem>>, vector<16xf32>,
      %add3A_1589 = arith.constant 64 : i32
      %add3A_1590 = vector.broadcast %add3A_1589 : i32 to vector<16xi32>
      %add3A_1591 = arith.addi %iota3A, %add3A_1590 : vector<16xi32>
      %gather3A_1592 = tpu.vector_load_idx %arg7[%add3A_1591, %broadcast_in_dim3A_1556] : memref<200x32xf32, #tpu.memory_space<vmem>>[vector<16xi32>, vector<16xi32>], vector<16xf32>,
      %swap3A_1593 = arith.constant 13 : i32
      %swap3A_1594 = arith.index_cast %swap3A_1593 : i32 to index
      %swap3A_1595 = arith.constant 64 : index
      %swap3A_1596 = tpu.vector_load %arg8[%swap3A_1594, %swap3A_1595] {strides = array<i32>} : memref<32x200xf32, #tpu.memory_space<vmem>>, vector<16xf32>,
      tpu.vector_store %arg8[%swap3A_1594, %swap3A_1595], %gather3A_1592 {strides = array<i32>} : memref<32x200xf32, #tpu.memory_space<vmem>>, vector<16xf32>,
      %add3A_1597 = arith.constant 80 : i32
      %add3A_1598 = vector.broadcast %add3A_1597 : i32 to vector<16xi32>
      %add3A_1599 = arith.addi %iota3A, %add3A_1598 : vector<16xi32>
      %gather3A_1600 = tpu.vector_load_idx %arg7[%add3A_1599, %broadcast_in_dim3A_1556] : memref<200x32xf32, #tpu.memory_space<vmem>>[vector<16xi32>, vector<16xi32>], vector<16xf32>,
      %swap3A_1601 = arith.constant 13 : i32
      %swap3A_1602 = arith.index_cast %swap3A_1601 : i32 to index
      %swap3A_1603 = arith.constant 80 : index
      %swap3A_1604 = tpu.vector_load %arg8[%swap3A_1602, %swap3A_1603] {strides = array<i32>} : memref<32x200xf32, #tpu.memory_space<vmem>>, vector<16xf32>,
      tpu.vector_store %arg8[%swap3A_1602, %swap3A_1603], %gather3A_1600 {strides = array<i32>} : memref<32x200xf32, #tpu.memory_space<vmem>>, vector<16xf32>,
      %add3A_1605 = arith.constant 96 : i32
      %add3A_1606 = vector.broadcast %add3A_1605 : i32 to vector<16xi32>
      %add3A_1607 = arith.addi %iota3A, %add3A_1606 : vector<16xi32>
      %gather3A_1608 = tpu.vector_load_idx %arg7[%add3A_1607, %broadcast_in_dim3A_1556] : memref<200x32xf32, #tpu.memory_space<vmem>>[vector<16xi32>, vector<16xi32>], vector<16xf32>,
      %swap3A_1609 = arith.constant 13 : i32
      %swap3A_1610 = arith.index_cast %swap3A_1609 : i32 to index
      %swap3A_1611 = arith.constant 96 : index
      %swap3A_1612 = tpu.vector_load %arg8[%swap3A_1610, %swap3A_1611] {strides = array<i32>} : memref<32x200xf32, #tpu.memory_space<vmem>>, vector<16xf32>,
      tpu.vector_store %arg8[%swap3A_1610, %swap3A_1611], %gather3A_1608 {strides = array<i32>} : memref<32x200xf32, #tpu.memory_space<vmem>>, vector<16xf32>,
      %add3A_1613 = arith.constant 112 : i32
      %add3A_1614 = vector.broadcast %add3A_1613 : i32 to vector<16xi32>
      %add3A_1615 = arith.addi %iota3A, %add3A_1614 : vector<16xi32>
      %gather3A_1616 = tpu.vector_load_idx %arg7[%add3A_1615, %broadcast_in_dim3A_1556] : memref<200x32xf32, #tpu.memory_space<vmem>>[vector<16xi32>, vector<16xi32>], vector<16xf32>,
      %swap3A_1617 = arith.constant 13 : i32
      %swap3A_1618 = arith.index_cast %swap3A_1617 : i32 to index
      %swap3A_1619 = arith.constant 112 : index
      %swap3A_1620 = tpu.vector_load %arg8[%swap3A_1618, %swap3A_1619] {strides = array<i32>} : memref<32x200xf32, #tpu.memory_space<vmem>>, vector<16xf32>,
      tpu.vector_store %arg8[%swap3A_1618, %swap3A_1619], %gather3A_1616 {strides = array<i32>} : memref<32x200xf32, #tpu.memory_space<vmem>>, vector<16xf32>,
      %add3A_1621 = arith.constant 128 : i32
      %add3A_1622 = vector.broadcast %add3A_1621 : i32 to vector<16xi32>
      %add3A_1623 = arith.addi %iota3A, %add3A_1622 : vector<16xi32>
      %gather3A_1624 = tpu.vector_load_idx %arg7[%add3A_1623, %broadcast_in_dim3A_1556] : memref<200x32xf32, #tpu.memory_space<vmem>>[vector<16xi32>, vector<16xi32>], vector<16xf32>,
      %swap3A_1625 = arith.constant 13 : i32
      %swap3A_1626 = arith.index_cast %swap3A_1625 : i32 to index
      %swap3A_1627 = arith.constant 128 : index
      %swap3A_1628 = tpu.vector_load %arg8[%swap3A_1626, %swap3A_1627] {strides = array<i32>} : memref<32x200xf32, #tpu.memory_space<vmem>>, vector<16xf32>,
      tpu.vector_store %arg8[%swap3A_1626, %swap3A_1627], %gather3A_1624 {strides = array<i32>} : memref<32x200xf32, #tpu.memory_space<vmem>>, vector<16xf32>,
      %add3A_1629 = arith.constant 144 : i32
      %add3A_1630 = vector.broadcast %add3A_1629 : i32 to vector<16xi32>
      %add3A_1631 = arith.addi %iota3A, %add3A_1630 : vector<16xi32>
      %gather3A_1632 = tpu.vector_load_idx %arg7[%add3A_1631, %broadcast_in_dim3A_1556] : memref<200x32xf32, #tpu.memory_space<vmem>>[vector<16xi32>, vector<16xi32>], vector<16xf32>,
      %swap3A_1633 = arith.constant 13 : i32
      %swap3A_1634 = arith.index_cast %swap3A_1633 : i32 to index
      %swap3A_1635 = arith.constant 144 : index
      %swap3A_1636 = tpu.vector_load %arg8[%swap3A_1634, %swap3A_1635] {strides = array<i32>} : memref<32x200xf32, #tpu.memory_space<vmem>>, vector<16xf32>,
      tpu.vector_store %arg8[%swap3A_1634, %swap3A_1635], %gather3A_1632 {strides = array<i32>} : memref<32x200xf32, #tpu.memory_space<vmem>>, vector<16xf32>,
      %add3A_1637 = arith.constant 160 : i32
      %add3A_1638 = vector.broadcast %add3A_1637 : i32 to vector<16xi32>
      %add3A_1639 = arith.addi %iota3A, %add3A_1638 : vector<16xi32>
      %gather3A_1640 = tpu.vector_load_idx %arg7[%add3A_1639, %broadcast_in_dim3A_1556] : memref<200x32xf32, #tpu.memory_space<vmem>>[vector<16xi32>, vector<16xi32>], vector<16xf32>,
      %swap3A_1641 = arith.constant 13 : i32
      %swap3A_1642 = arith.index_cast %swap3A_1641 : i32 to index
      %swap3A_1643 = arith.constant 160 : index
      %swap3A_1644 = tpu.vector_load %arg8[%swap3A_1642, %swap3A_1643] {strides = array<i32>} : memref<32x200xf32, #tpu.memory_space<vmem>>, vector<16xf32>,
      tpu.vector_store %arg8[%swap3A_1642, %swap3A_1643], %gather3A_1640 {strides = array<i32>} : memref<32x200xf32, #tpu.memory_space<vmem>>, vector<16xf32>,
      %add3A_1645 = arith.constant 176 : i32
      %add3A_1646 = vector.broadcast %add3A_1645 : i32 to vector<16xi32>
      %add3A_1647 = arith.addi %iota3A, %add3A_1646 : vector<16xi32>
      %gather3A_1648 = tpu.vector_load_idx %arg7[%add3A_1647, %broadcast_in_dim3A_1556] : memref<200x32xf32, #tpu.memory_space<vmem>>[vector<16xi32>, vector<16xi32>], vector<16xf32>,
      %swap3A_1649 = arith.constant 13 : i32
      %swap3A_1650 = arith.index_cast %swap3A_1649 : i32 to index
      %swap3A_1651 = arith.constant 176 : index
      %swap3A_1652 = tpu.vector_load %arg8[%swap3A_1650, %swap3A_1651] {strides = array<i32>} : memref<32x200xf32, #tpu.memory_space<vmem>>, vector<16xf32>,
      tpu.vector_store %arg8[%swap3A_1650, %swap3A_1651], %gather3A_1648 {strides = array<i32>} : memref<32x200xf32, #tpu.memory_space<vmem>>, vector<16xf32>,
      %add3A_1653 = arith.constant 184 : i32
      %add3A_1654 = vector.broadcast %add3A_1653 : i32 to vector<16xi32>
      %add3A_1655 = arith.addi %iota3A, %add3A_1654 : vector<16xi32>
      %gather3A_1656 = tpu.vector_load_idx %arg7[%add3A_1655, %broadcast_in_dim3A_1556] : memref<200x32xf32, #tpu.memory_space<vmem>>[vector<16xi32>, vector<16xi32>], vector<16xf32>,
      %swap3A_1657 = arith.constant 13 : i32
      %swap3A_1658 = arith.index_cast %swap3A_1657 : i32 to index
      %swap3A_1659 = arith.constant 184 : index
      %swap3A_1660 = tpu.vector_load %arg8[%swap3A_1658, %swap3A_1659] {strides = array<i32>} : memref<32x200xf32, #tpu.memory_space<vmem>>, vector<16xf32>,
      tpu.vector_store %arg8[%swap3A_1658, %swap3A_1659], %gather3A_1656 {strides = array<i32>} : memref<32x200xf32, #tpu.memory_space<vmem>>, vector<16xf32>,
      %broadcast_in_dim3A_1661 = arith.constant 14 : i32
      %broadcast_in_dim3A_1662 = vector.broadcast %broadcast_in_dim3A_1661 : i32 to vector<16xi32>
      %add3A_1663 = arith.constant 0 : i32
      %add3A_1664 = vector.broadcast %add3A_1663 : i32 to vector<16xi32>
      %add3A_1665 = arith.addi %iota3A, %add3A_1664 : vector<16xi32>
      %gather3A_1666 = tpu.vector_load_idx %arg7[%add3A_1665, %broadcast_in_dim3A_1662] : memref<200x32xf32, #tpu.memory_space<vmem>>[vector<16xi32>, vector<16xi32>], vector<16xf32>,
      %swap3A_1667 = arith.constant 14 : i32
      %swap3A_1668 = arith.index_cast %swap3A_1667 : i32 to index
      %swap3A_1669 = arith.constant 0 : index
      %swap3A_1670 = tpu.vector_load %arg8[%swap3A_1668, %swap3A_1669] {strides = array<i32>} : memref<32x200xf32, #tpu.memory_space<vmem>>, vector<16xf32>,
      tpu.vector_store %arg8[%swap3A_1668, %swap3A_1669], %gather3A_1666 {strides = array<i32>} : memref<32x200xf32, #tpu.memory_space<vmem>>, vector<16xf32>,
      %add3A_1671 = arith.constant 16 : i32
      %add3A_1672 = vector.broadcast %add3A_1671 : i32 to vector<16xi32>
      %add3A_1673 = arith.addi %iota3A, %add3A_1672 : vector<16xi32>
      %gather3A_1674 = tpu.vector_load_idx %arg7[%add3A_1673, %broadcast_in_dim3A_1662] : memref<200x32xf32, #tpu.memory_space<vmem>>[vector<16xi32>, vector<16xi32>], vector<16xf32>,
      %swap3A_1675 = arith.constant 14 : i32
      %swap3A_1676 = arith.index_cast %swap3A_1675 : i32 to index
      %swap3A_1677 = arith.constant 16 : index
      %swap3A_1678 = tpu.vector_load %arg8[%swap3A_1676, %swap3A_1677] {strides = array<i32>} : memref<32x200xf32, #tpu.memory_space<vmem>>, vector<16xf32>,
      tpu.vector_store %arg8[%swap3A_1676, %swap3A_1677], %gather3A_1674 {strides = array<i32>} : memref<32x200xf32, #tpu.memory_space<vmem>>, vector<16xf32>,
      %add3A_1679 = arith.constant 32 : i32
      %add3A_1680 = vector.broadcast %add3A_1679 : i32 to vector<16xi32>
      %add3A_1681 = arith.addi %iota3A, %add3A_1680 : vector<16xi32>
      %gather3A_1682 = tpu.vector_load_idx %arg7[%add3A_1681, %broadcast_in_dim3A_1662] : memref<200x32xf32, #tpu.memory_space<vmem>>[vector<16xi32>, vector<16xi32>], vector<16xf32>,
      %swap3A_1683 = arith.constant 14 : i32
      %swap3A_1684 = arith.index_cast %swap3A_1683 : i32 to index
      %swap3A_1685 = arith.constant 32 : index
      %swap3A_1686 = tpu.vector_load %arg8[%swap3A_1684, %swap3A_1685] {strides = array<i32>} : memref<32x200xf32, #tpu.memory_space<vmem>>, vector<16xf32>,
      tpu.vector_store %arg8[%swap3A_1684, %swap3A_1685], %gather3A_1682 {strides = array<i32>} : memref<32x200xf32, #tpu.memory_space<vmem>>, vector<16xf32>,
      %add3A_1687 = arith.constant 48 : i32
      %add3A_1688 = vector.broadcast %add3A_1687 : i32 to vector<16xi32>
      %add3A_1689 = arith.addi %iota3A, %add3A_1688 : vector<16xi32>
      %gather3A_1690 = tpu.vector_load_idx %arg7[%add3A_1689, %broadcast_in_dim3A_1662] : memref<200x32xf32, #tpu.memory_space<vmem>>[vector<16xi32>, vector<16xi32>], vector<16xf32>,
      %swap3A_1691 = arith.constant 14 : i32
      %swap3A_1692 = arith.index_cast %swap3A_1691 : i32 to index
      %swap3A_1693 = arith.constant 48 : index
      %swap3A_1694 = tpu.vector_load %arg8[%swap3A_1692, %swap3A_1693] {strides = array<i32>} : memref<32x200xf32, #tpu.memory_space<vmem>>, vector<16xf32>,
      tpu.vector_store %arg8[%swap3A_1692, %swap3A_1693], %gather3A_1690 {strides = array<i32>} : memref<32x200xf32, #tpu.memory_space<vmem>>, vector<16xf32>,
      %add3A_1695 = arith.constant 64 : i32
      %add3A_1696 = vector.broadcast %add3A_1695 : i32 to vector<16xi32>
      %add3A_1697 = arith.addi %iota3A, %add3A_1696 : vector<16xi32>
      %gather3A_1698 = tpu.vector_load_idx %arg7[%add3A_1697, %broadcast_in_dim3A_1662] : memref<200x32xf32, #tpu.memory_space<vmem>>[vector<16xi32>, vector<16xi32>], vector<16xf32>,
      %swap3A_1699 = arith.constant 14 : i32
      %swap3A_1700 = arith.index_cast %swap3A_1699 : i32 to index
      %swap3A_1701 = arith.constant 64 : index
      %swap3A_1702 = tpu.vector_load %arg8[%swap3A_1700, %swap3A_1701] {strides = array<i32>} : memref<32x200xf32, #tpu.memory_space<vmem>>, vector<16xf32>,
      tpu.vector_store %arg8[%swap3A_1700, %swap3A_1701], %gather3A_1698 {strides = array<i32>} : memref<32x200xf32, #tpu.memory_space<vmem>>, vector<16xf32>,
      %add3A_1703 = arith.constant 80 : i32
      %add3A_1704 = vector.broadcast %add3A_1703 : i32 to vector<16xi32>
      %add3A_1705 = arith.addi %iota3A, %add3A_1704 : vector<16xi32>
      %gather3A_1706 = tpu.vector_load_idx %arg7[%add3A_1705, %broadcast_in_dim3A_1662] : memref<200x32xf32, #tpu.memory_space<vmem>>[vector<16xi32>, vector<16xi32>], vector<16xf32>,
      %swap3A_1707 = arith.constant 14 : i32
      %swap3A_1708 = arith.index_cast %swap3A_1707 : i32 to index
      %swap3A_1709 = arith.constant 80 : index
      %swap3A_1710 = tpu.vector_load %arg8[%swap3A_1708, %swap3A_1709] {strides = array<i32>} : memref<32x200xf32, #tpu.memory_space<vmem>>, vector<16xf32>,
      tpu.vector_store %arg8[%swap3A_1708, %swap3A_1709], %gather3A_1706 {strides = array<i32>} : memref<32x200xf32, #tpu.memory_space<vmem>>, vector<16xf32>,
      %add3A_1711 = arith.constant 96 : i32
      %add3A_1712 = vector.broadcast %add3A_1711 : i32 to vector<16xi32>
      %add3A_1713 = arith.addi %iota3A, %add3A_1712 : vector<16xi32>
      %gather3A_1714 = tpu.vector_load_idx %arg7[%add3A_1713, %broadcast_in_dim3A_1662] : memref<200x32xf32, #tpu.memory_space<vmem>>[vector<16xi32>, vector<16xi32>], vector<16xf32>,
      %swap3A_1715 = arith.constant 14 : i32
      %swap3A_1716 = arith.index_cast %swap3A_1715 : i32 to index
      %swap3A_1717 = arith.constant 96 : index
      %swap3A_1718 = tpu.vector_load %arg8[%swap3A_1716, %swap3A_1717] {strides = array<i32>} : memref<32x200xf32, #tpu.memory_space<vmem>>, vector<16xf32>,
      tpu.vector_store %arg8[%swap3A_1716, %swap3A_1717], %gather3A_1714 {strides = array<i32>} : memref<32x200xf32, #tpu.memory_space<vmem>>, vector<16xf32>,
      %add3A_1719 = arith.constant 112 : i32
      %add3A_1720 = vector.broadcast %add3A_1719 : i32 to vector<16xi32>
      %add3A_1721 = arith.addi %iota3A, %add3A_1720 : vector<16xi32>
      %gather3A_1722 = tpu.vector_load_idx %arg7[%add3A_1721, %broadcast_in_dim3A_1662] : memref<200x32xf32, #tpu.memory_space<vmem>>[vector<16xi32>, vector<16xi32>], vector<16xf32>,
      %swap3A_1723 = arith.constant 14 : i32
      %swap3A_1724 = arith.index_cast %swap3A_1723 : i32 to index
      %swap3A_1725 = arith.constant 112 : index
      %swap3A_1726 = tpu.vector_load %arg8[%swap3A_1724, %swap3A_1725] {strides = array<i32>} : memref<32x200xf32, #tpu.memory_space<vmem>>, vector<16xf32>,
      tpu.vector_store %arg8[%swap3A_1724, %swap3A_1725], %gather3A_1722 {strides = array<i32>} : memref<32x200xf32, #tpu.memory_space<vmem>>, vector<16xf32>,
      %add3A_1727 = arith.constant 128 : i32
      %add3A_1728 = vector.broadcast %add3A_1727 : i32 to vector<16xi32>
      %add3A_1729 = arith.addi %iota3A, %add3A_1728 : vector<16xi32>
      %gather3A_1730 = tpu.vector_load_idx %arg7[%add3A_1729, %broadcast_in_dim3A_1662] : memref<200x32xf32, #tpu.memory_space<vmem>>[vector<16xi32>, vector<16xi32>], vector<16xf32>,
      %swap3A_1731 = arith.constant 14 : i32
      %swap3A_1732 = arith.index_cast %swap3A_1731 : i32 to index
      %swap3A_1733 = arith.constant 128 : index
      %swap3A_1734 = tpu.vector_load %arg8[%swap3A_1732, %swap3A_1733] {strides = array<i32>} : memref<32x200xf32, #tpu.memory_space<vmem>>, vector<16xf32>,
      tpu.vector_store %arg8[%swap3A_1732, %swap3A_1733], %gather3A_1730 {strides = array<i32>} : memref<32x200xf32, #tpu.memory_space<vmem>>, vector<16xf32>,
      %add3A_1735 = arith.constant 144 : i32
      %add3A_1736 = vector.broadcast %add3A_1735 : i32 to vector<16xi32>
      %add3A_1737 = arith.addi %iota3A, %add3A_1736 : vector<16xi32>
      %gather3A_1738 = tpu.vector_load_idx %arg7[%add3A_1737, %broadcast_in_dim3A_1662] : memref<200x32xf32, #tpu.memory_space<vmem>>[vector<16xi32>, vector<16xi32>], vector<16xf32>,
      %swap3A_1739 = arith.constant 14 : i32
      %swap3A_1740 = arith.index_cast %swap3A_1739 : i32 to index
      %swap3A_1741 = arith.constant 144 : index
      %swap3A_1742 = tpu.vector_load %arg8[%swap3A_1740, %swap3A_1741] {strides = array<i32>} : memref<32x200xf32, #tpu.memory_space<vmem>>, vector<16xf32>,
      tpu.vector_store %arg8[%swap3A_1740, %swap3A_1741], %gather3A_1738 {strides = array<i32>} : memref<32x200xf32, #tpu.memory_space<vmem>>, vector<16xf32>,
      %add3A_1743 = arith.constant 160 : i32
      %add3A_1744 = vector.broadcast %add3A_1743 : i32 to vector<16xi32>
      %add3A_1745 = arith.addi %iota3A, %add3A_1744 : vector<16xi32>
      %gather3A_1746 = tpu.vector_load_idx %arg7[%add3A_1745, %broadcast_in_dim3A_1662] : memref<200x32xf32, #tpu.memory_space<vmem>>[vector<16xi32>, vector<16xi32>], vector<16xf32>,
      %swap3A_1747 = arith.constant 14 : i32
      %swap3A_1748 = arith.index_cast %swap3A_1747 : i32 to index
      %swap3A_1749 = arith.constant 160 : index
      %swap3A_1750 = tpu.vector_load %arg8[%swap3A_1748, %swap3A_1749] {strides = array<i32>} : memref<32x200xf32, #tpu.memory_space<vmem>>, vector<16xf32>,
      tpu.vector_store %arg8[%swap3A_1748, %swap3A_1749], %gather3A_1746 {strides = array<i32>} : memref<32x200xf32, #tpu.memory_space<vmem>>, vector<16xf32>,
      %add3A_1751 = arith.constant 176 : i32
      %add3A_1752 = vector.broadcast %add3A_1751 : i32 to vector<16xi32>
      %add3A_1753 = arith.addi %iota3A, %add3A_1752 : vector<16xi32>
      %gather3A_1754 = tpu.vector_load_idx %arg7[%add3A_1753, %broadcast_in_dim3A_1662] : memref<200x32xf32, #tpu.memory_space<vmem>>[vector<16xi32>, vector<16xi32>], vector<16xf32>,
      %swap3A_1755 = arith.constant 14 : i32
      %swap3A_1756 = arith.index_cast %swap3A_1755 : i32 to index
      %swap3A_1757 = arith.constant 176 : index
      %swap3A_1758 = tpu.vector_load %arg8[%swap3A_1756, %swap3A_1757] {strides = array<i32>} : memref<32x200xf32, #tpu.memory_space<vmem>>, vector<16xf32>,
      tpu.vector_store %arg8[%swap3A_1756, %swap3A_1757], %gather3A_1754 {strides = array<i32>} : memref<32x200xf32, #tpu.memory_space<vmem>>, vector<16xf32>,
      %add3A_1759 = arith.constant 184 : i32
      %add3A_1760 = vector.broadcast %add3A_1759 : i32 to vector<16xi32>
      %add3A_1761 = arith.addi %iota3A, %add3A_1760 : vector<16xi32>
      %gather3A_1762 = tpu.vector_load_idx %arg7[%add3A_1761, %broadcast_in_dim3A_1662] : memref<200x32xf32, #tpu.memory_space<vmem>>[vector<16xi32>, vector<16xi32>], vector<16xf32>,
      %swap3A_1763 = arith.constant 14 : i32
      %swap3A_1764 = arith.index_cast %swap3A_1763 : i32 to index
      %swap3A_1765 = arith.constant 184 : index
      %swap3A_1766 = tpu.vector_load %arg8[%swap3A_1764, %swap3A_1765] {strides = array<i32>} : memref<32x200xf32, #tpu.memory_space<vmem>>, vector<16xf32>,
      tpu.vector_store %arg8[%swap3A_1764, %swap3A_1765], %gather3A_1762 {strides = array<i32>} : memref<32x200xf32, #tpu.memory_space<vmem>>, vector<16xf32>,
      %broadcast_in_dim3A_1767 = arith.constant 15 : i32
      %broadcast_in_dim3A_1768 = vector.broadcast %broadcast_in_dim3A_1767 : i32 to vector<16xi32>
      %add3A_1769 = arith.constant 0 : i32
      %add3A_1770 = vector.broadcast %add3A_1769 : i32 to vector<16xi32>
      %add3A_1771 = arith.addi %iota3A, %add3A_1770 : vector<16xi32>
      %gather3A_1772 = tpu.vector_load_idx %arg7[%add3A_1771, %broadcast_in_dim3A_1768] : memref<200x32xf32, #tpu.memory_space<vmem>>[vector<16xi32>, vector<16xi32>], vector<16xf32>,
      %swap3A_1773 = arith.constant 15 : i32
      %swap3A_1774 = arith.index_cast %swap3A_1773 : i32 to index
      %swap3A_1775 = arith.constant 0 : index
      %swap3A_1776 = tpu.vector_load %arg8[%swap3A_1774, %swap3A_1775] {strides = array<i32>} : memref<32x200xf32, #tpu.memory_space<vmem>>, vector<16xf32>,
      tpu.vector_store %arg8[%swap3A_1774, %swap3A_1775], %gather3A_1772 {strides = array<i32>} : memref<32x200xf32, #tpu.memory_space<vmem>>, vector<16xf32>,
      %add3A_1777 = arith.constant 16 : i32
      %add3A_1778 = vector.broadcast %add3A_1777 : i32 to vector<16xi32>
      %add3A_1779 = arith.addi %iota3A, %add3A_1778 : vector<16xi32>
      %gather3A_1780 = tpu.vector_load_idx %arg7[%add3A_1779, %broadcast_in_dim3A_1768] : memref<200x32xf32, #tpu.memory_space<vmem>>[vector<16xi32>, vector<16xi32>], vector<16xf32>,
      %swap3A_1781 = arith.constant 15 : i32
      %swap3A_1782 = arith.index_cast %swap3A_1781 : i32 to index
      %swap3A_1783 = arith.constant 16 : index
      %swap3A_1784 = tpu.vector_load %arg8[%swap3A_1782, %swap3A_1783] {strides = array<i32>} : memref<32x200xf32, #tpu.memory_space<vmem>>, vector<16xf32>,
      tpu.vector_store %arg8[%swap3A_1782, %swap3A_1783], %gather3A_1780 {strides = array<i32>} : memref<32x200xf32, #tpu.memory_space<vmem>>, vector<16xf32>,
      %add3A_1785 = arith.constant 32 : i32
      %add3A_1786 = vector.broadcast %add3A_1785 : i32 to vector<16xi32>
      %add3A_1787 = arith.addi %iota3A, %add3A_1786 : vector<16xi32>
      %gather3A_1788 = tpu.vector_load_idx %arg7[%add3A_1787, %broadcast_in_dim3A_1768] : memref<200x32xf32, #tpu.memory_space<vmem>>[vector<16xi32>, vector<16xi32>], vector<16xf32>,
      %swap3A_1789 = arith.constant 15 : i32
      %swap3A_1790 = arith.index_cast %swap3A_1789 : i32 to index
      %swap3A_1791 = arith.constant 32 : index
      %swap3A_1792 = tpu.vector_load %arg8[%swap3A_1790, %swap3A_1791] {strides = array<i32>} : memref<32x200xf32, #tpu.memory_space<vmem>>, vector<16xf32>,
      tpu.vector_store %arg8[%swap3A_1790, %swap3A_1791], %gather3A_1788 {strides = array<i32>} : memref<32x200xf32, #tpu.memory_space<vmem>>, vector<16xf32>,
      %add3A_1793 = arith.constant 48 : i32
      %add3A_1794 = vector.broadcast %add3A_1793 : i32 to vector<16xi32>
      %add3A_1795 = arith.addi %iota3A, %add3A_1794 : vector<16xi32>
      %gather3A_1796 = tpu.vector_load_idx %arg7[%add3A_1795, %broadcast_in_dim3A_1768] : memref<200x32xf32, #tpu.memory_space<vmem>>[vector<16xi32>, vector<16xi32>], vector<16xf32>,
      %swap3A_1797 = arith.constant 15 : i32
      %swap3A_1798 = arith.index_cast %swap3A_1797 : i32 to index
      %swap3A_1799 = arith.constant 48 : index
      %swap3A_1800 = tpu.vector_load %arg8[%swap3A_1798, %swap3A_1799] {strides = array<i32>} : memref<32x200xf32, #tpu.memory_space<vmem>>, vector<16xf32>,
      tpu.vector_store %arg8[%swap3A_1798, %swap3A_1799], %gather3A_1796 {strides = array<i32>} : memref<32x200xf32, #tpu.memory_space<vmem>>, vector<16xf32>,
      %add3A_1801 = arith.constant 64 : i32
      %add3A_1802 = vector.broadcast %add3A_1801 : i32 to vector<16xi32>
      %add3A_1803 = arith.addi %iota3A, %add3A_1802 : vector<16xi32>
      %gather3A_1804 = tpu.vector_load_idx %arg7[%add3A_1803, %broadcast_in_dim3A_1768] : memref<200x32xf32, #tpu.memory_space<vmem>>[vector<16xi32>, vector<16xi32>], vector<16xf32>,
      %swap3A_1805 = arith.constant 15 : i32
      %swap3A_1806 = arith.index_cast %swap3A_1805 : i32 to index
      %swap3A_1807 = arith.constant 64 : index
      %swap3A_1808 = tpu.vector_load %arg8[%swap3A_1806, %swap3A_1807] {strides = array<i32>} : memref<32x200xf32, #tpu.memory_space<vmem>>, vector<16xf32>,
      tpu.vector_store %arg8[%swap3A_1806, %swap3A_1807], %gather3A_1804 {strides = array<i32>} : memref<32x200xf32, #tpu.memory_space<vmem>>, vector<16xf32>,
      %add3A_1809 = arith.constant 80 : i32
      %add3A_1810 = vector.broadcast %add3A_1809 : i32 to vector<16xi32>
      %add3A_1811 = arith.addi %iota3A, %add3A_1810 : vector<16xi32>
      %gather3A_1812 = tpu.vector_load_idx %arg7[%add3A_1811, %broadcast_in_dim3A_1768] : memref<200x32xf32, #tpu.memory_space<vmem>>[vector<16xi32>, vector<16xi32>], vector<16xf32>,
      %swap3A_1813 = arith.constant 15 : i32
      %swap3A_1814 = arith.index_cast %swap3A_1813 : i32 to index
      %swap3A_1815 = arith.constant 80 : index
      %swap3A_1816 = tpu.vector_load %arg8[%swap3A_1814, %swap3A_1815] {strides = array<i32>} : memref<32x200xf32, #tpu.memory_space<vmem>>, vector<16xf32>,
      tpu.vector_store %arg8[%swap3A_1814, %swap3A_1815], %gather3A_1812 {strides = array<i32>} : memref<32x200xf32, #tpu.memory_space<vmem>>, vector<16xf32>,
      %add3A_1817 = arith.constant 96 : i32
      %add3A_1818 = vector.broadcast %add3A_1817 : i32 to vector<16xi32>
      %add3A_1819 = arith.addi %iota3A, %add3A_1818 : vector<16xi32>
      %gather3A_1820 = tpu.vector_load_idx %arg7[%add3A_1819, %broadcast_in_dim3A_1768] : memref<200x32xf32, #tpu.memory_space<vmem>>[vector<16xi32>, vector<16xi32>], vector<16xf32>,
      %swap3A_1821 = arith.constant 15 : i32
      %swap3A_1822 = arith.index_cast %swap3A_1821 : i32 to index
      %swap3A_1823 = arith.constant 96 : index
      %swap3A_1824 = tpu.vector_load %arg8[%swap3A_1822, %swap3A_1823] {strides = array<i32>} : memref<32x200xf32, #tpu.memory_space<vmem>>, vector<16xf32>,
      tpu.vector_store %arg8[%swap3A_1822, %swap3A_1823], %gather3A_1820 {strides = array<i32>} : memref<32x200xf32, #tpu.memory_space<vmem>>, vector<16xf32>,
      %add3A_1825 = arith.constant 112 : i32
      %add3A_1826 = vector.broadcast %add3A_1825 : i32 to vector<16xi32>
      %add3A_1827 = arith.addi %iota3A, %add3A_1826 : vector<16xi32>
      %gather3A_1828 = tpu.vector_load_idx %arg7[%add3A_1827, %broadcast_in_dim3A_1768] : memref<200x32xf32, #tpu.memory_space<vmem>>[vector<16xi32>, vector<16xi32>], vector<16xf32>,
      %swap3A_1829 = arith.constant 15 : i32
      %swap3A_1830 = arith.index_cast %swap3A_1829 : i32 to index
      %swap3A_1831 = arith.constant 112 : index
      %swap3A_1832 = tpu.vector_load %arg8[%swap3A_1830, %swap3A_1831] {strides = array<i32>} : memref<32x200xf32, #tpu.memory_space<vmem>>, vector<16xf32>,
      tpu.vector_store %arg8[%swap3A_1830, %swap3A_1831], %gather3A_1828 {strides = array<i32>} : memref<32x200xf32, #tpu.memory_space<vmem>>, vector<16xf32>,
      %add3A_1833 = arith.constant 128 : i32
      %add3A_1834 = vector.broadcast %add3A_1833 : i32 to vector<16xi32>
      %add3A_1835 = arith.addi %iota3A, %add3A_1834 : vector<16xi32>
      %gather3A_1836 = tpu.vector_load_idx %arg7[%add3A_1835, %broadcast_in_dim3A_1768] : memref<200x32xf32, #tpu.memory_space<vmem>>[vector<16xi32>, vector<16xi32>], vector<16xf32>,
      %swap3A_1837 = arith.constant 15 : i32
      %swap3A_1838 = arith.index_cast %swap3A_1837 : i32 to index
      %swap3A_1839 = arith.constant 128 : index
      %swap3A_1840 = tpu.vector_load %arg8[%swap3A_1838, %swap3A_1839] {strides = array<i32>} : memref<32x200xf32, #tpu.memory_space<vmem>>, vector<16xf32>,
      tpu.vector_store %arg8[%swap3A_1838, %swap3A_1839], %gather3A_1836 {strides = array<i32>} : memref<32x200xf32, #tpu.memory_space<vmem>>, vector<16xf32>,
      %add3A_1841 = arith.constant 144 : i32
      %add3A_1842 = vector.broadcast %add3A_1841 : i32 to vector<16xi32>
      %add3A_1843 = arith.addi %iota3A, %add3A_1842 : vector<16xi32>
      %gather3A_1844 = tpu.vector_load_idx %arg7[%add3A_1843, %broadcast_in_dim3A_1768] : memref<200x32xf32, #tpu.memory_space<vmem>>[vector<16xi32>, vector<16xi32>], vector<16xf32>,
      %swap3A_1845 = arith.constant 15 : i32
      %swap3A_1846 = arith.index_cast %swap3A_1845 : i32 to index
      %swap3A_1847 = arith.constant 144 : index
      %swap3A_1848 = tpu.vector_load %arg8[%swap3A_1846, %swap3A_1847] {strides = array<i32>} : memref<32x200xf32, #tpu.memory_space<vmem>>, vector<16xf32>,
      tpu.vector_store %arg8[%swap3A_1846, %swap3A_1847], %gather3A_1844 {strides = array<i32>} : memref<32x200xf32, #tpu.memory_space<vmem>>, vector<16xf32>,
      %add3A_1849 = arith.constant 160 : i32
      %add3A_1850 = vector.broadcast %add3A_1849 : i32 to vector<16xi32>
      %add3A_1851 = arith.addi %iota3A, %add3A_1850 : vector<16xi32>
      %gather3A_1852 = tpu.vector_load_idx %arg7[%add3A_1851, %broadcast_in_dim3A_1768] : memref<200x32xf32, #tpu.memory_space<vmem>>[vector<16xi32>, vector<16xi32>], vector<16xf32>,
      %swap3A_1853 = arith.constant 15 : i32
      %swap3A_1854 = arith.index_cast %swap3A_1853 : i32 to index
      %swap3A_1855 = arith.constant 160 : index
      %swap3A_1856 = tpu.vector_load %arg8[%swap3A_1854, %swap3A_1855] {strides = array<i32>} : memref<32x200xf32, #tpu.memory_space<vmem>>, vector<16xf32>,
      tpu.vector_store %arg8[%swap3A_1854, %swap3A_1855], %gather3A_1852 {strides = array<i32>} : memref<32x200xf32, #tpu.memory_space<vmem>>, vector<16xf32>,
      %add3A_1857 = arith.constant 176 : i32
      %add3A_1858 = vector.broadcast %add3A_1857 : i32 to vector<16xi32>
      %add3A_1859 = arith.addi %iota3A, %add3A_1858 : vector<16xi32>
      %gather3A_1860 = tpu.vector_load_idx %arg7[%add3A_1859, %broadcast_in_dim3A_1768] : memref<200x32xf32, #tpu.memory_space<vmem>>[vector<16xi32>, vector<16xi32>], vector<16xf32>,
      %swap3A_1861 = arith.constant 15 : i32
      %swap3A_1862 = arith.index_cast %swap3A_1861 : i32 to index
      %swap3A_1863 = arith.constant 176 : index
      %swap3A_1864 = tpu.vector_load %arg8[%swap3A_1862, %swap3A_1863] {strides = array<i32>} : memref<32x200xf32, #tpu.memory_space<vmem>>, vector<16xf32>,
      tpu.vector_store %arg8[%swap3A_1862, %swap3A_1863], %gather3A_1860 {strides = array<i32>} : memref<32x200xf32, #tpu.memory_space<vmem>>, vector<16xf32>,
      %add3A_1865 = arith.constant 184 : i32
      %add3A_1866 = vector.broadcast %add3A_1865 : i32 to vector<16xi32>
      %add3A_1867 = arith.addi %iota3A, %add3A_1866 : vector<16xi32>
      %gather3A_1868 = tpu.vector_load_idx %arg7[%add3A_1867, %broadcast_in_dim3A_1768] : memref<200x32xf32, #tpu.memory_space<vmem>>[vector<16xi32>, vector<16xi32>], vector<16xf32>,
      %swap3A_1869 = arith.constant 15 : i32
      %swap3A_1870 = arith.index_cast %swap3A_1869 : i32 to index
      %swap3A_1871 = arith.constant 184 : index
      %swap3A_1872 = tpu.vector_load %arg8[%swap3A_1870, %swap3A_1871] {strides = array<i32>} : memref<32x200xf32, #tpu.memory_space<vmem>>, vector<16xf32>,
      tpu.vector_store %arg8[%swap3A_1870, %swap3A_1871], %gather3A_1868 {strides = array<i32>} : memref<32x200xf32, #tpu.memory_space<vmem>>, vector<16xf32>,
      %broadcast_in_dim3A_1873 = arith.constant 16 : i32
      %broadcast_in_dim3A_1874 = vector.broadcast %broadcast_in_dim3A_1873 : i32 to vector<16xi32>
      %add3A_1875 = arith.constant 0 : i32
      %add3A_1876 = vector.broadcast %add3A_1875 : i32 to vector<16xi32>
      %add3A_1877 = arith.addi %iota3A, %add3A_1876 : vector<16xi32>
      %gather3A_1878 = tpu.vector_load_idx %arg7[%add3A_1877, %broadcast_in_dim3A_1874] : memref<200x32xf32, #tpu.memory_space<vmem>>[vector<16xi32>, vector<16xi32>], vector<16xf32>,
      %swap3A_1879 = arith.constant 16 : i32
      %swap3A_1880 = arith.index_cast %swap3A_1879 : i32 to index
      %swap3A_1881 = arith.constant 0 : index
      %swap3A_1882 = tpu.vector_load %arg8[%swap3A_1880, %swap3A_1881] {strides = array<i32>} : memref<32x200xf32, #tpu.memory_space<vmem>>, vector<16xf32>,
      tpu.vector_store %arg8[%swap3A_1880, %swap3A_1881], %gather3A_1878 {strides = array<i32>} : memref<32x200xf32, #tpu.memory_space<vmem>>, vector<16xf32>,
      %add3A_1883 = arith.constant 16 : i32
      %add3A_1884 = vector.broadcast %add3A_1883 : i32 to vector<16xi32>
      %add3A_1885 = arith.addi %iota3A, %add3A_1884 : vector<16xi32>
      %gather3A_1886 = tpu.vector_load_idx %arg7[%add3A_1885, %broadcast_in_dim3A_1874] : memref<200x32xf32, #tpu.memory_space<vmem>>[vector<16xi32>, vector<16xi32>], vector<16xf32>,
      %swap3A_1887 = arith.constant 16 : i32
      %swap3A_1888 = arith.index_cast %swap3A_1887 : i32 to index
      %swap3A_1889 = arith.constant 16 : index
      %swap3A_1890 = tpu.vector_load %arg8[%swap3A_1888, %swap3A_1889] {strides = array<i32>} : memref<32x200xf32, #tpu.memory_space<vmem>>, vector<16xf32>,
      tpu.vector_store %arg8[%swap3A_1888, %swap3A_1889], %gather3A_1886 {strides = array<i32>} : memref<32x200xf32, #tpu.memory_space<vmem>>, vector<16xf32>,
      %add3A_1891 = arith.constant 32 : i32
      %add3A_1892 = vector.broadcast %add3A_1891 : i32 to vector<16xi32>
      %add3A_1893 = arith.addi %iota3A, %add3A_1892 : vector<16xi32>
      %gather3A_1894 = tpu.vector_load_idx %arg7[%add3A_1893, %broadcast_in_dim3A_1874] : memref<200x32xf32, #tpu.memory_space<vmem>>[vector<16xi32>, vector<16xi32>], vector<16xf32>,
      %swap3A_1895 = arith.constant 16 : i32
      %swap3A_1896 = arith.index_cast %swap3A_1895 : i32 to index
      %swap3A_1897 = arith.constant 32 : index
      %swap3A_1898 = tpu.vector_load %arg8[%swap3A_1896, %swap3A_1897] {strides = array<i32>} : memref<32x200xf32, #tpu.memory_space<vmem>>, vector<16xf32>,
      tpu.vector_store %arg8[%swap3A_1896, %swap3A_1897], %gather3A_1894 {strides = array<i32>} : memref<32x200xf32, #tpu.memory_space<vmem>>, vector<16xf32>,
      %add3A_1899 = arith.constant 48 : i32
      %add3A_1900 = vector.broadcast %add3A_1899 : i32 to vector<16xi32>
      %add3A_1901 = arith.addi %iota3A, %add3A_1900 : vector<16xi32>
      %gather3A_1902 = tpu.vector_load_idx %arg7[%add3A_1901, %broadcast_in_dim3A_1874] : memref<200x32xf32, #tpu.memory_space<vmem>>[vector<16xi32>, vector<16xi32>], vector<16xf32>,
      %swap3A_1903 = arith.constant 16 : i32
      %swap3A_1904 = arith.index_cast %swap3A_1903 : i32 to index
      %swap3A_1905 = arith.constant 48 : index
      %swap3A_1906 = tpu.vector_load %arg8[%swap3A_1904, %swap3A_1905] {strides = array<i32>} : memref<32x200xf32, #tpu.memory_space<vmem>>, vector<16xf32>,
      tpu.vector_store %arg8[%swap3A_1904, %swap3A_1905], %gather3A_1902 {strides = array<i32>} : memref<32x200xf32, #tpu.memory_space<vmem>>, vector<16xf32>,
      %add3A_1907 = arith.constant 64 : i32
      %add3A_1908 = vector.broadcast %add3A_1907 : i32 to vector<16xi32>
      %add3A_1909 = arith.addi %iota3A, %add3A_1908 : vector<16xi32>
      %gather3A_1910 = tpu.vector_load_idx %arg7[%add3A_1909, %broadcast_in_dim3A_1874] : memref<200x32xf32, #tpu.memory_space<vmem>>[vector<16xi32>, vector<16xi32>], vector<16xf32>,
      %swap3A_1911 = arith.constant 16 : i32
      %swap3A_1912 = arith.index_cast %swap3A_1911 : i32 to index
      %swap3A_1913 = arith.constant 64 : index
      %swap3A_1914 = tpu.vector_load %arg8[%swap3A_1912, %swap3A_1913] {strides = array<i32>} : memref<32x200xf32, #tpu.memory_space<vmem>>, vector<16xf32>,
      tpu.vector_store %arg8[%swap3A_1912, %swap3A_1913], %gather3A_1910 {strides = array<i32>} : memref<32x200xf32, #tpu.memory_space<vmem>>, vector<16xf32>,
      %add3A_1915 = arith.constant 80 : i32
      %add3A_1916 = vector.broadcast %add3A_1915 : i32 to vector<16xi32>
      %add3A_1917 = arith.addi %iota3A, %add3A_1916 : vector<16xi32>
      %gather3A_1918 = tpu.vector_load_idx %arg7[%add3A_1917, %broadcast_in_dim3A_1874] : memref<200x32xf32, #tpu.memory_space<vmem>>[vector<16xi32>, vector<16xi32>], vector<16xf32>,
      %swap3A_1919 = arith.constant 16 : i32
      %swap3A_1920 = arith.index_cast %swap3A_1919 : i32 to index
      %swap3A_1921 = arith.constant 80 : index
      %swap3A_1922 = tpu.vector_load %arg8[%swap3A_1920, %swap3A_1921] {strides = array<i32>} : memref<32x200xf32, #tpu.memory_space<vmem>>, vector<16xf32>,
      tpu.vector_store %arg8[%swap3A_1920, %swap3A_1921], %gather3A_1918 {strides = array<i32>} : memref<32x200xf32, #tpu.memory_space<vmem>>, vector<16xf32>,
      %add3A_1923 = arith.constant 96 : i32
      %add3A_1924 = vector.broadcast %add3A_1923 : i32 to vector<16xi32>
      %add3A_1925 = arith.addi %iota3A, %add3A_1924 : vector<16xi32>
      %gather3A_1926 = tpu.vector_load_idx %arg7[%add3A_1925, %broadcast_in_dim3A_1874] : memref<200x32xf32, #tpu.memory_space<vmem>>[vector<16xi32>, vector<16xi32>], vector<16xf32>,
      %swap3A_1927 = arith.constant 16 : i32
      %swap3A_1928 = arith.index_cast %swap3A_1927 : i32 to index
      %swap3A_1929 = arith.constant 96 : index
      %swap3A_1930 = tpu.vector_load %arg8[%swap3A_1928, %swap3A_1929] {strides = array<i32>} : memref<32x200xf32, #tpu.memory_space<vmem>>, vector<16xf32>,
      tpu.vector_store %arg8[%swap3A_1928, %swap3A_1929], %gather3A_1926 {strides = array<i32>} : memref<32x200xf32, #tpu.memory_space<vmem>>, vector<16xf32>,
      %add3A_1931 = arith.constant 112 : i32
      %add3A_1932 = vector.broadcast %add3A_1931 : i32 to vector<16xi32>
      %add3A_1933 = arith.addi %iota3A, %add3A_1932 : vector<16xi32>
      %gather3A_1934 = tpu.vector_load_idx %arg7[%add3A_1933, %broadcast_in_dim3A_1874] : memref<200x32xf32, #tpu.memory_space<vmem>>[vector<16xi32>, vector<16xi32>], vector<16xf32>,
      %swap3A_1935 = arith.constant 16 : i32
      %swap3A_1936 = arith.index_cast %swap3A_1935 : i32 to index
      %swap3A_1937 = arith.constant 112 : index
      %swap3A_1938 = tpu.vector_load %arg8[%swap3A_1936, %swap3A_1937] {strides = array<i32>} : memref<32x200xf32, #tpu.memory_space<vmem>>, vector<16xf32>,
      tpu.vector_store %arg8[%swap3A_1936, %swap3A_1937], %gather3A_1934 {strides = array<i32>} : memref<32x200xf32, #tpu.memory_space<vmem>>, vector<16xf32>,
      %add3A_1939 = arith.constant 128 : i32
      %add3A_1940 = vector.broadcast %add3A_1939 : i32 to vector<16xi32>
      %add3A_1941 = arith.addi %iota3A, %add3A_1940 : vector<16xi32>
      %gather3A_1942 = tpu.vector_load_idx %arg7[%add3A_1941, %broadcast_in_dim3A_1874] : memref<200x32xf32, #tpu.memory_space<vmem>>[vector<16xi32>, vector<16xi32>], vector<16xf32>,
      %swap3A_1943 = arith.constant 16 : i32
      %swap3A_1944 = arith.index_cast %swap3A_1943 : i32 to index
      %swap3A_1945 = arith.constant 128 : index
      %swap3A_1946 = tpu.vector_load %arg8[%swap3A_1944, %swap3A_1945] {strides = array<i32>} : memref<32x200xf32, #tpu.memory_space<vmem>>, vector<16xf32>,
      tpu.vector_store %arg8[%swap3A_1944, %swap3A_1945], %gather3A_1942 {strides = array<i32>} : memref<32x200xf32, #tpu.memory_space<vmem>>, vector<16xf32>,
      %add3A_1947 = arith.constant 144 : i32
      %add3A_1948 = vector.broadcast %add3A_1947 : i32 to vector<16xi32>
      %add3A_1949 = arith.addi %iota3A, %add3A_1948 : vector<16xi32>
      %gather3A_1950 = tpu.vector_load_idx %arg7[%add3A_1949, %broadcast_in_dim3A_1874] : memref<200x32xf32, #tpu.memory_space<vmem>>[vector<16xi32>, vector<16xi32>], vector<16xf32>,
      %swap3A_1951 = arith.constant 16 : i32
      %swap3A_1952 = arith.index_cast %swap3A_1951 : i32 to index
      %swap3A_1953 = arith.constant 144 : index
      %swap3A_1954 = tpu.vector_load %arg8[%swap3A_1952, %swap3A_1953] {strides = array<i32>} : memref<32x200xf32, #tpu.memory_space<vmem>>, vector<16xf32>,
      tpu.vector_store %arg8[%swap3A_1952, %swap3A_1953], %gather3A_1950 {strides = array<i32>} : memref<32x200xf32, #tpu.memory_space<vmem>>, vector<16xf32>,
      %add3A_1955 = arith.constant 160 : i32
      %add3A_1956 = vector.broadcast %add3A_1955 : i32 to vector<16xi32>
      %add3A_1957 = arith.addi %iota3A, %add3A_1956 : vector<16xi32>
      %gather3A_1958 = tpu.vector_load_idx %arg7[%add3A_1957, %broadcast_in_dim3A_1874] : memref<200x32xf32, #tpu.memory_space<vmem>>[vector<16xi32>, vector<16xi32>], vector<16xf32>,
      %swap3A_1959 = arith.constant 16 : i32
      %swap3A_1960 = arith.index_cast %swap3A_1959 : i32 to index
      %swap3A_1961 = arith.constant 160 : index
      %swap3A_1962 = tpu.vector_load %arg8[%swap3A_1960, %swap3A_1961] {strides = array<i32>} : memref<32x200xf32, #tpu.memory_space<vmem>>, vector<16xf32>,
      tpu.vector_store %arg8[%swap3A_1960, %swap3A_1961], %gather3A_1958 {strides = array<i32>} : memref<32x200xf32, #tpu.memory_space<vmem>>, vector<16xf32>,
      %add3A_1963 = arith.constant 176 : i32
      %add3A_1964 = vector.broadcast %add3A_1963 : i32 to vector<16xi32>
      %add3A_1965 = arith.addi %iota3A, %add3A_1964 : vector<16xi32>
      %gather3A_1966 = tpu.vector_load_idx %arg7[%add3A_1965, %broadcast_in_dim3A_1874] : memref<200x32xf32, #tpu.memory_space<vmem>>[vector<16xi32>, vector<16xi32>], vector<16xf32>,
      %swap3A_1967 = arith.constant 16 : i32
      %swap3A_1968 = arith.index_cast %swap3A_1967 : i32 to index
      %swap3A_1969 = arith.constant 176 : index
      %swap3A_1970 = tpu.vector_load %arg8[%swap3A_1968, %swap3A_1969] {strides = array<i32>} : memref<32x200xf32, #tpu.memory_space<vmem>>, vector<16xf32>,
      tpu.vector_store %arg8[%swap3A_1968, %swap3A_1969], %gather3A_1966 {strides = array<i32>} : memref<32x200xf32, #tpu.memory_space<vmem>>, vector<16xf32>,
      %add3A_1971 = arith.constant 184 : i32
      %add3A_1972 = vector.broadcast %add3A_1971 : i32 to vector<16xi32>
      %add3A_1973 = arith.addi %iota3A, %add3A_1972 : vector<16xi32>
      %gather3A_1974 = tpu.vector_load_idx %arg7[%add3A_1973, %broadcast_in_dim3A_1874] : memref<200x32xf32, #tpu.memory_space<vmem>>[vector<16xi32>, vector<16xi32>], vector<16xf32>,
      %swap3A_1975 = arith.constant 16 : i32
      %swap3A_1976 = arith.index_cast %swap3A_1975 : i32 to index
      %swap3A_1977 = arith.constant 184 : index
      %swap3A_1978 = tpu.vector_load %arg8[%swap3A_1976, %swap3A_1977] {strides = array<i32>} : memref<32x200xf32, #tpu.memory_space<vmem>>, vector<16xf32>,
      tpu.vector_store %arg8[%swap3A_1976, %swap3A_1977], %gather3A_1974 {strides = array<i32>} : memref<32x200xf32, #tpu.memory_space<vmem>>, vector<16xf32>,
      %broadcast_in_dim3A_1979 = arith.constant 17 : i32
      %broadcast_in_dim3A_1980 = vector.broadcast %broadcast_in_dim3A_1979 : i32 to vector<16xi32>
      %add3A_1981 = arith.constant 0 : i32
      %add3A_1982 = vector.broadcast %add3A_1981 : i32 to vector<16xi32>
      %add3A_1983 = arith.addi %iota3A, %add3A_1982 : vector<16xi32>
      %gather3A_1984 = tpu.vector_load_idx %arg7[%add3A_1983, %broadcast_in_dim3A_1980] : memref<200x32xf32, #tpu.memory_space<vmem>>[vector<16xi32>, vector<16xi32>], vector<16xf32>,
      %swap3A_1985 = arith.constant 17 : i32
      %swap3A_1986 = arith.index_cast %swap3A_1985 : i32 to index
      %swap3A_1987 = arith.constant 0 : index
      %swap3A_1988 = tpu.vector_load %arg8[%swap3A_1986, %swap3A_1987] {strides = array<i32>} : memref<32x200xf32, #tpu.memory_space<vmem>>, vector<16xf32>,
      tpu.vector_store %arg8[%swap3A_1986, %swap3A_1987], %gather3A_1984 {strides = array<i32>} : memref<32x200xf32, #tpu.memory_space<vmem>>, vector<16xf32>,
      %add3A_1989 = arith.constant 16 : i32
      %add3A_1990 = vector.broadcast %add3A_1989 : i32 to vector<16xi32>
      %add3A_1991 = arith.addi %iota3A, %add3A_1990 : vector<16xi32>
      %gather3A_1992 = tpu.vector_load_idx %arg7[%add3A_1991, %broadcast_in_dim3A_1980] : memref<200x32xf32, #tpu.memory_space<vmem>>[vector<16xi32>, vector<16xi32>], vector<16xf32>,
      %swap3A_1993 = arith.constant 17 : i32
      %swap3A_1994 = arith.index_cast %swap3A_1993 : i32 to index
      %swap3A_1995 = arith.constant 16 : index
      %swap3A_1996 = tpu.vector_load %arg8[%swap3A_1994, %swap3A_1995] {strides = array<i32>} : memref<32x200xf32, #tpu.memory_space<vmem>>, vector<16xf32>,
      tpu.vector_store %arg8[%swap3A_1994, %swap3A_1995], %gather3A_1992 {strides = array<i32>} : memref<32x200xf32, #tpu.memory_space<vmem>>, vector<16xf32>,
      %add3A_1997 = arith.constant 32 : i32
      %add3A_1998 = vector.broadcast %add3A_1997 : i32 to vector<16xi32>
      %add3A_1999 = arith.addi %iota3A, %add3A_1998 : vector<16xi32>
      %gather3A_2000 = tpu.vector_load_idx %arg7[%add3A_1999, %broadcast_in_dim3A_1980] : memref<200x32xf32, #tpu.memory_space<vmem>>[vector<16xi32>, vector<16xi32>], vector<16xf32>,
      %swap3A_2001 = arith.constant 17 : i32
      %swap3A_2002 = arith.index_cast %swap3A_2001 : i32 to index
      %swap3A_2003 = arith.constant 32 : index
      %swap3A_2004 = tpu.vector_load %arg8[%swap3A_2002, %swap3A_2003] {strides = array<i32>} : memref<32x200xf32, #tpu.memory_space<vmem>>, vector<16xf32>,
      tpu.vector_store %arg8[%swap3A_2002, %swap3A_2003], %gather3A_2000 {strides = array<i32>} : memref<32x200xf32, #tpu.memory_space<vmem>>, vector<16xf32>,
      %add3A_2005 = arith.constant 48 : i32
      %add3A_2006 = vector.broadcast %add3A_2005 : i32 to vector<16xi32>
      %add3A_2007 = arith.addi %iota3A, %add3A_2006 : vector<16xi32>
      %gather3A_2008 = tpu.vector_load_idx %arg7[%add3A_2007, %broadcast_in_dim3A_1980] : memref<200x32xf32, #tpu.memory_space<vmem>>[vector<16xi32>, vector<16xi32>], vector<16xf32>,
      %swap3A_2009 = arith.constant 17 : i32
      %swap3A_2010 = arith.index_cast %swap3A_2009 : i32 to index
      %swap3A_2011 = arith.constant 48 : index
      %swap3A_2012 = tpu.vector_load %arg8[%swap3A_2010, %swap3A_2011] {strides = array<i32>} : memref<32x200xf32, #tpu.memory_space<vmem>>, vector<16xf32>,
      tpu.vector_store %arg8[%swap3A_2010, %swap3A_2011], %gather3A_2008 {strides = array<i32>} : memref<32x200xf32, #tpu.memory_space<vmem>>, vector<16xf32>,
      %add3A_2013 = arith.constant 64 : i32
      %add3A_2014 = vector.broadcast %add3A_2013 : i32 to vector<16xi32>
      %add3A_2015 = arith.addi %iota3A, %add3A_2014 : vector<16xi32>
      %gather3A_2016 = tpu.vector_load_idx %arg7[%add3A_2015, %broadcast_in_dim3A_1980] : memref<200x32xf32, #tpu.memory_space<vmem>>[vector<16xi32>, vector<16xi32>], vector<16xf32>,
      %swap3A_2017 = arith.constant 17 : i32
      %swap3A_2018 = arith.index_cast %swap3A_2017 : i32 to index
      %swap3A_2019 = arith.constant 64 : index
      %swap3A_2020 = tpu.vector_load %arg8[%swap3A_2018, %swap3A_2019] {strides = array<i32>} : memref<32x200xf32, #tpu.memory_space<vmem>>, vector<16xf32>,
      tpu.vector_store %arg8[%swap3A_2018, %swap3A_2019], %gather3A_2016 {strides = array<i32>} : memref<32x200xf32, #tpu.memory_space<vmem>>, vector<16xf32>,
      %add3A_2021 = arith.constant 80 : i32
      %add3A_2022 = vector.broadcast %add3A_2021 : i32 to vector<16xi32>
      %add3A_2023 = arith.addi %iota3A, %add3A_2022 : vector<16xi32>
      %gather3A_2024 = tpu.vector_load_idx %arg7[%add3A_2023, %broadcast_in_dim3A_1980] : memref<200x32xf32, #tpu.memory_space<vmem>>[vector<16xi32>, vector<16xi32>], vector<16xf32>,
      %swap3A_2025 = arith.constant 17 : i32
      %swap3A_2026 = arith.index_cast %swap3A_2025 : i32 to index
      %swap3A_2027 = arith.constant 80 : index
      %swap3A_2028 = tpu.vector_load %arg8[%swap3A_2026, %swap3A_2027] {strides = array<i32>} : memref<32x200xf32, #tpu.memory_space<vmem>>, vector<16xf32>,
      tpu.vector_store %arg8[%swap3A_2026, %swap3A_2027], %gather3A_2024 {strides = array<i32>} : memref<32x200xf32, #tpu.memory_space<vmem>>, vector<16xf32>,
      %add3A_2029 = arith.constant 96 : i32
      %add3A_2030 = vector.broadcast %add3A_2029 : i32 to vector<16xi32>
      %add3A_2031 = arith.addi %iota3A, %add3A_2030 : vector<16xi32>
      %gather3A_2032 = tpu.vector_load_idx %arg7[%add3A_2031, %broadcast_in_dim3A_1980] : memref<200x32xf32, #tpu.memory_space<vmem>>[vector<16xi32>, vector<16xi32>], vector<16xf32>,
      %swap3A_2033 = arith.constant 17 : i32
      %swap3A_2034 = arith.index_cast %swap3A_2033 : i32 to index
      %swap3A_2035 = arith.constant 96 : index
      %swap3A_2036 = tpu.vector_load %arg8[%swap3A_2034, %swap3A_2035] {strides = array<i32>} : memref<32x200xf32, #tpu.memory_space<vmem>>, vector<16xf32>,
      tpu.vector_store %arg8[%swap3A_2034, %swap3A_2035], %gather3A_2032 {strides = array<i32>} : memref<32x200xf32, #tpu.memory_space<vmem>>, vector<16xf32>,
      %add3A_2037 = arith.constant 112 : i32
      %add3A_2038 = vector.broadcast %add3A_2037 : i32 to vector<16xi32>
      %add3A_2039 = arith.addi %iota3A, %add3A_2038 : vector<16xi32>
      %gather3A_2040 = tpu.vector_load_idx %arg7[%add3A_2039, %broadcast_in_dim3A_1980] : memref<200x32xf32, #tpu.memory_space<vmem>>[vector<16xi32>, vector<16xi32>], vector<16xf32>,
      %swap3A_2041 = arith.constant 17 : i32
      %swap3A_2042 = arith.index_cast %swap3A_2041 : i32 to index
      %swap3A_2043 = arith.constant 112 : index
      %swap3A_2044 = tpu.vector_load %arg8[%swap3A_2042, %swap3A_2043] {strides = array<i32>} : memref<32x200xf32, #tpu.memory_space<vmem>>, vector<16xf32>,
      tpu.vector_store %arg8[%swap3A_2042, %swap3A_2043], %gather3A_2040 {strides = array<i32>} : memref<32x200xf32, #tpu.memory_space<vmem>>, vector<16xf32>,
      %add3A_2045 = arith.constant 128 : i32
      %add3A_2046 = vector.broadcast %add3A_2045 : i32 to vector<16xi32>
      %add3A_2047 = arith.addi %iota3A, %add3A_2046 : vector<16xi32>
      %gather3A_2048 = tpu.vector_load_idx %arg7[%add3A_2047, %broadcast_in_dim3A_1980] : memref<200x32xf32, #tpu.memory_space<vmem>>[vector<16xi32>, vector<16xi32>], vector<16xf32>,
      %swap3A_2049 = arith.constant 17 : i32
      %swap3A_2050 = arith.index_cast %swap3A_2049 : i32 to index
      %swap3A_2051 = arith.constant 128 : index
      %swap3A_2052 = tpu.vector_load %arg8[%swap3A_2050, %swap3A_2051] {strides = array<i32>} : memref<32x200xf32, #tpu.memory_space<vmem>>, vector<16xf32>,
      tpu.vector_store %arg8[%swap3A_2050, %swap3A_2051], %gather3A_2048 {strides = array<i32>} : memref<32x200xf32, #tpu.memory_space<vmem>>, vector<16xf32>,
      %add3A_2053 = arith.constant 144 : i32
      %add3A_2054 = vector.broadcast %add3A_2053 : i32 to vector<16xi32>
      %add3A_2055 = arith.addi %iota3A, %add3A_2054 : vector<16xi32>
      %gather3A_2056 = tpu.vector_load_idx %arg7[%add3A_2055, %broadcast_in_dim3A_1980] : memref<200x32xf32, #tpu.memory_space<vmem>>[vector<16xi32>, vector<16xi32>], vector<16xf32>,
      %swap3A_2057 = arith.constant 17 : i32
      %swap3A_2058 = arith.index_cast %swap3A_2057 : i32 to index
      %swap3A_2059 = arith.constant 144 : index
      %swap3A_2060 = tpu.vector_load %arg8[%swap3A_2058, %swap3A_2059] {strides = array<i32>} : memref<32x200xf32, #tpu.memory_space<vmem>>, vector<16xf32>,
      tpu.vector_store %arg8[%swap3A_2058, %swap3A_2059], %gather3A_2056 {strides = array<i32>} : memref<32x200xf32, #tpu.memory_space<vmem>>, vector<16xf32>,
      %add3A_2061 = arith.constant 160 : i32
      %add3A_2062 = vector.broadcast %add3A_2061 : i32 to vector<16xi32>
      %add3A_2063 = arith.addi %iota3A, %add3A_2062 : vector<16xi32>
      %gather3A_2064 = tpu.vector_load_idx %arg7[%add3A_2063, %broadcast_in_dim3A_1980] : memref<200x32xf32, #tpu.memory_space<vmem>>[vector<16xi32>, vector<16xi32>], vector<16xf32>,
      %swap3A_2065 = arith.constant 17 : i32
      %swap3A_2066 = arith.index_cast %swap3A_2065 : i32 to index
      %swap3A_2067 = arith.constant 160 : index
      %swap3A_2068 = tpu.vector_load %arg8[%swap3A_2066, %swap3A_2067] {strides = array<i32>} : memref<32x200xf32, #tpu.memory_space<vmem>>, vector<16xf32>,
      tpu.vector_store %arg8[%swap3A_2066, %swap3A_2067], %gather3A_2064 {strides = array<i32>} : memref<32x200xf32, #tpu.memory_space<vmem>>, vector<16xf32>,
      %add3A_2069 = arith.constant 176 : i32
      %add3A_2070 = vector.broadcast %add3A_2069 : i32 to vector<16xi32>
      %add3A_2071 = arith.addi %iota3A, %add3A_2070 : vector<16xi32>
      %gather3A_2072 = tpu.vector_load_idx %arg7[%add3A_2071, %broadcast_in_dim3A_1980] : memref<200x32xf32, #tpu.memory_space<vmem>>[vector<16xi32>, vector<16xi32>], vector<16xf32>,
      %swap3A_2073 = arith.constant 17 : i32
      %swap3A_2074 = arith.index_cast %swap3A_2073 : i32 to index
      %swap3A_2075 = arith.constant 176 : index
      %swap3A_2076 = tpu.vector_load %arg8[%swap3A_2074, %swap3A_2075] {strides = array<i32>} : memref<32x200xf32, #tpu.memory_space<vmem>>, vector<16xf32>,
      tpu.vector_store %arg8[%swap3A_2074, %swap3A_2075], %gather3A_2072 {strides = array<i32>} : memref<32x200xf32, #tpu.memory_space<vmem>>, vector<16xf32>,
      %add3A_2077 = arith.constant 184 : i32
      %add3A_2078 = vector.broadcast %add3A_2077 : i32 to vector<16xi32>
      %add3A_2079 = arith.addi %iota3A, %add3A_2078 : vector<16xi32>
      %gather3A_2080 = tpu.vector_load_idx %arg7[%add3A_2079, %broadcast_in_dim3A_1980] : memref<200x32xf32, #tpu.memory_space<vmem>>[vector<16xi32>, vector<16xi32>], vector<16xf32>,
      %swap3A_2081 = arith.constant 17 : i32
      %swap3A_2082 = arith.index_cast %swap3A_2081 : i32 to index
      %swap3A_2083 = arith.constant 184 : index
      %swap3A_2084 = tpu.vector_load %arg8[%swap3A_2082, %swap3A_2083] {strides = array<i32>} : memref<32x200xf32, #tpu.memory_space<vmem>>, vector<16xf32>,
      tpu.vector_store %arg8[%swap3A_2082, %swap3A_2083], %gather3A_2080 {strides = array<i32>} : memref<32x200xf32, #tpu.memory_space<vmem>>, vector<16xf32>,
      %broadcast_in_dim3A_2085 = arith.constant 18 : i32
      %broadcast_in_dim3A_2086 = vector.broadcast %broadcast_in_dim3A_2085 : i32 to vector<16xi32>
      %add3A_2087 = arith.constant 0 : i32
      %add3A_2088 = vector.broadcast %add3A_2087 : i32 to vector<16xi32>
      %add3A_2089 = arith.addi %iota3A, %add3A_2088 : vector<16xi32>
      %gather3A_2090 = tpu.vector_load_idx %arg7[%add3A_2089, %broadcast_in_dim3A_2086] : memref<200x32xf32, #tpu.memory_space<vmem>>[vector<16xi32>, vector<16xi32>], vector<16xf32>,
      %swap3A_2091 = arith.constant 18 : i32
      %swap3A_2092 = arith.index_cast %swap3A_2091 : i32 to index
      %swap3A_2093 = arith.constant 0 : index
      %swap3A_2094 = tpu.vector_load %arg8[%swap3A_2092, %swap3A_2093] {strides = array<i32>} : memref<32x200xf32, #tpu.memory_space<vmem>>, vector<16xf32>,
      tpu.vector_store %arg8[%swap3A_2092, %swap3A_2093], %gather3A_2090 {strides = array<i32>} : memref<32x200xf32, #tpu.memory_space<vmem>>, vector<16xf32>,
      %add3A_2095 = arith.constant 16 : i32
      %add3A_2096 = vector.broadcast %add3A_2095 : i32 to vector<16xi32>
      %add3A_2097 = arith.addi %iota3A, %add3A_2096 : vector<16xi32>
      %gather3A_2098 = tpu.vector_load_idx %arg7[%add3A_2097, %broadcast_in_dim3A_2086] : memref<200x32xf32, #tpu.memory_space<vmem>>[vector<16xi32>, vector<16xi32>], vector<16xf32>,
      %swap3A_2099 = arith.constant 18 : i32
      %swap3A_2100 = arith.index_cast %swap3A_2099 : i32 to index
      %swap3A_2101 = arith.constant 16 : index
      %swap3A_2102 = tpu.vector_load %arg8[%swap3A_2100, %swap3A_2101] {strides = array<i32>} : memref<32x200xf32, #tpu.memory_space<vmem>>, vector<16xf32>,
      tpu.vector_store %arg8[%swap3A_2100, %swap3A_2101], %gather3A_2098 {strides = array<i32>} : memref<32x200xf32, #tpu.memory_space<vmem>>, vector<16xf32>,
      %add3A_2103 = arith.constant 32 : i32
      %add3A_2104 = vector.broadcast %add3A_2103 : i32 to vector<16xi32>
      %add3A_2105 = arith.addi %iota3A, %add3A_2104 : vector<16xi32>
      %gather3A_2106 = tpu.vector_load_idx %arg7[%add3A_2105, %broadcast_in_dim3A_2086] : memref<200x32xf32, #tpu.memory_space<vmem>>[vector<16xi32>, vector<16xi32>], vector<16xf32>,
      %swap3A_2107 = arith.constant 18 : i32
      %swap3A_2108 = arith.index_cast %swap3A_2107 : i32 to index
      %swap3A_2109 = arith.constant 32 : index
      %swap3A_2110 = tpu.vector_load %arg8[%swap3A_2108, %swap3A_2109] {strides = array<i32>} : memref<32x200xf32, #tpu.memory_space<vmem>>, vector<16xf32>,
      tpu.vector_store %arg8[%swap3A_2108, %swap3A_2109], %gather3A_2106 {strides = array<i32>} : memref<32x200xf32, #tpu.memory_space<vmem>>, vector<16xf32>,
      %add3A_2111 = arith.constant 48 : i32
      %add3A_2112 = vector.broadcast %add3A_2111 : i32 to vector<16xi32>
      %add3A_2113 = arith.addi %iota3A, %add3A_2112 : vector<16xi32>
      %gather3A_2114 = tpu.vector_load_idx %arg7[%add3A_2113, %broadcast_in_dim3A_2086] : memref<200x32xf32, #tpu.memory_space<vmem>>[vector<16xi32>, vector<16xi32>], vector<16xf32>,
      %swap3A_2115 = arith.constant 18 : i32
      %swap3A_2116 = arith.index_cast %swap3A_2115 : i32 to index
      %swap3A_2117 = arith.constant 48 : index
      %swap3A_2118 = tpu.vector_load %arg8[%swap3A_2116, %swap3A_2117] {strides = array<i32>} : memref<32x200xf32, #tpu.memory_space<vmem>>, vector<16xf32>,
      tpu.vector_store %arg8[%swap3A_2116, %swap3A_2117], %gather3A_2114 {strides = array<i32>} : memref<32x200xf32, #tpu.memory_space<vmem>>, vector<16xf32>,
      %add3A_2119 = arith.constant 64 : i32
      %add3A_2120 = vector.broadcast %add3A_2119 : i32 to vector<16xi32>
      %add3A_2121 = arith.addi %iota3A, %add3A_2120 : vector<16xi32>
      %gather3A_2122 = tpu.vector_load_idx %arg7[%add3A_2121, %broadcast_in_dim3A_2086] : memref<200x32xf32, #tpu.memory_space<vmem>>[vector<16xi32>, vector<16xi32>], vector<16xf32>,
      %swap3A_2123 = arith.constant 18 : i32
      %swap3A_2124 = arith.index_cast %swap3A_2123 : i32 to index
      %swap3A_2125 = arith.constant 64 : index
      %swap3A_2126 = tpu.vector_load %arg8[%swap3A_2124, %swap3A_2125] {strides = array<i32>} : memref<32x200xf32, #tpu.memory_space<vmem>>, vector<16xf32>,
      tpu.vector_store %arg8[%swap3A_2124, %swap3A_2125], %gather3A_2122 {strides = array<i32>} : memref<32x200xf32, #tpu.memory_space<vmem>>, vector<16xf32>,
      %add3A_2127 = arith.constant 80 : i32
      %add3A_2128 = vector.broadcast %add3A_2127 : i32 to vector<16xi32>
      %add3A_2129 = arith.addi %iota3A, %add3A_2128 : vector<16xi32>
      %gather3A_2130 = tpu.vector_load_idx %arg7[%add3A_2129, %broadcast_in_dim3A_2086] : memref<200x32xf32, #tpu.memory_space<vmem>>[vector<16xi32>, vector<16xi32>], vector<16xf32>,
      %swap3A_2131 = arith.constant 18 : i32
      %swap3A_2132 = arith.index_cast %swap3A_2131 : i32 to index
      %swap3A_2133 = arith.constant 80 : index
      %swap3A_2134 = tpu.vector_load %arg8[%swap3A_2132, %swap3A_2133] {strides = array<i32>} : memref<32x200xf32, #tpu.memory_space<vmem>>, vector<16xf32>,
      tpu.vector_store %arg8[%swap3A_2132, %swap3A_2133], %gather3A_2130 {strides = array<i32>} : memref<32x200xf32, #tpu.memory_space<vmem>>, vector<16xf32>,
      %add3A_2135 = arith.constant 96 : i32
      %add3A_2136 = vector.broadcast %add3A_2135 : i32 to vector<16xi32>
      %add3A_2137 = arith.addi %iota3A, %add3A_2136 : vector<16xi32>
      %gather3A_2138 = tpu.vector_load_idx %arg7[%add3A_2137, %broadcast_in_dim3A_2086] : memref<200x32xf32, #tpu.memory_space<vmem>>[vector<16xi32>, vector<16xi32>], vector<16xf32>,
      %swap3A_2139 = arith.constant 18 : i32
      %swap3A_2140 = arith.index_cast %swap3A_2139 : i32 to index
      %swap3A_2141 = arith.constant 96 : index
      %swap3A_2142 = tpu.vector_load %arg8[%swap3A_2140, %swap3A_2141] {strides = array<i32>} : memref<32x200xf32, #tpu.memory_space<vmem>>, vector<16xf32>,
      tpu.vector_store %arg8[%swap3A_2140, %swap3A_2141], %gather3A_2138 {strides = array<i32>} : memref<32x200xf32, #tpu.memory_space<vmem>>, vector<16xf32>,
      %add3A_2143 = arith.constant 112 : i32
      %add3A_2144 = vector.broadcast %add3A_2143 : i32 to vector<16xi32>
      %add3A_2145 = arith.addi %iota3A, %add3A_2144 : vector<16xi32>
      %gather3A_2146 = tpu.vector_load_idx %arg7[%add3A_2145, %broadcast_in_dim3A_2086] : memref<200x32xf32, #tpu.memory_space<vmem>>[vector<16xi32>, vector<16xi32>], vector<16xf32>,
      %swap3A_2147 = arith.constant 18 : i32
      %swap3A_2148 = arith.index_cast %swap3A_2147 : i32 to index
      %swap3A_2149 = arith.constant 112 : index
      %swap3A_2150 = tpu.vector_load %arg8[%swap3A_2148, %swap3A_2149] {strides = array<i32>} : memref<32x200xf32, #tpu.memory_space<vmem>>, vector<16xf32>,
      tpu.vector_store %arg8[%swap3A_2148, %swap3A_2149], %gather3A_2146 {strides = array<i32>} : memref<32x200xf32, #tpu.memory_space<vmem>>, vector<16xf32>,
      %add3A_2151 = arith.constant 128 : i32
      %add3A_2152 = vector.broadcast %add3A_2151 : i32 to vector<16xi32>
      %add3A_2153 = arith.addi %iota3A, %add3A_2152 : vector<16xi32>
      %gather3A_2154 = tpu.vector_load_idx %arg7[%add3A_2153, %broadcast_in_dim3A_2086] : memref<200x32xf32, #tpu.memory_space<vmem>>[vector<16xi32>, vector<16xi32>], vector<16xf32>,
      %swap3A_2155 = arith.constant 18 : i32
      %swap3A_2156 = arith.index_cast %swap3A_2155 : i32 to index
      %swap3A_2157 = arith.constant 128 : index
      %swap3A_2158 = tpu.vector_load %arg8[%swap3A_2156, %swap3A_2157] {strides = array<i32>} : memref<32x200xf32, #tpu.memory_space<vmem>>, vector<16xf32>,
      tpu.vector_store %arg8[%swap3A_2156, %swap3A_2157], %gather3A_2154 {strides = array<i32>} : memref<32x200xf32, #tpu.memory_space<vmem>>, vector<16xf32>,
      %add3A_2159 = arith.constant 144 : i32
      %add3A_2160 = vector.broadcast %add3A_2159 : i32 to vector<16xi32>
      %add3A_2161 = arith.addi %iota3A, %add3A_2160 : vector<16xi32>
      %gather3A_2162 = tpu.vector_load_idx %arg7[%add3A_2161, %broadcast_in_dim3A_2086] : memref<200x32xf32, #tpu.memory_space<vmem>>[vector<16xi32>, vector<16xi32>], vector<16xf32>,
      %swap3A_2163 = arith.constant 18 : i32
      %swap3A_2164 = arith.index_cast %swap3A_2163 : i32 to index
      %swap3A_2165 = arith.constant 144 : index
      %swap3A_2166 = tpu.vector_load %arg8[%swap3A_2164, %swap3A_2165] {strides = array<i32>} : memref<32x200xf32, #tpu.memory_space<vmem>>, vector<16xf32>,
      tpu.vector_store %arg8[%swap3A_2164, %swap3A_2165], %gather3A_2162 {strides = array<i32>} : memref<32x200xf32, #tpu.memory_space<vmem>>, vector<16xf32>,
      %add3A_2167 = arith.constant 160 : i32
      %add3A_2168 = vector.broadcast %add3A_2167 : i32 to vector<16xi32>
      %add3A_2169 = arith.addi %iota3A, %add3A_2168 : vector<16xi32>
      %gather3A_2170 = tpu.vector_load_idx %arg7[%add3A_2169, %broadcast_in_dim3A_2086] : memref<200x32xf32, #tpu.memory_space<vmem>>[vector<16xi32>, vector<16xi32>], vector<16xf32>,
      %swap3A_2171 = arith.constant 18 : i32
      %swap3A_2172 = arith.index_cast %swap3A_2171 : i32 to index
      %swap3A_2173 = arith.constant 160 : index
      %swap3A_2174 = tpu.vector_load %arg8[%swap3A_2172, %swap3A_2173] {strides = array<i32>} : memref<32x200xf32, #tpu.memory_space<vmem>>, vector<16xf32>,
      tpu.vector_store %arg8[%swap3A_2172, %swap3A_2173], %gather3A_2170 {strides = array<i32>} : memref<32x200xf32, #tpu.memory_space<vmem>>, vector<16xf32>,
      %add3A_2175 = arith.constant 176 : i32
      %add3A_2176 = vector.broadcast %add3A_2175 : i32 to vector<16xi32>
      %add3A_2177 = arith.addi %iota3A, %add3A_2176 : vector<16xi32>
      %gather3A_2178 = tpu.vector_load_idx %arg7[%add3A_2177, %broadcast_in_dim3A_2086] : memref<200x32xf32, #tpu.memory_space<vmem>>[vector<16xi32>, vector<16xi32>], vector<16xf32>,
      %swap3A_2179 = arith.constant 18 : i32
      %swap3A_2180 = arith.index_cast %swap3A_2179 : i32 to index
      %swap3A_2181 = arith.constant 176 : index
      %swap3A_2182 = tpu.vector_load %arg8[%swap3A_2180, %swap3A_2181] {strides = array<i32>} : memref<32x200xf32, #tpu.memory_space<vmem>>, vector<16xf32>,
      tpu.vector_store %arg8[%swap3A_2180, %swap3A_2181], %gather3A_2178 {strides = array<i32>} : memref<32x200xf32, #tpu.memory_space<vmem>>, vector<16xf32>,
      %add3A_2183 = arith.constant 184 : i32
      %add3A_2184 = vector.broadcast %add3A_2183 : i32 to vector<16xi32>
      %add3A_2185 = arith.addi %iota3A, %add3A_2184 : vector<16xi32>
      %gather3A_2186 = tpu.vector_load_idx %arg7[%add3A_2185, %broadcast_in_dim3A_2086] : memref<200x32xf32, #tpu.memory_space<vmem>>[vector<16xi32>, vector<16xi32>], vector<16xf32>,
      %swap3A_2187 = arith.constant 18 : i32
      %swap3A_2188 = arith.index_cast %swap3A_2187 : i32 to index
      %swap3A_2189 = arith.constant 184 : index
      %swap3A_2190 = tpu.vector_load %arg8[%swap3A_2188, %swap3A_2189] {strides = array<i32>} : memref<32x200xf32, #tpu.memory_space<vmem>>, vector<16xf32>,
      tpu.vector_store %arg8[%swap3A_2188, %swap3A_2189], %gather3A_2186 {strides = array<i32>} : memref<32x200xf32, #tpu.memory_space<vmem>>, vector<16xf32>,
      %broadcast_in_dim3A_2191 = arith.constant 19 : i32
      %broadcast_in_dim3A_2192 = vector.broadcast %broadcast_in_dim3A_2191 : i32 to vector<16xi32>
      %add3A_2193 = arith.constant 0 : i32
      %add3A_2194 = vector.broadcast %add3A_2193 : i32 to vector<16xi32>
      %add3A_2195 = arith.addi %iota3A, %add3A_2194 : vector<16xi32>
      %gather3A_2196 = tpu.vector_load_idx %arg7[%add3A_2195, %broadcast_in_dim3A_2192] : memref<200x32xf32, #tpu.memory_space<vmem>>[vector<16xi32>, vector<16xi32>], vector<16xf32>,
      %swap3A_2197 = arith.constant 19 : i32
      %swap3A_2198 = arith.index_cast %swap3A_2197 : i32 to index
      %swap3A_2199 = arith.constant 0 : index
      %swap3A_2200 = tpu.vector_load %arg8[%swap3A_2198, %swap3A_2199] {strides = array<i32>} : memref<32x200xf32, #tpu.memory_space<vmem>>, vector<16xf32>,
      tpu.vector_store %arg8[%swap3A_2198, %swap3A_2199], %gather3A_2196 {strides = array<i32>} : memref<32x200xf32, #tpu.memory_space<vmem>>, vector<16xf32>,
      %add3A_2201 = arith.constant 16 : i32
      %add3A_2202 = vector.broadcast %add3A_2201 : i32 to vector<16xi32>
      %add3A_2203 = arith.addi %iota3A, %add3A_2202 : vector<16xi32>
      %gather3A_2204 = tpu.vector_load_idx %arg7[%add3A_2203, %broadcast_in_dim3A_2192] : memref<200x32xf32, #tpu.memory_space<vmem>>[vector<16xi32>, vector<16xi32>], vector<16xf32>,
      %swap3A_2205 = arith.constant 19 : i32
      %swap3A_2206 = arith.index_cast %swap3A_2205 : i32 to index
      %swap3A_2207 = arith.constant 16 : index
      %swap3A_2208 = tpu.vector_load %arg8[%swap3A_2206, %swap3A_2207] {strides = array<i32>} : memref<32x200xf32, #tpu.memory_space<vmem>>, vector<16xf32>,
      tpu.vector_store %arg8[%swap3A_2206, %swap3A_2207], %gather3A_2204 {strides = array<i32>} : memref<32x200xf32, #tpu.memory_space<vmem>>, vector<16xf32>,
      %add3A_2209 = arith.constant 32 : i32
      %add3A_2210 = vector.broadcast %add3A_2209 : i32 to vector<16xi32>
      %add3A_2211 = arith.addi %iota3A, %add3A_2210 : vector<16xi32>
      %gather3A_2212 = tpu.vector_load_idx %arg7[%add3A_2211, %broadcast_in_dim3A_2192] : memref<200x32xf32, #tpu.memory_space<vmem>>[vector<16xi32>, vector<16xi32>], vector<16xf32>,
      %swap3A_2213 = arith.constant 19 : i32
      %swap3A_2214 = arith.index_cast %swap3A_2213 : i32 to index
      %swap3A_2215 = arith.constant 32 : index
      %swap3A_2216 = tpu.vector_load %arg8[%swap3A_2214, %swap3A_2215] {strides = array<i32>} : memref<32x200xf32, #tpu.memory_space<vmem>>, vector<16xf32>,
      tpu.vector_store %arg8[%swap3A_2214, %swap3A_2215], %gather3A_2212 {strides = array<i32>} : memref<32x200xf32, #tpu.memory_space<vmem>>, vector<16xf32>,
      %add3A_2217 = arith.constant 48 : i32
      %add3A_2218 = vector.broadcast %add3A_2217 : i32 to vector<16xi32>
      %add3A_2219 = arith.addi %iota3A, %add3A_2218 : vector<16xi32>
      %gather3A_2220 = tpu.vector_load_idx %arg7[%add3A_2219, %broadcast_in_dim3A_2192] : memref<200x32xf32, #tpu.memory_space<vmem>>[vector<16xi32>, vector<16xi32>], vector<16xf32>,
      %swap3A_2221 = arith.constant 19 : i32
      %swap3A_2222 = arith.index_cast %swap3A_2221 : i32 to index
      %swap3A_2223 = arith.constant 48 : index
      %swap3A_2224 = tpu.vector_load %arg8[%swap3A_2222, %swap3A_2223] {strides = array<i32>} : memref<32x200xf32, #tpu.memory_space<vmem>>, vector<16xf32>,
      tpu.vector_store %arg8[%swap3A_2222, %swap3A_2223], %gather3A_2220 {strides = array<i32>} : memref<32x200xf32, #tpu.memory_space<vmem>>, vector<16xf32>,
      %add3A_2225 = arith.constant 64 : i32
      %add3A_2226 = vector.broadcast %add3A_2225 : i32 to vector<16xi32>
      %add3A_2227 = arith.addi %iota3A, %add3A_2226 : vector<16xi32>
      %gather3A_2228 = tpu.vector_load_idx %arg7[%add3A_2227, %broadcast_in_dim3A_2192] : memref<200x32xf32, #tpu.memory_space<vmem>>[vector<16xi32>, vector<16xi32>], vector<16xf32>,
      %swap3A_2229 = arith.constant 19 : i32
      %swap3A_2230 = arith.index_cast %swap3A_2229 : i32 to index
      %swap3A_2231 = arith.constant 64 : index
      %swap3A_2232 = tpu.vector_load %arg8[%swap3A_2230, %swap3A_2231] {strides = array<i32>} : memref<32x200xf32, #tpu.memory_space<vmem>>, vector<16xf32>,
      tpu.vector_store %arg8[%swap3A_2230, %swap3A_2231], %gather3A_2228 {strides = array<i32>} : memref<32x200xf32, #tpu.memory_space<vmem>>, vector<16xf32>,
      %add3A_2233 = arith.constant 80 : i32
      %add3A_2234 = vector.broadcast %add3A_2233 : i32 to vector<16xi32>
      %add3A_2235 = arith.addi %iota3A, %add3A_2234 : vector<16xi32>
      %gather3A_2236 = tpu.vector_load_idx %arg7[%add3A_2235, %broadcast_in_dim3A_2192] : memref<200x32xf32, #tpu.memory_space<vmem>>[vector<16xi32>, vector<16xi32>], vector<16xf32>,
      %swap3A_2237 = arith.constant 19 : i32
      %swap3A_2238 = arith.index_cast %swap3A_2237 : i32 to index
      %swap3A_2239 = arith.constant 80 : index
      %swap3A_2240 = tpu.vector_load %arg8[%swap3A_2238, %swap3A_2239] {strides = array<i32>} : memref<32x200xf32, #tpu.memory_space<vmem>>, vector<16xf32>,
      tpu.vector_store %arg8[%swap3A_2238, %swap3A_2239], %gather3A_2236 {strides = array<i32>} : memref<32x200xf32, #tpu.memory_space<vmem>>, vector<16xf32>,
      %add3A_2241 = arith.constant 96 : i32
      %add3A_2242 = vector.broadcast %add3A_2241 : i32 to vector<16xi32>
      %add3A_2243 = arith.addi %iota3A, %add3A_2242 : vector<16xi32>
      %gather3A_2244 = tpu.vector_load_idx %arg7[%add3A_2243, %broadcast_in_dim3A_2192] : memref<200x32xf32, #tpu.memory_space<vmem>>[vector<16xi32>, vector<16xi32>], vector<16xf32>,
      %swap3A_2245 = arith.constant 19 : i32
      %swap3A_2246 = arith.index_cast %swap3A_2245 : i32 to index
      %swap3A_2247 = arith.constant 96 : index
      %swap3A_2248 = tpu.vector_load %arg8[%swap3A_2246, %swap3A_2247] {strides = array<i32>} : memref<32x200xf32, #tpu.memory_space<vmem>>, vector<16xf32>,
      tpu.vector_store %arg8[%swap3A_2246, %swap3A_2247], %gather3A_2244 {strides = array<i32>} : memref<32x200xf32, #tpu.memory_space<vmem>>, vector<16xf32>,
      %add3A_2249 = arith.constant 112 : i32
      %add3A_2250 = vector.broadcast %add3A_2249 : i32 to vector<16xi32>
      %add3A_2251 = arith.addi %iota3A, %add3A_2250 : vector<16xi32>
      %gather3A_2252 = tpu.vector_load_idx %arg7[%add3A_2251, %broadcast_in_dim3A_2192] : memref<200x32xf32, #tpu.memory_space<vmem>>[vector<16xi32>, vector<16xi32>], vector<16xf32>,
      %swap3A_2253 = arith.constant 19 : i32
      %swap3A_2254 = arith.index_cast %swap3A_2253 : i32 to index
      %swap3A_2255 = arith.constant 112 : index
      %swap3A_2256 = tpu.vector_load %arg8[%swap3A_2254, %swap3A_2255] {strides = array<i32>} : memref<32x200xf32, #tpu.memory_space<vmem>>, vector<16xf32>,
      tpu.vector_store %arg8[%swap3A_2254, %swap3A_2255], %gather3A_2252 {strides = array<i32>} : memref<32x200xf32, #tpu.memory_space<vmem>>, vector<16xf32>,
      %add3A_2257 = arith.constant 128 : i32
      %add3A_2258 = vector.broadcast %add3A_2257 : i32 to vector<16xi32>
      %add3A_2259 = arith.addi %iota3A, %add3A_2258 : vector<16xi32>
      %gather3A_2260 = tpu.vector_load_idx %arg7[%add3A_2259, %broadcast_in_dim3A_2192] : memref<200x32xf32, #tpu.memory_space<vmem>>[vector<16xi32>, vector<16xi32>], vector<16xf32>,
      %swap3A_2261 = arith.constant 19 : i32
      %swap3A_2262 = arith.index_cast %swap3A_2261 : i32 to index
      %swap3A_2263 = arith.constant 128 : index
      %swap3A_2264 = tpu.vector_load %arg8[%swap3A_2262, %swap3A_2263] {strides = array<i32>} : memref<32x200xf32, #tpu.memory_space<vmem>>, vector<16xf32>,
      tpu.vector_store %arg8[%swap3A_2262, %swap3A_2263], %gather3A_2260 {strides = array<i32>} : memref<32x200xf32, #tpu.memory_space<vmem>>, vector<16xf32>,
      %add3A_2265 = arith.constant 144 : i32
      %add3A_2266 = vector.broadcast %add3A_2265 : i32 to vector<16xi32>
      %add3A_2267 = arith.addi %iota3A, %add3A_2266 : vector<16xi32>
      %gather3A_2268 = tpu.vector_load_idx %arg7[%add3A_2267, %broadcast_in_dim3A_2192] : memref<200x32xf32, #tpu.memory_space<vmem>>[vector<16xi32>, vector<16xi32>], vector<16xf32>,
      %swap3A_2269 = arith.constant 19 : i32
      %swap3A_2270 = arith.index_cast %swap3A_2269 : i32 to index
      %swap3A_2271 = arith.constant 144 : index
      %swap3A_2272 = tpu.vector_load %arg8[%swap3A_2270, %swap3A_2271] {strides = array<i32>} : memref<32x200xf32, #tpu.memory_space<vmem>>, vector<16xf32>,
      tpu.vector_store %arg8[%swap3A_2270, %swap3A_2271], %gather3A_2268 {strides = array<i32>} : memref<32x200xf32, #tpu.memory_space<vmem>>, vector<16xf32>,
      %add3A_2273 = arith.constant 160 : i32
      %add3A_2274 = vector.broadcast %add3A_2273 : i32 to vector<16xi32>
      %add3A_2275 = arith.addi %iota3A, %add3A_2274 : vector<16xi32>
      %gather3A_2276 = tpu.vector_load_idx %arg7[%add3A_2275, %broadcast_in_dim3A_2192] : memref<200x32xf32, #tpu.memory_space<vmem>>[vector<16xi32>, vector<16xi32>], vector<16xf32>,
      %swap3A_2277 = arith.constant 19 : i32
      %swap3A_2278 = arith.index_cast %swap3A_2277 : i32 to index
      %swap3A_2279 = arith.constant 160 : index
      %swap3A_2280 = tpu.vector_load %arg8[%swap3A_2278, %swap3A_2279] {strides = array<i32>} : memref<32x200xf32, #tpu.memory_space<vmem>>, vector<16xf32>,
      tpu.vector_store %arg8[%swap3A_2278, %swap3A_2279], %gather3A_2276 {strides = array<i32>} : memref<32x200xf32, #tpu.memory_space<vmem>>, vector<16xf32>,
      %add3A_2281 = arith.constant 176 : i32
      %add3A_2282 = vector.broadcast %add3A_2281 : i32 to vector<16xi32>
      %add3A_2283 = arith.addi %iota3A, %add3A_2282 : vector<16xi32>
      %gather3A_2284 = tpu.vector_load_idx %arg7[%add3A_2283, %broadcast_in_dim3A_2192] : memref<200x32xf32, #tpu.memory_space<vmem>>[vector<16xi32>, vector<16xi32>], vector<16xf32>,
      %swap3A_2285 = arith.constant 19 : i32
      %swap3A_2286 = arith.index_cast %swap3A_2285 : i32 to index
      %swap3A_2287 = arith.constant 176 : index
      %swap3A_2288 = tpu.vector_load %arg8[%swap3A_2286, %swap3A_2287] {strides = array<i32>} : memref<32x200xf32, #tpu.memory_space<vmem>>, vector<16xf32>,
      tpu.vector_store %arg8[%swap3A_2286, %swap3A_2287], %gather3A_2284 {strides = array<i32>} : memref<32x200xf32, #tpu.memory_space<vmem>>, vector<16xf32>,
      %add3A_2289 = arith.constant 184 : i32
      %add3A_2290 = vector.broadcast %add3A_2289 : i32 to vector<16xi32>
      %add3A_2291 = arith.addi %iota3A, %add3A_2290 : vector<16xi32>
      %gather3A_2292 = tpu.vector_load_idx %arg7[%add3A_2291, %broadcast_in_dim3A_2192] : memref<200x32xf32, #tpu.memory_space<vmem>>[vector<16xi32>, vector<16xi32>], vector<16xf32>,
      %swap3A_2293 = arith.constant 19 : i32
      %swap3A_2294 = arith.index_cast %swap3A_2293 : i32 to index
      %swap3A_2295 = arith.constant 184 : index
      %swap3A_2296 = tpu.vector_load %arg8[%swap3A_2294, %swap3A_2295] {strides = array<i32>} : memref<32x200xf32, #tpu.memory_space<vmem>>, vector<16xf32>,
      tpu.vector_store %arg8[%swap3A_2294, %swap3A_2295], %gather3A_2292 {strides = array<i32>} : memref<32x200xf32, #tpu.memory_space<vmem>>, vector<16xf32>,
      %broadcast_in_dim3A_2297 = arith.constant 20 : i32
      %broadcast_in_dim3A_2298 = vector.broadcast %broadcast_in_dim3A_2297 : i32 to vector<16xi32>
      %add3A_2299 = arith.constant 0 : i32
      %add3A_2300 = vector.broadcast %add3A_2299 : i32 to vector<16xi32>
      %add3A_2301 = arith.addi %iota3A, %add3A_2300 : vector<16xi32>
      %gather3A_2302 = tpu.vector_load_idx %arg7[%add3A_2301, %broadcast_in_dim3A_2298] : memref<200x32xf32, #tpu.memory_space<vmem>>[vector<16xi32>, vector<16xi32>], vector<16xf32>,
      %swap3A_2303 = arith.constant 20 : i32
      %swap3A_2304 = arith.index_cast %swap3A_2303 : i32 to index
      %swap3A_2305 = arith.constant 0 : index
      %swap3A_2306 = tpu.vector_load %arg8[%swap3A_2304, %swap3A_2305] {strides = array<i32>} : memref<32x200xf32, #tpu.memory_space<vmem>>, vector<16xf32>,
      tpu.vector_store %arg8[%swap3A_2304, %swap3A_2305], %gather3A_2302 {strides = array<i32>} : memref<32x200xf32, #tpu.memory_space<vmem>>, vector<16xf32>,
      %add3A_2307 = arith.constant 16 : i32
      %add3A_2308 = vector.broadcast %add3A_2307 : i32 to vector<16xi32>
      %add3A_2309 = arith.addi %iota3A, %add3A_2308 : vector<16xi32>
      %gather3A_2310 = tpu.vector_load_idx %arg7[%add3A_2309, %broadcast_in_dim3A_2298] : memref<200x32xf32, #tpu.memory_space<vmem>>[vector<16xi32>, vector<16xi32>], vector<16xf32>,
      %swap3A_2311 = arith.constant 20 : i32
      %swap3A_2312 = arith.index_cast %swap3A_2311 : i32 to index
      %swap3A_2313 = arith.constant 16 : index
      %swap3A_2314 = tpu.vector_load %arg8[%swap3A_2312, %swap3A_2313] {strides = array<i32>} : memref<32x200xf32, #tpu.memory_space<vmem>>, vector<16xf32>,
      tpu.vector_store %arg8[%swap3A_2312, %swap3A_2313], %gather3A_2310 {strides = array<i32>} : memref<32x200xf32, #tpu.memory_space<vmem>>, vector<16xf32>,
      %add3A_2315 = arith.constant 32 : i32
      %add3A_2316 = vector.broadcast %add3A_2315 : i32 to vector<16xi32>
      %add3A_2317 = arith.addi %iota3A, %add3A_2316 : vector<16xi32>
      %gather3A_2318 = tpu.vector_load_idx %arg7[%add3A_2317, %broadcast_in_dim3A_2298] : memref<200x32xf32, #tpu.memory_space<vmem>>[vector<16xi32>, vector<16xi32>], vector<16xf32>,
      %swap3A_2319 = arith.constant 20 : i32
      %swap3A_2320 = arith.index_cast %swap3A_2319 : i32 to index
      %swap3A_2321 = arith.constant 32 : index
      %swap3A_2322 = tpu.vector_load %arg8[%swap3A_2320, %swap3A_2321] {strides = array<i32>} : memref<32x200xf32, #tpu.memory_space<vmem>>, vector<16xf32>,
      tpu.vector_store %arg8[%swap3A_2320, %swap3A_2321], %gather3A_2318 {strides = array<i32>} : memref<32x200xf32, #tpu.memory_space<vmem>>, vector<16xf32>,
      %add3A_2323 = arith.constant 48 : i32
      %add3A_2324 = vector.broadcast %add3A_2323 : i32 to vector<16xi32>
      %add3A_2325 = arith.addi %iota3A, %add3A_2324 : vector<16xi32>
      %gather3A_2326 = tpu.vector_load_idx %arg7[%add3A_2325, %broadcast_in_dim3A_2298] : memref<200x32xf32, #tpu.memory_space<vmem>>[vector<16xi32>, vector<16xi32>], vector<16xf32>,
      %swap3A_2327 = arith.constant 20 : i32
      %swap3A_2328 = arith.index_cast %swap3A_2327 : i32 to index
      %swap3A_2329 = arith.constant 48 : index
      %swap3A_2330 = tpu.vector_load %arg8[%swap3A_2328, %swap3A_2329] {strides = array<i32>} : memref<32x200xf32, #tpu.memory_space<vmem>>, vector<16xf32>,
      tpu.vector_store %arg8[%swap3A_2328, %swap3A_2329], %gather3A_2326 {strides = array<i32>} : memref<32x200xf32, #tpu.memory_space<vmem>>, vector<16xf32>,
      %add3A_2331 = arith.constant 64 : i32
      %add3A_2332 = vector.broadcast %add3A_2331 : i32 to vector<16xi32>
      %add3A_2333 = arith.addi %iota3A, %add3A_2332 : vector<16xi32>
      %gather3A_2334 = tpu.vector_load_idx %arg7[%add3A_2333, %broadcast_in_dim3A_2298] : memref<200x32xf32, #tpu.memory_space<vmem>>[vector<16xi32>, vector<16xi32>], vector<16xf32>,
      %swap3A_2335 = arith.constant 20 : i32
      %swap3A_2336 = arith.index_cast %swap3A_2335 : i32 to index
      %swap3A_2337 = arith.constant 64 : index
      %swap3A_2338 = tpu.vector_load %arg8[%swap3A_2336, %swap3A_2337] {strides = array<i32>} : memref<32x200xf32, #tpu.memory_space<vmem>>, vector<16xf32>,
      tpu.vector_store %arg8[%swap3A_2336, %swap3A_2337], %gather3A_2334 {strides = array<i32>} : memref<32x200xf32, #tpu.memory_space<vmem>>, vector<16xf32>,
      %add3A_2339 = arith.constant 80 : i32
      %add3A_2340 = vector.broadcast %add3A_2339 : i32 to vector<16xi32>
      %add3A_2341 = arith.addi %iota3A, %add3A_2340 : vector<16xi32>
      %gather3A_2342 = tpu.vector_load_idx %arg7[%add3A_2341, %broadcast_in_dim3A_2298] : memref<200x32xf32, #tpu.memory_space<vmem>>[vector<16xi32>, vector<16xi32>], vector<16xf32>,
      %swap3A_2343 = arith.constant 20 : i32
      %swap3A_2344 = arith.index_cast %swap3A_2343 : i32 to index
      %swap3A_2345 = arith.constant 80 : index
      %swap3A_2346 = tpu.vector_load %arg8[%swap3A_2344, %swap3A_2345] {strides = array<i32>} : memref<32x200xf32, #tpu.memory_space<vmem>>, vector<16xf32>,
      tpu.vector_store %arg8[%swap3A_2344, %swap3A_2345], %gather3A_2342 {strides = array<i32>} : memref<32x200xf32, #tpu.memory_space<vmem>>, vector<16xf32>,
      %add3A_2347 = arith.constant 96 : i32
      %add3A_2348 = vector.broadcast %add3A_2347 : i32 to vector<16xi32>
      %add3A_2349 = arith.addi %iota3A, %add3A_2348 : vector<16xi32>
      %gather3A_2350 = tpu.vector_load_idx %arg7[%add3A_2349, %broadcast_in_dim3A_2298] : memref<200x32xf32, #tpu.memory_space<vmem>>[vector<16xi32>, vector<16xi32>], vector<16xf32>,
      %swap3A_2351 = arith.constant 20 : i32
      %swap3A_2352 = arith.index_cast %swap3A_2351 : i32 to index
      %swap3A_2353 = arith.constant 96 : index
      %swap3A_2354 = tpu.vector_load %arg8[%swap3A_2352, %swap3A_2353] {strides = array<i32>} : memref<32x200xf32, #tpu.memory_space<vmem>>, vector<16xf32>,
      tpu.vector_store %arg8[%swap3A_2352, %swap3A_2353], %gather3A_2350 {strides = array<i32>} : memref<32x200xf32, #tpu.memory_space<vmem>>, vector<16xf32>,
      %add3A_2355 = arith.constant 112 : i32
      %add3A_2356 = vector.broadcast %add3A_2355 : i32 to vector<16xi32>
      %add3A_2357 = arith.addi %iota3A, %add3A_2356 : vector<16xi32>
      %gather3A_2358 = tpu.vector_load_idx %arg7[%add3A_2357, %broadcast_in_dim3A_2298] : memref<200x32xf32, #tpu.memory_space<vmem>>[vector<16xi32>, vector<16xi32>], vector<16xf32>,
      %swap3A_2359 = arith.constant 20 : i32
      %swap3A_2360 = arith.index_cast %swap3A_2359 : i32 to index
      %swap3A_2361 = arith.constant 112 : index
      %swap3A_2362 = tpu.vector_load %arg8[%swap3A_2360, %swap3A_2361] {strides = array<i32>} : memref<32x200xf32, #tpu.memory_space<vmem>>, vector<16xf32>,
      tpu.vector_store %arg8[%swap3A_2360, %swap3A_2361], %gather3A_2358 {strides = array<i32>} : memref<32x200xf32, #tpu.memory_space<vmem>>, vector<16xf32>,
      %add3A_2363 = arith.constant 128 : i32
      %add3A_2364 = vector.broadcast %add3A_2363 : i32 to vector<16xi32>
      %add3A_2365 = arith.addi %iota3A, %add3A_2364 : vector<16xi32>
      %gather3A_2366 = tpu.vector_load_idx %arg7[%add3A_2365, %broadcast_in_dim3A_2298] : memref<200x32xf32, #tpu.memory_space<vmem>>[vector<16xi32>, vector<16xi32>], vector<16xf32>,
      %swap3A_2367 = arith.constant 20 : i32
      %swap3A_2368 = arith.index_cast %swap3A_2367 : i32 to index
      %swap3A_2369 = arith.constant 128 : index
      %swap3A_2370 = tpu.vector_load %arg8[%swap3A_2368, %swap3A_2369] {strides = array<i32>} : memref<32x200xf32, #tpu.memory_space<vmem>>, vector<16xf32>,
      tpu.vector_store %arg8[%swap3A_2368, %swap3A_2369], %gather3A_2366 {strides = array<i32>} : memref<32x200xf32, #tpu.memory_space<vmem>>, vector<16xf32>,
      %add3A_2371 = arith.constant 144 : i32
      %add3A_2372 = vector.broadcast %add3A_2371 : i32 to vector<16xi32>
      %add3A_2373 = arith.addi %iota3A, %add3A_2372 : vector<16xi32>
      %gather3A_2374 = tpu.vector_load_idx %arg7[%add3A_2373, %broadcast_in_dim3A_2298] : memref<200x32xf32, #tpu.memory_space<vmem>>[vector<16xi32>, vector<16xi32>], vector<16xf32>,
      %swap3A_2375 = arith.constant 20 : i32
      %swap3A_2376 = arith.index_cast %swap3A_2375 : i32 to index
      %swap3A_2377 = arith.constant 144 : index
      %swap3A_2378 = tpu.vector_load %arg8[%swap3A_2376, %swap3A_2377] {strides = array<i32>} : memref<32x200xf32, #tpu.memory_space<vmem>>, vector<16xf32>,
      tpu.vector_store %arg8[%swap3A_2376, %swap3A_2377], %gather3A_2374 {strides = array<i32>} : memref<32x200xf32, #tpu.memory_space<vmem>>, vector<16xf32>,
      %add3A_2379 = arith.constant 160 : i32
      %add3A_2380 = vector.broadcast %add3A_2379 : i32 to vector<16xi32>
      %add3A_2381 = arith.addi %iota3A, %add3A_2380 : vector<16xi32>
      %gather3A_2382 = tpu.vector_load_idx %arg7[%add3A_2381, %broadcast_in_dim3A_2298] : memref<200x32xf32, #tpu.memory_space<vmem>>[vector<16xi32>, vector<16xi32>], vector<16xf32>,
      %swap3A_2383 = arith.constant 20 : i32
      %swap3A_2384 = arith.index_cast %swap3A_2383 : i32 to index
      %swap3A_2385 = arith.constant 160 : index
      %swap3A_2386 = tpu.vector_load %arg8[%swap3A_2384, %swap3A_2385] {strides = array<i32>} : memref<32x200xf32, #tpu.memory_space<vmem>>, vector<16xf32>,
      tpu.vector_store %arg8[%swap3A_2384, %swap3A_2385], %gather3A_2382 {strides = array<i32>} : memref<32x200xf32, #tpu.memory_space<vmem>>, vector<16xf32>,
      %add3A_2387 = arith.constant 176 : i32
      %add3A_2388 = vector.broadcast %add3A_2387 : i32 to vector<16xi32>
      %add3A_2389 = arith.addi %iota3A, %add3A_2388 : vector<16xi32>
      %gather3A_2390 = tpu.vector_load_idx %arg7[%add3A_2389, %broadcast_in_dim3A_2298] : memref<200x32xf32, #tpu.memory_space<vmem>>[vector<16xi32>, vector<16xi32>], vector<16xf32>,
      %swap3A_2391 = arith.constant 20 : i32
      %swap3A_2392 = arith.index_cast %swap3A_2391 : i32 to index
      %swap3A_2393 = arith.constant 176 : index
      %swap3A_2394 = tpu.vector_load %arg8[%swap3A_2392, %swap3A_2393] {strides = array<i32>} : memref<32x200xf32, #tpu.memory_space<vmem>>, vector<16xf32>,
      tpu.vector_store %arg8[%swap3A_2392, %swap3A_2393], %gather3A_2390 {strides = array<i32>} : memref<32x200xf32, #tpu.memory_space<vmem>>, vector<16xf32>,
      %add3A_2395 = arith.constant 184 : i32
      %add3A_2396 = vector.broadcast %add3A_2395 : i32 to vector<16xi32>
      %add3A_2397 = arith.addi %iota3A, %add3A_2396 : vector<16xi32>
      %gather3A_2398 = tpu.vector_load_idx %arg7[%add3A_2397, %broadcast_in_dim3A_2298] : memref<200x32xf32, #tpu.memory_space<vmem>>[vector<16xi32>, vector<16xi32>], vector<16xf32>,
      %swap3A_2399 = arith.constant 20 : i32
      %swap3A_2400 = arith.index_cast %swap3A_2399 : i32 to index
      %swap3A_2401 = arith.constant 184 : index
      %swap3A_2402 = tpu.vector_load %arg8[%swap3A_2400, %swap3A_2401] {strides = array<i32>} : memref<32x200xf32, #tpu.memory_space<vmem>>, vector<16xf32>,
      tpu.vector_store %arg8[%swap3A_2400, %swap3A_2401], %gather3A_2398 {strides = array<i32>} : memref<32x200xf32, #tpu.memory_space<vmem>>, vector<16xf32>,
      %broadcast_in_dim3A_2403 = arith.constant 21 : i32
      %broadcast_in_dim3A_2404 = vector.broadcast %broadcast_in_dim3A_2403 : i32 to vector<16xi32>
      %add3A_2405 = arith.constant 0 : i32
      %add3A_2406 = vector.broadcast %add3A_2405 : i32 to vector<16xi32>
      %add3A_2407 = arith.addi %iota3A, %add3A_2406 : vector<16xi32>
      %gather3A_2408 = tpu.vector_load_idx %arg7[%add3A_2407, %broadcast_in_dim3A_2404] : memref<200x32xf32, #tpu.memory_space<vmem>>[vector<16xi32>, vector<16xi32>], vector<16xf32>,
      %swap3A_2409 = arith.constant 21 : i32
      %swap3A_2410 = arith.index_cast %swap3A_2409 : i32 to index
      %swap3A_2411 = arith.constant 0 : index
      %swap3A_2412 = tpu.vector_load %arg8[%swap3A_2410, %swap3A_2411] {strides = array<i32>} : memref<32x200xf32, #tpu.memory_space<vmem>>, vector<16xf32>,
      tpu.vector_store %arg8[%swap3A_2410, %swap3A_2411], %gather3A_2408 {strides = array<i32>} : memref<32x200xf32, #tpu.memory_space<vmem>>, vector<16xf32>,
      %add3A_2413 = arith.constant 16 : i32
      %add3A_2414 = vector.broadcast %add3A_2413 : i32 to vector<16xi32>
      %add3A_2415 = arith.addi %iota3A, %add3A_2414 : vector<16xi32>
      %gather3A_2416 = tpu.vector_load_idx %arg7[%add3A_2415, %broadcast_in_dim3A_2404] : memref<200x32xf32, #tpu.memory_space<vmem>>[vector<16xi32>, vector<16xi32>], vector<16xf32>,
      %swap3A_2417 = arith.constant 21 : i32
      %swap3A_2418 = arith.index_cast %swap3A_2417 : i32 to index
      %swap3A_2419 = arith.constant 16 : index
      %swap3A_2420 = tpu.vector_load %arg8[%swap3A_2418, %swap3A_2419] {strides = array<i32>} : memref<32x200xf32, #tpu.memory_space<vmem>>, vector<16xf32>,
      tpu.vector_store %arg8[%swap3A_2418, %swap3A_2419], %gather3A_2416 {strides = array<i32>} : memref<32x200xf32, #tpu.memory_space<vmem>>, vector<16xf32>,
      %add3A_2421 = arith.constant 32 : i32
      %add3A_2422 = vector.broadcast %add3A_2421 : i32 to vector<16xi32>
      %add3A_2423 = arith.addi %iota3A, %add3A_2422 : vector<16xi32>
      %gather3A_2424 = tpu.vector_load_idx %arg7[%add3A_2423, %broadcast_in_dim3A_2404] : memref<200x32xf32, #tpu.memory_space<vmem>>[vector<16xi32>, vector<16xi32>], vector<16xf32>,
      %swap3A_2425 = arith.constant 21 : i32
      %swap3A_2426 = arith.index_cast %swap3A_2425 : i32 to index
      %swap3A_2427 = arith.constant 32 : index
      %swap3A_2428 = tpu.vector_load %arg8[%swap3A_2426, %swap3A_2427] {strides = array<i32>} : memref<32x200xf32, #tpu.memory_space<vmem>>, vector<16xf32>,
      tpu.vector_store %arg8[%swap3A_2426, %swap3A_2427], %gather3A_2424 {strides = array<i32>} : memref<32x200xf32, #tpu.memory_space<vmem>>, vector<16xf32>,
      %add3A_2429 = arith.constant 48 : i32
      %add3A_2430 = vector.broadcast %add3A_2429 : i32 to vector<16xi32>
      %add3A_2431 = arith.addi %iota3A, %add3A_2430 : vector<16xi32>
      %gather3A_2432 = tpu.vector_load_idx %arg7[%add3A_2431, %broadcast_in_dim3A_2404] : memref<200x32xf32, #tpu.memory_space<vmem>>[vector<16xi32>, vector<16xi32>], vector<16xf32>,
      %swap3A_2433 = arith.constant 21 : i32
      %swap3A_2434 = arith.index_cast %swap3A_2433 : i32 to index
      %swap3A_2435 = arith.constant 48 : index
      %swap3A_2436 = tpu.vector_load %arg8[%swap3A_2434, %swap3A_2435] {strides = array<i32>} : memref<32x200xf32, #tpu.memory_space<vmem>>, vector<16xf32>,
      tpu.vector_store %arg8[%swap3A_2434, %swap3A_2435], %gather3A_2432 {strides = array<i32>} : memref<32x200xf32, #tpu.memory_space<vmem>>, vector<16xf32>,
      %add3A_2437 = arith.constant 64 : i32
      %add3A_2438 = vector.broadcast %add3A_2437 : i32 to vector<16xi32>
      %add3A_2439 = arith.addi %iota3A, %add3A_2438 : vector<16xi32>
      %gather3A_2440 = tpu.vector_load_idx %arg7[%add3A_2439, %broadcast_in_dim3A_2404] : memref<200x32xf32, #tpu.memory_space<vmem>>[vector<16xi32>, vector<16xi32>], vector<16xf32>,
      %swap3A_2441 = arith.constant 21 : i32
      %swap3A_2442 = arith.index_cast %swap3A_2441 : i32 to index
      %swap3A_2443 = arith.constant 64 : index
      %swap3A_2444 = tpu.vector_load %arg8[%swap3A_2442, %swap3A_2443] {strides = array<i32>} : memref<32x200xf32, #tpu.memory_space<vmem>>, vector<16xf32>,
      tpu.vector_store %arg8[%swap3A_2442, %swap3A_2443], %gather3A_2440 {strides = array<i32>} : memref<32x200xf32, #tpu.memory_space<vmem>>, vector<16xf32>,
      %add3A_2445 = arith.constant 80 : i32
      %add3A_2446 = vector.broadcast %add3A_2445 : i32 to vector<16xi32>
      %add3A_2447 = arith.addi %iota3A, %add3A_2446 : vector<16xi32>
      %gather3A_2448 = tpu.vector_load_idx %arg7[%add3A_2447, %broadcast_in_dim3A_2404] : memref<200x32xf32, #tpu.memory_space<vmem>>[vector<16xi32>, vector<16xi32>], vector<16xf32>,
      %swap3A_2449 = arith.constant 21 : i32
      %swap3A_2450 = arith.index_cast %swap3A_2449 : i32 to index
      %swap3A_2451 = arith.constant 80 : index
      %swap3A_2452 = tpu.vector_load %arg8[%swap3A_2450, %swap3A_2451] {strides = array<i32>} : memref<32x200xf32, #tpu.memory_space<vmem>>, vector<16xf32>,
      tpu.vector_store %arg8[%swap3A_2450, %swap3A_2451], %gather3A_2448 {strides = array<i32>} : memref<32x200xf32, #tpu.memory_space<vmem>>, vector<16xf32>,
      %add3A_2453 = arith.constant 96 : i32
      %add3A_2454 = vector.broadcast %add3A_2453 : i32 to vector<16xi32>
      %add3A_2455 = arith.addi %iota3A, %add3A_2454 : vector<16xi32>
      %gather3A_2456 = tpu.vector_load_idx %arg7[%add3A_2455, %broadcast_in_dim3A_2404] : memref<200x32xf32, #tpu.memory_space<vmem>>[vector<16xi32>, vector<16xi32>], vector<16xf32>,
      %swap3A_2457 = arith.constant 21 : i32
      %swap3A_2458 = arith.index_cast %swap3A_2457 : i32 to index
      %swap3A_2459 = arith.constant 96 : index
      %swap3A_2460 = tpu.vector_load %arg8[%swap3A_2458, %swap3A_2459] {strides = array<i32>} : memref<32x200xf32, #tpu.memory_space<vmem>>, vector<16xf32>,
      tpu.vector_store %arg8[%swap3A_2458, %swap3A_2459], %gather3A_2456 {strides = array<i32>} : memref<32x200xf32, #tpu.memory_space<vmem>>, vector<16xf32>,
      %add3A_2461 = arith.constant 112 : i32
      %add3A_2462 = vector.broadcast %add3A_2461 : i32 to vector<16xi32>
      %add3A_2463 = arith.addi %iota3A, %add3A_2462 : vector<16xi32>
      %gather3A_2464 = tpu.vector_load_idx %arg7[%add3A_2463, %broadcast_in_dim3A_2404] : memref<200x32xf32, #tpu.memory_space<vmem>>[vector<16xi32>, vector<16xi32>], vector<16xf32>,
      %swap3A_2465 = arith.constant 21 : i32
      %swap3A_2466 = arith.index_cast %swap3A_2465 : i32 to index
      %swap3A_2467 = arith.constant 112 : index
      %swap3A_2468 = tpu.vector_load %arg8[%swap3A_2466, %swap3A_2467] {strides = array<i32>} : memref<32x200xf32, #tpu.memory_space<vmem>>, vector<16xf32>,
      tpu.vector_store %arg8[%swap3A_2466, %swap3A_2467], %gather3A_2464 {strides = array<i32>} : memref<32x200xf32, #tpu.memory_space<vmem>>, vector<16xf32>,
      %add3A_2469 = arith.constant 128 : i32
      %add3A_2470 = vector.broadcast %add3A_2469 : i32 to vector<16xi32>
      %add3A_2471 = arith.addi %iota3A, %add3A_2470 : vector<16xi32>
      %gather3A_2472 = tpu.vector_load_idx %arg7[%add3A_2471, %broadcast_in_dim3A_2404] : memref<200x32xf32, #tpu.memory_space<vmem>>[vector<16xi32>, vector<16xi32>], vector<16xf32>,
      %swap3A_2473 = arith.constant 21 : i32
      %swap3A_2474 = arith.index_cast %swap3A_2473 : i32 to index
      %swap3A_2475 = arith.constant 128 : index
      %swap3A_2476 = tpu.vector_load %arg8[%swap3A_2474, %swap3A_2475] {strides = array<i32>} : memref<32x200xf32, #tpu.memory_space<vmem>>, vector<16xf32>,
      tpu.vector_store %arg8[%swap3A_2474, %swap3A_2475], %gather3A_2472 {strides = array<i32>} : memref<32x200xf32, #tpu.memory_space<vmem>>, vector<16xf32>,
      %add3A_2477 = arith.constant 144 : i32
      %add3A_2478 = vector.broadcast %add3A_2477 : i32 to vector<16xi32>
      %add3A_2479 = arith.addi %iota3A, %add3A_2478 : vector<16xi32>
      %gather3A_2480 = tpu.vector_load_idx %arg7[%add3A_2479, %broadcast_in_dim3A_2404] : memref<200x32xf32, #tpu.memory_space<vmem>>[vector<16xi32>, vector<16xi32>], vector<16xf32>,
      %swap3A_2481 = arith.constant 21 : i32
      %swap3A_2482 = arith.index_cast %swap3A_2481 : i32 to index
      %swap3A_2483 = arith.constant 144 : index
      %swap3A_2484 = tpu.vector_load %arg8[%swap3A_2482, %swap3A_2483] {strides = array<i32>} : memref<32x200xf32, #tpu.memory_space<vmem>>, vector<16xf32>,
      tpu.vector_store %arg8[%swap3A_2482, %swap3A_2483], %gather3A_2480 {strides = array<i32>} : memref<32x200xf32, #tpu.memory_space<vmem>>, vector<16xf32>,
      %add3A_2485 = arith.constant 160 : i32
      %add3A_2486 = vector.broadcast %add3A_2485 : i32 to vector<16xi32>
      %add3A_2487 = arith.addi %iota3A, %add3A_2486 : vector<16xi32>
      %gather3A_2488 = tpu.vector_load_idx %arg7[%add3A_2487, %broadcast_in_dim3A_2404] : memref<200x32xf32, #tpu.memory_space<vmem>>[vector<16xi32>, vector<16xi32>], vector<16xf32>,
      %swap3A_2489 = arith.constant 21 : i32
      %swap3A_2490 = arith.index_cast %swap3A_2489 : i32 to index
      %swap3A_2491 = arith.constant 160 : index
      %swap3A_2492 = tpu.vector_load %arg8[%swap3A_2490, %swap3A_2491] {strides = array<i32>} : memref<32x200xf32, #tpu.memory_space<vmem>>, vector<16xf32>,
      tpu.vector_store %arg8[%swap3A_2490, %swap3A_2491], %gather3A_2488 {strides = array<i32>} : memref<32x200xf32, #tpu.memory_space<vmem>>, vector<16xf32>,
      %add3A_2493 = arith.constant 176 : i32
      %add3A_2494 = vector.broadcast %add3A_2493 : i32 to vector<16xi32>
      %add3A_2495 = arith.addi %iota3A, %add3A_2494 : vector<16xi32>
      %gather3A_2496 = tpu.vector_load_idx %arg7[%add3A_2495, %broadcast_in_dim3A_2404] : memref<200x32xf32, #tpu.memory_space<vmem>>[vector<16xi32>, vector<16xi32>], vector<16xf32>,
      %swap3A_2497 = arith.constant 21 : i32
      %swap3A_2498 = arith.index_cast %swap3A_2497 : i32 to index
      %swap3A_2499 = arith.constant 176 : index
      %swap3A_2500 = tpu.vector_load %arg8[%swap3A_2498, %swap3A_2499] {strides = array<i32>} : memref<32x200xf32, #tpu.memory_space<vmem>>, vector<16xf32>,
      tpu.vector_store %arg8[%swap3A_2498, %swap3A_2499], %gather3A_2496 {strides = array<i32>} : memref<32x200xf32, #tpu.memory_space<vmem>>, vector<16xf32>,
      %add3A_2501 = arith.constant 184 : i32
      %add3A_2502 = vector.broadcast %add3A_2501 : i32 to vector<16xi32>
      %add3A_2503 = arith.addi %iota3A, %add3A_2502 : vector<16xi32>
      %gather3A_2504 = tpu.vector_load_idx %arg7[%add3A_2503, %broadcast_in_dim3A_2404] : memref<200x32xf32, #tpu.memory_space<vmem>>[vector<16xi32>, vector<16xi32>], vector<16xf32>,
      %swap3A_2505 = arith.constant 21 : i32
      %swap3A_2506 = arith.index_cast %swap3A_2505 : i32 to index
      %swap3A_2507 = arith.constant 184 : index
      %swap3A_2508 = tpu.vector_load %arg8[%swap3A_2506, %swap3A_2507] {strides = array<i32>} : memref<32x200xf32, #tpu.memory_space<vmem>>, vector<16xf32>,
      tpu.vector_store %arg8[%swap3A_2506, %swap3A_2507], %gather3A_2504 {strides = array<i32>} : memref<32x200xf32, #tpu.memory_space<vmem>>, vector<16xf32>,
      %broadcast_in_dim3A_2509 = arith.constant 22 : i32
      %broadcast_in_dim3A_2510 = vector.broadcast %broadcast_in_dim3A_2509 : i32 to vector<16xi32>
      %add3A_2511 = arith.constant 0 : i32
      %add3A_2512 = vector.broadcast %add3A_2511 : i32 to vector<16xi32>
      %add3A_2513 = arith.addi %iota3A, %add3A_2512 : vector<16xi32>
      %gather3A_2514 = tpu.vector_load_idx %arg7[%add3A_2513, %broadcast_in_dim3A_2510] : memref<200x32xf32, #tpu.memory_space<vmem>>[vector<16xi32>, vector<16xi32>], vector<16xf32>,
      %swap3A_2515 = arith.constant 22 : i32
      %swap3A_2516 = arith.index_cast %swap3A_2515 : i32 to index
      %swap3A_2517 = arith.constant 0 : index
      %swap3A_2518 = tpu.vector_load %arg8[%swap3A_2516, %swap3A_2517] {strides = array<i32>} : memref<32x200xf32, #tpu.memory_space<vmem>>, vector<16xf32>,
      tpu.vector_store %arg8[%swap3A_2516, %swap3A_2517], %gather3A_2514 {strides = array<i32>} : memref<32x200xf32, #tpu.memory_space<vmem>>, vector<16xf32>,
      %add3A_2519 = arith.constant 16 : i32
      %add3A_2520 = vector.broadcast %add3A_2519 : i32 to vector<16xi32>
      %add3A_2521 = arith.addi %iota3A, %add3A_2520 : vector<16xi32>
      %gather3A_2522 = tpu.vector_load_idx %arg7[%add3A_2521, %broadcast_in_dim3A_2510] : memref<200x32xf32, #tpu.memory_space<vmem>>[vector<16xi32>, vector<16xi32>], vector<16xf32>,
      %swap3A_2523 = arith.constant 22 : i32
      %swap3A_2524 = arith.index_cast %swap3A_2523 : i32 to index
      %swap3A_2525 = arith.constant 16 : index
      %swap3A_2526 = tpu.vector_load %arg8[%swap3A_2524, %swap3A_2525] {strides = array<i32>} : memref<32x200xf32, #tpu.memory_space<vmem>>, vector<16xf32>,
      tpu.vector_store %arg8[%swap3A_2524, %swap3A_2525], %gather3A_2522 {strides = array<i32>} : memref<32x200xf32, #tpu.memory_space<vmem>>, vector<16xf32>,
      %add3A_2527 = arith.constant 32 : i32
      %add3A_2528 = vector.broadcast %add3A_2527 : i32 to vector<16xi32>
      %add3A_2529 = arith.addi %iota3A, %add3A_2528 : vector<16xi32>
      %gather3A_2530 = tpu.vector_load_idx %arg7[%add3A_2529, %broadcast_in_dim3A_2510] : memref<200x32xf32, #tpu.memory_space<vmem>>[vector<16xi32>, vector<16xi32>], vector<16xf32>,
      %swap3A_2531 = arith.constant 22 : i32
      %swap3A_2532 = arith.index_cast %swap3A_2531 : i32 to index
      %swap3A_2533 = arith.constant 32 : index
      %swap3A_2534 = tpu.vector_load %arg8[%swap3A_2532, %swap3A_2533] {strides = array<i32>} : memref<32x200xf32, #tpu.memory_space<vmem>>, vector<16xf32>,
      tpu.vector_store %arg8[%swap3A_2532, %swap3A_2533], %gather3A_2530 {strides = array<i32>} : memref<32x200xf32, #tpu.memory_space<vmem>>, vector<16xf32>,
      %add3A_2535 = arith.constant 48 : i32
      %add3A_2536 = vector.broadcast %add3A_2535 : i32 to vector<16xi32>
      %add3A_2537 = arith.addi %iota3A, %add3A_2536 : vector<16xi32>
      %gather3A_2538 = tpu.vector_load_idx %arg7[%add3A_2537, %broadcast_in_dim3A_2510] : memref<200x32xf32, #tpu.memory_space<vmem>>[vector<16xi32>, vector<16xi32>], vector<16xf32>,
      %swap3A_2539 = arith.constant 22 : i32
      %swap3A_2540 = arith.index_cast %swap3A_2539 : i32 to index
      %swap3A_2541 = arith.constant 48 : index
      %swap3A_2542 = tpu.vector_load %arg8[%swap3A_2540, %swap3A_2541] {strides = array<i32>} : memref<32x200xf32, #tpu.memory_space<vmem>>, vector<16xf32>,
      tpu.vector_store %arg8[%swap3A_2540, %swap3A_2541], %gather3A_2538 {strides = array<i32>} : memref<32x200xf32, #tpu.memory_space<vmem>>, vector<16xf32>,
      %add3A_2543 = arith.constant 64 : i32
      %add3A_2544 = vector.broadcast %add3A_2543 : i32 to vector<16xi32>
      %add3A_2545 = arith.addi %iota3A, %add3A_2544 : vector<16xi32>
      %gather3A_2546 = tpu.vector_load_idx %arg7[%add3A_2545, %broadcast_in_dim3A_2510] : memref<200x32xf32, #tpu.memory_space<vmem>>[vector<16xi32>, vector<16xi32>], vector<16xf32>,
      %swap3A_2547 = arith.constant 22 : i32
      %swap3A_2548 = arith.index_cast %swap3A_2547 : i32 to index
      %swap3A_2549 = arith.constant 64 : index
      %swap3A_2550 = tpu.vector_load %arg8[%swap3A_2548, %swap3A_2549] {strides = array<i32>} : memref<32x200xf32, #tpu.memory_space<vmem>>, vector<16xf32>,
      tpu.vector_store %arg8[%swap3A_2548, %swap3A_2549], %gather3A_2546 {strides = array<i32>} : memref<32x200xf32, #tpu.memory_space<vmem>>, vector<16xf32>,
      %add3A_2551 = arith.constant 80 : i32
      %add3A_2552 = vector.broadcast %add3A_2551 : i32 to vector<16xi32>
      %add3A_2553 = arith.addi %iota3A, %add3A_2552 : vector<16xi32>
      %gather3A_2554 = tpu.vector_load_idx %arg7[%add3A_2553, %broadcast_in_dim3A_2510] : memref<200x32xf32, #tpu.memory_space<vmem>>[vector<16xi32>, vector<16xi32>], vector<16xf32>,
      %swap3A_2555 = arith.constant 22 : i32
      %swap3A_2556 = arith.index_cast %swap3A_2555 : i32 to index
      %swap3A_2557 = arith.constant 80 : index
      %swap3A_2558 = tpu.vector_load %arg8[%swap3A_2556, %swap3A_2557] {strides = array<i32>} : memref<32x200xf32, #tpu.memory_space<vmem>>, vector<16xf32>,
      tpu.vector_store %arg8[%swap3A_2556, %swap3A_2557], %gather3A_2554 {strides = array<i32>} : memref<32x200xf32, #tpu.memory_space<vmem>>, vector<16xf32>,
      %add3A_2559 = arith.constant 96 : i32
      %add3A_2560 = vector.broadcast %add3A_2559 : i32 to vector<16xi32>
      %add3A_2561 = arith.addi %iota3A, %add3A_2560 : vector<16xi32>
      %gather3A_2562 = tpu.vector_load_idx %arg7[%add3A_2561, %broadcast_in_dim3A_2510] : memref<200x32xf32, #tpu.memory_space<vmem>>[vector<16xi32>, vector<16xi32>], vector<16xf32>,
      %swap3A_2563 = arith.constant 22 : i32
      %swap3A_2564 = arith.index_cast %swap3A_2563 : i32 to index
      %swap3A_2565 = arith.constant 96 : index
      %swap3A_2566 = tpu.vector_load %arg8[%swap3A_2564, %swap3A_2565] {strides = array<i32>} : memref<32x200xf32, #tpu.memory_space<vmem>>, vector<16xf32>,
      tpu.vector_store %arg8[%swap3A_2564, %swap3A_2565], %gather3A_2562 {strides = array<i32>} : memref<32x200xf32, #tpu.memory_space<vmem>>, vector<16xf32>,
      %add3A_2567 = arith.constant 112 : i32
      %add3A_2568 = vector.broadcast %add3A_2567 : i32 to vector<16xi32>
      %add3A_2569 = arith.addi %iota3A, %add3A_2568 : vector<16xi32>
      %gather3A_2570 = tpu.vector_load_idx %arg7[%add3A_2569, %broadcast_in_dim3A_2510] : memref<200x32xf32, #tpu.memory_space<vmem>>[vector<16xi32>, vector<16xi32>], vector<16xf32>,
      %swap3A_2571 = arith.constant 22 : i32
      %swap3A_2572 = arith.index_cast %swap3A_2571 : i32 to index
      %swap3A_2573 = arith.constant 112 : index
      %swap3A_2574 = tpu.vector_load %arg8[%swap3A_2572, %swap3A_2573] {strides = array<i32>} : memref<32x200xf32, #tpu.memory_space<vmem>>, vector<16xf32>,
      tpu.vector_store %arg8[%swap3A_2572, %swap3A_2573], %gather3A_2570 {strides = array<i32>} : memref<32x200xf32, #tpu.memory_space<vmem>>, vector<16xf32>,
      %add3A_2575 = arith.constant 128 : i32
      %add3A_2576 = vector.broadcast %add3A_2575 : i32 to vector<16xi32>
      %add3A_2577 = arith.addi %iota3A, %add3A_2576 : vector<16xi32>
      %gather3A_2578 = tpu.vector_load_idx %arg7[%add3A_2577, %broadcast_in_dim3A_2510] : memref<200x32xf32, #tpu.memory_space<vmem>>[vector<16xi32>, vector<16xi32>], vector<16xf32>,
      %swap3A_2579 = arith.constant 22 : i32
      %swap3A_2580 = arith.index_cast %swap3A_2579 : i32 to index
      %swap3A_2581 = arith.constant 128 : index
      %swap3A_2582 = tpu.vector_load %arg8[%swap3A_2580, %swap3A_2581] {strides = array<i32>} : memref<32x200xf32, #tpu.memory_space<vmem>>, vector<16xf32>,
      tpu.vector_store %arg8[%swap3A_2580, %swap3A_2581], %gather3A_2578 {strides = array<i32>} : memref<32x200xf32, #tpu.memory_space<vmem>>, vector<16xf32>,
      %add3A_2583 = arith.constant 144 : i32
      %add3A_2584 = vector.broadcast %add3A_2583 : i32 to vector<16xi32>
      %add3A_2585 = arith.addi %iota3A, %add3A_2584 : vector<16xi32>
      %gather3A_2586 = tpu.vector_load_idx %arg7[%add3A_2585, %broadcast_in_dim3A_2510] : memref<200x32xf32, #tpu.memory_space<vmem>>[vector<16xi32>, vector<16xi32>], vector<16xf32>,
      %swap3A_2587 = arith.constant 22 : i32
      %swap3A_2588 = arith.index_cast %swap3A_2587 : i32 to index
      %swap3A_2589 = arith.constant 144 : index
      %swap3A_2590 = tpu.vector_load %arg8[%swap3A_2588, %swap3A_2589] {strides = array<i32>} : memref<32x200xf32, #tpu.memory_space<vmem>>, vector<16xf32>,
      tpu.vector_store %arg8[%swap3A_2588, %swap3A_2589], %gather3A_2586 {strides = array<i32>} : memref<32x200xf32, #tpu.memory_space<vmem>>, vector<16xf32>,
      %add3A_2591 = arith.constant 160 : i32
      %add3A_2592 = vector.broadcast %add3A_2591 : i32 to vector<16xi32>
      %add3A_2593 = arith.addi %iota3A, %add3A_2592 : vector<16xi32>
      %gather3A_2594 = tpu.vector_load_idx %arg7[%add3A_2593, %broadcast_in_dim3A_2510] : memref<200x32xf32, #tpu.memory_space<vmem>>[vector<16xi32>, vector<16xi32>], vector<16xf32>,
      %swap3A_2595 = arith.constant 22 : i32
      %swap3A_2596 = arith.index_cast %swap3A_2595 : i32 to index
      %swap3A_2597 = arith.constant 160 : index
      %swap3A_2598 = tpu.vector_load %arg8[%swap3A_2596, %swap3A_2597] {strides = array<i32>} : memref<32x200xf32, #tpu.memory_space<vmem>>, vector<16xf32>,
      tpu.vector_store %arg8[%swap3A_2596, %swap3A_2597], %gather3A_2594 {strides = array<i32>} : memref<32x200xf32, #tpu.memory_space<vmem>>, vector<16xf32>,
      %add3A_2599 = arith.constant 176 : i32
      %add3A_2600 = vector.broadcast %add3A_2599 : i32 to vector<16xi32>
      %add3A_2601 = arith.addi %iota3A, %add3A_2600 : vector<16xi32>
      %gather3A_2602 = tpu.vector_load_idx %arg7[%add3A_2601, %broadcast_in_dim3A_2510] : memref<200x32xf32, #tpu.memory_space<vmem>>[vector<16xi32>, vector<16xi32>], vector<16xf32>,
      %swap3A_2603 = arith.constant 22 : i32
      %swap3A_2604 = arith.index_cast %swap3A_2603 : i32 to index
      %swap3A_2605 = arith.constant 176 : index
      %swap3A_2606 = tpu.vector_load %arg8[%swap3A_2604, %swap3A_2605] {strides = array<i32>} : memref<32x200xf32, #tpu.memory_space<vmem>>, vector<16xf32>,
      tpu.vector_store %arg8[%swap3A_2604, %swap3A_2605], %gather3A_2602 {strides = array<i32>} : memref<32x200xf32, #tpu.memory_space<vmem>>, vector<16xf32>,
      %add3A_2607 = arith.constant 184 : i32
      %add3A_2608 = vector.broadcast %add3A_2607 : i32 to vector<16xi32>
      %add3A_2609 = arith.addi %iota3A, %add3A_2608 : vector<16xi32>
      %gather3A_2610 = tpu.vector_load_idx %arg7[%add3A_2609, %broadcast_in_dim3A_2510] : memref<200x32xf32, #tpu.memory_space<vmem>>[vector<16xi32>, vector<16xi32>], vector<16xf32>,
      %swap3A_2611 = arith.constant 22 : i32
      %swap3A_2612 = arith.index_cast %swap3A_2611 : i32 to index
      %swap3A_2613 = arith.constant 184 : index
      %swap3A_2614 = tpu.vector_load %arg8[%swap3A_2612, %swap3A_2613] {strides = array<i32>} : memref<32x200xf32, #tpu.memory_space<vmem>>, vector<16xf32>,
      tpu.vector_store %arg8[%swap3A_2612, %swap3A_2613], %gather3A_2610 {strides = array<i32>} : memref<32x200xf32, #tpu.memory_space<vmem>>, vector<16xf32>,
      %broadcast_in_dim3A_2615 = arith.constant 23 : i32
      %broadcast_in_dim3A_2616 = vector.broadcast %broadcast_in_dim3A_2615 : i32 to vector<16xi32>
      %add3A_2617 = arith.constant 0 : i32
      %add3A_2618 = vector.broadcast %add3A_2617 : i32 to vector<16xi32>
      %add3A_2619 = arith.addi %iota3A, %add3A_2618 : vector<16xi32>
      %gather3A_2620 = tpu.vector_load_idx %arg7[%add3A_2619, %broadcast_in_dim3A_2616] : memref<200x32xf32, #tpu.memory_space<vmem>>[vector<16xi32>, vector<16xi32>], vector<16xf32>,
      %swap3A_2621 = arith.constant 23 : i32
      %swap3A_2622 = arith.index_cast %swap3A_2621 : i32 to index
      %swap3A_2623 = arith.constant 0 : index
      %swap3A_2624 = tpu.vector_load %arg8[%swap3A_2622, %swap3A_2623] {strides = array<i32>} : memref<32x200xf32, #tpu.memory_space<vmem>>, vector<16xf32>,
      tpu.vector_store %arg8[%swap3A_2622, %swap3A_2623], %gather3A_2620 {strides = array<i32>} : memref<32x200xf32, #tpu.memory_space<vmem>>, vector<16xf32>,
      %add3A_2625 = arith.constant 16 : i32
      %add3A_2626 = vector.broadcast %add3A_2625 : i32 to vector<16xi32>
      %add3A_2627 = arith.addi %iota3A, %add3A_2626 : vector<16xi32>
      %gather3A_2628 = tpu.vector_load_idx %arg7[%add3A_2627, %broadcast_in_dim3A_2616] : memref<200x32xf32, #tpu.memory_space<vmem>>[vector<16xi32>, vector<16xi32>], vector<16xf32>,
      %swap3A_2629 = arith.constant 23 : i32
      %swap3A_2630 = arith.index_cast %swap3A_2629 : i32 to index
      %swap3A_2631 = arith.constant 16 : index
      %swap3A_2632 = tpu.vector_load %arg8[%swap3A_2630, %swap3A_2631] {strides = array<i32>} : memref<32x200xf32, #tpu.memory_space<vmem>>, vector<16xf32>,
      tpu.vector_store %arg8[%swap3A_2630, %swap3A_2631], %gather3A_2628 {strides = array<i32>} : memref<32x200xf32, #tpu.memory_space<vmem>>, vector<16xf32>,
      %add3A_2633 = arith.constant 32 : i32
      %add3A_2634 = vector.broadcast %add3A_2633 : i32 to vector<16xi32>
      %add3A_2635 = arith.addi %iota3A, %add3A_2634 : vector<16xi32>
      %gather3A_2636 = tpu.vector_load_idx %arg7[%add3A_2635, %broadcast_in_dim3A_2616] : memref<200x32xf32, #tpu.memory_space<vmem>>[vector<16xi32>, vector<16xi32>], vector<16xf32>,
      %swap3A_2637 = arith.constant 23 : i32
      %swap3A_2638 = arith.index_cast %swap3A_2637 : i32 to index
      %swap3A_2639 = arith.constant 32 : index
      %swap3A_2640 = tpu.vector_load %arg8[%swap3A_2638, %swap3A_2639] {strides = array<i32>} : memref<32x200xf32, #tpu.memory_space<vmem>>, vector<16xf32>,
      tpu.vector_store %arg8[%swap3A_2638, %swap3A_2639], %gather3A_2636 {strides = array<i32>} : memref<32x200xf32, #tpu.memory_space<vmem>>, vector<16xf32>,
      %add3A_2641 = arith.constant 48 : i32
      %add3A_2642 = vector.broadcast %add3A_2641 : i32 to vector<16xi32>
      %add3A_2643 = arith.addi %iota3A, %add3A_2642 : vector<16xi32>
      %gather3A_2644 = tpu.vector_load_idx %arg7[%add3A_2643, %broadcast_in_dim3A_2616] : memref<200x32xf32, #tpu.memory_space<vmem>>[vector<16xi32>, vector<16xi32>], vector<16xf32>,
      %swap3A_2645 = arith.constant 23 : i32
      %swap3A_2646 = arith.index_cast %swap3A_2645 : i32 to index
      %swap3A_2647 = arith.constant 48 : index
      %swap3A_2648 = tpu.vector_load %arg8[%swap3A_2646, %swap3A_2647] {strides = array<i32>} : memref<32x200xf32, #tpu.memory_space<vmem>>, vector<16xf32>,
      tpu.vector_store %arg8[%swap3A_2646, %swap3A_2647], %gather3A_2644 {strides = array<i32>} : memref<32x200xf32, #tpu.memory_space<vmem>>, vector<16xf32>,
      %add3A_2649 = arith.constant 64 : i32
      %add3A_2650 = vector.broadcast %add3A_2649 : i32 to vector<16xi32>
      %add3A_2651 = arith.addi %iota3A, %add3A_2650 : vector<16xi32>
      %gather3A_2652 = tpu.vector_load_idx %arg7[%add3A_2651, %broadcast_in_dim3A_2616] : memref<200x32xf32, #tpu.memory_space<vmem>>[vector<16xi32>, vector<16xi32>], vector<16xf32>,
      %swap3A_2653 = arith.constant 23 : i32
      %swap3A_2654 = arith.index_cast %swap3A_2653 : i32 to index
      %swap3A_2655 = arith.constant 64 : index
      %swap3A_2656 = tpu.vector_load %arg8[%swap3A_2654, %swap3A_2655] {strides = array<i32>} : memref<32x200xf32, #tpu.memory_space<vmem>>, vector<16xf32>,
      tpu.vector_store %arg8[%swap3A_2654, %swap3A_2655], %gather3A_2652 {strides = array<i32>} : memref<32x200xf32, #tpu.memory_space<vmem>>, vector<16xf32>,
      %add3A_2657 = arith.constant 80 : i32
      %add3A_2658 = vector.broadcast %add3A_2657 : i32 to vector<16xi32>
      %add3A_2659 = arith.addi %iota3A, %add3A_2658 : vector<16xi32>
      %gather3A_2660 = tpu.vector_load_idx %arg7[%add3A_2659, %broadcast_in_dim3A_2616] : memref<200x32xf32, #tpu.memory_space<vmem>>[vector<16xi32>, vector<16xi32>], vector<16xf32>,
      %swap3A_2661 = arith.constant 23 : i32
      %swap3A_2662 = arith.index_cast %swap3A_2661 : i32 to index
      %swap3A_2663 = arith.constant 80 : index
      %swap3A_2664 = tpu.vector_load %arg8[%swap3A_2662, %swap3A_2663] {strides = array<i32>} : memref<32x200xf32, #tpu.memory_space<vmem>>, vector<16xf32>,
      tpu.vector_store %arg8[%swap3A_2662, %swap3A_2663], %gather3A_2660 {strides = array<i32>} : memref<32x200xf32, #tpu.memory_space<vmem>>, vector<16xf32>,
      %add3A_2665 = arith.constant 96 : i32
      %add3A_2666 = vector.broadcast %add3A_2665 : i32 to vector<16xi32>
      %add3A_2667 = arith.addi %iota3A, %add3A_2666 : vector<16xi32>
      %gather3A_2668 = tpu.vector_load_idx %arg7[%add3A_2667, %broadcast_in_dim3A_2616] : memref<200x32xf32, #tpu.memory_space<vmem>>[vector<16xi32>, vector<16xi32>], vector<16xf32>,
      %swap3A_2669 = arith.constant 23 : i32
      %swap3A_2670 = arith.index_cast %swap3A_2669 : i32 to index
      %swap3A_2671 = arith.constant 96 : index
      %swap3A_2672 = tpu.vector_load %arg8[%swap3A_2670, %swap3A_2671] {strides = array<i32>} : memref<32x200xf32, #tpu.memory_space<vmem>>, vector<16xf32>,
      tpu.vector_store %arg8[%swap3A_2670, %swap3A_2671], %gather3A_2668 {strides = array<i32>} : memref<32x200xf32, #tpu.memory_space<vmem>>, vector<16xf32>,
      %add3A_2673 = arith.constant 112 : i32
      %add3A_2674 = vector.broadcast %add3A_2673 : i32 to vector<16xi32>
      %add3A_2675 = arith.addi %iota3A, %add3A_2674 : vector<16xi32>
      %gather3A_2676 = tpu.vector_load_idx %arg7[%add3A_2675, %broadcast_in_dim3A_2616] : memref<200x32xf32, #tpu.memory_space<vmem>>[vector<16xi32>, vector<16xi32>], vector<16xf32>,
      %swap3A_2677 = arith.constant 23 : i32
      %swap3A_2678 = arith.index_cast %swap3A_2677 : i32 to index
      %swap3A_2679 = arith.constant 112 : index
      %swap3A_2680 = tpu.vector_load %arg8[%swap3A_2678, %swap3A_2679] {strides = array<i32>} : memref<32x200xf32, #tpu.memory_space<vmem>>, vector<16xf32>,
      tpu.vector_store %arg8[%swap3A_2678, %swap3A_2679], %gather3A_2676 {strides = array<i32>} : memref<32x200xf32, #tpu.memory_space<vmem>>, vector<16xf32>,
      %add3A_2681 = arith.constant 128 : i32
      %add3A_2682 = vector.broadcast %add3A_2681 : i32 to vector<16xi32>
      %add3A_2683 = arith.addi %iota3A, %add3A_2682 : vector<16xi32>
      %gather3A_2684 = tpu.vector_load_idx %arg7[%add3A_2683, %broadcast_in_dim3A_2616] : memref<200x32xf32, #tpu.memory_space<vmem>>[vector<16xi32>, vector<16xi32>], vector<16xf32>,
      %swap3A_2685 = arith.constant 23 : i32
      %swap3A_2686 = arith.index_cast %swap3A_2685 : i32 to index
      %swap3A_2687 = arith.constant 128 : index
      %swap3A_2688 = tpu.vector_load %arg8[%swap3A_2686, %swap3A_2687] {strides = array<i32>} : memref<32x200xf32, #tpu.memory_space<vmem>>, vector<16xf32>,
      tpu.vector_store %arg8[%swap3A_2686, %swap3A_2687], %gather3A_2684 {strides = array<i32>} : memref<32x200xf32, #tpu.memory_space<vmem>>, vector<16xf32>,
      %add3A_2689 = arith.constant 144 : i32
      %add3A_2690 = vector.broadcast %add3A_2689 : i32 to vector<16xi32>
      %add3A_2691 = arith.addi %iota3A, %add3A_2690 : vector<16xi32>
      %gather3A_2692 = tpu.vector_load_idx %arg7[%add3A_2691, %broadcast_in_dim3A_2616] : memref<200x32xf32, #tpu.memory_space<vmem>>[vector<16xi32>, vector<16xi32>], vector<16xf32>,
      %swap3A_2693 = arith.constant 23 : i32
      %swap3A_2694 = arith.index_cast %swap3A_2693 : i32 to index
      %swap3A_2695 = arith.constant 144 : index
      %swap3A_2696 = tpu.vector_load %arg8[%swap3A_2694, %swap3A_2695] {strides = array<i32>} : memref<32x200xf32, #tpu.memory_space<vmem>>, vector<16xf32>,
      tpu.vector_store %arg8[%swap3A_2694, %swap3A_2695], %gather3A_2692 {strides = array<i32>} : memref<32x200xf32, #tpu.memory_space<vmem>>, vector<16xf32>,
      %add3A_2697 = arith.constant 160 : i32
      %add3A_2698 = vector.broadcast %add3A_2697 : i32 to vector<16xi32>
      %add3A_2699 = arith.addi %iota3A, %add3A_2698 : vector<16xi32>
      %gather3A_2700 = tpu.vector_load_idx %arg7[%add3A_2699, %broadcast_in_dim3A_2616] : memref<200x32xf32, #tpu.memory_space<vmem>>[vector<16xi32>, vector<16xi32>], vector<16xf32>,
      %swap3A_2701 = arith.constant 23 : i32
      %swap3A_2702 = arith.index_cast %swap3A_2701 : i32 to index
      %swap3A_2703 = arith.constant 160 : index
      %swap3A_2704 = tpu.vector_load %arg8[%swap3A_2702, %swap3A_2703] {strides = array<i32>} : memref<32x200xf32, #tpu.memory_space<vmem>>, vector<16xf32>,
      tpu.vector_store %arg8[%swap3A_2702, %swap3A_2703], %gather3A_2700 {strides = array<i32>} : memref<32x200xf32, #tpu.memory_space<vmem>>, vector<16xf32>,
      %add3A_2705 = arith.constant 176 : i32
      %add3A_2706 = vector.broadcast %add3A_2705 : i32 to vector<16xi32>
      %add3A_2707 = arith.addi %iota3A, %add3A_2706 : vector<16xi32>
      %gather3A_2708 = tpu.vector_load_idx %arg7[%add3A_2707, %broadcast_in_dim3A_2616] : memref<200x32xf32, #tpu.memory_space<vmem>>[vector<16xi32>, vector<16xi32>], vector<16xf32>,
      %swap3A_2709 = arith.constant 23 : i32
      %swap3A_2710 = arith.index_cast %swap3A_2709 : i32 to index
      %swap3A_2711 = arith.constant 176 : index
      %swap3A_2712 = tpu.vector_load %arg8[%swap3A_2710, %swap3A_2711] {strides = array<i32>} : memref<32x200xf32, #tpu.memory_space<vmem>>, vector<16xf32>,
      tpu.vector_store %arg8[%swap3A_2710, %swap3A_2711], %gather3A_2708 {strides = array<i32>} : memref<32x200xf32, #tpu.memory_space<vmem>>, vector<16xf32>,
      %add3A_2713 = arith.constant 184 : i32
      %add3A_2714 = vector.broadcast %add3A_2713 : i32 to vector<16xi32>
      %add3A_2715 = arith.addi %iota3A, %add3A_2714 : vector<16xi32>
      %gather3A_2716 = tpu.vector_load_idx %arg7[%add3A_2715, %broadcast_in_dim3A_2616] : memref<200x32xf32, #tpu.memory_space<vmem>>[vector<16xi32>, vector<16xi32>], vector<16xf32>,
      %swap3A_2717 = arith.constant 23 : i32
      %swap3A_2718 = arith.index_cast %swap3A_2717 : i32 to index
      %swap3A_2719 = arith.constant 184 : index
      %swap3A_2720 = tpu.vector_load %arg8[%swap3A_2718, %swap3A_2719] {strides = array<i32>} : memref<32x200xf32, #tpu.memory_space<vmem>>, vector<16xf32>,
      tpu.vector_store %arg8[%swap3A_2718, %swap3A_2719], %gather3A_2716 {strides = array<i32>} : memref<32x200xf32, #tpu.memory_space<vmem>>, vector<16xf32>,
      %broadcast_in_dim3A_2721 = arith.constant 24 : i32
      %broadcast_in_dim3A_2722 = vector.broadcast %broadcast_in_dim3A_2721 : i32 to vector<16xi32>
      %add3A_2723 = arith.constant 0 : i32
      %add3A_2724 = vector.broadcast %add3A_2723 : i32 to vector<16xi32>
      %add3A_2725 = arith.addi %iota3A, %add3A_2724 : vector<16xi32>
      %gather3A_2726 = tpu.vector_load_idx %arg7[%add3A_2725, %broadcast_in_dim3A_2722] : memref<200x32xf32, #tpu.memory_space<vmem>>[vector<16xi32>, vector<16xi32>], vector<16xf32>,
      %swap3A_2727 = arith.constant 24 : i32
      %swap3A_2728 = arith.index_cast %swap3A_2727 : i32 to index
      %swap3A_2729 = arith.constant 0 : index
      %swap3A_2730 = tpu.vector_load %arg8[%swap3A_2728, %swap3A_2729] {strides = array<i32>} : memref<32x200xf32, #tpu.memory_space<vmem>>, vector<16xf32>,
      tpu.vector_store %arg8[%swap3A_2728, %swap3A_2729], %gather3A_2726 {strides = array<i32>} : memref<32x200xf32, #tpu.memory_space<vmem>>, vector<16xf32>,
      %add3A_2731 = arith.constant 16 : i32
      %add3A_2732 = vector.broadcast %add3A_2731 : i32 to vector<16xi32>
      %add3A_2733 = arith.addi %iota3A, %add3A_2732 : vector<16xi32>
      %gather3A_2734 = tpu.vector_load_idx %arg7[%add3A_2733, %broadcast_in_dim3A_2722] : memref<200x32xf32, #tpu.memory_space<vmem>>[vector<16xi32>, vector<16xi32>], vector<16xf32>,
      %swap3A_2735 = arith.constant 24 : i32
      %swap3A_2736 = arith.index_cast %swap3A_2735 : i32 to index
      %swap3A_2737 = arith.constant 16 : index
      %swap3A_2738 = tpu.vector_load %arg8[%swap3A_2736, %swap3A_2737] {strides = array<i32>} : memref<32x200xf32, #tpu.memory_space<vmem>>, vector<16xf32>,
      tpu.vector_store %arg8[%swap3A_2736, %swap3A_2737], %gather3A_2734 {strides = array<i32>} : memref<32x200xf32, #tpu.memory_space<vmem>>, vector<16xf32>,
      %add3A_2739 = arith.constant 32 : i32
      %add3A_2740 = vector.broadcast %add3A_2739 : i32 to vector<16xi32>
      %add3A_2741 = arith.addi %iota3A, %add3A_2740 : vector<16xi32>
      %gather3A_2742 = tpu.vector_load_idx %arg7[%add3A_2741, %broadcast_in_dim3A_2722] : memref<200x32xf32, #tpu.memory_space<vmem>>[vector<16xi32>, vector<16xi32>], vector<16xf32>,
      %swap3A_2743 = arith.constant 24 : i32
      %swap3A_2744 = arith.index_cast %swap3A_2743 : i32 to index
      %swap3A_2745 = arith.constant 32 : index
      %swap3A_2746 = tpu.vector_load %arg8[%swap3A_2744, %swap3A_2745] {strides = array<i32>} : memref<32x200xf32, #tpu.memory_space<vmem>>, vector<16xf32>,
      tpu.vector_store %arg8[%swap3A_2744, %swap3A_2745], %gather3A_2742 {strides = array<i32>} : memref<32x200xf32, #tpu.memory_space<vmem>>, vector<16xf32>,
      %add3A_2747 = arith.constant 48 : i32
      %add3A_2748 = vector.broadcast %add3A_2747 : i32 to vector<16xi32>
      %add3A_2749 = arith.addi %iota3A, %add3A_2748 : vector<16xi32>
      %gather3A_2750 = tpu.vector_load_idx %arg7[%add3A_2749, %broadcast_in_dim3A_2722] : memref<200x32xf32, #tpu.memory_space<vmem>>[vector<16xi32>, vector<16xi32>], vector<16xf32>,
      %swap3A_2751 = arith.constant 24 : i32
      %swap3A_2752 = arith.index_cast %swap3A_2751 : i32 to index
      %swap3A_2753 = arith.constant 48 : index
      %swap3A_2754 = tpu.vector_load %arg8[%swap3A_2752, %swap3A_2753] {strides = array<i32>} : memref<32x200xf32, #tpu.memory_space<vmem>>, vector<16xf32>,
      tpu.vector_store %arg8[%swap3A_2752, %swap3A_2753], %gather3A_2750 {strides = array<i32>} : memref<32x200xf32, #tpu.memory_space<vmem>>, vector<16xf32>,
      %add3A_2755 = arith.constant 64 : i32
      %add3A_2756 = vector.broadcast %add3A_2755 : i32 to vector<16xi32>
      %add3A_2757 = arith.addi %iota3A, %add3A_2756 : vector<16xi32>
      %gather3A_2758 = tpu.vector_load_idx %arg7[%add3A_2757, %broadcast_in_dim3A_2722] : memref<200x32xf32, #tpu.memory_space<vmem>>[vector<16xi32>, vector<16xi32>], vector<16xf32>,
      %swap3A_2759 = arith.constant 24 : i32
      %swap3A_2760 = arith.index_cast %swap3A_2759 : i32 to index
      %swap3A_2761 = arith.constant 64 : index
      %swap3A_2762 = tpu.vector_load %arg8[%swap3A_2760, %swap3A_2761] {strides = array<i32>} : memref<32x200xf32, #tpu.memory_space<vmem>>, vector<16xf32>,
      tpu.vector_store %arg8[%swap3A_2760, %swap3A_2761], %gather3A_2758 {strides = array<i32>} : memref<32x200xf32, #tpu.memory_space<vmem>>, vector<16xf32>,
      %add3A_2763 = arith.constant 80 : i32
      %add3A_2764 = vector.broadcast %add3A_2763 : i32 to vector<16xi32>
      %add3A_2765 = arith.addi %iota3A, %add3A_2764 : vector<16xi32>
      %gather3A_2766 = tpu.vector_load_idx %arg7[%add3A_2765, %broadcast_in_dim3A_2722] : memref<200x32xf32, #tpu.memory_space<vmem>>[vector<16xi32>, vector<16xi32>], vector<16xf32>,
      %swap3A_2767 = arith.constant 24 : i32
      %swap3A_2768 = arith.index_cast %swap3A_2767 : i32 to index
      %swap3A_2769 = arith.constant 80 : index
      %swap3A_2770 = tpu.vector_load %arg8[%swap3A_2768, %swap3A_2769] {strides = array<i32>} : memref<32x200xf32, #tpu.memory_space<vmem>>, vector<16xf32>,
      tpu.vector_store %arg8[%swap3A_2768, %swap3A_2769], %gather3A_2766 {strides = array<i32>} : memref<32x200xf32, #tpu.memory_space<vmem>>, vector<16xf32>,
      %add3A_2771 = arith.constant 96 : i32
      %add3A_2772 = vector.broadcast %add3A_2771 : i32 to vector<16xi32>
      %add3A_2773 = arith.addi %iota3A, %add3A_2772 : vector<16xi32>
      %gather3A_2774 = tpu.vector_load_idx %arg7[%add3A_2773, %broadcast_in_dim3A_2722] : memref<200x32xf32, #tpu.memory_space<vmem>>[vector<16xi32>, vector<16xi32>], vector<16xf32>,
      %swap3A_2775 = arith.constant 24 : i32
      %swap3A_2776 = arith.index_cast %swap3A_2775 : i32 to index
      %swap3A_2777 = arith.constant 96 : index
      %swap3A_2778 = tpu.vector_load %arg8[%swap3A_2776, %swap3A_2777] {strides = array<i32>} : memref<32x200xf32, #tpu.memory_space<vmem>>, vector<16xf32>,
      tpu.vector_store %arg8[%swap3A_2776, %swap3A_2777], %gather3A_2774 {strides = array<i32>} : memref<32x200xf32, #tpu.memory_space<vmem>>, vector<16xf32>,
      %add3A_2779 = arith.constant 112 : i32
      %add3A_2780 = vector.broadcast %add3A_2779 : i32 to vector<16xi32>
      %add3A_2781 = arith.addi %iota3A, %add3A_2780 : vector<16xi32>
      %gather3A_2782 = tpu.vector_load_idx %arg7[%add3A_2781, %broadcast_in_dim3A_2722] : memref<200x32xf32, #tpu.memory_space<vmem>>[vector<16xi32>, vector<16xi32>], vector<16xf32>,
      %swap3A_2783 = arith.constant 24 : i32
      %swap3A_2784 = arith.index_cast %swap3A_2783 : i32 to index
      %swap3A_2785 = arith.constant 112 : index
      %swap3A_2786 = tpu.vector_load %arg8[%swap3A_2784, %swap3A_2785] {strides = array<i32>} : memref<32x200xf32, #tpu.memory_space<vmem>>, vector<16xf32>,
      tpu.vector_store %arg8[%swap3A_2784, %swap3A_2785], %gather3A_2782 {strides = array<i32>} : memref<32x200xf32, #tpu.memory_space<vmem>>, vector<16xf32>,
      %add3A_2787 = arith.constant 128 : i32
      %add3A_2788 = vector.broadcast %add3A_2787 : i32 to vector<16xi32>
      %add3A_2789 = arith.addi %iota3A, %add3A_2788 : vector<16xi32>
      %gather3A_2790 = tpu.vector_load_idx %arg7[%add3A_2789, %broadcast_in_dim3A_2722] : memref<200x32xf32, #tpu.memory_space<vmem>>[vector<16xi32>, vector<16xi32>], vector<16xf32>,
      %swap3A_2791 = arith.constant 24 : i32
      %swap3A_2792 = arith.index_cast %swap3A_2791 : i32 to index
      %swap3A_2793 = arith.constant 128 : index
      %swap3A_2794 = tpu.vector_load %arg8[%swap3A_2792, %swap3A_2793] {strides = array<i32>} : memref<32x200xf32, #tpu.memory_space<vmem>>, vector<16xf32>,
      tpu.vector_store %arg8[%swap3A_2792, %swap3A_2793], %gather3A_2790 {strides = array<i32>} : memref<32x200xf32, #tpu.memory_space<vmem>>, vector<16xf32>,
      %add3A_2795 = arith.constant 144 : i32
      %add3A_2796 = vector.broadcast %add3A_2795 : i32 to vector<16xi32>
      %add3A_2797 = arith.addi %iota3A, %add3A_2796 : vector<16xi32>
      %gather3A_2798 = tpu.vector_load_idx %arg7[%add3A_2797, %broadcast_in_dim3A_2722] : memref<200x32xf32, #tpu.memory_space<vmem>>[vector<16xi32>, vector<16xi32>], vector<16xf32>,
      %swap3A_2799 = arith.constant 24 : i32
      %swap3A_2800 = arith.index_cast %swap3A_2799 : i32 to index
      %swap3A_2801 = arith.constant 144 : index
      %swap3A_2802 = tpu.vector_load %arg8[%swap3A_2800, %swap3A_2801] {strides = array<i32>} : memref<32x200xf32, #tpu.memory_space<vmem>>, vector<16xf32>,
      tpu.vector_store %arg8[%swap3A_2800, %swap3A_2801], %gather3A_2798 {strides = array<i32>} : memref<32x200xf32, #tpu.memory_space<vmem>>, vector<16xf32>,
      %add3A_2803 = arith.constant 160 : i32
      %add3A_2804 = vector.broadcast %add3A_2803 : i32 to vector<16xi32>
      %add3A_2805 = arith.addi %iota3A, %add3A_2804 : vector<16xi32>
      %gather3A_2806 = tpu.vector_load_idx %arg7[%add3A_2805, %broadcast_in_dim3A_2722] : memref<200x32xf32, #tpu.memory_space<vmem>>[vector<16xi32>, vector<16xi32>], vector<16xf32>,
      %swap3A_2807 = arith.constant 24 : i32
      %swap3A_2808 = arith.index_cast %swap3A_2807 : i32 to index
      %swap3A_2809 = arith.constant 160 : index
      %swap3A_2810 = tpu.vector_load %arg8[%swap3A_2808, %swap3A_2809] {strides = array<i32>} : memref<32x200xf32, #tpu.memory_space<vmem>>, vector<16xf32>,
      tpu.vector_store %arg8[%swap3A_2808, %swap3A_2809], %gather3A_2806 {strides = array<i32>} : memref<32x200xf32, #tpu.memory_space<vmem>>, vector<16xf32>,
      %add3A_2811 = arith.constant 176 : i32
      %add3A_2812 = vector.broadcast %add3A_2811 : i32 to vector<16xi32>
      %add3A_2813 = arith.addi %iota3A, %add3A_2812 : vector<16xi32>
      %gather3A_2814 = tpu.vector_load_idx %arg7[%add3A_2813, %broadcast_in_dim3A_2722] : memref<200x32xf32, #tpu.memory_space<vmem>>[vector<16xi32>, vector<16xi32>], vector<16xf32>,
      %swap3A_2815 = arith.constant 24 : i32
      %swap3A_2816 = arith.index_cast %swap3A_2815 : i32 to index
      %swap3A_2817 = arith.constant 176 : index
      %swap3A_2818 = tpu.vector_load %arg8[%swap3A_2816, %swap3A_2817] {strides = array<i32>} : memref<32x200xf32, #tpu.memory_space<vmem>>, vector<16xf32>,
      tpu.vector_store %arg8[%swap3A_2816, %swap3A_2817], %gather3A_2814 {strides = array<i32>} : memref<32x200xf32, #tpu.memory_space<vmem>>, vector<16xf32>,
      %add3A_2819 = arith.constant 184 : i32
      %add3A_2820 = vector.broadcast %add3A_2819 : i32 to vector<16xi32>
      %add3A_2821 = arith.addi %iota3A, %add3A_2820 : vector<16xi32>
      %gather3A_2822 = tpu.vector_load_idx %arg7[%add3A_2821, %broadcast_in_dim3A_2722] : memref<200x32xf32, #tpu.memory_space<vmem>>[vector<16xi32>, vector<16xi32>], vector<16xf32>,
      %swap3A_2823 = arith.constant 24 : i32
      %swap3A_2824 = arith.index_cast %swap3A_2823 : i32 to index
      %swap3A_2825 = arith.constant 184 : index
      %swap3A_2826 = tpu.vector_load %arg8[%swap3A_2824, %swap3A_2825] {strides = array<i32>} : memref<32x200xf32, #tpu.memory_space<vmem>>, vector<16xf32>,
      tpu.vector_store %arg8[%swap3A_2824, %swap3A_2825], %gather3A_2822 {strides = array<i32>} : memref<32x200xf32, #tpu.memory_space<vmem>>, vector<16xf32>,
      %broadcast_in_dim3A_2827 = arith.constant 25 : i32
      %broadcast_in_dim3A_2828 = vector.broadcast %broadcast_in_dim3A_2827 : i32 to vector<16xi32>
      %add3A_2829 = arith.constant 0 : i32
      %add3A_2830 = vector.broadcast %add3A_2829 : i32 to vector<16xi32>
      %add3A_2831 = arith.addi %iota3A, %add3A_2830 : vector<16xi32>
      %gather3A_2832 = tpu.vector_load_idx %arg7[%add3A_2831, %broadcast_in_dim3A_2828] : memref<200x32xf32, #tpu.memory_space<vmem>>[vector<16xi32>, vector<16xi32>], vector<16xf32>,
      %swap3A_2833 = arith.constant 25 : i32
      %swap3A_2834 = arith.index_cast %swap3A_2833 : i32 to index
      %swap3A_2835 = arith.constant 0 : index
      %swap3A_2836 = tpu.vector_load %arg8[%swap3A_2834, %swap3A_2835] {strides = array<i32>} : memref<32x200xf32, #tpu.memory_space<vmem>>, vector<16xf32>,
      tpu.vector_store %arg8[%swap3A_2834, %swap3A_2835], %gather3A_2832 {strides = array<i32>} : memref<32x200xf32, #tpu.memory_space<vmem>>, vector<16xf32>,
      %add3A_2837 = arith.constant 16 : i32
      %add3A_2838 = vector.broadcast %add3A_2837 : i32 to vector<16xi32>
      %add3A_2839 = arith.addi %iota3A, %add3A_2838 : vector<16xi32>
      %gather3A_2840 = tpu.vector_load_idx %arg7[%add3A_2839, %broadcast_in_dim3A_2828] : memref<200x32xf32, #tpu.memory_space<vmem>>[vector<16xi32>, vector<16xi32>], vector<16xf32>,
      %swap3A_2841 = arith.constant 25 : i32
      %swap3A_2842 = arith.index_cast %swap3A_2841 : i32 to index
      %swap3A_2843 = arith.constant 16 : index
      %swap3A_2844 = tpu.vector_load %arg8[%swap3A_2842, %swap3A_2843] {strides = array<i32>} : memref<32x200xf32, #tpu.memory_space<vmem>>, vector<16xf32>,
      tpu.vector_store %arg8[%swap3A_2842, %swap3A_2843], %gather3A_2840 {strides = array<i32>} : memref<32x200xf32, #tpu.memory_space<vmem>>, vector<16xf32>,
      %add3A_2845 = arith.constant 32 : i32
      %add3A_2846 = vector.broadcast %add3A_2845 : i32 to vector<16xi32>
      %add3A_2847 = arith.addi %iota3A, %add3A_2846 : vector<16xi32>
      %gather3A_2848 = tpu.vector_load_idx %arg7[%add3A_2847, %broadcast_in_dim3A_2828] : memref<200x32xf32, #tpu.memory_space<vmem>>[vector<16xi32>, vector<16xi32>], vector<16xf32>,
      %swap3A_2849 = arith.constant 25 : i32
      %swap3A_2850 = arith.index_cast %swap3A_2849 : i32 to index
      %swap3A_2851 = arith.constant 32 : index
      %swap3A_2852 = tpu.vector_load %arg8[%swap3A_2850, %swap3A_2851] {strides = array<i32>} : memref<32x200xf32, #tpu.memory_space<vmem>>, vector<16xf32>,
      tpu.vector_store %arg8[%swap3A_2850, %swap3A_2851], %gather3A_2848 {strides = array<i32>} : memref<32x200xf32, #tpu.memory_space<vmem>>, vector<16xf32>,
      %add3A_2853 = arith.constant 48 : i32
      %add3A_2854 = vector.broadcast %add3A_2853 : i32 to vector<16xi32>
      %add3A_2855 = arith.addi %iota3A, %add3A_2854 : vector<16xi32>
      %gather3A_2856 = tpu.vector_load_idx %arg7[%add3A_2855, %broadcast_in_dim3A_2828] : memref<200x32xf32, #tpu.memory_space<vmem>>[vector<16xi32>, vector<16xi32>], vector<16xf32>,
      %swap3A_2857 = arith.constant 25 : i32
      %swap3A_2858 = arith.index_cast %swap3A_2857 : i32 to index
      %swap3A_2859 = arith.constant 48 : index
      %swap3A_2860 = tpu.vector_load %arg8[%swap3A_2858, %swap3A_2859] {strides = array<i32>} : memref<32x200xf32, #tpu.memory_space<vmem>>, vector<16xf32>,
      tpu.vector_store %arg8[%swap3A_2858, %swap3A_2859], %gather3A_2856 {strides = array<i32>} : memref<32x200xf32, #tpu.memory_space<vmem>>, vector<16xf32>,
      %add3A_2861 = arith.constant 64 : i32
      %add3A_2862 = vector.broadcast %add3A_2861 : i32 to vector<16xi32>
      %add3A_2863 = arith.addi %iota3A, %add3A_2862 : vector<16xi32>
      %gather3A_2864 = tpu.vector_load_idx %arg7[%add3A_2863, %broadcast_in_dim3A_2828] : memref<200x32xf32, #tpu.memory_space<vmem>>[vector<16xi32>, vector<16xi32>], vector<16xf32>,
      %swap3A_2865 = arith.constant 25 : i32
      %swap3A_2866 = arith.index_cast %swap3A_2865 : i32 to index
      %swap3A_2867 = arith.constant 64 : index
      %swap3A_2868 = tpu.vector_load %arg8[%swap3A_2866, %swap3A_2867] {strides = array<i32>} : memref<32x200xf32, #tpu.memory_space<vmem>>, vector<16xf32>,
      tpu.vector_store %arg8[%swap3A_2866, %swap3A_2867], %gather3A_2864 {strides = array<i32>} : memref<32x200xf32, #tpu.memory_space<vmem>>, vector<16xf32>,
      %add3A_2869 = arith.constant 80 : i32
      %add3A_2870 = vector.broadcast %add3A_2869 : i32 to vector<16xi32>
      %add3A_2871 = arith.addi %iota3A, %add3A_2870 : vector<16xi32>
      %gather3A_2872 = tpu.vector_load_idx %arg7[%add3A_2871, %broadcast_in_dim3A_2828] : memref<200x32xf32, #tpu.memory_space<vmem>>[vector<16xi32>, vector<16xi32>], vector<16xf32>,
      %swap3A_2873 = arith.constant 25 : i32
      %swap3A_2874 = arith.index_cast %swap3A_2873 : i32 to index
      %swap3A_2875 = arith.constant 80 : index
      %swap3A_2876 = tpu.vector_load %arg8[%swap3A_2874, %swap3A_2875] {strides = array<i32>} : memref<32x200xf32, #tpu.memory_space<vmem>>, vector<16xf32>,
      tpu.vector_store %arg8[%swap3A_2874, %swap3A_2875], %gather3A_2872 {strides = array<i32>} : memref<32x200xf32, #tpu.memory_space<vmem>>, vector<16xf32>,
      %add3A_2877 = arith.constant 96 : i32
      %add3A_2878 = vector.broadcast %add3A_2877 : i32 to vector<16xi32>
      %add3A_2879 = arith.addi %iota3A, %add3A_2878 : vector<16xi32>
      %gather3A_2880 = tpu.vector_load_idx %arg7[%add3A_2879, %broadcast_in_dim3A_2828] : memref<200x32xf32, #tpu.memory_space<vmem>>[vector<16xi32>, vector<16xi32>], vector<16xf32>,
      %swap3A_2881 = arith.constant 25 : i32
      %swap3A_2882 = arith.index_cast %swap3A_2881 : i32 to index
      %swap3A_2883 = arith.constant 96 : index
      %swap3A_2884 = tpu.vector_load %arg8[%swap3A_2882, %swap3A_2883] {strides = array<i32>} : memref<32x200xf32, #tpu.memory_space<vmem>>, vector<16xf32>,
      tpu.vector_store %arg8[%swap3A_2882, %swap3A_2883], %gather3A_2880 {strides = array<i32>} : memref<32x200xf32, #tpu.memory_space<vmem>>, vector<16xf32>,
      %add3A_2885 = arith.constant 112 : i32
      %add3A_2886 = vector.broadcast %add3A_2885 : i32 to vector<16xi32>
      %add3A_2887 = arith.addi %iota3A, %add3A_2886 : vector<16xi32>
      %gather3A_2888 = tpu.vector_load_idx %arg7[%add3A_2887, %broadcast_in_dim3A_2828] : memref<200x32xf32, #tpu.memory_space<vmem>>[vector<16xi32>, vector<16xi32>], vector<16xf32>,
      %swap3A_2889 = arith.constant 25 : i32
      %swap3A_2890 = arith.index_cast %swap3A_2889 : i32 to index
      %swap3A_2891 = arith.constant 112 : index
      %swap3A_2892 = tpu.vector_load %arg8[%swap3A_2890, %swap3A_2891] {strides = array<i32>} : memref<32x200xf32, #tpu.memory_space<vmem>>, vector<16xf32>,
      tpu.vector_store %arg8[%swap3A_2890, %swap3A_2891], %gather3A_2888 {strides = array<i32>} : memref<32x200xf32, #tpu.memory_space<vmem>>, vector<16xf32>,
      %add3A_2893 = arith.constant 128 : i32
      %add3A_2894 = vector.broadcast %add3A_2893 : i32 to vector<16xi32>
      %add3A_2895 = arith.addi %iota3A, %add3A_2894 : vector<16xi32>
      %gather3A_2896 = tpu.vector_load_idx %arg7[%add3A_2895, %broadcast_in_dim3A_2828] : memref<200x32xf32, #tpu.memory_space<vmem>>[vector<16xi32>, vector<16xi32>], vector<16xf32>,
      %swap3A_2897 = arith.constant 25 : i32
      %swap3A_2898 = arith.index_cast %swap3A_2897 : i32 to index
      %swap3A_2899 = arith.constant 128 : index
      %swap3A_2900 = tpu.vector_load %arg8[%swap3A_2898, %swap3A_2899] {strides = array<i32>} : memref<32x200xf32, #tpu.memory_space<vmem>>, vector<16xf32>,
      tpu.vector_store %arg8[%swap3A_2898, %swap3A_2899], %gather3A_2896 {strides = array<i32>} : memref<32x200xf32, #tpu.memory_space<vmem>>, vector<16xf32>,
      %add3A_2901 = arith.constant 144 : i32
      %add3A_2902 = vector.broadcast %add3A_2901 : i32 to vector<16xi32>
      %add3A_2903 = arith.addi %iota3A, %add3A_2902 : vector<16xi32>
      %gather3A_2904 = tpu.vector_load_idx %arg7[%add3A_2903, %broadcast_in_dim3A_2828] : memref<200x32xf32, #tpu.memory_space<vmem>>[vector<16xi32>, vector<16xi32>], vector<16xf32>,
      %swap3A_2905 = arith.constant 25 : i32
      %swap3A_2906 = arith.index_cast %swap3A_2905 : i32 to index
      %swap3A_2907 = arith.constant 144 : index
      %swap3A_2908 = tpu.vector_load %arg8[%swap3A_2906, %swap3A_2907] {strides = array<i32>} : memref<32x200xf32, #tpu.memory_space<vmem>>, vector<16xf32>,
      tpu.vector_store %arg8[%swap3A_2906, %swap3A_2907], %gather3A_2904 {strides = array<i32>} : memref<32x200xf32, #tpu.memory_space<vmem>>, vector<16xf32>,
      %add3A_2909 = arith.constant 160 : i32
      %add3A_2910 = vector.broadcast %add3A_2909 : i32 to vector<16xi32>
      %add3A_2911 = arith.addi %iota3A, %add3A_2910 : vector<16xi32>
      %gather3A_2912 = tpu.vector_load_idx %arg7[%add3A_2911, %broadcast_in_dim3A_2828] : memref<200x32xf32, #tpu.memory_space<vmem>>[vector<16xi32>, vector<16xi32>], vector<16xf32>,
      %swap3A_2913 = arith.constant 25 : i32
      %swap3A_2914 = arith.index_cast %swap3A_2913 : i32 to index
      %swap3A_2915 = arith.constant 160 : index
      %swap3A_2916 = tpu.vector_load %arg8[%swap3A_2914, %swap3A_2915] {strides = array<i32>} : memref<32x200xf32, #tpu.memory_space<vmem>>, vector<16xf32>,
      tpu.vector_store %arg8[%swap3A_2914, %swap3A_2915], %gather3A_2912 {strides = array<i32>} : memref<32x200xf32, #tpu.memory_space<vmem>>, vector<16xf32>,
      %add3A_2917 = arith.constant 176 : i32
      %add3A_2918 = vector.broadcast %add3A_2917 : i32 to vector<16xi32>
      %add3A_2919 = arith.addi %iota3A, %add3A_2918 : vector<16xi32>
      %gather3A_2920 = tpu.vector_load_idx %arg7[%add3A_2919, %broadcast_in_dim3A_2828] : memref<200x32xf32, #tpu.memory_space<vmem>>[vector<16xi32>, vector<16xi32>], vector<16xf32>,
      %swap3A_2921 = arith.constant 25 : i32
      %swap3A_2922 = arith.index_cast %swap3A_2921 : i32 to index
      %swap3A_2923 = arith.constant 176 : index
      %swap3A_2924 = tpu.vector_load %arg8[%swap3A_2922, %swap3A_2923] {strides = array<i32>} : memref<32x200xf32, #tpu.memory_space<vmem>>, vector<16xf32>,
      tpu.vector_store %arg8[%swap3A_2922, %swap3A_2923], %gather3A_2920 {strides = array<i32>} : memref<32x200xf32, #tpu.memory_space<vmem>>, vector<16xf32>,
      %add3A_2925 = arith.constant 184 : i32
      %add3A_2926 = vector.broadcast %add3A_2925 : i32 to vector<16xi32>
      %add3A_2927 = arith.addi %iota3A, %add3A_2926 : vector<16xi32>
      %gather3A_2928 = tpu.vector_load_idx %arg7[%add3A_2927, %broadcast_in_dim3A_2828] : memref<200x32xf32, #tpu.memory_space<vmem>>[vector<16xi32>, vector<16xi32>], vector<16xf32>,
      %swap3A_2929 = arith.constant 25 : i32
      %swap3A_2930 = arith.index_cast %swap3A_2929 : i32 to index
      %swap3A_2931 = arith.constant 184 : index
      %swap3A_2932 = tpu.vector_load %arg8[%swap3A_2930, %swap3A_2931] {strides = array<i32>} : memref<32x200xf32, #tpu.memory_space<vmem>>, vector<16xf32>,
      tpu.vector_store %arg8[%swap3A_2930, %swap3A_2931], %gather3A_2928 {strides = array<i32>} : memref<32x200xf32, #tpu.memory_space<vmem>>, vector<16xf32>,
      %broadcast_in_dim3A_2933 = arith.constant 26 : i32
      %broadcast_in_dim3A_2934 = vector.broadcast %broadcast_in_dim3A_2933 : i32 to vector<16xi32>
      %add3A_2935 = arith.constant 0 : i32
      %add3A_2936 = vector.broadcast %add3A_2935 : i32 to vector<16xi32>
      %add3A_2937 = arith.addi %iota3A, %add3A_2936 : vector<16xi32>
      %gather3A_2938 = tpu.vector_load_idx %arg7[%add3A_2937, %broadcast_in_dim3A_2934] : memref<200x32xf32, #tpu.memory_space<vmem>>[vector<16xi32>, vector<16xi32>], vector<16xf32>,
      %swap3A_2939 = arith.constant 26 : i32
      %swap3A_2940 = arith.index_cast %swap3A_2939 : i32 to index
      %swap3A_2941 = arith.constant 0 : index
      %swap3A_2942 = tpu.vector_load %arg8[%swap3A_2940, %swap3A_2941] {strides = array<i32>} : memref<32x200xf32, #tpu.memory_space<vmem>>, vector<16xf32>,
      tpu.vector_store %arg8[%swap3A_2940, %swap3A_2941], %gather3A_2938 {strides = array<i32>} : memref<32x200xf32, #tpu.memory_space<vmem>>, vector<16xf32>,
      %add3A_2943 = arith.constant 16 : i32
      %add3A_2944 = vector.broadcast %add3A_2943 : i32 to vector<16xi32>
      %add3A_2945 = arith.addi %iota3A, %add3A_2944 : vector<16xi32>
      %gather3A_2946 = tpu.vector_load_idx %arg7[%add3A_2945, %broadcast_in_dim3A_2934] : memref<200x32xf32, #tpu.memory_space<vmem>>[vector<16xi32>, vector<16xi32>], vector<16xf32>,
      %swap3A_2947 = arith.constant 26 : i32
      %swap3A_2948 = arith.index_cast %swap3A_2947 : i32 to index
      %swap3A_2949 = arith.constant 16 : index
      %swap3A_2950 = tpu.vector_load %arg8[%swap3A_2948, %swap3A_2949] {strides = array<i32>} : memref<32x200xf32, #tpu.memory_space<vmem>>, vector<16xf32>,
      tpu.vector_store %arg8[%swap3A_2948, %swap3A_2949], %gather3A_2946 {strides = array<i32>} : memref<32x200xf32, #tpu.memory_space<vmem>>, vector<16xf32>,
      %add3A_2951 = arith.constant 32 : i32
      %add3A_2952 = vector.broadcast %add3A_2951 : i32 to vector<16xi32>
      %add3A_2953 = arith.addi %iota3A, %add3A_2952 : vector<16xi32>
      %gather3A_2954 = tpu.vector_load_idx %arg7[%add3A_2953, %broadcast_in_dim3A_2934] : memref<200x32xf32, #tpu.memory_space<vmem>>[vector<16xi32>, vector<16xi32>], vector<16xf32>,
      %swap3A_2955 = arith.constant 26 : i32
      %swap3A_2956 = arith.index_cast %swap3A_2955 : i32 to index
      %swap3A_2957 = arith.constant 32 : index
      %swap3A_2958 = tpu.vector_load %arg8[%swap3A_2956, %swap3A_2957] {strides = array<i32>} : memref<32x200xf32, #tpu.memory_space<vmem>>, vector<16xf32>,
      tpu.vector_store %arg8[%swap3A_2956, %swap3A_2957], %gather3A_2954 {strides = array<i32>} : memref<32x200xf32, #tpu.memory_space<vmem>>, vector<16xf32>,
      %add3A_2959 = arith.constant 48 : i32
      %add3A_2960 = vector.broadcast %add3A_2959 : i32 to vector<16xi32>
      %add3A_2961 = arith.addi %iota3A, %add3A_2960 : vector<16xi32>
      %gather3A_2962 = tpu.vector_load_idx %arg7[%add3A_2961, %broadcast_in_dim3A_2934] : memref<200x32xf32, #tpu.memory_space<vmem>>[vector<16xi32>, vector<16xi32>], vector<16xf32>,
      %swap3A_2963 = arith.constant 26 : i32
      %swap3A_2964 = arith.index_cast %swap3A_2963 : i32 to index
      %swap3A_2965 = arith.constant 48 : index
      %swap3A_2966 = tpu.vector_load %arg8[%swap3A_2964, %swap3A_2965] {strides = array<i32>} : memref<32x200xf32, #tpu.memory_space<vmem>>, vector<16xf32>,
      tpu.vector_store %arg8[%swap3A_2964, %swap3A_2965], %gather3A_2962 {strides = array<i32>} : memref<32x200xf32, #tpu.memory_space<vmem>>, vector<16xf32>,
      %add3A_2967 = arith.constant 64 : i32
      %add3A_2968 = vector.broadcast %add3A_2967 : i32 to vector<16xi32>
      %add3A_2969 = arith.addi %iota3A, %add3A_2968 : vector<16xi32>
      %gather3A_2970 = tpu.vector_load_idx %arg7[%add3A_2969, %broadcast_in_dim3A_2934] : memref<200x32xf32, #tpu.memory_space<vmem>>[vector<16xi32>, vector<16xi32>], vector<16xf32>,
      %swap3A_2971 = arith.constant 26 : i32
      %swap3A_2972 = arith.index_cast %swap3A_2971 : i32 to index
      %swap3A_2973 = arith.constant 64 : index
      %swap3A_2974 = tpu.vector_load %arg8[%swap3A_2972, %swap3A_2973] {strides = array<i32>} : memref<32x200xf32, #tpu.memory_space<vmem>>, vector<16xf32>,
      tpu.vector_store %arg8[%swap3A_2972, %swap3A_2973], %gather3A_2970 {strides = array<i32>} : memref<32x200xf32, #tpu.memory_space<vmem>>, vector<16xf32>,
      %add3A_2975 = arith.constant 80 : i32
      %add3A_2976 = vector.broadcast %add3A_2975 : i32 to vector<16xi32>
      %add3A_2977 = arith.addi %iota3A, %add3A_2976 : vector<16xi32>
      %gather3A_2978 = tpu.vector_load_idx %arg7[%add3A_2977, %broadcast_in_dim3A_2934] : memref<200x32xf32, #tpu.memory_space<vmem>>[vector<16xi32>, vector<16xi32>], vector<16xf32>,
      %swap3A_2979 = arith.constant 26 : i32
      %swap3A_2980 = arith.index_cast %swap3A_2979 : i32 to index
      %swap3A_2981 = arith.constant 80 : index
      %swap3A_2982 = tpu.vector_load %arg8[%swap3A_2980, %swap3A_2981] {strides = array<i32>} : memref<32x200xf32, #tpu.memory_space<vmem>>, vector<16xf32>,
      tpu.vector_store %arg8[%swap3A_2980, %swap3A_2981], %gather3A_2978 {strides = array<i32>} : memref<32x200xf32, #tpu.memory_space<vmem>>, vector<16xf32>,
      %add3A_2983 = arith.constant 96 : i32
      %add3A_2984 = vector.broadcast %add3A_2983 : i32 to vector<16xi32>
      %add3A_2985 = arith.addi %iota3A, %add3A_2984 : vector<16xi32>
      %gather3A_2986 = tpu.vector_load_idx %arg7[%add3A_2985, %broadcast_in_dim3A_2934] : memref<200x32xf32, #tpu.memory_space<vmem>>[vector<16xi32>, vector<16xi32>], vector<16xf32>,
      %swap3A_2987 = arith.constant 26 : i32
      %swap3A_2988 = arith.index_cast %swap3A_2987 : i32 to index
      %swap3A_2989 = arith.constant 96 : index
      %swap3A_2990 = tpu.vector_load %arg8[%swap3A_2988, %swap3A_2989] {strides = array<i32>} : memref<32x200xf32, #tpu.memory_space<vmem>>, vector<16xf32>,
      tpu.vector_store %arg8[%swap3A_2988, %swap3A_2989], %gather3A_2986 {strides = array<i32>} : memref<32x200xf32, #tpu.memory_space<vmem>>, vector<16xf32>,
      %add3A_2991 = arith.constant 112 : i32
      %add3A_2992 = vector.broadcast %add3A_2991 : i32 to vector<16xi32>
      %add3A_2993 = arith.addi %iota3A, %add3A_2992 : vector<16xi32>
      %gather3A_2994 = tpu.vector_load_idx %arg7[%add3A_2993, %broadcast_in_dim3A_2934] : memref<200x32xf32, #tpu.memory_space<vmem>>[vector<16xi32>, vector<16xi32>], vector<16xf32>,
      %swap3A_2995 = arith.constant 26 : i32
      %swap3A_2996 = arith.index_cast %swap3A_2995 : i32 to index
      %swap3A_2997 = arith.constant 112 : index
      %swap3A_2998 = tpu.vector_load %arg8[%swap3A_2996, %swap3A_2997] {strides = array<i32>} : memref<32x200xf32, #tpu.memory_space<vmem>>, vector<16xf32>,
      tpu.vector_store %arg8[%swap3A_2996, %swap3A_2997], %gather3A_2994 {strides = array<i32>} : memref<32x200xf32, #tpu.memory_space<vmem>>, vector<16xf32>,
      %add3A_2999 = arith.constant 128 : i32
      %add3A_3000 = vector.broadcast %add3A_2999 : i32 to vector<16xi32>
      %add3A_3001 = arith.addi %iota3A, %add3A_3000 : vector<16xi32>
      %gather3A_3002 = tpu.vector_load_idx %arg7[%add3A_3001, %broadcast_in_dim3A_2934] : memref<200x32xf32, #tpu.memory_space<vmem>>[vector<16xi32>, vector<16xi32>], vector<16xf32>,
      %swap3A_3003 = arith.constant 26 : i32
      %swap3A_3004 = arith.index_cast %swap3A_3003 : i32 to index
      %swap3A_3005 = arith.constant 128 : index
      %swap3A_3006 = tpu.vector_load %arg8[%swap3A_3004, %swap3A_3005] {strides = array<i32>} : memref<32x200xf32, #tpu.memory_space<vmem>>, vector<16xf32>,
      tpu.vector_store %arg8[%swap3A_3004, %swap3A_3005], %gather3A_3002 {strides = array<i32>} : memref<32x200xf32, #tpu.memory_space<vmem>>, vector<16xf32>,
      %add3A_3007 = arith.constant 144 : i32
      %add3A_3008 = vector.broadcast %add3A_3007 : i32 to vector<16xi32>
      %add3A_3009 = arith.addi %iota3A, %add3A_3008 : vector<16xi32>
      %gather3A_3010 = tpu.vector_load_idx %arg7[%add3A_3009, %broadcast_in_dim3A_2934] : memref<200x32xf32, #tpu.memory_space<vmem>>[vector<16xi32>, vector<16xi32>], vector<16xf32>,
      %swap3A_3011 = arith.constant 26 : i32
      %swap3A_3012 = arith.index_cast %swap3A_3011 : i32 to index
      %swap3A_3013 = arith.constant 144 : index
      %swap3A_3014 = tpu.vector_load %arg8[%swap3A_3012, %swap3A_3013] {strides = array<i32>} : memref<32x200xf32, #tpu.memory_space<vmem>>, vector<16xf32>,
      tpu.vector_store %arg8[%swap3A_3012, %swap3A_3013], %gather3A_3010 {strides = array<i32>} : memref<32x200xf32, #tpu.memory_space<vmem>>, vector<16xf32>,
      %add3A_3015 = arith.constant 160 : i32
      %add3A_3016 = vector.broadcast %add3A_3015 : i32 to vector<16xi32>
      %add3A_3017 = arith.addi %iota3A, %add3A_3016 : vector<16xi32>
      %gather3A_3018 = tpu.vector_load_idx %arg7[%add3A_3017, %broadcast_in_dim3A_2934] : memref<200x32xf32, #tpu.memory_space<vmem>>[vector<16xi32>, vector<16xi32>], vector<16xf32>,
      %swap3A_3019 = arith.constant 26 : i32
      %swap3A_3020 = arith.index_cast %swap3A_3019 : i32 to index
      %swap3A_3021 = arith.constant 160 : index
      %swap3A_3022 = tpu.vector_load %arg8[%swap3A_3020, %swap3A_3021] {strides = array<i32>} : memref<32x200xf32, #tpu.memory_space<vmem>>, vector<16xf32>,
      tpu.vector_store %arg8[%swap3A_3020, %swap3A_3021], %gather3A_3018 {strides = array<i32>} : memref<32x200xf32, #tpu.memory_space<vmem>>, vector<16xf32>,
      %add3A_3023 = arith.constant 176 : i32
      %add3A_3024 = vector.broadcast %add3A_3023 : i32 to vector<16xi32>
      %add3A_3025 = arith.addi %iota3A, %add3A_3024 : vector<16xi32>
      %gather3A_3026 = tpu.vector_load_idx %arg7[%add3A_3025, %broadcast_in_dim3A_2934] : memref<200x32xf32, #tpu.memory_space<vmem>>[vector<16xi32>, vector<16xi32>], vector<16xf32>,
      %swap3A_3027 = arith.constant 26 : i32
      %swap3A_3028 = arith.index_cast %swap3A_3027 : i32 to index
      %swap3A_3029 = arith.constant 176 : index
      %swap3A_3030 = tpu.vector_load %arg8[%swap3A_3028, %swap3A_3029] {strides = array<i32>} : memref<32x200xf32, #tpu.memory_space<vmem>>, vector<16xf32>,
      tpu.vector_store %arg8[%swap3A_3028, %swap3A_3029], %gather3A_3026 {strides = array<i32>} : memref<32x200xf32, #tpu.memory_space<vmem>>, vector<16xf32>,
      %add3A_3031 = arith.constant 184 : i32
      %add3A_3032 = vector.broadcast %add3A_3031 : i32 to vector<16xi32>
      %add3A_3033 = arith.addi %iota3A, %add3A_3032 : vector<16xi32>
      %gather3A_3034 = tpu.vector_load_idx %arg7[%add3A_3033, %broadcast_in_dim3A_2934] : memref<200x32xf32, #tpu.memory_space<vmem>>[vector<16xi32>, vector<16xi32>], vector<16xf32>,
      %swap3A_3035 = arith.constant 26 : i32
      %swap3A_3036 = arith.index_cast %swap3A_3035 : i32 to index
      %swap3A_3037 = arith.constant 184 : index
      %swap3A_3038 = tpu.vector_load %arg8[%swap3A_3036, %swap3A_3037] {strides = array<i32>} : memref<32x200xf32, #tpu.memory_space<vmem>>, vector<16xf32>,
      tpu.vector_store %arg8[%swap3A_3036, %swap3A_3037], %gather3A_3034 {strides = array<i32>} : memref<32x200xf32, #tpu.memory_space<vmem>>, vector<16xf32>,
      %broadcast_in_dim3A_3039 = arith.constant 27 : i32
      %broadcast_in_dim3A_3040 = vector.broadcast %broadcast_in_dim3A_3039 : i32 to vector<16xi32>
      %add3A_3041 = arith.constant 0 : i32
      %add3A_3042 = vector.broadcast %add3A_3041 : i32 to vector<16xi32>
      %add3A_3043 = arith.addi %iota3A, %add3A_3042 : vector<16xi32>
      %gather3A_3044 = tpu.vector_load_idx %arg7[%add3A_3043, %broadcast_in_dim3A_3040] : memref<200x32xf32, #tpu.memory_space<vmem>>[vector<16xi32>, vector<16xi32>], vector<16xf32>,
      %swap3A_3045 = arith.constant 27 : i32
      %swap3A_3046 = arith.index_cast %swap3A_3045 : i32 to index
      %swap3A_3047 = arith.constant 0 : index
      %swap3A_3048 = tpu.vector_load %arg8[%swap3A_3046, %swap3A_3047] {strides = array<i32>} : memref<32x200xf32, #tpu.memory_space<vmem>>, vector<16xf32>,
      tpu.vector_store %arg8[%swap3A_3046, %swap3A_3047], %gather3A_3044 {strides = array<i32>} : memref<32x200xf32, #tpu.memory_space<vmem>>, vector<16xf32>,
      %add3A_3049 = arith.constant 16 : i32
      %add3A_3050 = vector.broadcast %add3A_3049 : i32 to vector<16xi32>
      %add3A_3051 = arith.addi %iota3A, %add3A_3050 : vector<16xi32>
      %gather3A_3052 = tpu.vector_load_idx %arg7[%add3A_3051, %broadcast_in_dim3A_3040] : memref<200x32xf32, #tpu.memory_space<vmem>>[vector<16xi32>, vector<16xi32>], vector<16xf32>,
      %swap3A_3053 = arith.constant 27 : i32
      %swap3A_3054 = arith.index_cast %swap3A_3053 : i32 to index
      %swap3A_3055 = arith.constant 16 : index
      %swap3A_3056 = tpu.vector_load %arg8[%swap3A_3054, %swap3A_3055] {strides = array<i32>} : memref<32x200xf32, #tpu.memory_space<vmem>>, vector<16xf32>,
      tpu.vector_store %arg8[%swap3A_3054, %swap3A_3055], %gather3A_3052 {strides = array<i32>} : memref<32x200xf32, #tpu.memory_space<vmem>>, vector<16xf32>,
      %add3A_3057 = arith.constant 32 : i32
      %add3A_3058 = vector.broadcast %add3A_3057 : i32 to vector<16xi32>
      %add3A_3059 = arith.addi %iota3A, %add3A_3058 : vector<16xi32>
      %gather3A_3060 = tpu.vector_load_idx %arg7[%add3A_3059, %broadcast_in_dim3A_3040] : memref<200x32xf32, #tpu.memory_space<vmem>>[vector<16xi32>, vector<16xi32>], vector<16xf32>,
      %swap3A_3061 = arith.constant 27 : i32
      %swap3A_3062 = arith.index_cast %swap3A_3061 : i32 to index
      %swap3A_3063 = arith.constant 32 : index
      %swap3A_3064 = tpu.vector_load %arg8[%swap3A_3062, %swap3A_3063] {strides = array<i32>} : memref<32x200xf32, #tpu.memory_space<vmem>>, vector<16xf32>,
      tpu.vector_store %arg8[%swap3A_3062, %swap3A_3063], %gather3A_3060 {strides = array<i32>} : memref<32x200xf32, #tpu.memory_space<vmem>>, vector<16xf32>,
      %add3A_3065 = arith.constant 48 : i32
      %add3A_3066 = vector.broadcast %add3A_3065 : i32 to vector<16xi32>
      %add3A_3067 = arith.addi %iota3A, %add3A_3066 : vector<16xi32>
      %gather3A_3068 = tpu.vector_load_idx %arg7[%add3A_3067, %broadcast_in_dim3A_3040] : memref<200x32xf32, #tpu.memory_space<vmem>>[vector<16xi32>, vector<16xi32>], vector<16xf32>,
      %swap3A_3069 = arith.constant 27 : i32
      %swap3A_3070 = arith.index_cast %swap3A_3069 : i32 to index
      %swap3A_3071 = arith.constant 48 : index
      %swap3A_3072 = tpu.vector_load %arg8[%swap3A_3070, %swap3A_3071] {strides = array<i32>} : memref<32x200xf32, #tpu.memory_space<vmem>>, vector<16xf32>,
      tpu.vector_store %arg8[%swap3A_3070, %swap3A_3071], %gather3A_3068 {strides = array<i32>} : memref<32x200xf32, #tpu.memory_space<vmem>>, vector<16xf32>,
      %add3A_3073 = arith.constant 64 : i32
      %add3A_3074 = vector.broadcast %add3A_3073 : i32 to vector<16xi32>
      %add3A_3075 = arith.addi %iota3A, %add3A_3074 : vector<16xi32>
      %gather3A_3076 = tpu.vector_load_idx %arg7[%add3A_3075, %broadcast_in_dim3A_3040] : memref<200x32xf32, #tpu.memory_space<vmem>>[vector<16xi32>, vector<16xi32>], vector<16xf32>,
      %swap3A_3077 = arith.constant 27 : i32
      %swap3A_3078 = arith.index_cast %swap3A_3077 : i32 to index
      %swap3A_3079 = arith.constant 64 : index
      %swap3A_3080 = tpu.vector_load %arg8[%swap3A_3078, %swap3A_3079] {strides = array<i32>} : memref<32x200xf32, #tpu.memory_space<vmem>>, vector<16xf32>,
      tpu.vector_store %arg8[%swap3A_3078, %swap3A_3079], %gather3A_3076 {strides = array<i32>} : memref<32x200xf32, #tpu.memory_space<vmem>>, vector<16xf32>,
      %add3A_3081 = arith.constant 80 : i32
      %add3A_3082 = vector.broadcast %add3A_3081 : i32 to vector<16xi32>
      %add3A_3083 = arith.addi %iota3A, %add3A_3082 : vector<16xi32>
      %gather3A_3084 = tpu.vector_load_idx %arg7[%add3A_3083, %broadcast_in_dim3A_3040] : memref<200x32xf32, #tpu.memory_space<vmem>>[vector<16xi32>, vector<16xi32>], vector<16xf32>,
      %swap3A_3085 = arith.constant 27 : i32
      %swap3A_3086 = arith.index_cast %swap3A_3085 : i32 to index
      %swap3A_3087 = arith.constant 80 : index
      %swap3A_3088 = tpu.vector_load %arg8[%swap3A_3086, %swap3A_3087] {strides = array<i32>} : memref<32x200xf32, #tpu.memory_space<vmem>>, vector<16xf32>,
      tpu.vector_store %arg8[%swap3A_3086, %swap3A_3087], %gather3A_3084 {strides = array<i32>} : memref<32x200xf32, #tpu.memory_space<vmem>>, vector<16xf32>,
      %add3A_3089 = arith.constant 96 : i32
      %add3A_3090 = vector.broadcast %add3A_3089 : i32 to vector<16xi32>
      %add3A_3091 = arith.addi %iota3A, %add3A_3090 : vector<16xi32>
      %gather3A_3092 = tpu.vector_load_idx %arg7[%add3A_3091, %broadcast_in_dim3A_3040] : memref<200x32xf32, #tpu.memory_space<vmem>>[vector<16xi32>, vector<16xi32>], vector<16xf32>,
      %swap3A_3093 = arith.constant 27 : i32
      %swap3A_3094 = arith.index_cast %swap3A_3093 : i32 to index
      %swap3A_3095 = arith.constant 96 : index
      %swap3A_3096 = tpu.vector_load %arg8[%swap3A_3094, %swap3A_3095] {strides = array<i32>} : memref<32x200xf32, #tpu.memory_space<vmem>>, vector<16xf32>,
      tpu.vector_store %arg8[%swap3A_3094, %swap3A_3095], %gather3A_3092 {strides = array<i32>} : memref<32x200xf32, #tpu.memory_space<vmem>>, vector<16xf32>,
      %add3A_3097 = arith.constant 112 : i32
      %add3A_3098 = vector.broadcast %add3A_3097 : i32 to vector<16xi32>
      %add3A_3099 = arith.addi %iota3A, %add3A_3098 : vector<16xi32>
      %gather3A_3100 = tpu.vector_load_idx %arg7[%add3A_3099, %broadcast_in_dim3A_3040] : memref<200x32xf32, #tpu.memory_space<vmem>>[vector<16xi32>, vector<16xi32>], vector<16xf32>,
      %swap3A_3101 = arith.constant 27 : i32
      %swap3A_3102 = arith.index_cast %swap3A_3101 : i32 to index
      %swap3A_3103 = arith.constant 112 : index
      %swap3A_3104 = tpu.vector_load %arg8[%swap3A_3102, %swap3A_3103] {strides = array<i32>} : memref<32x200xf32, #tpu.memory_space<vmem>>, vector<16xf32>,
      tpu.vector_store %arg8[%swap3A_3102, %swap3A_3103], %gather3A_3100 {strides = array<i32>} : memref<32x200xf32, #tpu.memory_space<vmem>>, vector<16xf32>,
      %add3A_3105 = arith.constant 128 : i32
      %add3A_3106 = vector.broadcast %add3A_3105 : i32 to vector<16xi32>
      %add3A_3107 = arith.addi %iota3A, %add3A_3106 : vector<16xi32>
      %gather3A_3108 = tpu.vector_load_idx %arg7[%add3A_3107, %broadcast_in_dim3A_3040] : memref<200x32xf32, #tpu.memory_space<vmem>>[vector<16xi32>, vector<16xi32>], vector<16xf32>,
      %swap3A_3109 = arith.constant 27 : i32
      %swap3A_3110 = arith.index_cast %swap3A_3109 : i32 to index
      %swap3A_3111 = arith.constant 128 : index
      %swap3A_3112 = tpu.vector_load %arg8[%swap3A_3110, %swap3A_3111] {strides = array<i32>} : memref<32x200xf32, #tpu.memory_space<vmem>>, vector<16xf32>,
      tpu.vector_store %arg8[%swap3A_3110, %swap3A_3111], %gather3A_3108 {strides = array<i32>} : memref<32x200xf32, #tpu.memory_space<vmem>>, vector<16xf32>,
      %add3A_3113 = arith.constant 144 : i32
      %add3A_3114 = vector.broadcast %add3A_3113 : i32 to vector<16xi32>
      %add3A_3115 = arith.addi %iota3A, %add3A_3114 : vector<16xi32>
      %gather3A_3116 = tpu.vector_load_idx %arg7[%add3A_3115, %broadcast_in_dim3A_3040] : memref<200x32xf32, #tpu.memory_space<vmem>>[vector<16xi32>, vector<16xi32>], vector<16xf32>,
      %swap3A_3117 = arith.constant 27 : i32
      %swap3A_3118 = arith.index_cast %swap3A_3117 : i32 to index
      %swap3A_3119 = arith.constant 144 : index
      %swap3A_3120 = tpu.vector_load %arg8[%swap3A_3118, %swap3A_3119] {strides = array<i32>} : memref<32x200xf32, #tpu.memory_space<vmem>>, vector<16xf32>,
      tpu.vector_store %arg8[%swap3A_3118, %swap3A_3119], %gather3A_3116 {strides = array<i32>} : memref<32x200xf32, #tpu.memory_space<vmem>>, vector<16xf32>,
      %add3A_3121 = arith.constant 160 : i32
      %add3A_3122 = vector.broadcast %add3A_3121 : i32 to vector<16xi32>
      %add3A_3123 = arith.addi %iota3A, %add3A_3122 : vector<16xi32>
      %gather3A_3124 = tpu.vector_load_idx %arg7[%add3A_3123, %broadcast_in_dim3A_3040] : memref<200x32xf32, #tpu.memory_space<vmem>>[vector<16xi32>, vector<16xi32>], vector<16xf32>,
      %swap3A_3125 = arith.constant 27 : i32
      %swap3A_3126 = arith.index_cast %swap3A_3125 : i32 to index
      %swap3A_3127 = arith.constant 160 : index
      %swap3A_3128 = tpu.vector_load %arg8[%swap3A_3126, %swap3A_3127] {strides = array<i32>} : memref<32x200xf32, #tpu.memory_space<vmem>>, vector<16xf32>,
      tpu.vector_store %arg8[%swap3A_3126, %swap3A_3127], %gather3A_3124 {strides = array<i32>} : memref<32x200xf32, #tpu.memory_space<vmem>>, vector<16xf32>,
      %add3A_3129 = arith.constant 176 : i32
      %add3A_3130 = vector.broadcast %add3A_3129 : i32 to vector<16xi32>
      %add3A_3131 = arith.addi %iota3A, %add3A_3130 : vector<16xi32>
      %gather3A_3132 = tpu.vector_load_idx %arg7[%add3A_3131, %broadcast_in_dim3A_3040] : memref<200x32xf32, #tpu.memory_space<vmem>>[vector<16xi32>, vector<16xi32>], vector<16xf32>,
      %swap3A_3133 = arith.constant 27 : i32
      %swap3A_3134 = arith.index_cast %swap3A_3133 : i32 to index
      %swap3A_3135 = arith.constant 176 : index
      %swap3A_3136 = tpu.vector_load %arg8[%swap3A_3134, %swap3A_3135] {strides = array<i32>} : memref<32x200xf32, #tpu.memory_space<vmem>>, vector<16xf32>,
      tpu.vector_store %arg8[%swap3A_3134, %swap3A_3135], %gather3A_3132 {strides = array<i32>} : memref<32x200xf32, #tpu.memory_space<vmem>>, vector<16xf32>,
      %add3A_3137 = arith.constant 184 : i32
      %add3A_3138 = vector.broadcast %add3A_3137 : i32 to vector<16xi32>
      %add3A_3139 = arith.addi %iota3A, %add3A_3138 : vector<16xi32>
      %gather3A_3140 = tpu.vector_load_idx %arg7[%add3A_3139, %broadcast_in_dim3A_3040] : memref<200x32xf32, #tpu.memory_space<vmem>>[vector<16xi32>, vector<16xi32>], vector<16xf32>,
      %swap3A_3141 = arith.constant 27 : i32
      %swap3A_3142 = arith.index_cast %swap3A_3141 : i32 to index
      %swap3A_3143 = arith.constant 184 : index
      %swap3A_3144 = tpu.vector_load %arg8[%swap3A_3142, %swap3A_3143] {strides = array<i32>} : memref<32x200xf32, #tpu.memory_space<vmem>>, vector<16xf32>,
      tpu.vector_store %arg8[%swap3A_3142, %swap3A_3143], %gather3A_3140 {strides = array<i32>} : memref<32x200xf32, #tpu.memory_space<vmem>>, vector<16xf32>,
      %broadcast_in_dim3A_3145 = arith.constant 28 : i32
      %broadcast_in_dim3A_3146 = vector.broadcast %broadcast_in_dim3A_3145 : i32 to vector<16xi32>
      %add3A_3147 = arith.constant 0 : i32
      %add3A_3148 = vector.broadcast %add3A_3147 : i32 to vector<16xi32>
      %add3A_3149 = arith.addi %iota3A, %add3A_3148 : vector<16xi32>
      %gather3A_3150 = tpu.vector_load_idx %arg7[%add3A_3149, %broadcast_in_dim3A_3146] : memref<200x32xf32, #tpu.memory_space<vmem>>[vector<16xi32>, vector<16xi32>], vector<16xf32>,
      %swap3A_3151 = arith.constant 28 : i32
      %swap3A_3152 = arith.index_cast %swap3A_3151 : i32 to index
      %swap3A_3153 = arith.constant 0 : index
      %swap3A_3154 = tpu.vector_load %arg8[%swap3A_3152, %swap3A_3153] {strides = array<i32>} : memref<32x200xf32, #tpu.memory_space<vmem>>, vector<16xf32>,
      tpu.vector_store %arg8[%swap3A_3152, %swap3A_3153], %gather3A_3150 {strides = array<i32>} : memref<32x200xf32, #tpu.memory_space<vmem>>, vector<16xf32>,
      %add3A_3155 = arith.constant 16 : i32
      %add3A_3156 = vector.broadcast %add3A_3155 : i32 to vector<16xi32>
      %add3A_3157 = arith.addi %iota3A, %add3A_3156 : vector<16xi32>
      %gather3A_3158 = tpu.vector_load_idx %arg7[%add3A_3157, %broadcast_in_dim3A_3146] : memref<200x32xf32, #tpu.memory_space<vmem>>[vector<16xi32>, vector<16xi32>], vector<16xf32>,
      %swap3A_3159 = arith.constant 28 : i32
      %swap3A_3160 = arith.index_cast %swap3A_3159 : i32 to index
      %swap3A_3161 = arith.constant 16 : index
      %swap3A_3162 = tpu.vector_load %arg8[%swap3A_3160, %swap3A_3161] {strides = array<i32>} : memref<32x200xf32, #tpu.memory_space<vmem>>, vector<16xf32>,
      tpu.vector_store %arg8[%swap3A_3160, %swap3A_3161], %gather3A_3158 {strides = array<i32>} : memref<32x200xf32, #tpu.memory_space<vmem>>, vector<16xf32>,
      %add3A_3163 = arith.constant 32 : i32
      %add3A_3164 = vector.broadcast %add3A_3163 : i32 to vector<16xi32>
      %add3A_3165 = arith.addi %iota3A, %add3A_3164 : vector<16xi32>
      %gather3A_3166 = tpu.vector_load_idx %arg7[%add3A_3165, %broadcast_in_dim3A_3146] : memref<200x32xf32, #tpu.memory_space<vmem>>[vector<16xi32>, vector<16xi32>], vector<16xf32>,
      %swap3A_3167 = arith.constant 28 : i32
      %swap3A_3168 = arith.index_cast %swap3A_3167 : i32 to index
      %swap3A_3169 = arith.constant 32 : index
      %swap3A_3170 = tpu.vector_load %arg8[%swap3A_3168, %swap3A_3169] {strides = array<i32>} : memref<32x200xf32, #tpu.memory_space<vmem>>, vector<16xf32>,
      tpu.vector_store %arg8[%swap3A_3168, %swap3A_3169], %gather3A_3166 {strides = array<i32>} : memref<32x200xf32, #tpu.memory_space<vmem>>, vector<16xf32>,
      %add3A_3171 = arith.constant 48 : i32
      %add3A_3172 = vector.broadcast %add3A_3171 : i32 to vector<16xi32>
      %add3A_3173 = arith.addi %iota3A, %add3A_3172 : vector<16xi32>
      %gather3A_3174 = tpu.vector_load_idx %arg7[%add3A_3173, %broadcast_in_dim3A_3146] : memref<200x32xf32, #tpu.memory_space<vmem>>[vector<16xi32>, vector<16xi32>], vector<16xf32>,
      %swap3A_3175 = arith.constant 28 : i32
      %swap3A_3176 = arith.index_cast %swap3A_3175 : i32 to index
      %swap3A_3177 = arith.constant 48 : index
      %swap3A_3178 = tpu.vector_load %arg8[%swap3A_3176, %swap3A_3177] {strides = array<i32>} : memref<32x200xf32, #tpu.memory_space<vmem>>, vector<16xf32>,
      tpu.vector_store %arg8[%swap3A_3176, %swap3A_3177], %gather3A_3174 {strides = array<i32>} : memref<32x200xf32, #tpu.memory_space<vmem>>, vector<16xf32>,
      %add3A_3179 = arith.constant 64 : i32
      %add3A_3180 = vector.broadcast %add3A_3179 : i32 to vector<16xi32>
      %add3A_3181 = arith.addi %iota3A, %add3A_3180 : vector<16xi32>
      %gather3A_3182 = tpu.vector_load_idx %arg7[%add3A_3181, %broadcast_in_dim3A_3146] : memref<200x32xf32, #tpu.memory_space<vmem>>[vector<16xi32>, vector<16xi32>], vector<16xf32>,
      %swap3A_3183 = arith.constant 28 : i32
      %swap3A_3184 = arith.index_cast %swap3A_3183 : i32 to index
      %swap3A_3185 = arith.constant 64 : index
      %swap3A_3186 = tpu.vector_load %arg8[%swap3A_3184, %swap3A_3185] {strides = array<i32>} : memref<32x200xf32, #tpu.memory_space<vmem>>, vector<16xf32>,
      tpu.vector_store %arg8[%swap3A_3184, %swap3A_3185], %gather3A_3182 {strides = array<i32>} : memref<32x200xf32, #tpu.memory_space<vmem>>, vector<16xf32>,
      %add3A_3187 = arith.constant 80 : i32
      %add3A_3188 = vector.broadcast %add3A_3187 : i32 to vector<16xi32>
      %add3A_3189 = arith.addi %iota3A, %add3A_3188 : vector<16xi32>
      %gather3A_3190 = tpu.vector_load_idx %arg7[%add3A_3189, %broadcast_in_dim3A_3146] : memref<200x32xf32, #tpu.memory_space<vmem>>[vector<16xi32>, vector<16xi32>], vector<16xf32>,
      %swap3A_3191 = arith.constant 28 : i32
      %swap3A_3192 = arith.index_cast %swap3A_3191 : i32 to index
      %swap3A_3193 = arith.constant 80 : index
      %swap3A_3194 = tpu.vector_load %arg8[%swap3A_3192, %swap3A_3193] {strides = array<i32>} : memref<32x200xf32, #tpu.memory_space<vmem>>, vector<16xf32>,
      tpu.vector_store %arg8[%swap3A_3192, %swap3A_3193], %gather3A_3190 {strides = array<i32>} : memref<32x200xf32, #tpu.memory_space<vmem>>, vector<16xf32>,
      %add3A_3195 = arith.constant 96 : i32
      %add3A_3196 = vector.broadcast %add3A_3195 : i32 to vector<16xi32>
      %add3A_3197 = arith.addi %iota3A, %add3A_3196 : vector<16xi32>
      %gather3A_3198 = tpu.vector_load_idx %arg7[%add3A_3197, %broadcast_in_dim3A_3146] : memref<200x32xf32, #tpu.memory_space<vmem>>[vector<16xi32>, vector<16xi32>], vector<16xf32>,
      %swap3A_3199 = arith.constant 28 : i32
      %swap3A_3200 = arith.index_cast %swap3A_3199 : i32 to index
      %swap3A_3201 = arith.constant 96 : index
      %swap3A_3202 = tpu.vector_load %arg8[%swap3A_3200, %swap3A_3201] {strides = array<i32>} : memref<32x200xf32, #tpu.memory_space<vmem>>, vector<16xf32>,
      tpu.vector_store %arg8[%swap3A_3200, %swap3A_3201], %gather3A_3198 {strides = array<i32>} : memref<32x200xf32, #tpu.memory_space<vmem>>, vector<16xf32>,
      %add3A_3203 = arith.constant 112 : i32
      %add3A_3204 = vector.broadcast %add3A_3203 : i32 to vector<16xi32>
      %add3A_3205 = arith.addi %iota3A, %add3A_3204 : vector<16xi32>
      %gather3A_3206 = tpu.vector_load_idx %arg7[%add3A_3205, %broadcast_in_dim3A_3146] : memref<200x32xf32, #tpu.memory_space<vmem>>[vector<16xi32>, vector<16xi32>], vector<16xf32>,
      %swap3A_3207 = arith.constant 28 : i32
      %swap3A_3208 = arith.index_cast %swap3A_3207 : i32 to index
      %swap3A_3209 = arith.constant 112 : index
      %swap3A_3210 = tpu.vector_load %arg8[%swap3A_3208, %swap3A_3209] {strides = array<i32>} : memref<32x200xf32, #tpu.memory_space<vmem>>, vector<16xf32>,
      tpu.vector_store %arg8[%swap3A_3208, %swap3A_3209], %gather3A_3206 {strides = array<i32>} : memref<32x200xf32, #tpu.memory_space<vmem>>, vector<16xf32>,
      %add3A_3211 = arith.constant 128 : i32
      %add3A_3212 = vector.broadcast %add3A_3211 : i32 to vector<16xi32>
      %add3A_3213 = arith.addi %iota3A, %add3A_3212 : vector<16xi32>
      %gather3A_3214 = tpu.vector_load_idx %arg7[%add3A_3213, %broadcast_in_dim3A_3146] : memref<200x32xf32, #tpu.memory_space<vmem>>[vector<16xi32>, vector<16xi32>], vector<16xf32>,
      %swap3A_3215 = arith.constant 28 : i32
      %swap3A_3216 = arith.index_cast %swap3A_3215 : i32 to index
      %swap3A_3217 = arith.constant 128 : index
      %swap3A_3218 = tpu.vector_load %arg8[%swap3A_3216, %swap3A_3217] {strides = array<i32>} : memref<32x200xf32, #tpu.memory_space<vmem>>, vector<16xf32>,
      tpu.vector_store %arg8[%swap3A_3216, %swap3A_3217], %gather3A_3214 {strides = array<i32>} : memref<32x200xf32, #tpu.memory_space<vmem>>, vector<16xf32>,
      %add3A_3219 = arith.constant 144 : i32
      %add3A_3220 = vector.broadcast %add3A_3219 : i32 to vector<16xi32>
      %add3A_3221 = arith.addi %iota3A, %add3A_3220 : vector<16xi32>
      %gather3A_3222 = tpu.vector_load_idx %arg7[%add3A_3221, %broadcast_in_dim3A_3146] : memref<200x32xf32, #tpu.memory_space<vmem>>[vector<16xi32>, vector<16xi32>], vector<16xf32>,
      %swap3A_3223 = arith.constant 28 : i32
      %swap3A_3224 = arith.index_cast %swap3A_3223 : i32 to index
      %swap3A_3225 = arith.constant 144 : index
      %swap3A_3226 = tpu.vector_load %arg8[%swap3A_3224, %swap3A_3225] {strides = array<i32>} : memref<32x200xf32, #tpu.memory_space<vmem>>, vector<16xf32>,
      tpu.vector_store %arg8[%swap3A_3224, %swap3A_3225], %gather3A_3222 {strides = array<i32>} : memref<32x200xf32, #tpu.memory_space<vmem>>, vector<16xf32>,
      %add3A_3227 = arith.constant 160 : i32
      %add3A_3228 = vector.broadcast %add3A_3227 : i32 to vector<16xi32>
      %add3A_3229 = arith.addi %iota3A, %add3A_3228 : vector<16xi32>
      %gather3A_3230 = tpu.vector_load_idx %arg7[%add3A_3229, %broadcast_in_dim3A_3146] : memref<200x32xf32, #tpu.memory_space<vmem>>[vector<16xi32>, vector<16xi32>], vector<16xf32>,
      %swap3A_3231 = arith.constant 28 : i32
      %swap3A_3232 = arith.index_cast %swap3A_3231 : i32 to index
      %swap3A_3233 = arith.constant 160 : index
      %swap3A_3234 = tpu.vector_load %arg8[%swap3A_3232, %swap3A_3233] {strides = array<i32>} : memref<32x200xf32, #tpu.memory_space<vmem>>, vector<16xf32>,
      tpu.vector_store %arg8[%swap3A_3232, %swap3A_3233], %gather3A_3230 {strides = array<i32>} : memref<32x200xf32, #tpu.memory_space<vmem>>, vector<16xf32>,
      %add3A_3235 = arith.constant 176 : i32
      %add3A_3236 = vector.broadcast %add3A_3235 : i32 to vector<16xi32>
      %add3A_3237 = arith.addi %iota3A, %add3A_3236 : vector<16xi32>
      %gather3A_3238 = tpu.vector_load_idx %arg7[%add3A_3237, %broadcast_in_dim3A_3146] : memref<200x32xf32, #tpu.memory_space<vmem>>[vector<16xi32>, vector<16xi32>], vector<16xf32>,
      %swap3A_3239 = arith.constant 28 : i32
      %swap3A_3240 = arith.index_cast %swap3A_3239 : i32 to index
      %swap3A_3241 = arith.constant 176 : index
      %swap3A_3242 = tpu.vector_load %arg8[%swap3A_3240, %swap3A_3241] {strides = array<i32>} : memref<32x200xf32, #tpu.memory_space<vmem>>, vector<16xf32>,
      tpu.vector_store %arg8[%swap3A_3240, %swap3A_3241], %gather3A_3238 {strides = array<i32>} : memref<32x200xf32, #tpu.memory_space<vmem>>, vector<16xf32>,
      %add3A_3243 = arith.constant 184 : i32
      %add3A_3244 = vector.broadcast %add3A_3243 : i32 to vector<16xi32>
      %add3A_3245 = arith.addi %iota3A, %add3A_3244 : vector<16xi32>
      %gather3A_3246 = tpu.vector_load_idx %arg7[%add3A_3245, %broadcast_in_dim3A_3146] : memref<200x32xf32, #tpu.memory_space<vmem>>[vector<16xi32>, vector<16xi32>], vector<16xf32>,
      %swap3A_3247 = arith.constant 28 : i32
      %swap3A_3248 = arith.index_cast %swap3A_3247 : i32 to index
      %swap3A_3249 = arith.constant 184 : index
      %swap3A_3250 = tpu.vector_load %arg8[%swap3A_3248, %swap3A_3249] {strides = array<i32>} : memref<32x200xf32, #tpu.memory_space<vmem>>, vector<16xf32>,
      tpu.vector_store %arg8[%swap3A_3248, %swap3A_3249], %gather3A_3246 {strides = array<i32>} : memref<32x200xf32, #tpu.memory_space<vmem>>, vector<16xf32>,
      %broadcast_in_dim3A_3251 = arith.constant 29 : i32
      %broadcast_in_dim3A_3252 = vector.broadcast %broadcast_in_dim3A_3251 : i32 to vector<16xi32>
      %add3A_3253 = arith.constant 0 : i32
      %add3A_3254 = vector.broadcast %add3A_3253 : i32 to vector<16xi32>
      %add3A_3255 = arith.addi %iota3A, %add3A_3254 : vector<16xi32>
      %gather3A_3256 = tpu.vector_load_idx %arg7[%add3A_3255, %broadcast_in_dim3A_3252] : memref<200x32xf32, #tpu.memory_space<vmem>>[vector<16xi32>, vector<16xi32>], vector<16xf32>,
      %swap3A_3257 = arith.constant 29 : i32
      %swap3A_3258 = arith.index_cast %swap3A_3257 : i32 to index
      %swap3A_3259 = arith.constant 0 : index
      %swap3A_3260 = tpu.vector_load %arg8[%swap3A_3258, %swap3A_3259] {strides = array<i32>} : memref<32x200xf32, #tpu.memory_space<vmem>>, vector<16xf32>,
      tpu.vector_store %arg8[%swap3A_3258, %swap3A_3259], %gather3A_3256 {strides = array<i32>} : memref<32x200xf32, #tpu.memory_space<vmem>>, vector<16xf32>,
      %add3A_3261 = arith.constant 16 : i32
      %add3A_3262 = vector.broadcast %add3A_3261 : i32 to vector<16xi32>
      %add3A_3263 = arith.addi %iota3A, %add3A_3262 : vector<16xi32>
      %gather3A_3264 = tpu.vector_load_idx %arg7[%add3A_3263, %broadcast_in_dim3A_3252] : memref<200x32xf32, #tpu.memory_space<vmem>>[vector<16xi32>, vector<16xi32>], vector<16xf32>,
      %swap3A_3265 = arith.constant 29 : i32
      %swap3A_3266 = arith.index_cast %swap3A_3265 : i32 to index
      %swap3A_3267 = arith.constant 16 : index
      %swap3A_3268 = tpu.vector_load %arg8[%swap3A_3266, %swap3A_3267] {strides = array<i32>} : memref<32x200xf32, #tpu.memory_space<vmem>>, vector<16xf32>,
      tpu.vector_store %arg8[%swap3A_3266, %swap3A_3267], %gather3A_3264 {strides = array<i32>} : memref<32x200xf32, #tpu.memory_space<vmem>>, vector<16xf32>,
      %add3A_3269 = arith.constant 32 : i32
      %add3A_3270 = vector.broadcast %add3A_3269 : i32 to vector<16xi32>
      %add3A_3271 = arith.addi %iota3A, %add3A_3270 : vector<16xi32>
      %gather3A_3272 = tpu.vector_load_idx %arg7[%add3A_3271, %broadcast_in_dim3A_3252] : memref<200x32xf32, #tpu.memory_space<vmem>>[vector<16xi32>, vector<16xi32>], vector<16xf32>,
      %swap3A_3273 = arith.constant 29 : i32
      %swap3A_3274 = arith.index_cast %swap3A_3273 : i32 to index
      %swap3A_3275 = arith.constant 32 : index
      %swap3A_3276 = tpu.vector_load %arg8[%swap3A_3274, %swap3A_3275] {strides = array<i32>} : memref<32x200xf32, #tpu.memory_space<vmem>>, vector<16xf32>,
      tpu.vector_store %arg8[%swap3A_3274, %swap3A_3275], %gather3A_3272 {strides = array<i32>} : memref<32x200xf32, #tpu.memory_space<vmem>>, vector<16xf32>,
      %add3A_3277 = arith.constant 48 : i32
      %add3A_3278 = vector.broadcast %add3A_3277 : i32 to vector<16xi32>
      %add3A_3279 = arith.addi %iota3A, %add3A_3278 : vector<16xi32>
      %gather3A_3280 = tpu.vector_load_idx %arg7[%add3A_3279, %broadcast_in_dim3A_3252] : memref<200x32xf32, #tpu.memory_space<vmem>>[vector<16xi32>, vector<16xi32>], vector<16xf32>,
      %swap3A_3281 = arith.constant 29 : i32
      %swap3A_3282 = arith.index_cast %swap3A_3281 : i32 to index
      %swap3A_3283 = arith.constant 48 : index
      %swap3A_3284 = tpu.vector_load %arg8[%swap3A_3282, %swap3A_3283] {strides = array<i32>} : memref<32x200xf32, #tpu.memory_space<vmem>>, vector<16xf32>,
      tpu.vector_store %arg8[%swap3A_3282, %swap3A_3283], %gather3A_3280 {strides = array<i32>} : memref<32x200xf32, #tpu.memory_space<vmem>>, vector<16xf32>,
      %add3A_3285 = arith.constant 64 : i32
      %add3A_3286 = vector.broadcast %add3A_3285 : i32 to vector<16xi32>
      %add3A_3287 = arith.addi %iota3A, %add3A_3286 : vector<16xi32>
      %gather3A_3288 = tpu.vector_load_idx %arg7[%add3A_3287, %broadcast_in_dim3A_3252] : memref<200x32xf32, #tpu.memory_space<vmem>>[vector<16xi32>, vector<16xi32>], vector<16xf32>,
      %swap3A_3289 = arith.constant 29 : i32
      %swap3A_3290 = arith.index_cast %swap3A_3289 : i32 to index
      %swap3A_3291 = arith.constant 64 : index
      %swap3A_3292 = tpu.vector_load %arg8[%swap3A_3290, %swap3A_3291] {strides = array<i32>} : memref<32x200xf32, #tpu.memory_space<vmem>>, vector<16xf32>,
      tpu.vector_store %arg8[%swap3A_3290, %swap3A_3291], %gather3A_3288 {strides = array<i32>} : memref<32x200xf32, #tpu.memory_space<vmem>>, vector<16xf32>,
      %add3A_3293 = arith.constant 80 : i32
      %add3A_3294 = vector.broadcast %add3A_3293 : i32 to vector<16xi32>
      %add3A_3295 = arith.addi %iota3A, %add3A_3294 : vector<16xi32>
      %gather3A_3296 = tpu.vector_load_idx %arg7[%add3A_3295, %broadcast_in_dim3A_3252] : memref<200x32xf32, #tpu.memory_space<vmem>>[vector<16xi32>, vector<16xi32>], vector<16xf32>,
      %swap3A_3297 = arith.constant 29 : i32
      %swap3A_3298 = arith.index_cast %swap3A_3297 : i32 to index
      %swap3A_3299 = arith.constant 80 : index
      %swap3A_3300 = tpu.vector_load %arg8[%swap3A_3298, %swap3A_3299] {strides = array<i32>} : memref<32x200xf32, #tpu.memory_space<vmem>>, vector<16xf32>,
      tpu.vector_store %arg8[%swap3A_3298, %swap3A_3299], %gather3A_3296 {strides = array<i32>} : memref<32x200xf32, #tpu.memory_space<vmem>>, vector<16xf32>,
      %add3A_3301 = arith.constant 96 : i32
      %add3A_3302 = vector.broadcast %add3A_3301 : i32 to vector<16xi32>
      %add3A_3303 = arith.addi %iota3A, %add3A_3302 : vector<16xi32>
      %gather3A_3304 = tpu.vector_load_idx %arg7[%add3A_3303, %broadcast_in_dim3A_3252] : memref<200x32xf32, #tpu.memory_space<vmem>>[vector<16xi32>, vector<16xi32>], vector<16xf32>,
      %swap3A_3305 = arith.constant 29 : i32
      %swap3A_3306 = arith.index_cast %swap3A_3305 : i32 to index
      %swap3A_3307 = arith.constant 96 : index
      %swap3A_3308 = tpu.vector_load %arg8[%swap3A_3306, %swap3A_3307] {strides = array<i32>} : memref<32x200xf32, #tpu.memory_space<vmem>>, vector<16xf32>,
      tpu.vector_store %arg8[%swap3A_3306, %swap3A_3307], %gather3A_3304 {strides = array<i32>} : memref<32x200xf32, #tpu.memory_space<vmem>>, vector<16xf32>,
      %add3A_3309 = arith.constant 112 : i32
      %add3A_3310 = vector.broadcast %add3A_3309 : i32 to vector<16xi32>
      %add3A_3311 = arith.addi %iota3A, %add3A_3310 : vector<16xi32>
      %gather3A_3312 = tpu.vector_load_idx %arg7[%add3A_3311, %broadcast_in_dim3A_3252] : memref<200x32xf32, #tpu.memory_space<vmem>>[vector<16xi32>, vector<16xi32>], vector<16xf32>,
      %swap3A_3313 = arith.constant 29 : i32
      %swap3A_3314 = arith.index_cast %swap3A_3313 : i32 to index
      %swap3A_3315 = arith.constant 112 : index
      %swap3A_3316 = tpu.vector_load %arg8[%swap3A_3314, %swap3A_3315] {strides = array<i32>} : memref<32x200xf32, #tpu.memory_space<vmem>>, vector<16xf32>,
      tpu.vector_store %arg8[%swap3A_3314, %swap3A_3315], %gather3A_3312 {strides = array<i32>} : memref<32x200xf32, #tpu.memory_space<vmem>>, vector<16xf32>,
      %add3A_3317 = arith.constant 128 : i32
      %add3A_3318 = vector.broadcast %add3A_3317 : i32 to vector<16xi32>
      %add3A_3319 = arith.addi %iota3A, %add3A_3318 : vector<16xi32>
      %gather3A_3320 = tpu.vector_load_idx %arg7[%add3A_3319, %broadcast_in_dim3A_3252] : memref<200x32xf32, #tpu.memory_space<vmem>>[vector<16xi32>, vector<16xi32>], vector<16xf32>,
      %swap3A_3321 = arith.constant 29 : i32
      %swap3A_3322 = arith.index_cast %swap3A_3321 : i32 to index
      %swap3A_3323 = arith.constant 128 : index
      %swap3A_3324 = tpu.vector_load %arg8[%swap3A_3322, %swap3A_3323] {strides = array<i32>} : memref<32x200xf32, #tpu.memory_space<vmem>>, vector<16xf32>,
      tpu.vector_store %arg8[%swap3A_3322, %swap3A_3323], %gather3A_3320 {strides = array<i32>} : memref<32x200xf32, #tpu.memory_space<vmem>>, vector<16xf32>,
      %add3A_3325 = arith.constant 144 : i32
      %add3A_3326 = vector.broadcast %add3A_3325 : i32 to vector<16xi32>
      %add3A_3327 = arith.addi %iota3A, %add3A_3326 : vector<16xi32>
      %gather3A_3328 = tpu.vector_load_idx %arg7[%add3A_3327, %broadcast_in_dim3A_3252] : memref<200x32xf32, #tpu.memory_space<vmem>>[vector<16xi32>, vector<16xi32>], vector<16xf32>,
      %swap3A_3329 = arith.constant 29 : i32
      %swap3A_3330 = arith.index_cast %swap3A_3329 : i32 to index
      %swap3A_3331 = arith.constant 144 : index
      %swap3A_3332 = tpu.vector_load %arg8[%swap3A_3330, %swap3A_3331] {strides = array<i32>} : memref<32x200xf32, #tpu.memory_space<vmem>>, vector<16xf32>,
      tpu.vector_store %arg8[%swap3A_3330, %swap3A_3331], %gather3A_3328 {strides = array<i32>} : memref<32x200xf32, #tpu.memory_space<vmem>>, vector<16xf32>,
      %add3A_3333 = arith.constant 160 : i32
      %add3A_3334 = vector.broadcast %add3A_3333 : i32 to vector<16xi32>
      %add3A_3335 = arith.addi %iota3A, %add3A_3334 : vector<16xi32>
      %gather3A_3336 = tpu.vector_load_idx %arg7[%add3A_3335, %broadcast_in_dim3A_3252] : memref<200x32xf32, #tpu.memory_space<vmem>>[vector<16xi32>, vector<16xi32>], vector<16xf32>,
      %swap3A_3337 = arith.constant 29 : i32
      %swap3A_3338 = arith.index_cast %swap3A_3337 : i32 to index
      %swap3A_3339 = arith.constant 160 : index
      %swap3A_3340 = tpu.vector_load %arg8[%swap3A_3338, %swap3A_3339] {strides = array<i32>} : memref<32x200xf32, #tpu.memory_space<vmem>>, vector<16xf32>,
      tpu.vector_store %arg8[%swap3A_3338, %swap3A_3339], %gather3A_3336 {strides = array<i32>} : memref<32x200xf32, #tpu.memory_space<vmem>>, vector<16xf32>,
      %add3A_3341 = arith.constant 176 : i32
      %add3A_3342 = vector.broadcast %add3A_3341 : i32 to vector<16xi32>
      %add3A_3343 = arith.addi %iota3A, %add3A_3342 : vector<16xi32>
      %gather3A_3344 = tpu.vector_load_idx %arg7[%add3A_3343, %broadcast_in_dim3A_3252] : memref<200x32xf32, #tpu.memory_space<vmem>>[vector<16xi32>, vector<16xi32>], vector<16xf32>,
      %swap3A_3345 = arith.constant 29 : i32
      %swap3A_3346 = arith.index_cast %swap3A_3345 : i32 to index
      %swap3A_3347 = arith.constant 176 : index
      %swap3A_3348 = tpu.vector_load %arg8[%swap3A_3346, %swap3A_3347] {strides = array<i32>} : memref<32x200xf32, #tpu.memory_space<vmem>>, vector<16xf32>,
      tpu.vector_store %arg8[%swap3A_3346, %swap3A_3347], %gather3A_3344 {strides = array<i32>} : memref<32x200xf32, #tpu.memory_space<vmem>>, vector<16xf32>,
      %add3A_3349 = arith.constant 184 : i32
      %add3A_3350 = vector.broadcast %add3A_3349 : i32 to vector<16xi32>
      %add3A_3351 = arith.addi %iota3A, %add3A_3350 : vector<16xi32>
      %gather3A_3352 = tpu.vector_load_idx %arg7[%add3A_3351, %broadcast_in_dim3A_3252] : memref<200x32xf32, #tpu.memory_space<vmem>>[vector<16xi32>, vector<16xi32>], vector<16xf32>,
      %swap3A_3353 = arith.constant 29 : i32
      %swap3A_3354 = arith.index_cast %swap3A_3353 : i32 to index
      %swap3A_3355 = arith.constant 184 : index
      %swap3A_3356 = tpu.vector_load %arg8[%swap3A_3354, %swap3A_3355] {strides = array<i32>} : memref<32x200xf32, #tpu.memory_space<vmem>>, vector<16xf32>,
      tpu.vector_store %arg8[%swap3A_3354, %swap3A_3355], %gather3A_3352 {strides = array<i32>} : memref<32x200xf32, #tpu.memory_space<vmem>>, vector<16xf32>,
      %broadcast_in_dim3A_3357 = arith.constant 30 : i32
      %broadcast_in_dim3A_3358 = vector.broadcast %broadcast_in_dim3A_3357 : i32 to vector<16xi32>
      %add3A_3359 = arith.constant 0 : i32
      %add3A_3360 = vector.broadcast %add3A_3359 : i32 to vector<16xi32>
      %add3A_3361 = arith.addi %iota3A, %add3A_3360 : vector<16xi32>
      %gather3A_3362 = tpu.vector_load_idx %arg7[%add3A_3361, %broadcast_in_dim3A_3358] : memref<200x32xf32, #tpu.memory_space<vmem>>[vector<16xi32>, vector<16xi32>], vector<16xf32>,
      %swap3A_3363 = arith.constant 30 : i32
      %swap3A_3364 = arith.index_cast %swap3A_3363 : i32 to index
      %swap3A_3365 = arith.constant 0 : index
      %swap3A_3366 = tpu.vector_load %arg8[%swap3A_3364, %swap3A_3365] {strides = array<i32>} : memref<32x200xf32, #tpu.memory_space<vmem>>, vector<16xf32>,
      tpu.vector_store %arg8[%swap3A_3364, %swap3A_3365], %gather3A_3362 {strides = array<i32>} : memref<32x200xf32, #tpu.memory_space<vmem>>, vector<16xf32>,
      %add3A_3367 = arith.constant 16 : i32
      %add3A_3368 = vector.broadcast %add3A_3367 : i32 to vector<16xi32>
      %add3A_3369 = arith.addi %iota3A, %add3A_3368 : vector<16xi32>
      %gather3A_3370 = tpu.vector_load_idx %arg7[%add3A_3369, %broadcast_in_dim3A_3358] : memref<200x32xf32, #tpu.memory_space<vmem>>[vector<16xi32>, vector<16xi32>], vector<16xf32>,
      %swap3A_3371 = arith.constant 30 : i32
      %swap3A_3372 = arith.index_cast %swap3A_3371 : i32 to index
      %swap3A_3373 = arith.constant 16 : index
      %swap3A_3374 = tpu.vector_load %arg8[%swap3A_3372, %swap3A_3373] {strides = array<i32>} : memref<32x200xf32, #tpu.memory_space<vmem>>, vector<16xf32>,
      tpu.vector_store %arg8[%swap3A_3372, %swap3A_3373], %gather3A_3370 {strides = array<i32>} : memref<32x200xf32, #tpu.memory_space<vmem>>, vector<16xf32>,
      %add3A_3375 = arith.constant 32 : i32
      %add3A_3376 = vector.broadcast %add3A_3375 : i32 to vector<16xi32>
      %add3A_3377 = arith.addi %iota3A, %add3A_3376 : vector<16xi32>
      %gather3A_3378 = tpu.vector_load_idx %arg7[%add3A_3377, %broadcast_in_dim3A_3358] : memref<200x32xf32, #tpu.memory_space<vmem>>[vector<16xi32>, vector<16xi32>], vector<16xf32>,
      %swap3A_3379 = arith.constant 30 : i32
      %swap3A_3380 = arith.index_cast %swap3A_3379 : i32 to index
      %swap3A_3381 = arith.constant 32 : index
      %swap3A_3382 = tpu.vector_load %arg8[%swap3A_3380, %swap3A_3381] {strides = array<i32>} : memref<32x200xf32, #tpu.memory_space<vmem>>, vector<16xf32>,
      tpu.vector_store %arg8[%swap3A_3380, %swap3A_3381], %gather3A_3378 {strides = array<i32>} : memref<32x200xf32, #tpu.memory_space<vmem>>, vector<16xf32>,
      %add3A_3383 = arith.constant 48 : i32
      %add3A_3384 = vector.broadcast %add3A_3383 : i32 to vector<16xi32>
      %add3A_3385 = arith.addi %iota3A, %add3A_3384 : vector<16xi32>
      %gather3A_3386 = tpu.vector_load_idx %arg7[%add3A_3385, %broadcast_in_dim3A_3358] : memref<200x32xf32, #tpu.memory_space<vmem>>[vector<16xi32>, vector<16xi32>], vector<16xf32>,
      %swap3A_3387 = arith.constant 30 : i32
      %swap3A_3388 = arith.index_cast %swap3A_3387 : i32 to index
      %swap3A_3389 = arith.constant 48 : index
      %swap3A_3390 = tpu.vector_load %arg8[%swap3A_3388, %swap3A_3389] {strides = array<i32>} : memref<32x200xf32, #tpu.memory_space<vmem>>, vector<16xf32>,
      tpu.vector_store %arg8[%swap3A_3388, %swap3A_3389], %gather3A_3386 {strides = array<i32>} : memref<32x200xf32, #tpu.memory_space<vmem>>, vector<16xf32>,
      %add3A_3391 = arith.constant 64 : i32
      %add3A_3392 = vector.broadcast %add3A_3391 : i32 to vector<16xi32>
      %add3A_3393 = arith.addi %iota3A, %add3A_3392 : vector<16xi32>
      %gather3A_3394 = tpu.vector_load_idx %arg7[%add3A_3393, %broadcast_in_dim3A_3358] : memref<200x32xf32, #tpu.memory_space<vmem>>[vector<16xi32>, vector<16xi32>], vector<16xf32>,
      %swap3A_3395 = arith.constant 30 : i32
      %swap3A_3396 = arith.index_cast %swap3A_3395 : i32 to index
      %swap3A_3397 = arith.constant 64 : index
      %swap3A_3398 = tpu.vector_load %arg8[%swap3A_3396, %swap3A_3397] {strides = array<i32>} : memref<32x200xf32, #tpu.memory_space<vmem>>, vector<16xf32>,
      tpu.vector_store %arg8[%swap3A_3396, %swap3A_3397], %gather3A_3394 {strides = array<i32>} : memref<32x200xf32, #tpu.memory_space<vmem>>, vector<16xf32>,
      %add3A_3399 = arith.constant 80 : i32
      %add3A_3400 = vector.broadcast %add3A_3399 : i32 to vector<16xi32>
      %add3A_3401 = arith.addi %iota3A, %add3A_3400 : vector<16xi32>
      %gather3A_3402 = tpu.vector_load_idx %arg7[%add3A_3401, %broadcast_in_dim3A_3358] : memref<200x32xf32, #tpu.memory_space<vmem>>[vector<16xi32>, vector<16xi32>], vector<16xf32>,
      %swap3A_3403 = arith.constant 30 : i32
      %swap3A_3404 = arith.index_cast %swap3A_3403 : i32 to index
      %swap3A_3405 = arith.constant 80 : index
      %swap3A_3406 = tpu.vector_load %arg8[%swap3A_3404, %swap3A_3405] {strides = array<i32>} : memref<32x200xf32, #tpu.memory_space<vmem>>, vector<16xf32>,
      tpu.vector_store %arg8[%swap3A_3404, %swap3A_3405], %gather3A_3402 {strides = array<i32>} : memref<32x200xf32, #tpu.memory_space<vmem>>, vector<16xf32>,
      %add3A_3407 = arith.constant 96 : i32
      %add3A_3408 = vector.broadcast %add3A_3407 : i32 to vector<16xi32>
      %add3A_3409 = arith.addi %iota3A, %add3A_3408 : vector<16xi32>
      %gather3A_3410 = tpu.vector_load_idx %arg7[%add3A_3409, %broadcast_in_dim3A_3358] : memref<200x32xf32, #tpu.memory_space<vmem>>[vector<16xi32>, vector<16xi32>], vector<16xf32>,
      %swap3A_3411 = arith.constant 30 : i32
      %swap3A_3412 = arith.index_cast %swap3A_3411 : i32 to index
      %swap3A_3413 = arith.constant 96 : index
      %swap3A_3414 = tpu.vector_load %arg8[%swap3A_3412, %swap3A_3413] {strides = array<i32>} : memref<32x200xf32, #tpu.memory_space<vmem>>, vector<16xf32>,
      tpu.vector_store %arg8[%swap3A_3412, %swap3A_3413], %gather3A_3410 {strides = array<i32>} : memref<32x200xf32, #tpu.memory_space<vmem>>, vector<16xf32>,
      %add3A_3415 = arith.constant 112 : i32
      %add3A_3416 = vector.broadcast %add3A_3415 : i32 to vector<16xi32>
      %add3A_3417 = arith.addi %iota3A, %add3A_3416 : vector<16xi32>
      %gather3A_3418 = tpu.vector_load_idx %arg7[%add3A_3417, %broadcast_in_dim3A_3358] : memref<200x32xf32, #tpu.memory_space<vmem>>[vector<16xi32>, vector<16xi32>], vector<16xf32>,
      %swap3A_3419 = arith.constant 30 : i32
      %swap3A_3420 = arith.index_cast %swap3A_3419 : i32 to index
      %swap3A_3421 = arith.constant 112 : index
      %swap3A_3422 = tpu.vector_load %arg8[%swap3A_3420, %swap3A_3421] {strides = array<i32>} : memref<32x200xf32, #tpu.memory_space<vmem>>, vector<16xf32>,
      tpu.vector_store %arg8[%swap3A_3420, %swap3A_3421], %gather3A_3418 {strides = array<i32>} : memref<32x200xf32, #tpu.memory_space<vmem>>, vector<16xf32>,
      %add3A_3423 = arith.constant 128 : i32
      %add3A_3424 = vector.broadcast %add3A_3423 : i32 to vector<16xi32>
      %add3A_3425 = arith.addi %iota3A, %add3A_3424 : vector<16xi32>
      %gather3A_3426 = tpu.vector_load_idx %arg7[%add3A_3425, %broadcast_in_dim3A_3358] : memref<200x32xf32, #tpu.memory_space<vmem>>[vector<16xi32>, vector<16xi32>], vector<16xf32>,
      %swap3A_3427 = arith.constant 30 : i32
      %swap3A_3428 = arith.index_cast %swap3A_3427 : i32 to index
      %swap3A_3429 = arith.constant 128 : index
      %swap3A_3430 = tpu.vector_load %arg8[%swap3A_3428, %swap3A_3429] {strides = array<i32>} : memref<32x200xf32, #tpu.memory_space<vmem>>, vector<16xf32>,
      tpu.vector_store %arg8[%swap3A_3428, %swap3A_3429], %gather3A_3426 {strides = array<i32>} : memref<32x200xf32, #tpu.memory_space<vmem>>, vector<16xf32>,
      %add3A_3431 = arith.constant 144 : i32
      %add3A_3432 = vector.broadcast %add3A_3431 : i32 to vector<16xi32>
      %add3A_3433 = arith.addi %iota3A, %add3A_3432 : vector<16xi32>
      %gather3A_3434 = tpu.vector_load_idx %arg7[%add3A_3433, %broadcast_in_dim3A_3358] : memref<200x32xf32, #tpu.memory_space<vmem>>[vector<16xi32>, vector<16xi32>], vector<16xf32>,
      %swap3A_3435 = arith.constant 30 : i32
      %swap3A_3436 = arith.index_cast %swap3A_3435 : i32 to index
      %swap3A_3437 = arith.constant 144 : index
      %swap3A_3438 = tpu.vector_load %arg8[%swap3A_3436, %swap3A_3437] {strides = array<i32>} : memref<32x200xf32, #tpu.memory_space<vmem>>, vector<16xf32>,
      tpu.vector_store %arg8[%swap3A_3436, %swap3A_3437], %gather3A_3434 {strides = array<i32>} : memref<32x200xf32, #tpu.memory_space<vmem>>, vector<16xf32>,
      %add3A_3439 = arith.constant 160 : i32
      %add3A_3440 = vector.broadcast %add3A_3439 : i32 to vector<16xi32>
      %add3A_3441 = arith.addi %iota3A, %add3A_3440 : vector<16xi32>
      %gather3A_3442 = tpu.vector_load_idx %arg7[%add3A_3441, %broadcast_in_dim3A_3358] : memref<200x32xf32, #tpu.memory_space<vmem>>[vector<16xi32>, vector<16xi32>], vector<16xf32>,
      %swap3A_3443 = arith.constant 30 : i32
      %swap3A_3444 = arith.index_cast %swap3A_3443 : i32 to index
      %swap3A_3445 = arith.constant 160 : index
      %swap3A_3446 = tpu.vector_load %arg8[%swap3A_3444, %swap3A_3445] {strides = array<i32>} : memref<32x200xf32, #tpu.memory_space<vmem>>, vector<16xf32>,
      tpu.vector_store %arg8[%swap3A_3444, %swap3A_3445], %gather3A_3442 {strides = array<i32>} : memref<32x200xf32, #tpu.memory_space<vmem>>, vector<16xf32>,
      %add3A_3447 = arith.constant 176 : i32
      %add3A_3448 = vector.broadcast %add3A_3447 : i32 to vector<16xi32>
      %add3A_3449 = arith.addi %iota3A, %add3A_3448 : vector<16xi32>
      %gather3A_3450 = tpu.vector_load_idx %arg7[%add3A_3449, %broadcast_in_dim3A_3358] : memref<200x32xf32, #tpu.memory_space<vmem>>[vector<16xi32>, vector<16xi32>], vector<16xf32>,
      %swap3A_3451 = arith.constant 30 : i32
      %swap3A_3452 = arith.index_cast %swap3A_3451 : i32 to index
      %swap3A_3453 = arith.constant 176 : index
      %swap3A_3454 = tpu.vector_load %arg8[%swap3A_3452, %swap3A_3453] {strides = array<i32>} : memref<32x200xf32, #tpu.memory_space<vmem>>, vector<16xf32>,
      tpu.vector_store %arg8[%swap3A_3452, %swap3A_3453], %gather3A_3450 {strides = array<i32>} : memref<32x200xf32, #tpu.memory_space<vmem>>, vector<16xf32>,
      %add3A_3455 = arith.constant 184 : i32
      %add3A_3456 = vector.broadcast %add3A_3455 : i32 to vector<16xi32>
      %add3A_3457 = arith.addi %iota3A, %add3A_3456 : vector<16xi32>
      %gather3A_3458 = tpu.vector_load_idx %arg7[%add3A_3457, %broadcast_in_dim3A_3358] : memref<200x32xf32, #tpu.memory_space<vmem>>[vector<16xi32>, vector<16xi32>], vector<16xf32>,
      %swap3A_3459 = arith.constant 30 : i32
      %swap3A_3460 = arith.index_cast %swap3A_3459 : i32 to index
      %swap3A_3461 = arith.constant 184 : index
      %swap3A_3462 = tpu.vector_load %arg8[%swap3A_3460, %swap3A_3461] {strides = array<i32>} : memref<32x200xf32, #tpu.memory_space<vmem>>, vector<16xf32>,
      tpu.vector_store %arg8[%swap3A_3460, %swap3A_3461], %gather3A_3458 {strides = array<i32>} : memref<32x200xf32, #tpu.memory_space<vmem>>, vector<16xf32>,
      %broadcast_in_dim3A_3463 = arith.constant 31 : i32
      %broadcast_in_dim3A_3464 = vector.broadcast %broadcast_in_dim3A_3463 : i32 to vector<16xi32>
      %add3A_3465 = arith.constant 0 : i32
      %add3A_3466 = vector.broadcast %add3A_3465 : i32 to vector<16xi32>
      %add3A_3467 = arith.addi %iota3A, %add3A_3466 : vector<16xi32>
      %gather3A_3468 = tpu.vector_load_idx %arg7[%add3A_3467, %broadcast_in_dim3A_3464] : memref<200x32xf32, #tpu.memory_space<vmem>>[vector<16xi32>, vector<16xi32>], vector<16xf32>,
      %swap3A_3469 = arith.constant 31 : i32
      %swap3A_3470 = arith.index_cast %swap3A_3469 : i32 to index
      %swap3A_3471 = arith.constant 0 : index
      %swap3A_3472 = tpu.vector_load %arg8[%swap3A_3470, %swap3A_3471] {strides = array<i32>} : memref<32x200xf32, #tpu.memory_space<vmem>>, vector<16xf32>,
      tpu.vector_store %arg8[%swap3A_3470, %swap3A_3471], %gather3A_3468 {strides = array<i32>} : memref<32x200xf32, #tpu.memory_space<vmem>>, vector<16xf32>,
      %add3A_3473 = arith.constant 16 : i32
      %add3A_3474 = vector.broadcast %add3A_3473 : i32 to vector<16xi32>
      %add3A_3475 = arith.addi %iota3A, %add3A_3474 : vector<16xi32>
      %gather3A_3476 = tpu.vector_load_idx %arg7[%add3A_3475, %broadcast_in_dim3A_3464] : memref<200x32xf32, #tpu.memory_space<vmem>>[vector<16xi32>, vector<16xi32>], vector<16xf32>,
      %swap3A_3477 = arith.constant 31 : i32
      %swap3A_3478 = arith.index_cast %swap3A_3477 : i32 to index
      %swap3A_3479 = arith.constant 16 : index
      %swap3A_3480 = tpu.vector_load %arg8[%swap3A_3478, %swap3A_3479] {strides = array<i32>} : memref<32x200xf32, #tpu.memory_space<vmem>>, vector<16xf32>,
      tpu.vector_store %arg8[%swap3A_3478, %swap3A_3479], %gather3A_3476 {strides = array<i32>} : memref<32x200xf32, #tpu.memory_space<vmem>>, vector<16xf32>,
      %add3A_3481 = arith.constant 32 : i32
      %add3A_3482 = vector.broadcast %add3A_3481 : i32 to vector<16xi32>
      %add3A_3483 = arith.addi %iota3A, %add3A_3482 : vector<16xi32>
      %gather3A_3484 = tpu.vector_load_idx %arg7[%add3A_3483, %broadcast_in_dim3A_3464] : memref<200x32xf32, #tpu.memory_space<vmem>>[vector<16xi32>, vector<16xi32>], vector<16xf32>,
      %swap3A_3485 = arith.constant 31 : i32
      %swap3A_3486 = arith.index_cast %swap3A_3485 : i32 to index
      %swap3A_3487 = arith.constant 32 : index
      %swap3A_3488 = tpu.vector_load %arg8[%swap3A_3486, %swap3A_3487] {strides = array<i32>} : memref<32x200xf32, #tpu.memory_space<vmem>>, vector<16xf32>,
      tpu.vector_store %arg8[%swap3A_3486, %swap3A_3487], %gather3A_3484 {strides = array<i32>} : memref<32x200xf32, #tpu.memory_space<vmem>>, vector<16xf32>,
      %add3A_3489 = arith.constant 48 : i32
      %add3A_3490 = vector.broadcast %add3A_3489 : i32 to vector<16xi32>
      %add3A_3491 = arith.addi %iota3A, %add3A_3490 : vector<16xi32>
      %gather3A_3492 = tpu.vector_load_idx %arg7[%add3A_3491, %broadcast_in_dim3A_3464] : memref<200x32xf32, #tpu.memory_space<vmem>>[vector<16xi32>, vector<16xi32>], vector<16xf32>,
      %swap3A_3493 = arith.constant 31 : i32
      %swap3A_3494 = arith.index_cast %swap3A_3493 : i32 to index
      %swap3A_3495 = arith.constant 48 : index
      %swap3A_3496 = tpu.vector_load %arg8[%swap3A_3494, %swap3A_3495] {strides = array<i32>} : memref<32x200xf32, #tpu.memory_space<vmem>>, vector<16xf32>,
      tpu.vector_store %arg8[%swap3A_3494, %swap3A_3495], %gather3A_3492 {strides = array<i32>} : memref<32x200xf32, #tpu.memory_space<vmem>>, vector<16xf32>,
      %add3A_3497 = arith.constant 64 : i32
      %add3A_3498 = vector.broadcast %add3A_3497 : i32 to vector<16xi32>
      %add3A_3499 = arith.addi %iota3A, %add3A_3498 : vector<16xi32>
      %gather3A_3500 = tpu.vector_load_idx %arg7[%add3A_3499, %broadcast_in_dim3A_3464] : memref<200x32xf32, #tpu.memory_space<vmem>>[vector<16xi32>, vector<16xi32>], vector<16xf32>,
      %swap3A_3501 = arith.constant 31 : i32
      %swap3A_3502 = arith.index_cast %swap3A_3501 : i32 to index
      %swap3A_3503 = arith.constant 64 : index
      %swap3A_3504 = tpu.vector_load %arg8[%swap3A_3502, %swap3A_3503] {strides = array<i32>} : memref<32x200xf32, #tpu.memory_space<vmem>>, vector<16xf32>,
      tpu.vector_store %arg8[%swap3A_3502, %swap3A_3503], %gather3A_3500 {strides = array<i32>} : memref<32x200xf32, #tpu.memory_space<vmem>>, vector<16xf32>,
      %add3A_3505 = arith.constant 80 : i32
      %add3A_3506 = vector.broadcast %add3A_3505 : i32 to vector<16xi32>
      %add3A_3507 = arith.addi %iota3A, %add3A_3506 : vector<16xi32>
      %gather3A_3508 = tpu.vector_load_idx %arg7[%add3A_3507, %broadcast_in_dim3A_3464] : memref<200x32xf32, #tpu.memory_space<vmem>>[vector<16xi32>, vector<16xi32>], vector<16xf32>,
      %swap3A_3509 = arith.constant 31 : i32
      %swap3A_3510 = arith.index_cast %swap3A_3509 : i32 to index
      %swap3A_3511 = arith.constant 80 : index
      %swap3A_3512 = tpu.vector_load %arg8[%swap3A_3510, %swap3A_3511] {strides = array<i32>} : memref<32x200xf32, #tpu.memory_space<vmem>>, vector<16xf32>,
      tpu.vector_store %arg8[%swap3A_3510, %swap3A_3511], %gather3A_3508 {strides = array<i32>} : memref<32x200xf32, #tpu.memory_space<vmem>>, vector<16xf32>,
      %add3A_3513 = arith.constant 96 : i32
      %add3A_3514 = vector.broadcast %add3A_3513 : i32 to vector<16xi32>
      %add3A_3515 = arith.addi %iota3A, %add3A_3514 : vector<16xi32>
      %gather3A_3516 = tpu.vector_load_idx %arg7[%add3A_3515, %broadcast_in_dim3A_3464] : memref<200x32xf32, #tpu.memory_space<vmem>>[vector<16xi32>, vector<16xi32>], vector<16xf32>,
      %swap3A_3517 = arith.constant 31 : i32
      %swap3A_3518 = arith.index_cast %swap3A_3517 : i32 to index
      %swap3A_3519 = arith.constant 96 : index
      %swap3A_3520 = tpu.vector_load %arg8[%swap3A_3518, %swap3A_3519] {strides = array<i32>} : memref<32x200xf32, #tpu.memory_space<vmem>>, vector<16xf32>,
      tpu.vector_store %arg8[%swap3A_3518, %swap3A_3519], %gather3A_3516 {strides = array<i32>} : memref<32x200xf32, #tpu.memory_space<vmem>>, vector<16xf32>,
      %add3A_3521 = arith.constant 112 : i32
      %add3A_3522 = vector.broadcast %add3A_3521 : i32 to vector<16xi32>
      %add3A_3523 = arith.addi %iota3A, %add3A_3522 : vector<16xi32>
      %gather3A_3524 = tpu.vector_load_idx %arg7[%add3A_3523, %broadcast_in_dim3A_3464] : memref<200x32xf32, #tpu.memory_space<vmem>>[vector<16xi32>, vector<16xi32>], vector<16xf32>,
      %swap3A_3525 = arith.constant 31 : i32
      %swap3A_3526 = arith.index_cast %swap3A_3525 : i32 to index
      %swap3A_3527 = arith.constant 112 : index
      %swap3A_3528 = tpu.vector_load %arg8[%swap3A_3526, %swap3A_3527] {strides = array<i32>} : memref<32x200xf32, #tpu.memory_space<vmem>>, vector<16xf32>,
      tpu.vector_store %arg8[%swap3A_3526, %swap3A_3527], %gather3A_3524 {strides = array<i32>} : memref<32x200xf32, #tpu.memory_space<vmem>>, vector<16xf32>,
      %add3A_3529 = arith.constant 128 : i32
      %add3A_3530 = vector.broadcast %add3A_3529 : i32 to vector<16xi32>
      %add3A_3531 = arith.addi %iota3A, %add3A_3530 : vector<16xi32>
      %gather3A_3532 = tpu.vector_load_idx %arg7[%add3A_3531, %broadcast_in_dim3A_3464] : memref<200x32xf32, #tpu.memory_space<vmem>>[vector<16xi32>, vector<16xi32>], vector<16xf32>,
      %swap3A_3533 = arith.constant 31 : i32
      %swap3A_3534 = arith.index_cast %swap3A_3533 : i32 to index
      %swap3A_3535 = arith.constant 128 : index
      %swap3A_3536 = tpu.vector_load %arg8[%swap3A_3534, %swap3A_3535] {strides = array<i32>} : memref<32x200xf32, #tpu.memory_space<vmem>>, vector<16xf32>,
      tpu.vector_store %arg8[%swap3A_3534, %swap3A_3535], %gather3A_3532 {strides = array<i32>} : memref<32x200xf32, #tpu.memory_space<vmem>>, vector<16xf32>,
      %add3A_3537 = arith.constant 144 : i32
      %add3A_3538 = vector.broadcast %add3A_3537 : i32 to vector<16xi32>
      %add3A_3539 = arith.addi %iota3A, %add3A_3538 : vector<16xi32>
      %gather3A_3540 = tpu.vector_load_idx %arg7[%add3A_3539, %broadcast_in_dim3A_3464] : memref<200x32xf32, #tpu.memory_space<vmem>>[vector<16xi32>, vector<16xi32>], vector<16xf32>,
      %swap3A_3541 = arith.constant 31 : i32
      %swap3A_3542 = arith.index_cast %swap3A_3541 : i32 to index
      %swap3A_3543 = arith.constant 144 : index
      %swap3A_3544 = tpu.vector_load %arg8[%swap3A_3542, %swap3A_3543] {strides = array<i32>} : memref<32x200xf32, #tpu.memory_space<vmem>>, vector<16xf32>,
      tpu.vector_store %arg8[%swap3A_3542, %swap3A_3543], %gather3A_3540 {strides = array<i32>} : memref<32x200xf32, #tpu.memory_space<vmem>>, vector<16xf32>,
      %add3A_3545 = arith.constant 160 : i32
      %add3A_3546 = vector.broadcast %add3A_3545 : i32 to vector<16xi32>
      %add3A_3547 = arith.addi %iota3A, %add3A_3546 : vector<16xi32>
      %gather3A_3548 = tpu.vector_load_idx %arg7[%add3A_3547, %broadcast_in_dim3A_3464] : memref<200x32xf32, #tpu.memory_space<vmem>>[vector<16xi32>, vector<16xi32>], vector<16xf32>,
      %swap3A_3549 = arith.constant 31 : i32
      %swap3A_3550 = arith.index_cast %swap3A_3549 : i32 to index
      %swap3A_3551 = arith.constant 160 : index
      %swap3A_3552 = tpu.vector_load %arg8[%swap3A_3550, %swap3A_3551] {strides = array<i32>} : memref<32x200xf32, #tpu.memory_space<vmem>>, vector<16xf32>,
      tpu.vector_store %arg8[%swap3A_3550, %swap3A_3551], %gather3A_3548 {strides = array<i32>} : memref<32x200xf32, #tpu.memory_space<vmem>>, vector<16xf32>,
      %add3A_3553 = arith.constant 176 : i32
      %add3A_3554 = vector.broadcast %add3A_3553 : i32 to vector<16xi32>
      %add3A_3555 = arith.addi %iota3A, %add3A_3554 : vector<16xi32>
      %gather3A_3556 = tpu.vector_load_idx %arg7[%add3A_3555, %broadcast_in_dim3A_3464] : memref<200x32xf32, #tpu.memory_space<vmem>>[vector<16xi32>, vector<16xi32>], vector<16xf32>,
      %swap3A_3557 = arith.constant 31 : i32
      %swap3A_3558 = arith.index_cast %swap3A_3557 : i32 to index
      %swap3A_3559 = arith.constant 176 : index
      %swap3A_3560 = tpu.vector_load %arg8[%swap3A_3558, %swap3A_3559] {strides = array<i32>} : memref<32x200xf32, #tpu.memory_space<vmem>>, vector<16xf32>,
      tpu.vector_store %arg8[%swap3A_3558, %swap3A_3559], %gather3A_3556 {strides = array<i32>} : memref<32x200xf32, #tpu.memory_space<vmem>>, vector<16xf32>,
      %add3A_3561 = arith.constant 184 : i32
      %add3A_3562 = vector.broadcast %add3A_3561 : i32 to vector<16xi32>
      %add3A_3563 = arith.addi %iota3A, %add3A_3562 : vector<16xi32>
      %gather3A_3564 = tpu.vector_load_idx %arg7[%add3A_3563, %broadcast_in_dim3A_3464] : memref<200x32xf32, #tpu.memory_space<vmem>>[vector<16xi32>, vector<16xi32>], vector<16xf32>,
      %swap3A_3565 = arith.constant 31 : i32
      %swap3A_3566 = arith.index_cast %swap3A_3565 : i32 to index
      %swap3A_3567 = arith.constant 184 : index
      %swap3A_3568 = tpu.vector_load %arg8[%swap3A_3566, %swap3A_3567] {strides = array<i32>} : memref<32x200xf32, #tpu.memory_space<vmem>>, vector<16xf32>,
      tpu.vector_store %arg8[%swap3A_3566, %swap3A_3567], %gather3A_3564 {strides = array<i32>} : memref<32x200xf32, #tpu.memory_space<vmem>>, vector<16xf32>,
      "tpu.region"() ({
        %run_scoped3A_3569 = tpu.sem_alloc : memref<!tpu.dma_semaphore, #tpu.memory_space<semaphore_mem>>
        %dma_start3A_3570 = arith.constant 0 : i32
        %dma_start3A_3571 = arith.constant 0 : i32
        %dma_start3A_3572 = tpu.memref_slice %arg4[%add3A_15, %dma_start3A_3570, %dma_start3A_3571] : memref<4096x32x200xf32, #tpu.memory_space<hbm>> -> memref<1x32x200xf32, #tpu.memory_space<hbm>>
        %dma_start3A_3573 = tpu.memref_squeeze %dma_start3A_3572 : memref<1x32x200xf32, #tpu.memory_space<hbm>> -> memref<32x200xf32, #tpu.memory_space<hbm>>
        %dma_start3A_3574 = arith.constant 0 : i32
        %dma_start3A_3575 = arith.constant 0 : i32
        %dma_start3A_3576 = tpu.memref_slice %arg4[%add3A_15, %dma_start3A_3574, %dma_start3A_3575] : memref<4096x32x200xf32, #tpu.memory_space<hbm>> -> memref<1x32x200xf32, #tpu.memory_space<hbm>>
        %dma_start3A_3577 = tpu.memref_squeeze %dma_start3A_3576 : memref<1x32x200xf32, #tpu.memory_space<hbm>> -> memref<32x200xf32, #tpu.memory_space<hbm>>
        tpu.enqueue_dma source(%arg8 : memref<32x200xf32, #tpu.memory_space<vmem>>) target(%dma_start3A_3577 : memref<32x200xf32, #tpu.memory_space<hbm>>) target_semaphore(%run_scoped3A_3569 : memref<!tpu.dma_semaphore, #tpu.memory_space<semaphore_mem>>)
        %dma_wait3A_3578 = arith.constant 0 : i32
        %dma_wait3A_3579 = arith.constant 0 : i32
        %dma_wait3A_3580 = tpu.memref_slice %arg4[%add3A_15, %dma_wait3A_3578, %dma_wait3A_3579] : memref<4096x32x200xf32, #tpu.memory_space<hbm>> -> memref<1x32x200xf32, #tpu.memory_space<hbm>>
        %dma_wait3A_3581 = tpu.memref_squeeze %dma_wait3A_3580 : memref<1x32x200xf32, #tpu.memory_space<hbm>> -> memref<32x200xf32, #tpu.memory_space<hbm>>
        %dma_wait3A_3582 = arith.constant 0 : i32
        %dma_wait3A_3583 = arith.constant 0 : i32
        %dma_wait3A_3584 = tpu.memref_slice %arg4[%add3A_15, %dma_wait3A_3582, %dma_wait3A_3583] : memref<4096x32x200xf32, #tpu.memory_space<hbm>> -> memref<1x32x200xf32, #tpu.memory_space<hbm>>
        %dma_wait3A_3585 = tpu.memref_squeeze %dma_wait3A_3584 : memref<1x32x200xf32, #tpu.memory_space<hbm>> -> memref<32x200xf32, #tpu.memory_space<hbm>>
        tpu.wait_dma2 semaphore(%run_scoped3A_3569 : memref<!tpu.dma_semaphore, #tpu.memory_space<semaphore_mem>>) src(%arg8 : memref<32x200xf32, #tpu.memory_space<vmem>>) dst(%dma_wait3A_3585 : memref<32x200xf32, #tpu.memory_space<hbm>>)
        tpu.yield
      }) : () -> ()
    }
    %scan3A_9 = arith.constant 128 : i32
    %mul3A_10 = arith.constant 128 : i32
    %mul3A_11 = arith.muli %add3A, %mul3A_10 : i32
    "tpu.region"() ({
      %run_scoped3A = tpu.sem_alloc : memref<!tpu.dma_semaphore, #tpu.memory_space<semaphore_mem>>
      %dma_start3A = tpu.memref_slice %arg5[%mul3A_11] : memref<4096xi32, #tpu.memory_space<hbm>> -> memref<128xi32, #tpu.memory_space<hbm>>
      %dma_start3A_12 = tpu.memref_slice %arg5[%mul3A_11] : memref<4096xi32, #tpu.memory_space<hbm>> -> memref<128xi32, #tpu.memory_space<hbm>>
      tpu.enqueue_dma source(%arg9 : memref<128xi32, #tpu.memory_space<vmem>>) target(%dma_start3A_12 : memref<128xi32, #tpu.memory_space<hbm>>) target_semaphore(%run_scoped3A : memref<!tpu.dma_semaphore, #tpu.memory_space<semaphore_mem>>)
      %dma_wait3A = tpu.memref_slice %arg5[%mul3A_11] : memref<4096xi32, #tpu.memory_space<hbm>> -> memref<128xi32, #tpu.memory_space<hbm>>
      %dma_wait3A_13 = tpu.memref_slice %arg5[%mul3A_11] : memref<4096xi32, #tpu.memory_space<hbm>> -> memref<128xi32, #tpu.memory_space<hbm>>
      tpu.wait_dma2 semaphore(%run_scoped3A : memref<!tpu.dma_semaphore, #tpu.memory_space<semaphore_mem>>) src(%arg9 : memref<128xi32, #tpu.memory_space<vmem>>) dst(%dma_wait3A_13 : memref<128xi32, #tpu.memory_space<hbm>>)
      tpu.yield
    }) : () -> ()
    return
  }
}

</mosaic_0001>

<sc_bundles>
// kernel: _run.3.cloned.1.call-start
scs
__scs_entry_jumppad:
0x0: {  	(pc) =	sbr.rel $0x88, $3  }
0x1: {  	(tag) =	ssettag $0x0;
	lr =	simm.s32 $0x1  }
0x2: {  	[smem:$0x3F9F] =	sst lr;
	_ =	strace $0xD0000000  }
0x3: {  	_ = 	snop  }
0x4: {  	_ = 	snop  }
0x5: {  	_ = 	snop  }
0x6: {  	_ = 	snop  }
0x7: {  	_ = 	snop  }
__scs_overlays_trampoline_lowered:
0x8: {  	[smem:$0x3FAE] =	sst s0  }
0x9: {  	[smem:$0x3FAF] =	sst s1  }
0xa: {  	[smem:$0x3FB0] =	sst s2  }
0xb: {  	[smem:$0x3FB1] =	sst s3  }
0xc: {  	[smem:$0x3FB2] =	sst s4  }
0xd: {  	[smem:$0x3FB3] =	sst s5  }
0xe: {  	[smem:$0x3FB4] =	sst s6  }
0xf: {  	[smem:$0x3FB5] =	sst s7  }
0x10: {  	[smem:$0x3FB6] =	sst s8  }
0x11: {  	[smem:$0x3FB7] =	sst s9;
	s0 =	simm.s32 @!p0 $0x0  }
0x12: {  	s1 =	sld [smem:$0x3F9D];
	s0 =	simm.s32 @p0 $0x1  }
0x13: {  	[smem:$0x3FB8] =	sst s0;
	s0 =	simm.s32 @!p1 $0x0  }
0x14: {  	s2 =	sld [smem:$0x3F9C];
	s0 =	simm.s32 @p1 $0x1  }
0x15: {  	[smem:$0x3FB9] =	sst s0;
	s0 =	simm.s32 @!p2 $0x0  }
0x16: {  	s3 =	sld [smem:$0x3FDB];
	s0 =	simm.s32 @p2 $0x1  }
0x17: {  	s4 =	simm.s32 $0x1BF5;
	[smem:$0x3FBB] =	sst s0  }
0x18: {  	s0 =	sld [smem:$0x3F9E];
	_ =	swait.ge [sflag:s4], $0x0  }
0x19: {  	s7 =	sld [smem:$0x3F9F]  }
0x1a: {  	s8 =	sadd.s32 $0xFFFFE003, lr  }
0x1b: {  	s9 =	sadd.s32 $0xFFFFFEF7, lr;
	s5 =	simm.s32 $0xFFFFFFFF;
	p2 =	slt.u32 s8, $0xFFFFF086  }
0x1c: {  	p1 =	slt.u32 s9, $0xF7A;
	s5 =	simm.s32 @!p2 $0x0  }
0x1d: {  	s5 =	simm.s32 @p1 $0x1;
	p0 =	seq.s32 s7, s2  }
0x1e: {  	s7 =	smul.u32 @!p0 $0xF7A, s2;
	p2 =	seq.s32 @!p0 s5, $0x0  }
0x1f: {  	s9 =	smul.u32 $0xF7A, s1;
	s8 =	simm.s32 @!p0 $0x1BF5;
	p2 =	por !p2, p0  }
0x20: {  	[sflag:s8] =	ssyncset.s32 @!p0 $0xFFFFF086;
	s6 =	sadd.s32 @!p0 s3, s7;
	s7 =	simm.s32 @!p0 $0x108  }
0x21: {  	s3 =	sadd.s32 s3, s9;
	s6 =	sadd.s32 @!p0 $0x88, s6;
	s7 =	simm.s32 @p2 $0x1082  }
0x22: {  	[simem:s7], [sflag:s8] =	dma.local @!p0 [hbm:s6], $0xF7A  }
0x23: {  	s9 =	sor.u32 $0xD0000000, s2;
	s6 =	simm.s32 $0x108;
	_ =	swait.ge @!p0 [sflag:s8], $0x0  }
0x24: {  	s3 =	sadd.s32 $0x88, s3;
	s6 =	simm.s32 @!p1 $0x1082;
	[sflag:s4] =	ssyncset.s32 $0xFFFFF086  }
0x25: {  	[simem:s6], [sflag:s4] =	dma.local [hbm:s3], $0xF7A  }
0x26: {  	[smem:$0x3F9F] =	sst s1;
	(tag) =	ssettag s2;
	_ =	strace s9  }
0x27: {  	s1 =	sld [smem:$0x3FAF]  }
0x28: {  	s2 =	sld [smem:$0x3FB0]  }
0x29: {  	s4 =	sld [smem:$0x3FB2]  }
0x2a: {  	p0 =	seq.s32 s5, $0x0;
	s5 =	sld [smem:$0x3FB3]  }
0x2b: {  	s6 =	sld [smem:$0x3FB4]  }
0x2c: {  	s7 =	sld [smem:$0x3FB5]  }
0x2d: {  	s3 =	simm.s32 $0x108;
	s8 =	sld [smem:$0x3FB6]  }
0x2e: {  	s3 =	simm.s32 @!p0 $0x1082;
	s9 =	sld [smem:$0x3FB7]  }
0x2f: {  	lr =	sadd.s32 s0, s3;
	s0 =	sld [smem:$0x3FAE]  }
0x30: {  	s3 =	sld [smem:$0x3FB1]  }
0x31: {  	[smem:$0x3FBA] =	sst s10  }
0x32: {  	s10 =	sld [smem:$0x3FB8];
	_ =	sdelay $0x3  }
0x33: {  	p0 =	seq.s32 s10, $0x1;
	s10 =	sld [smem:$0x3FBA];
	_ =	sdelay $0x3  }
0x34: {  	[smem:$0x3FBA] =	sst s10  }
0x35: {  	s10 =	sld [smem:$0x3FB9];
	_ =	sdelay $0x3  }
0x36: {  	p1 =	seq.s32 s10, $0x1;
	s10 =	sld [smem:$0x3FBA];
	_ =	sdelay $0x3  }
0x37: {  	[smem:$0x3FBA] =	sst s10  }
0x38: {  	s10 =	sld [smem:$0x3FBB]  }
0x39: {  	_ = 	snop;
	(pc) =	sbr.ind lr, $3  }
0x3a: {  	_ = 	snop  }
0x3b: {  	_ = 	snop  }
0x3c: {  	p2 =	seq.s32 s10, $0x1;
	s10 =	sld [smem:$0x3FBA]  }
0x3d: {  	_ =	shalt  }
0x3e: {  	_ =	shalt  }
0x3f: {  	_ =	shalt  }
0x40: {  	_ =	shalt  }
0x41: {  	_ =	shalt  }
0x42: {  	_ =	shalt  }
0x43: {  	_ =	shalt  }
0x44: {  	_ =	shalt  }
0x45: {  	_ =	shalt  }
0x46: {  	_ =	shalt  }
0x47: {  	_ =	shalt  }
0x48: {  	_ =	shalt  }
0x49: {  	_ =	shalt  }
0x4a: {  	_ =	shalt  }
0x4b: {  	_ =	shalt  }
0x4c: {  	_ =	shalt  }
0x4d: {  	_ =	shalt  }
0x4e: {  	_ =	shalt  }
0x4f: {  	_ =	shalt  }
0x50: {  	_ =	shalt  }
0x51: {  	_ =	shalt  }
0x52: {  	_ =	shalt  }
0x53: {  	_ =	shalt  }
0x54: {  	_ =	shalt  }
0x55: {  	_ =	shalt  }
0x56: {  	_ =	shalt  }
0x57: {  	_ =	shalt  }
0x58: {  	_ =	shalt  }
0x59: {  	_ =	shalt  }
0x5a: {  	_ =	shalt  }
0x5b: {  	_ =	shalt  }
0x5c: {  	_ =	shalt  }
0x5d: {  	_ =	shalt  }
0x5e: {  	_ =	shalt  }
0x5f: {  	_ =	shalt  }
0x60: {  	_ =	shalt  }
0x61: {  	_ =	shalt  }
0x62: {  	_ =	shalt  }
0x63: {  	_ =	shalt  }
0x64: {  	_ =	shalt  }
0x65: {  	_ =	shalt  }
0x66: {  	_ =	shalt  }
0x67: {  	_ =	shalt  }
0x68: {  	_ =	shalt  }
0x69: {  	_ =	shalt  }
0x6a: {  	_ =	shalt  }
0x6b: {  	_ =	shalt  }
0x6c: {  	_ =	shalt  }
0x6d: {  	_ =	shalt  }
0x6e: {  	_ =	shalt  }
0x6f: {  	_ =	shalt  }
0x70: {  	_ =	shalt  }
0x71: {  	_ =	shalt  }
0x72: {  	_ =	shalt  }
0x73: {  	_ =	shalt  }
0x74: {  	_ =	shalt  }
0x75: {  	_ =	shalt  }
0x76: {  	_ =	shalt  }
0x77: {  	_ =	shalt  }
0x78: {  	_ =	shalt  }
0x79: {  	_ =	shalt  }
0x7a: {  	_ =	shalt  }
0x7b: {  	_ =	shalt  }
0x7c: {  	_ =	shalt  }
0x7d: {  	_ =	shalt  }
0x7e: {  	_ =	shalt  }
0x7f: {  	_ =	shalt  }
0x80: {  	_ =	shalt  }
0x81: {  	_ =	shalt  }
0x82: {  	_ =	shalt  }
0x83: {  	_ =	shalt  }
0x84: {  	_ =	shalt  }
0x85: {  	_ =	shalt  }
0x86: {  	_ =	shalt  }
0x87: {  	_ =	shalt  }
.Lfunc_end0:
.L_simem_size_0:
called_computation.1_lowered:
.L_overlay_start_0:
0x88: {  	s2 =	sld [smem:$0x3FD9]  }
0x89: {  	s3 =	sld [smem:$0x3FFE];
	_ =	sdelay $0x1  }
0x8a: {  	s1 =	srdreg.scid  }
0x8b: {  	s0 =	sand.u32 $0x1, s1  }
0x8c: {  	s14 =	sshll.u32 s0, $0xA;
	s2 =	sadd.s32 s3, s2  }
0x8d: {  	s2 =	sadd.s32 s2, s14  }
0x8e: {  	[smem:$0x3FC6] =	sst s2  }
0x8f: {  	_ = 	snop  }
0x90: {  	s2 =	sld [smem:$0x3FD0];
	_ =	sdelay $0x2  }
0x91: {  	s15 =	simm.s32 $0xA;
	s4 =	simm.s32 $0x10  }
0x92: {  	[smem:s4], [sflag:s15] =	dma.local [hbm:s2], $0x1  }
0x93: {  	_ =	swait.eq [sflag:s15], $0x1  }
0x94: {  	[sflag:s15] =	ssyncset.done $0x0  }
0x95: {  	s16 =	sld [smem:$0x10];
	[sflag:s15] =	ssyncadd.s32 $0xFFFFFFFF  }
0x96: {  	s17 =	sld [smem:$0x11];
	(tm) =	ssettm $0x1  }
0x97: {  	s18 =	sld [smem:$0x3FFB];
	_ =	sdelay $0x3  }
0x98: {  	_ =	strace s18  }
0x99: {  	s4 =	sld [smem:$0x3FFC];
	_ =	sdelay $0x3  }
0x9a: {  	_ =	strace s4  }
0x9b: {  	s4 =	sld [smem:$0x3FFD];
	_ =	sdelay $0x3  }
0x9c: {  	_ =	strace s4  }
0x9d: {  	_ =	strace $0x8FFFFFFF  }
0x9e: {  	s19 =	sld [smem:$0x3FDB];
	_ =	sdelay $0x1  }
0x9f: {  	s5 =	simm.s32 $_scs_section_size  }
0xa0: {  	s6 =	simm.s32 $_size__tile_overlayer_lowered;
	s7 =	simm.s32 $_tile_overlayer_lowered  }
0xa1: {  	s22 =	simm.s32 $0x1BFF;
	s21 =	sshll.u32 s7, $0x1;
	s4 =	sadd.s32 s5, s19  }
0xa2: {  	s8 =	simm.s32 $0x0;
	s20 =	sshll.u32 s6, $0x1;
	s6 =	sadd.s32 s21, s4  }
0xa3: {  	[timem:s8], [sflag:s22] =	dma.local [hbm:s6], s20  }
0xa4: {  	_ =	swait.ge [sflag:s22], s20  }
0xa5: {  	s5 =	ssub.s32 $0x0, s20;
	[sflag:s22] =	ssyncset.done $0x0  }
0xa6: {  	[sflag:s22] =	ssyncadd.s32 s5;
	_ =	sdelay $0x1  }
0xa7: {  	s23 =	simm.s32 $0x1B8B  }
0xa8: {  	_ =	swait.ge [sflag:s23], $0x1  }
0xa9: {  	[sflag:s23] =	ssyncset.done $0x0  }
0xaa: {  	s25 =	simm.s32 $0x1B8E;
	s24 =	sld [smem:$0x3FFE];
	[sflag:s23] =	ssyncadd.s32 $0xFFFFFFFF  }
0xab: {  	s26 =	simm.s32 $execute0_lowered;
	[smem:$0x3FD2] =	sst s25  }
0xac: {  	s6 =	sshll.u32 s26, $0x1;
	_ =	strace $0x80000046;
	[dreg:$0x1] =	wrdreg $0xFFFFFFFF  }
0xad: {  	s28 =	simm.s32 $_size_execute0_lowered;
	s4 =	sadd.s32 s4, s6;
	[dreg:$0x0] =	wrdreg $0x0  }
0xae: {  	s6 =	sshll.u32 s28, $0x1;
	[dreg:$0x2] =	wrdreg s4  }
0xaf: {  	[dreg:$0x3] =	wrdreg s6  }
0xb0: {  	[dreg:$0x4] =	wrdreg $0xC0  }
0xb1: {  	_ =	task [dreg:s8], $0x5FFFF  }
0xb2: {  	[dreg:$0x1] =	wrdreg $0xFFFFFFFF  }
0xb3: {  	[dreg:$0x0] =	wrdreg $0x60  }
0xb4: {  	[dreg:$0x2] =	wrdreg s24  }
0xb5: {  	[dreg:$0x3] =	wrdreg s16  }
0xb6: {  	[dreg:$0x4] =	wrdreg s17  }
0xb7: {  	[dreg:$0x5] =	wrdreg $0x9  }
0xb8: {  	_ =	task.clear_ibuf [dreg:s8], $0x6FFFF;
	_ =	strace $0x90000046  }
0xb9: {  	s29 =	simm.s32 $0x9;
	_ =	strace $0x80000048  }
0xba: {  	_ =	swait.ge [sflag:s29], $0x1  }
0xbb: {  	[sflag:s29] =	ssyncadd.s32 $0xFFFFFFFF  }
0xbc: {  	_ =	strace $0x90000048  }
0xbd: {  	_ =	sfence  }
0xbe: {  	s30 =	sld [smem:$0x0];
	_ =	sdelay $0x2  }
0xbf: {  	s31 =	sshll.u32 s1, $0xD;
	s1 =	sshrl.u32 s1, $0x2  }
0xc0: {  	s3 =	sand.u32 $0x4000, s31;
	s1 =	sadd.s32 s1, s30  }
0xc1: {  	s0 =	sor.u32 s3, s0;
	s1 =	sshll.u32 s1, $0x11  }
0xc2: {  	s0 =	sor.u32 s1, s0  }
0xc3: {  	s0 =	sadd.s32 $0x8F2B, s0  }
0xc4: {  	[sflag:s0] =	ssyncadd.remote.s32 $0x1  }
0xc5: {  	_ =	sfence.sel $0xFFFF  }
0xc6: {  	[dreg:$0x0] =	wrdreg $0xFFFFFFFF;
	(pc) =	sbr.abs _section_cstart, $3  }
0xc7: {  	[dreg:$0x1] =	wrdreg $0xFFFFFFFF  }
0xc8: {  	_ =	task.clear_ibuf [dreg:s8], $0x2FFFF;
	_ =	strace $0x9FFFFFFF  }
0xc9: {  	(tm) =	ssettm $0x7FFFFFFF  }
tec
execute0_lowered:
.L_overlay_start_1:
0x0: {  	(tag) =	ssettag $0x1  }
0x1: {  	v0 =	vlaneseq.u32  }
0x2: {  	v0 =	vmul.u32 $0x20, v0  }
0x3: {  	v63 =	vimm.s32 $0x0  }
0x4: {  	vm0 =	vcmask $0x3F20;
	v4 =	vor.u32 $0x200, v0;
	v5 =	vor.u32 $0x400, v0  }
0x5: {  	v6 =	vor.u32 $0x600, v0;
	v7 =	vor.u32 $0x800, v0;
	v8 =	vor.u32 $0xA00, v0  }
0x6: {  	v9 =	vor.u32 $0xC00, v0;
	v10 =	vor.u32 $0xE00, v0;
	v11 =	vor.u32 $0x1000, v0  }
0x7: {  	v12 =	vor.u32 $0x1200, v0;
	v13 =	vor.u32 $0x1400, v0;
	v14 =	vor.u32 $0x1600, v0  }
0x8: {  	v15 =	vadd.s32 $0x1700, v0;
	v16 =	vor.u32 $0x1, v0;
	v17 =	vor.u32 $0x201, v0  }
0x9: {  	s3 =	rddreg [dreg:$0x0];
	v18 =	vor.u32 $0x401, v0;
	v19 =	vor.u32 $0x601, v0;
	v20 =	vor.u32 $0x801, v0  }
0xa: {  	s6 =	rddreg [dreg:$0x1];
	v21 =	vor.u32 $0xA01, v0;
	v22 =	vor.u32 $0xC01, v0;
	v23 =	vor.u32 $0xE01, v0  }
0xb: {  	s4 =	rddreg [dreg:$0x2];
	v24 =	vor.u32 $0x1001, v0;
	v25 =	vor.u32 $0x1201, v0;
	v26 =	vor.u32 $0x1401, v0  }
0xc: {  	s0 =	rddreg [dreg:$0x3];
	s1 =	simm.s32 $0x0;
	v27 =	vor.u32 $0x1601, v0;
	v28 =	vadd.s32 $0x1701, v0;
	v29 =	vor.u32 $0x2, v0  }
0xd: {  	s2 =	srdreg.scid;
	s14 =	simm.s32 $0x3300;
	s15 =	simm.s32 $0x1;
	v30 =	vor.u32 $0x202, v0;
	v31 =	vor.u32 $0x402, v0;
	v32 =	vor.u32 $0x602, v0  }
0xe: {  	s16 =	simm.s32 $0x1A00;
	s7 =	sand.u32 $0x1, s2;
	s2 =	stileid.u32;
	v33 =	vor.u32 $0x802, v0;
	v34 =	vor.u32 $0xA02, v0;
	v35 =	vor.u32 $0xC02, v0  }
0xf: {  	[smem:$0x7FF] =	sst s1;
	s8 =	sadd.s32 $0xE00, s3;
	s10 =	smul.u32 $0xC800, s2;
	v36 =	vor.u32 $0xE02, v0;
	v37 =	vor.u32 $0x1002, v0;
	v38 =	vor.u32 $0x1202, v0  }
0x10: {  	s17 =	simm.s32 $0x0;
	s3 =	sadd.s32 $0xF43200, s3;
	s13 =	smul.u32 $0x6400, s7;
	v39 =	vor.u32 $0x1402, v0;
	v40 =	vor.u32 $0x1602, v0;
	v41 =	vadd.s32 $0x1702, v0  }
0x11: {  	_ =	strace $0x80000047;
	s5 =	ssub.s32 $0x2, s7;
	s28 =	smul.u32 $0x32000, s2;
	v42 =	vor.u32 $0x3, v0;
	v43 =	vor.u32 $0x203, v0;
	v2 =	vor.u32 $0x1204, v0  }
0x12: {  	s11 =	sshll.u32 s2, $0x5;
	s12 =	sshll.u32 s7, $0x4;
	s30 =	smul.u32 $0x19000, s7;
	v44 =	vor.u32 $0x403, v0;
	v45 =	vor.u32 $0x603, v0;
	v1 =	vor.u32 $0x804, v0;
	[tilespmem:$0x1FF90] =	vst v2  }
0x13: {  	s9 =	sshrl.u32 s5, $0x1;
	s25 =	sor.u32 s12, s11;
	v46 =	vor.u32 $0x803, v0;
	v47 =	vor.u32 $0xA03, v0;
	s11 =	simm.s32 $0x100;
	v59 =	vor.u32 $0xA04, v0;
	[tilespmem:$0x1FFB0] =	vst v1  }
0x14: {  	v48 =	vor.u32 $0xC03, v0;
	v49 =	vor.u32 $0xE03, v0;
	v54 =	vadd.s32 $0x1703, v0;
	s12 =	simm.s32 $0x48;
	s5 =	ssub.s32 s5, s9;
	s4 =	sadd.s32 s4, s25;
	[tilespmem:$0x1FFC0] =	vst v59  }
0x15: {  	v50 =	vor.u32 $0x1003, v0;
	v51 =	vor.u32 $0x1203, v0;
	v52 =	vor.u32 $0x1403, v0;
	s26 =	sadd.s32 s13, s10;
	s10 =	sadd.s32 s28, s6;
	s13 =	simm.s32 $0x1100;
	[tilespmem:$0x1FFD0] =	vst v54  }
0x16: {  	v53 =	vor.u32 $0x1603, v0;
	v55 =	vor.u32 $0x4, v0;
	v56 =	vor.u32 $0x204, v0;
	[tilespmem:$0x1FFE0] =	vst v49;
	s5 =	smax.u32 s5, $0x1;
	s29 =	sor.u32 $0x80, s26;
	s9 =	sshrl.u32 s26, $0x3  }
0x17: {  	v57 =	vor.u32 $0x404, v0;
	v58 =	vor.u32 $0x604, v0;
	v2 =	vor.u32 $0x1404, v0;
	[tilespmem:$0x1FFF0] =	vst v44;
	s31 =	sshrl.u32 s29, $0x3;
	s7 =	sadd.s32 s9, s8;
	s9 =	simm.s32 $0x2  }
0x18: {  	v60 =	vor.u32 $0xC04, v0;
	v61 =	vor.u32 $0xE04, v0;
	v62 =	vor.u32 $0x1004, v0;
	[tilespmem:$0x1FFA0] =	vst v2;
	s6 =	sadd.s32 s31, s8;
	s8 =	sadd.s32 s30, s10;
	s10 =	simm.s32 $0x80  }
.LBB2_1:
0x19: {  	s18 =	smov.u32 s8  }
0x1a: {  	s19 =	smov.u32 s7;
	s20 =	smov.u32 s6;
	s21 =	simm.s32 $0x0  }
.LBB2_2:
0x1b: {  	[tilespmem:s1], [sflag:$0x2] =	stream.linear.gather [hbm4b:s19+s1], $0x80, $0x38;
	[tilespmem:$0x3380] =	vst v63  }
0x1c: {  	_ =	swait.ge [sflag:s9], $0x80  }
0x1d: {  	[sflag:s9] =	ssyncset.done $0x0  }
0x1e: {  	[sflag:s9] =	ssyncadd.s32 $0xFFFFFF80  }
0x1f: {  	[tilespmem:s10], [sflag:$0x2] =	stream.linear.gather [hbm4b:s20+s1], $0x48, $0x38;
	[tilespmem:$0x3380] =	vst v63  }
0x20: {  	_ =	swait.ge [sflag:s9], $0x48  }
0x21: {  	[sflag:s9] =	ssyncset.done $0x0  }
0x22: {  	[sflag:s9] =	ssyncadd.s32 $0xFFFFFFB8  }
0x23: {  	[tilespmem:s11], [sflag:$0x1] =	stream.indirect.gather [hbm4b:s3+s10], $0x20, s1, s10, $0xb8;
	[tilespmem:$0x3380] =	vst v63  }
0x24: {  	_ = 	snop  }
0x25: {  	[tilespmem:s13], [sflag:$0x1] =	stream.indirect.gather [hbm4b:s3+s12], $0x20, s10, s12, $0xb8;
	[tilespmem:$0x3380] =	vst v63  }
0x26: {  	v2 =	vld [tilespmem:$0x0]  }
0x27: {  	v59 =	vmovc v39;
	v49 =	vmov v34;
	v44 =	vmov v29;
	v39 =	vmov v24;
	v3 =	vld [tilespmem:$0x10]  }
0x28: {  	v29 =	vmovc v19;
	v24 =	vmovc v14;
	v14 =	vmov v4;
	v54 =	vmov v60;
	v60 =	vmov v55;
	v4 =	vld [tilespmem:$0x20]  }
0x29: {  	v55 =	vmovc v50;
	v50 =	vmovc v45;
	v45 =	vmov v40;
	v40 =	vmov v10;
	v10 =	vmov v5;
	v5 =	vld [tilespmem:$0x30]  }
0x2a: {  	v19 =	vmovc v9;
	v9 =	vmovc v61;
	v61 =	vmov v11;
	v11 =	vmov v6;
	v34 =	vmov v62;
	v6 =	vld [tilespmem:$0x40]  }
0x2b: {  	v62 =	vmovc v57;
	v57 =	vmovc v52;
	v52 =	vmov v12;
	v12 =	vmov v7;
	v7 =	vld [tilespmem:$0x50];
	vm1 =	vne.s32 v2, $0x0  }
0x2c: {  	v1 =	vimm.s32 $0x0;
	vm2 =	vne.s32 v3, $0x0;
	v2 =	vld [tilespmem:$0x60];
	v3 =	vsel vm1, $0x1, v63  }
0x2d: {  	v63 =	vmovc v18;
	v18 =	vmovc v13;
	v13 =	vmov v8;
	v8 =	vsel vm2, $0x1, v1;
	vm1 =	vne.s32 v4, $0x0  }
0x2e: {  	v3 =	vadd.s32 v3, v8;
	v8 =	vsel vm1, $0x1, v1;
	vm1 =	vne.s32 v5, $0x0  }
0x2f: {  	v4 =	vld [tilespmem:$0x70];
	v3 =	vadd.s32 v8, v3;
	v8 =	vsel vm1, $0x1, v1;
	vm1 =	vne.s32 v6, $0x0  }
0x30: {  	v5 =	vld [tilespmem:$0x80];
	v3 =	vadd.s32 v8, v3;
	v8 =	vsel vm1, $0x1, v1;
	vm1 =	vne.s32 v7, $0x0  }
0x31: {  	v6 =	vld [tilespmem:$0x90];
	v3 =	vadd.s32 v8, v3;
	v8 =	vsel vm1, $0x1, v1;
	vm1 =	vne.s32 v2, $0x0  }
0x32: {  	v2 =	vld [tilespmem:$0xB0];
	v3 =	vadd.s32 v8, v3;
	v8 =	vsel vm1, $0x1, v1  }
0x33: {  	v7 =	vld [tilespmem:$0xA0]  }
0x34: {  	vm1 =	vne.s32 v4, $0x0;
	v4 =	vld [tilespmem:$0xB8]  }
0x35: {  	v3 =	vadd.s32 v8, v3;
	v8 =	vmovc v13;
	v13 =	vmovc v18;
	v18 =	vmov v63;
	v63 =	vimm.s32 $0x0  }
0x36: {  	vm2 =	vne.s32 v5, $0x0;
	v5 =	vsel vm1, $0x1, v63;
	vm1 =	vne.s32 v6, $0x0  }
0x37: {  	v3 =	vadd.s32 v5, v3;
	v5 =	vsel vm2, $0x1, v63;
	vm2 =	vne.s32 v2, $0x0  }
0x38: {  	v3 =	vadd.s32 v5, v3;
	v5 =	vsel vm1, $0x1, v63;
	vm1 =	vne.s32 v7, $0x0  }
0x39: {  	vm3 =	vne.s32 v4, $0x0;
	v3 =	vadd.s32 v5, v3;
	v2 =	vsel vm1, $0x1, v63  }
0x3a: {  	vm1 =	vmand vm3, vm0;
	v2 =	vadd.s32 v2, v3;
	v3 =	vsel vm2, $0x1, v63  }
0x3b: {  	v2 =	vadd.s32 v3, v2;
	v3 =	vsel vm1, $0x1, v63  }
0x3c: {  	v2 =	vadd.s32 v3, v2  }
0x3d: {  	(xrf0) =	vadd.scan.msk.s32 $0xffff, v2;
	_ =	sdelay $0x3  }
0x3e: {  	v2 =	vmov s21  }
0x3f: {  	v6 =	vmov v11  }
0x40: {  	v1 =	vld [tilespmem:$0x1FFB0];
	v11 =	vmov v61;
	v61 =	vmov v9;
	v9 =	vmov v19;
	v3, _, _ =	vpop (xrf0)  }
0x41: {  	v19 =	vmovc v29;
	v29 =	vmovc v44;
	v44 =	vld [tilespmem:$0x1FFF0];
	v4 =	vmov v14;
	v14 =	vmov v24;
	v3 =	vbroadcast v3, $0xF  }
0x42: {  	v24 =	vmovc v39;
	v39 =	vmovc v59;
	v59 =	vld [tilespmem:$0x1FFC0];
	v7 =	vmov v12;
	v12 =	vmov v52;
	v52 =	vmov v57  }
0x43: {  	v57 =	vmovc v62;
	v62 =	vmovc v34;
	v34 =	vmov v49;
	v49 =	vld [tilespmem:$0x1FFE0];
	v5 =	vmov v10;
	v10 =	vmov v40;
	[tilespmem:v2+s14+$0x0] =	vst.idx.msk $0x1, v3  }
0x44: {  	v40 =	vmovc v45;
	v45 =	vmovc v50;
	v50 =	vmov v55;
	v55 =	vmov v60;
	v60 =	vmov v54;
	v54 =	vld [tilespmem:$0x1FFD0];
	_ =	swait.ge [sflag:s15], $0x1000  }
0x45: {  	[sflag:s15] =	ssyncset.done $0x0  }
0x46: {  	[sflag:s15] =	ssyncadd.s32 $0xFFFFF000  }
0x47: {  	_ =	swait.ge [sflag:s15], $0x900  }
0x48: {  	[sflag:s15] =	ssyncset.done $0x0  }
0x49: {  	[sflag:s15] =	ssyncadd.s32 $0xFFFFF700  }
0x4a: {  	v2 =	vld.idx.msk [tilespmem:v0+s11+$0x0], $0xffff;
	_ =	sdelay $0x4  }
0x4b: {  	[tilespmem:$0x1A00] =	vst v2  }
0x4c: {  	v2 =	vld.idx.msk [tilespmem:v4+s11+$0x0], $0xffff;
	_ =	sdelay $0x4  }
0x4d: {  	[tilespmem:$0x1A10] =	vst v2  }
0x4e: {  	v2 =	vld.idx.msk [tilespmem:v5+s11+$0x0], $0xffff;
	_ =	sdelay $0x4  }
0x4f: {  	[tilespmem:$0x1A20] =	vst v2  }
0x50: {  	v2 =	vld.idx.msk [tilespmem:v6+s11+$0x0], $0xffff;
	_ =	sdelay $0x4  }
0x51: {  	[tilespmem:$0x1A30] =	vst v2  }
0x52: {  	v2 =	vld.idx.msk [tilespmem:v7+s11+$0x0], $0xffff;
	_ =	sdelay $0x4  }
0x53: {  	[tilespmem:$0x1A40] =	vst v2  }
0x54: {  	v2 =	vld.idx.msk [tilespmem:v8+s11+$0x0], $0xffff;
	_ =	sdelay $0x4  }
0x55: {  	[tilespmem:$0x1A50] =	vst v2  }
0x56: {  	v2 =	vld.idx.msk [tilespmem:v9+s11+$0x0], $0xffff;
	_ =	sdelay $0x4  }
0x57: {  	[tilespmem:$0x1A60] =	vst v2  }
0x58: {  	v2 =	vld.idx.msk [tilespmem:v10+s11+$0x0], $0xffff;
	_ =	sdelay $0x4  }
0x59: {  	[tilespmem:$0x1A70] =	vst v2  }
0x5a: {  	v2 =	vld.idx.msk [tilespmem:v11+s11+$0x0], $0xffff;
	_ =	sdelay $0x4  }
0x5b: {  	[tilespmem:$0x1A80] =	vst v2  }
0x5c: {  	v2 =	vld.idx.msk [tilespmem:v12+s11+$0x0], $0xffff;
	_ =	sdelay $0x4  }
0x5d: {  	[tilespmem:$0x1A90] =	vst v2  }
0x5e: {  	v2 =	vld.idx.msk [tilespmem:v13+s11+$0x0], $0xffff;
	_ =	sdelay $0x4  }
0x5f: {  	[tilespmem:$0x1AA0] =	vst v2  }
0x60: {  	v2 =	vld.idx.msk [tilespmem:v14+s11+$0x0], $0xffff;
	_ =	sdelay $0x4  }
0x61: {  	[tilespmem:$0x1AB0] =	vst v2  }
0x62: {  	v2 =	vld.idx.msk [tilespmem:v15+s11+$0x0], $0xffff;
	_ =	sdelay $0x4  }
0x63: {  	[tilespmem:$0x1AB8] =	vst v2  }
0x64: {  	v2 =	vld.idx.msk [tilespmem:v16+s11+$0x0], $0xffff;
	_ =	sdelay $0x4  }
0x65: {  	[tilespmem:$0x1AC8] =	vst v2  }
0x66: {  	v2 =	vld.idx.msk [tilespmem:v17+s11+$0x0], $0xffff;
	_ =	sdelay $0x4  }
0x67: {  	[tilespmem:$0x1AD8] =	vst v2  }
0x68: {  	v2 =	vld.idx.msk [tilespmem:v18+s11+$0x0], $0xffff;
	_ =	sdelay $0x4  }
0x69: {  	[tilespmem:$0x1AE8] =	vst v2  }
0x6a: {  	v2 =	vld.idx.msk [tilespmem:v19+s11+$0x0], $0xffff;
	_ =	sdelay $0x4  }
0x6b: {  	[tilespmem:$0x1AF8] =	vst v2  }
0x6c: {  	v2 =	vld.idx.msk [tilespmem:v20+s11+$0x0], $0xffff;
	_ =	sdelay $0x4  }
0x6d: {  	[tilespmem:$0x1B08] =	vst v2  }
0x6e: {  	v2 =	vld.idx.msk [tilespmem:v21+s11+$0x0], $0xffff;
	_ =	sdelay $0x4  }
0x6f: {  	[tilespmem:$0x1B18] =	vst v2  }
0x70: {  	v2 =	vld.idx.msk [tilespmem:v22+s11+$0x0], $0xffff;
	_ =	sdelay $0x4  }
0x71: {  	[tilespmem:$0x1B28] =	vst v2  }
0x72: {  	v2 =	vld.idx.msk [tilespmem:v23+s11+$0x0], $0xffff;
	_ =	sdelay $0x4  }
0x73: {  	[tilespmem:$0x1B38] =	vst v2  }
0x74: {  	v2 =	vld.idx.msk [tilespmem:v24+s11+$0x0], $0xffff;
	_ =	sdelay $0x4  }
0x75: {  	[tilespmem:$0x1B48] =	vst v2  }
0x76: {  	v2 =	vld.idx.msk [tilespmem:v25+s11+$0x0], $0xffff;
	_ =	sdelay $0x4  }
0x77: {  	[tilespmem:$0x1B58] =	vst v2  }
0x78: {  	v2 =	vld.idx.msk [tilespmem:v26+s11+$0x0], $0xffff;
	_ =	sdelay $0x4  }
0x79: {  	[tilespmem:$0x1B68] =	vst v2  }
0x7a: {  	v2 =	vld.idx.msk [tilespmem:v27+s11+$0x0], $0xffff;
	_ =	sdelay $0x4  }
0x7b: {  	[tilespmem:$0x1B78] =	vst v2  }
0x7c: {  	v2 =	vld.idx.msk [tilespmem:v28+s11+$0x0], $0xffff;
	_ =	sdelay $0x4  }
0x7d: {  	[tilespmem:$0x1B80] =	vst v2  }
0x7e: {  	v2 =	vld.idx.msk [tilespmem:v29+s11+$0x0], $0xffff;
	_ =	sdelay $0x4  }
0x7f: {  	[tilespmem:$0x1B90] =	vst v2  }
0x80: {  	v2 =	vld.idx.msk [tilespmem:v30+s11+$0x0], $0xffff;
	_ =	sdelay $0x4  }
0x81: {  	[tilespmem:$0x1BA0] =	vst v2  }
0x82: {  	v2 =	vld.idx.msk [tilespmem:v31+s11+$0x0], $0xffff;
	_ =	sdelay $0x4  }
0x83: {  	[tilespmem:$0x1BB0] =	vst v2  }
0x84: {  	v2 =	vld.idx.msk [tilespmem:v32+s11+$0x0], $0xffff;
	_ =	sdelay $0x4  }
0x85: {  	[tilespmem:$0x1BC0] =	vst v2  }
0x86: {  	v2 =	vld.idx.msk [tilespmem:v33+s11+$0x0], $0xffff;
	_ =	sdelay $0x4  }
0x87: {  	[tilespmem:$0x1BD0] =	vst v2  }
0x88: {  	v2 =	vld.idx.msk [tilespmem:v34+s11+$0x0], $0xffff;
	_ =	sdelay $0x4  }
0x89: {  	[tilespmem:$0x1BE0] =	vst v2  }
0x8a: {  	v2 =	vld.idx.msk [tilespmem:v35+s11+$0x0], $0xffff;
	_ =	sdelay $0x4  }
0x8b: {  	[tilespmem:$0x1BF0] =	vst v2  }
0x8c: {  	v2 =	vld.idx.msk [tilespmem:v36+s11+$0x0], $0xffff;
	_ =	sdelay $0x4  }
0x8d: {  	[tilespmem:$0x1C00] =	vst v2  }
0x8e: {  	v2 =	vld.idx.msk [tilespmem:v37+s11+$0x0], $0xffff;
	_ =	sdelay $0x4  }
0x8f: {  	[tilespmem:$0x1C10] =	vst v2  }
0x90: {  	v2 =	vld.idx.msk [tilespmem:v38+s11+$0x0], $0xffff;
	_ =	sdelay $0x4  }
0x91: {  	[tilespmem:$0x1C20] =	vst v2  }
0x92: {  	v2 =	vld.idx.msk [tilespmem:v39+s11+$0x0], $0xffff;
	_ =	sdelay $0x4  }
0x93: {  	[tilespmem:$0x1C30] =	vst v2  }
0x94: {  	v2 =	vld.idx.msk [tilespmem:v40+s11+$0x0], $0xffff;
	_ =	sdelay $0x4  }
0x95: {  	[tilespmem:$0x1C40] =	vst v2  }
0x96: {  	v2 =	vld.idx.msk [tilespmem:v41+s11+$0x0], $0xffff;
	_ =	sdelay $0x4  }
0x97: {  	[tilespmem:$0x1C48] =	vst v2  }
0x98: {  	v2 =	vld.idx.msk [tilespmem:v42+s11+$0x0], $0xffff;
	_ =	sdelay $0x4  }
0x99: {  	[tilespmem:$0x1C58] =	vst v2  }
0x9a: {  	v2 =	vld.idx.msk [tilespmem:v43+s11+$0x0], $0xffff;
	_ =	sdelay $0x4  }
0x9b: {  	[tilespmem:$0x1C68] =	vst v2  }
0x9c: {  	v2 =	vld.idx.msk [tilespmem:v44+s11+$0x0], $0xffff;
	_ =	sdelay $0x4  }
0x9d: {  	[tilespmem:$0x1C78] =	vst v2  }
0x9e: {  	v2 =	vld.idx.msk [tilespmem:v45+s11+$0x0], $0xffff;
	_ =	sdelay $0x4  }
0x9f: {  	[tilespmem:$0x1C88] =	vst v2  }
0xa0: {  	v2 =	vld.idx.msk [tilespmem:v46+s11+$0x0], $0xffff;
	_ =	sdelay $0x4  }
0xa1: {  	[tilespmem:$0x1C98] =	vst v2  }
0xa2: {  	v2 =	vld.idx.msk [tilespmem:v47+s11+$0x0], $0xffff;
	_ =	sdelay $0x4  }
0xa3: {  	[tilespmem:$0x1CA8] =	vst v2  }
0xa4: {  	v2 =	vld.idx.msk [tilespmem:v48+s11+$0x0], $0xffff;
	_ =	sdelay $0x4  }
0xa5: {  	[tilespmem:$0x1CB8] =	vst v2  }
0xa6: {  	v2 =	vld.idx.msk [tilespmem:v49+s11+$0x0], $0xffff;
	_ =	sdelay $0x4  }
0xa7: {  	[tilespmem:$0x1CC8] =	vst v2  }
0xa8: {  	v2 =	vld.idx.msk [tilespmem:v50+s11+$0x0], $0xffff;
	_ =	sdelay $0x4  }
0xa9: {  	[tilespmem:$0x1CD8] =	vst v2  }
0xaa: {  	v2 =	vld.idx.msk [tilespmem:v51+s11+$0x0], $0xffff;
	_ =	sdelay $0x4  }
0xab: {  	[tilespmem:$0x1CE8] =	vst v2  }
0xac: {  	v2 =	vld.idx.msk [tilespmem:v52+s11+$0x0], $0xffff;
	_ =	sdelay $0x4  }
0xad: {  	[tilespmem:$0x1CF8] =	vst v2  }
0xae: {  	v2 =	vld.idx.msk [tilespmem:v53+s11+$0x0], $0xffff;
	_ =	sdelay $0x4  }
0xaf: {  	[tilespmem:$0x1D08] =	vst v2  }
0xb0: {  	v2 =	vld.idx.msk [tilespmem:v54+s11+$0x0], $0xffff;
	_ =	sdelay $0x4  }
0xb1: {  	[tilespmem:$0x1D10] =	vst v2  }
0xb2: {  	v2 =	vld.idx.msk [tilespmem:v55+s11+$0x0], $0xffff;
	_ =	sdelay $0x4  }
0xb3: {  	[tilespmem:$0x1D20] =	vst v2  }
0xb4: {  	v2 =	vld.idx.msk [tilespmem:v56+s11+$0x0], $0xffff;
	_ =	sdelay $0x4  }
0xb5: {  	[tilespmem:$0x1D30] =	vst v2  }
0xb6: {  	v2 =	vld.idx.msk [tilespmem:v57+s11+$0x0], $0xffff;
	_ =	sdelay $0x4  }
0xb7: {  	[tilespmem:$0x1D40] =	vst v2  }
0xb8: {  	v2 =	vld.idx.msk [tilespmem:v58+s11+$0x0], $0xffff;
	_ =	sdelay $0x4  }
0xb9: {  	[tilespmem:$0x1D50] =	vst v2  }
0xba: {  	v2 =	vld.idx.msk [tilespmem:v1+s11+$0x0], $0xffff;
	_ =	sdelay $0x4  }
0xbb: {  	[tilespmem:$0x1D60] =	vst v2  }
0xbc: {  	v2 =	vld.idx.msk [tilespmem:v59+s11+$0x0], $0xffff;
	_ =	sdelay $0x4  }
0xbd: {  	[tilespmem:$0x1D70] =	vst v2  }
0xbe: {  	v2 =	vld.idx.msk [tilespmem:v60+s11+$0x0], $0xffff;
	_ =	sdelay $0x4  }
0xbf: {  	[tilespmem:$0x1D80] =	vst v2  }
0xc0: {  	v2 =	vld.idx.msk [tilespmem:v61+s11+$0x0], $0xffff;
	_ =	sdelay $0x4  }
0xc1: {  	[tilespmem:$0x1D90] =	vst v2  }
0xc2: {  	v2 =	vld.idx.msk [tilespmem:v62+s11+$0x0], $0xffff;
	_ =	sdelay $0x4  }
0xc3: {  	[tilespmem:$0x1DA0] =	vst v2;
	v2 =	vld [tilespmem:$0x1FF90];
	_ =	sdelay $0x7  }
0xc4: {  	v2 =	vld.idx.msk [tilespmem:v2+s11+$0x0], $0xffff;
	_ =	sdelay $0x4  }
0xc5: {  	[tilespmem:$0x1DB0] =	vst v2;
	v2 =	vld [tilespmem:$0x1FFA0];
	_ =	sdelay $0x7  }
0xc6: {  	v2 =	vld.idx.msk [tilespmem:v2+s11+$0x0], $0xffff  }
0xc7: {  	v3 =	vor.u32 $0x1604, v0;
	_ =	sdelay $0x3  }
0xc8: {  	[tilespmem:$0x1DC0] =	vst v2  }
0xc9: {  	v2 =	vld.idx.msk [tilespmem:v3+s11+$0x0], $0xffff  }
0xca: {  	v3 =	vadd.s32 $0x1704, v0;
	_ =	sdelay $0x3  }
0xcb: {  	[tilespmem:$0x1DD0] =	vst v2  }
0xcc: {  	v2 =	vld.idx.msk [tilespmem:v3+s11+$0x0], $0xffff  }
0xcd: {  	v3 =	vor.u32 $0x5, v0;
	_ =	sdelay $0x3  }
0xce: {  	[tilespmem:$0x1DD8] =	vst v2  }
0xcf: {  	v2 =	vld.idx.msk [tilespmem:v3+s11+$0x0], $0xffff  }
0xd0: {  	v3 =	vor.u32 $0x205, v0;
	_ =	sdelay $0x3  }
0xd1: {  	[tilespmem:$0x1DE8] =	vst v2  }
0xd2: {  	v2 =	vld.idx.msk [tilespmem:v3+s11+$0x0], $0xffff  }
0xd3: {  	v3 =	vor.u32 $0x405, v0;
	_ =	sdelay $0x3  }
0xd4: {  	[tilespmem:$0x1DF8] =	vst v2  }
0xd5: {  	v2 =	vld.idx.msk [tilespmem:v3+s11+$0x0], $0xffff  }
0xd6: {  	v3 =	vor.u32 $0x605, v0;
	_ =	sdelay $0x3  }
0xd7: {  	[tilespmem:$0x1E08] =	vst v2  }
0xd8: {  	v2 =	vld.idx.msk [tilespmem:v3+s11+$0x0], $0xffff  }
0xd9: {  	v3 =	vor.u32 $0x805, v0;
	_ =	sdelay $0x3  }
0xda: {  	[tilespmem:$0x1E18] =	vst v2  }
0xdb: {  	v2 =	vld.idx.msk [tilespmem:v3+s11+$0x0], $0xffff  }
0xdc: {  	v3 =	vor.u32 $0xA05, v0;
	_ =	sdelay $0x3  }
0xdd: {  	[tilespmem:$0x1E28] =	vst v2  }
0xde: {  	v2 =	vld.idx.msk [tilespmem:v3+s11+$0x0], $0xffff  }
0xdf: {  	v3 =	vor.u32 $0xC05, v0;
	_ =	sdelay $0x3  }
0xe0: {  	[tilespmem:$0x1E38] =	vst v2  }
0xe1: {  	v2 =	vld.idx.msk [tilespmem:v3+s11+$0x0], $0xffff  }
0xe2: {  	v3 =	vor.u32 $0xE05, v0;
	_ =	sdelay $0x3  }
0xe3: {  	[tilespmem:$0x1E48] =	vst v2  }
0xe4: {  	v2 =	vld.idx.msk [tilespmem:v3+s11+$0x0], $0xffff  }
0xe5: {  	v3 =	vor.u32 $0x1005, v0;
	_ =	sdelay $0x3  }
0xe6: {  	[tilespmem:$0x1E58] =	vst v2  }
0xe7: {  	v2 =	vld.idx.msk [tilespmem:v3+s11+$0x0], $0xffff  }
0xe8: {  	v3 =	vor.u32 $0x1205, v0;
	_ =	sdelay $0x3  }
0xe9: {  	[tilespmem:$0x1E68] =	vst v2  }
0xea: {  	v2 =	vld.idx.msk [tilespmem:v3+s11+$0x0], $0xffff  }
0xeb: {  	v3 =	vor.u32 $0x1405, v0;
	_ =	sdelay $0x3  }
0xec: {  	[tilespmem:$0x1E78] =	vst v2  }
0xed: {  	v2 =	vld.idx.msk [tilespmem:v3+s11+$0x0], $0xffff  }
0xee: {  	v3 =	vor.u32 $0x1605, v0;
	_ =	sdelay $0x3  }
0xef: {  	[tilespmem:$0x1E88] =	vst v2  }
0xf0: {  	v2 =	vld.idx.msk [tilespmem:v3+s11+$0x0], $0xffff  }
0xf1: {  	v3 =	vadd.s32 $0x1705, v0;
	_ =	sdelay $0x3  }
0xf2: {  	[tilespmem:$0x1E98] =	vst v2  }
0xf3: {  	v2 =	vld.idx.msk [tilespmem:v3+s11+$0x0], $0xffff  }
0xf4: {  	v3 =	vor.u32 $0x6, v0;
	_ =	sdelay $0x3  }
0xf5: {  	[tilespmem:$0x1EA0] =	vst v2  }
0xf6: {  	v2 =	vld.idx.msk [tilespmem:v3+s11+$0x0], $0xffff  }
0xf7: {  	v3 =	vor.u32 $0x206, v0;
	_ =	sdelay $0x3  }
0xf8: {  	[tilespmem:$0x1EB0] =	vst v2  }
0xf9: {  	v2 =	vld.idx.msk [tilespmem:v3+s11+$0x0], $0xffff  }
0xfa: {  	v3 =	vor.u32 $0x406, v0;
	_ =	sdelay $0x3  }
0xfb: {  	[tilespmem:$0x1EC0] =	vst v2  }
0xfc: {  	v2 =	vld.idx.msk [tilespmem:v3+s11+$0x0], $0xffff  }
0xfd: {  	v3 =	vor.u32 $0x606, v0;
	_ =	sdelay $0x3  }
0xfe: {  	[tilespmem:$0x1ED0] =	vst v2  }
0xff: {  	v2 =	vld.idx.msk [tilespmem:v3+s11+$0x0], $0xffff  }
0x100: {  	v3 =	vor.u32 $0x806, v0;
	_ =	sdelay $0x3  }
0x101: {  	[tilespmem:$0x1EE0] =	vst v2  }
0x102: {  	v2 =	vld.idx.msk [tilespmem:v3+s11+$0x0], $0xffff  }
0x103: {  	v3 =	vor.u32 $0xA06, v0;
	_ =	sdelay $0x3  }
0x104: {  	[tilespmem:$0x1EF0] =	vst v2  }
0x105: {  	v2 =	vld.idx.msk [tilespmem:v3+s11+$0x0], $0xffff  }
0x106: {  	v3 =	vor.u32 $0xC06, v0;
	_ =	sdelay $0x3  }
0x107: {  	[tilespmem:$0x1F00] =	vst v2  }
0x108: {  	v2 =	vld.idx.msk [tilespmem:v3+s11+$0x0], $0xffff  }
0x109: {  	v3 =	vor.u32 $0xE06, v0;
	_ =	sdelay $0x3  }
0x10a: {  	[tilespmem:$0x1F10] =	vst v2  }
0x10b: {  	v2 =	vld.idx.msk [tilespmem:v3+s11+$0x0], $0xffff  }
0x10c: {  	v3 =	vor.u32 $0x1006, v0;
	_ =	sdelay $0x3  }
0x10d: {  	[tilespmem:$0x1F20] =	vst v2  }
0x10e: {  	v2 =	vld.idx.msk [tilespmem:v3+s11+$0x0], $0xffff  }
0x10f: {  	v3 =	vor.u32 $0x1206, v0;
	_ =	sdelay $0x3  }
0x110: {  	[tilespmem:$0x1F30] =	vst v2  }
0x111: {  	v2 =	vld.idx.msk [tilespmem:v3+s11+$0x0], $0xffff  }
0x112: {  	v3 =	vor.u32 $0x1406, v0;
	_ =	sdelay $0x3  }
0x113: {  	[tilespmem:$0x1F40] =	vst v2  }
0x114: {  	v2 =	vld.idx.msk [tilespmem:v3+s11+$0x0], $0xffff  }
0x115: {  	v3 =	vor.u32 $0x1606, v0;
	_ =	sdelay $0x3  }
0x116: {  	[tilespmem:$0x1F50] =	vst v2  }
0x117: {  	v2 =	vld.idx.msk [tilespmem:v3+s11+$0x0], $0xffff  }
0x118: {  	v3 =	vadd.s32 $0x1706, v0;
	_ =	sdelay $0x3  }
0x119: {  	[tilespmem:$0x1F60] =	vst v2  }
0x11a: {  	v2 =	vld.idx.msk [tilespmem:v3+s11+$0x0], $0xffff  }
0x11b: {  	v3 =	vor.u32 $0x7, v0;
	_ =	sdelay $0x3  }
0x11c: {  	[tilespmem:$0x1F68] =	vst v2  }
0x11d: {  	v2 =	vld.idx.msk [tilespmem:v3+s11+$0x0], $0xffff  }
0x11e: {  	v3 =	vor.u32 $0x207, v0;
	_ =	sdelay $0x3  }
0x11f: {  	[tilespmem:$0x1F78] =	vst v2  }
0x120: {  	v2 =	vld.idx.msk [tilespmem:v3+s11+$0x0], $0xffff  }
0x121: {  	v3 =	vor.u32 $0x407, v0;
	_ =	sdelay $0x3  }
0x122: {  	[tilespmem:$0x1F88] =	vst v2  }
0x123: {  	v2 =	vld.idx.msk [tilespmem:v3+s11+$0x0], $0xffff  }
0x124: {  	v3 =	vor.u32 $0x607, v0;
	_ =	sdelay $0x3  }
0x125: {  	[tilespmem:$0x1F98] =	vst v2  }
0x126: {  	v2 =	vld.idx.msk [tilespmem:v3+s11+$0x0], $0xffff  }
0x127: {  	v3 =	vor.u32 $0x807, v0;
	_ =	sdelay $0x3  }
0x128: {  	[tilespmem:$0x1FA8] =	vst v2  }
0x129: {  	v2 =	vld.idx.msk [tilespmem:v3+s11+$0x0], $0xffff  }
0x12a: {  	v3 =	vor.u32 $0xA07, v0;
	_ =	sdelay $0x3  }
0x12b: {  	[tilespmem:$0x1FB8] =	vst v2  }
0x12c: {  	v2 =	vld.idx.msk [tilespmem:v3+s11+$0x0], $0xffff  }
0x12d: {  	v3 =	vor.u32 $0xC07, v0;
	_ =	sdelay $0x3  }
0x12e: {  	[tilespmem:$0x1FC8] =	vst v2  }
0x12f: {  	v2 =	vld.idx.msk [tilespmem:v3+s11+$0x0], $0xffff  }
0x130: {  	v3 =	vor.u32 $0xE07, v0;
	_ =	sdelay $0x3  }
0x131: {  	[tilespmem:$0x1FD8] =	vst v2  }
0x132: {  	v2 =	vld.idx.msk [tilespmem:v3+s11+$0x0], $0xffff  }
0x133: {  	v3 =	vor.u32 $0x1007, v0;
	_ =	sdelay $0x3  }
0x134: {  	[tilespmem:$0x1FE8] =	vst v2  }
0x135: {  	v2 =	vld.idx.msk [tilespmem:v3+s11+$0x0], $0xffff  }
0x136: {  	v3 =	vor.u32 $0x1207, v0;
	_ =	sdelay $0x3  }
0x137: {  	[tilespmem:$0x1FF8] =	vst v2  }
0x138: {  	v2 =	vld.idx.msk [tilespmem:v3+s11+$0x0], $0xffff  }
0x139: {  	v3 =	vor.u32 $0x1407, v0;
	_ =	sdelay $0x3  }
0x13a: {  	[tilespmem:$0x2008] =	vst v2  }
0x13b: {  	v2 =	vld.idx.msk [tilespmem:v3+s11+$0x0], $0xffff  }
0x13c: {  	v3 =	vor.u32 $0x1607, v0;
	_ =	sdelay $0x3  }
0x13d: {  	[tilespmem:$0x2018] =	vst v2  }
0x13e: {  	v2 =	vld.idx.msk [tilespmem:v3+s11+$0x0], $0xffff  }
0x13f: {  	v3 =	vadd.s32 $0x1707, v0;
	_ =	sdelay $0x3  }
0x140: {  	[tilespmem:$0x2028] =	vst v2  }
0x141: {  	v2 =	vld.idx.msk [tilespmem:v3+s11+$0x0], $0xffff  }
0x142: {  	v3 =	vor.u32 $0x8, v0;
	_ =	sdelay $0x3  }
0x143: {  	[tilespmem:$0x2030] =	vst v2  }
0x144: {  	v2 =	vld.idx.msk [tilespmem:v3+s11+$0x0], $0xffff  }
0x145: {  	v3 =	vor.u32 $0x208, v0;
	_ =	sdelay $0x3  }
0x146: {  	[tilespmem:$0x2040] =	vst v2  }
0x147: {  	v2 =	vld.idx.msk [tilespmem:v3+s11+$0x0], $0xffff  }
0x148: {  	v3 =	vor.u32 $0x408, v0;
	_ =	sdelay $0x3  }
0x149: {  	[tilespmem:$0x2050] =	vst v2  }
0x14a: {  	v2 =	vld.idx.msk [tilespmem:v3+s11+$0x0], $0xffff  }
0x14b: {  	v3 =	vor.u32 $0x608, v0;
	_ =	sdelay $0x3  }
0x14c: {  	[tilespmem:$0x2060] =	vst v2  }
0x14d: {  	v2 =	vld.idx.msk [tilespmem:v3+s11+$0x0], $0xffff  }
0x14e: {  	v3 =	vor.u32 $0x808, v0;
	_ =	sdelay $0x3  }
0x14f: {  	[tilespmem:$0x2070] =	vst v2  }
0x150: {  	v2 =	vld.idx.msk [tilespmem:v3+s11+$0x0], $0xffff  }
0x151: {  	v3 =	vor.u32 $0xA08, v0;
	_ =	sdelay $0x3  }
0x152: {  	[tilespmem:$0x2080] =	vst v2  }
0x153: {  	v2 =	vld.idx.msk [tilespmem:v3+s11+$0x0], $0xffff  }
0x154: {  	v3 =	vor.u32 $0xC08, v0;
	_ =	sdelay $0x3  }
0x155: {  	[tilespmem:$0x2090] =	vst v2  }
0x156: {  	v2 =	vld.idx.msk [tilespmem:v3+s11+$0x0], $0xffff  }
0x157: {  	v3 =	vor.u32 $0xE08, v0;
	_ =	sdelay $0x3  }
0x158: {  	[tilespmem:$0x20A0] =	vst v2  }
0x159: {  	v2 =	vld.idx.msk [tilespmem:v3+s11+$0x0], $0xffff  }
0x15a: {  	v3 =	vor.u32 $0x1008, v0;
	_ =	sdelay $0x3  }
0x15b: {  	[tilespmem:$0x20B0] =	vst v2  }
0x15c: {  	v2 =	vld.idx.msk [tilespmem:v3+s11+$0x0], $0xffff  }
0x15d: {  	v3 =	vor.u32 $0x1208, v0;
	_ =	sdelay $0x3  }
0x15e: {  	[tilespmem:$0x20C0] =	vst v2  }
0x15f: {  	v2 =	vld.idx.msk [tilespmem:v3+s11+$0x0], $0xffff  }
0x160: {  	v3 =	vor.u32 $0x1408, v0;
	_ =	sdelay $0x3  }
0x161: {  	[tilespmem:$0x20D0] =	vst v2  }
0x162: {  	v2 =	vld.idx.msk [tilespmem:v3+s11+$0x0], $0xffff  }
0x163: {  	v3 =	vor.u32 $0x1608, v0;
	_ =	sdelay $0x3  }
0x164: {  	[tilespmem:$0x20E0] =	vst v2  }
0x165: {  	v2 =	vld.idx.msk [tilespmem:v3+s11+$0x0], $0xffff  }
0x166: {  	v3 =	vadd.s32 $0x1708, v0;
	_ =	sdelay $0x3  }
0x167: {  	[tilespmem:$0x20F0] =	vst v2  }
0x168: {  	v2 =	vld.idx.msk [tilespmem:v3+s11+$0x0], $0xffff  }
0x169: {  	v3 =	vor.u32 $0x9, v0;
	_ =	sdelay $0x3  }
0x16a: {  	[tilespmem:$0x20F8] =	vst v2  }
0x16b: {  	v2 =	vld.idx.msk [tilespmem:v3+s11+$0x0], $0xffff  }
0x16c: {  	v3 =	vor.u32 $0x209, v0;
	_ =	sdelay $0x3  }
0x16d: {  	[tilespmem:$0x2108] =	vst v2  }
0x16e: {  	v2 =	vld.idx.msk [tilespmem:v3+s11+$0x0], $0xffff  }
0x16f: {  	v3 =	vor.u32 $0x409, v0;
	_ =	sdelay $0x3  }
0x170: {  	[tilespmem:$0x2118] =	vst v2  }
0x171: {  	v2 =	vld.idx.msk [tilespmem:v3+s11+$0x0], $0xffff  }
0x172: {  	v3 =	vor.u32 $0x609, v0;
	_ =	sdelay $0x3  }
0x173: {  	[tilespmem:$0x2128] =	vst v2  }
0x174: {  	v2 =	vld.idx.msk [tilespmem:v3+s11+$0x0], $0xffff  }
0x175: {  	v3 =	vor.u32 $0x809, v0;
	_ =	sdelay $0x3  }
0x176: {  	[tilespmem:$0x2138] =	vst v2  }
0x177: {  	v2 =	vld.idx.msk [tilespmem:v3+s11+$0x0], $0xffff  }
0x178: {  	v3 =	vor.u32 $0xA09, v0;
	_ =	sdelay $0x3  }
0x179: {  	[tilespmem:$0x2148] =	vst v2  }
0x17a: {  	v2 =	vld.idx.msk [tilespmem:v3+s11+$0x0], $0xffff  }
0x17b: {  	v3 =	vor.u32 $0xC09, v0;
	_ =	sdelay $0x3  }
0x17c: {  	[tilespmem:$0x2158] =	vst v2  }
0x17d: {  	v2 =	vld.idx.msk [tilespmem:v3+s11+$0x0], $0xffff  }
0x17e: {  	v3 =	vor.u32 $0xE09, v0;
	_ =	sdelay $0x3  }
0x17f: {  	[tilespmem:$0x2168] =	vst v2  }
0x180: {  	v2 =	vld.idx.msk [tilespmem:v3+s11+$0x0], $0xffff  }
0x181: {  	v3 =	vor.u32 $0x1009, v0;
	_ =	sdelay $0x3  }
0x182: {  	[tilespmem:$0x2178] =	vst v2  }
0x183: {  	v2 =	vld.idx.msk [tilespmem:v3+s11+$0x0], $0xffff  }
0x184: {  	v3 =	vor.u32 $0x1209, v0;
	_ =	sdelay $0x3  }
0x185: {  	[tilespmem:$0x2188] =	vst v2  }
0x186: {  	v2 =	vld.idx.msk [tilespmem:v3+s11+$0x0], $0xffff  }
0x187: {  	v3 =	vor.u32 $0x1409, v0;
	_ =	sdelay $0x3  }
0x188: {  	[tilespmem:$0x2198] =	vst v2  }
0x189: {  	v2 =	vld.idx.msk [tilespmem:v3+s11+$0x0], $0xffff  }
0x18a: {  	v3 =	vor.u32 $0x1609, v0;
	_ =	sdelay $0x3  }
0x18b: {  	[tilespmem:$0x21A8] =	vst v2  }
0x18c: {  	v2 =	vld.idx.msk [tilespmem:v3+s11+$0x0], $0xffff  }
0x18d: {  	v3 =	vadd.s32 $0x1709, v0;
	_ =	sdelay $0x3  }
0x18e: {  	[tilespmem:$0x21B8] =	vst v2  }
0x18f: {  	v2 =	vld.idx.msk [tilespmem:v3+s11+$0x0], $0xffff  }
0x190: {  	v3 =	vor.u32 $0xA, v0;
	_ =	sdelay $0x3  }
0x191: {  	[tilespmem:$0x21C0] =	vst v2  }
0x192: {  	v2 =	vld.idx.msk [tilespmem:v3+s11+$0x0], $0xffff  }
0x193: {  	v3 =	vor.u32 $0x20A, v0;
	_ =	sdelay $0x3  }
0x194: {  	[tilespmem:$0x21D0] =	vst v2  }
0x195: {  	v2 =	vld.idx.msk [tilespmem:v3+s11+$0x0], $0xffff  }
0x196: {  	v3 =	vor.u32 $0x40A, v0;
	_ =	sdelay $0x3  }
0x197: {  	[tilespmem:$0x21E0] =	vst v2  }
0x198: {  	v2 =	vld.idx.msk [tilespmem:v3+s11+$0x0], $0xffff  }
0x199: {  	v3 =	vor.u32 $0x60A, v0;
	_ =	sdelay $0x3  }
0x19a: {  	[tilespmem:$0x21F0] =	vst v2  }
0x19b: {  	v2 =	vld.idx.msk [tilespmem:v3+s11+$0x0], $0xffff  }
0x19c: {  	v3 =	vor.u32 $0x80A, v0;
	_ =	sdelay $0x3  }
0x19d: {  	[tilespmem:$0x2200] =	vst v2  }
0x19e: {  	v2 =	vld.idx.msk [tilespmem:v3+s11+$0x0], $0xffff  }
0x19f: {  	v3 =	vor.u32 $0xA0A, v0;
	_ =	sdelay $0x3  }
0x1a0: {  	[tilespmem:$0x2210] =	vst v2  }
0x1a1: {  	v2 =	vld.idx.msk [tilespmem:v3+s11+$0x0], $0xffff  }
0x1a2: {  	v3 =	vor.u32 $0xC0A, v0;
	_ =	sdelay $0x3  }
0x1a3: {  	[tilespmem:$0x2220] =	vst v2  }
0x1a4: {  	v2 =	vld.idx.msk [tilespmem:v3+s11+$0x0], $0xffff  }
0x1a5: {  	v3 =	vor.u32 $0xE0A, v0;
	_ =	sdelay $0x3  }
0x1a6: {  	[tilespmem:$0x2230] =	vst v2  }
0x1a7: {  	v2 =	vld.idx.msk [tilespmem:v3+s11+$0x0], $0xffff  }
0x1a8: {  	v3 =	vor.u32 $0x100A, v0;
	_ =	sdelay $0x3  }
0x1a9: {  	[tilespmem:$0x2240] =	vst v2  }
0x1aa: {  	v2 =	vld.idx.msk [tilespmem:v3+s11+$0x0], $0xffff  }
0x1ab: {  	v3 =	vor.u32 $0x120A, v0;
	_ =	sdelay $0x3  }
0x1ac: {  	[tilespmem:$0x2250] =	vst v2  }
0x1ad: {  	v2 =	vld.idx.msk [tilespmem:v3+s11+$0x0], $0xffff  }
0x1ae: {  	v3 =	vor.u32 $0x140A, v0;
	_ =	sdelay $0x3  }
0x1af: {  	[tilespmem:$0x2260] =	vst v2  }
0x1b0: {  	v2 =	vld.idx.msk [tilespmem:v3+s11+$0x0], $0xffff  }
0x1b1: {  	v3 =	vor.u32 $0x160A, v0;
	_ =	sdelay $0x3  }
0x1b2: {  	[tilespmem:$0x2270] =	vst v2  }
0x1b3: {  	v2 =	vld.idx.msk [tilespmem:v3+s11+$0x0], $0xffff  }
0x1b4: {  	v3 =	vadd.s32 $0x170A, v0;
	_ =	sdelay $0x3  }
0x1b5: {  	[tilespmem:$0x2280] =	vst v2  }
0x1b6: {  	v2 =	vld.idx.msk [tilespmem:v3+s11+$0x0], $0xffff  }
0x1b7: {  	v3 =	vor.u32 $0xB, v0;
	_ =	sdelay $0x3  }
0x1b8: {  	[tilespmem:$0x2288] =	vst v2  }
0x1b9: {  	v2 =	vld.idx.msk [tilespmem:v3+s11+$0x0], $0xffff  }
0x1ba: {  	v3 =	vor.u32 $0x20B, v0;
	_ =	sdelay $0x3  }
0x1bb: {  	[tilespmem:$0x2298] =	vst v2  }
0x1bc: {  	v2 =	vld.idx.msk [tilespmem:v3+s11+$0x0], $0xffff  }
0x1bd: {  	v3 =	vor.u32 $0x40B, v0;
	_ =	sdelay $0x3  }
0x1be: {  	[tilespmem:$0x22A8] =	vst v2  }
0x1bf: {  	v2 =	vld.idx.msk [tilespmem:v3+s11+$0x0], $0xffff  }
0x1c0: {  	v3 =	vor.u32 $0x60B, v0;
	_ =	sdelay $0x3  }
0x1c1: {  	[tilespmem:$0x22B8] =	vst v2  }
0x1c2: {  	v2 =	vld.idx.msk [tilespmem:v3+s11+$0x0], $0xffff  }
0x1c3: {  	v3 =	vor.u32 $0x80B, v0;
	_ =	sdelay $0x3  }
0x1c4: {  	[tilespmem:$0x22C8] =	vst v2  }
0x1c5: {  	v2 =	vld.idx.msk [tilespmem:v3+s11+$0x0], $0xffff  }
0x1c6: {  	v3 =	vor.u32 $0xA0B, v0;
	_ =	sdelay $0x3  }
0x1c7: {  	[tilespmem:$0x22D8] =	vst v2  }
0x1c8: {  	v2 =	vld.idx.msk [tilespmem:v3+s11+$0x0], $0xffff  }
0x1c9: {  	v3 =	vor.u32 $0xC0B, v0;
	_ =	sdelay $0x3  }
0x1ca: {  	[tilespmem:$0x22E8] =	vst v2  }
0x1cb: {  	v2 =	vld.idx.msk [tilespmem:v3+s11+$0x0], $0xffff  }
0x1cc: {  	v3 =	vor.u32 $0xE0B, v0;
	_ =	sdelay $0x3  }
0x1cd: {  	[tilespmem:$0x22F8] =	vst v2  }
0x1ce: {  	v2 =	vld.idx.msk [tilespmem:v3+s11+$0x0], $0xffff  }
0x1cf: {  	v3 =	vor.u32 $0x100B, v0;
	_ =	sdelay $0x3  }
0x1d0: {  	[tilespmem:$0x2308] =	vst v2  }
0x1d1: {  	v2 =	vld.idx.msk [tilespmem:v3+s11+$0x0], $0xffff  }
0x1d2: {  	v3 =	vor.u32 $0x120B, v0;
	_ =	sdelay $0x3  }
0x1d3: {  	[tilespmem:$0x2318] =	vst v2  }
0x1d4: {  	v2 =	vld.idx.msk [tilespmem:v3+s11+$0x0], $0xffff  }
0x1d5: {  	v3 =	vor.u32 $0x140B, v0;
	_ =	sdelay $0x3  }
0x1d6: {  	[tilespmem:$0x2328] =	vst v2  }
0x1d7: {  	v2 =	vld.idx.msk [tilespmem:v3+s11+$0x0], $0xffff  }
0x1d8: {  	v3 =	vor.u32 $0x160B, v0;
	_ =	sdelay $0x3  }
0x1d9: {  	[tilespmem:$0x2338] =	vst v2  }
0x1da: {  	v2 =	vld.idx.msk [tilespmem:v3+s11+$0x0], $0xffff  }
0x1db: {  	v3 =	vadd.s32 $0x170B, v0;
	_ =	sdelay $0x3  }
0x1dc: {  	[tilespmem:$0x2348] =	vst v2  }
0x1dd: {  	v2 =	vld.idx.msk [tilespmem:v3+s11+$0x0], $0xffff  }
0x1de: {  	v3 =	vor.u32 $0xC, v0;
	_ =	sdelay $0x3  }
0x1df: {  	[tilespmem:$0x2350] =	vst v2  }
0x1e0: {  	v2 =	vld.idx.msk [tilespmem:v3+s11+$0x0], $0xffff  }
0x1e1: {  	v3 =	vor.u32 $0x20C, v0;
	_ =	sdelay $0x3  }
0x1e2: {  	[tilespmem:$0x2360] =	vst v2  }
0x1e3: {  	v2 =	vld.idx.msk [tilespmem:v3+s11+$0x0], $0xffff  }
0x1e4: {  	v3 =	vor.u32 $0x40C, v0;
	_ =	sdelay $0x3  }
0x1e5: {  	[tilespmem:$0x2370] =	vst v2  }
0x1e6: {  	v2 =	vld.idx.msk [tilespmem:v3+s11+$0x0], $0xffff  }
0x1e7: {  	v3 =	vor.u32 $0x60C, v0;
	_ =	sdelay $0x3  }
0x1e8: {  	[tilespmem:$0x2380] =	vst v2  }
0x1e9: {  	v2 =	vld.idx.msk [tilespmem:v3+s11+$0x0], $0xffff  }
0x1ea: {  	v3 =	vor.u32 $0x80C, v0;
	_ =	sdelay $0x3  }
0x1eb: {  	[tilespmem:$0x2390] =	vst v2  }
0x1ec: {  	v2 =	vld.idx.msk [tilespmem:v3+s11+$0x0], $0xffff  }
0x1ed: {  	v3 =	vor.u32 $0xA0C, v0;
	_ =	sdelay $0x3  }
0x1ee: {  	[tilespmem:$0x23A0] =	vst v2  }
0x1ef: {  	v2 =	vld.idx.msk [tilespmem:v3+s11+$0x0], $0xffff  }
0x1f0: {  	v3 =	vor.u32 $0xC0C, v0;
	_ =	sdelay $0x3  }
0x1f1: {  	[tilespmem:$0x23B0] =	vst v2  }
0x1f2: {  	v2 =	vld.idx.msk [tilespmem:v3+s11+$0x0], $0xffff  }
0x1f3: {  	v3 =	vor.u32 $0xE0C, v0;
	_ =	sdelay $0x3  }
0x1f4: {  	[tilespmem:$0x23C0] =	vst v2  }
0x1f5: {  	v2 =	vld.idx.msk [tilespmem:v3+s11+$0x0], $0xffff  }
0x1f6: {  	v3 =	vor.u32 $0x100C, v0;
	_ =	sdelay $0x3  }
0x1f7: {  	[tilespmem:$0x23D0] =	vst v2  }
0x1f8: {  	v2 =	vld.idx.msk [tilespmem:v3+s11+$0x0], $0xffff  }
0x1f9: {  	v3 =	vor.u32 $0x120C, v0;
	_ =	sdelay $0x3  }
0x1fa: {  	[tilespmem:$0x23E0] =	vst v2  }
0x1fb: {  	v2 =	vld.idx.msk [tilespmem:v3+s11+$0x0], $0xffff  }
0x1fc: {  	v3 =	vor.u32 $0x140C, v0;
	_ =	sdelay $0x3  }
0x1fd: {  	[tilespmem:$0x23F0] =	vst v2  }
0x1fe: {  	v2 =	vld.idx.msk [tilespmem:v3+s11+$0x0], $0xffff  }
0x1ff: {  	v3 =	vor.u32 $0x160C, v0;
	_ =	sdelay $0x3  }
0x200: {  	[tilespmem:$0x2400] =	vst v2  }
0x201: {  	v2 =	vld.idx.msk [tilespmem:v3+s11+$0x0], $0xffff  }
0x202: {  	v3 =	vadd.s32 $0x170C, v0;
	_ =	sdelay $0x3  }
0x203: {  	[tilespmem:$0x2410] =	vst v2  }
0x204: {  	v2 =	vld.idx.msk [tilespmem:v3+s11+$0x0], $0xffff  }
0x205: {  	v3 =	vor.u32 $0xD, v0;
	_ =	sdelay $0x3  }
0x206: {  	[tilespmem:$0x2418] =	vst v2  }
0x207: {  	v2 =	vld.idx.msk [tilespmem:v3+s11+$0x0], $0xffff  }
0x208: {  	v3 =	vor.u32 $0x20D, v0;
	_ =	sdelay $0x3  }
0x209: {  	[tilespmem:$0x2428] =	vst v2  }
0x20a: {  	v2 =	vld.idx.msk [tilespmem:v3+s11+$0x0], $0xffff  }
0x20b: {  	v3 =	vor.u32 $0x40D, v0;
	_ =	sdelay $0x3  }
0x20c: {  	[tilespmem:$0x2438] =	vst v2  }
0x20d: {  	v2 =	vld.idx.msk [tilespmem:v3+s11+$0x0], $0xffff  }
0x20e: {  	v3 =	vor.u32 $0x60D, v0;
	_ =	sdelay $0x3  }
0x20f: {  	[tilespmem:$0x2448] =	vst v2  }
0x210: {  	v2 =	vld.idx.msk [tilespmem:v3+s11+$0x0], $0xffff  }
0x211: {  	v3 =	vor.u32 $0x80D, v0;
	_ =	sdelay $0x3  }
0x212: {  	[tilespmem:$0x2458] =	vst v2  }
0x213: {  	v2 =	vld.idx.msk [tilespmem:v3+s11+$0x0], $0xffff  }
0x214: {  	v3 =	vor.u32 $0xA0D, v0;
	_ =	sdelay $0x3  }
0x215: {  	[tilespmem:$0x2468] =	vst v2  }
0x216: {  	v2 =	vld.idx.msk [tilespmem:v3+s11+$0x0], $0xffff  }
0x217: {  	v3 =	vor.u32 $0xC0D, v0;
	_ =	sdelay $0x3  }
0x218: {  	[tilespmem:$0x2478] =	vst v2  }
0x219: {  	v2 =	vld.idx.msk [tilespmem:v3+s11+$0x0], $0xffff  }
0x21a: {  	v3 =	vor.u32 $0xE0D, v0;
	_ =	sdelay $0x3  }
0x21b: {  	[tilespmem:$0x2488] =	vst v2  }
0x21c: {  	v2 =	vld.idx.msk [tilespmem:v3+s11+$0x0], $0xffff  }
0x21d: {  	v3 =	vor.u32 $0x100D, v0;
	_ =	sdelay $0x3  }
0x21e: {  	[tilespmem:$0x2498] =	vst v2  }
0x21f: {  	v2 =	vld.idx.msk [tilespmem:v3+s11+$0x0], $0xffff  }
0x220: {  	v3 =	vor.u32 $0x120D, v0;
	_ =	sdelay $0x3  }
0x221: {  	[tilespmem:$0x24A8] =	vst v2  }
0x222: {  	v2 =	vld.idx.msk [tilespmem:v3+s11+$0x0], $0xffff  }
0x223: {  	v3 =	vor.u32 $0x140D, v0;
	_ =	sdelay $0x3  }
0x224: {  	[tilespmem:$0x24B8] =	vst v2  }
0x225: {  	v2 =	vld.idx.msk [tilespmem:v3+s11+$0x0], $0xffff  }
0x226: {  	v3 =	vor.u32 $0x160D, v0;
	_ =	sdelay $0x3  }
0x227: {  	[tilespmem:$0x24C8] =	vst v2  }
0x228: {  	v2 =	vld.idx.msk [tilespmem:v3+s11+$0x0], $0xffff  }
0x229: {  	v3 =	vadd.s32 $0x170D, v0;
	_ =	sdelay $0x3  }
0x22a: {  	[tilespmem:$0x24D8] =	vst v2  }
0x22b: {  	v2 =	vld.idx.msk [tilespmem:v3+s11+$0x0], $0xffff  }
0x22c: {  	v3 =	vor.u32 $0xE, v0;
	_ =	sdelay $0x3  }
0x22d: {  	[tilespmem:$0x24E0] =	vst v2  }
0x22e: {  	v2 =	vld.idx.msk [tilespmem:v3+s11+$0x0], $0xffff  }
0x22f: {  	v3 =	vor.u32 $0x20E, v0;
	_ =	sdelay $0x3  }
0x230: {  	[tilespmem:$0x24F0] =	vst v2  }
0x231: {  	v2 =	vld.idx.msk [tilespmem:v3+s11+$0x0], $0xffff  }
0x232: {  	v3 =	vor.u32 $0x40E, v0;
	_ =	sdelay $0x3  }
0x233: {  	[tilespmem:$0x2500] =	vst v2  }
0x234: {  	v2 =	vld.idx.msk [tilespmem:v3+s11+$0x0], $0xffff  }
0x235: {  	v3 =	vor.u32 $0x60E, v0;
	_ =	sdelay $0x3  }
0x236: {  	[tilespmem:$0x2510] =	vst v2  }
0x237: {  	v2 =	vld.idx.msk [tilespmem:v3+s11+$0x0], $0xffff  }
0x238: {  	v3 =	vor.u32 $0x80E, v0;
	_ =	sdelay $0x3  }
0x239: {  	[tilespmem:$0x2520] =	vst v2  }
0x23a: {  	v2 =	vld.idx.msk [tilespmem:v3+s11+$0x0], $0xffff  }
0x23b: {  	v3 =	vor.u32 $0xA0E, v0;
	_ =	sdelay $0x3  }
0x23c: {  	[tilespmem:$0x2530] =	vst v2  }
0x23d: {  	v2 =	vld.idx.msk [tilespmem:v3+s11+$0x0], $0xffff  }
0x23e: {  	v3 =	vor.u32 $0xC0E, v0;
	_ =	sdelay $0x3  }
0x23f: {  	[tilespmem:$0x2540] =	vst v2  }
0x240: {  	v2 =	vld.idx.msk [tilespmem:v3+s11+$0x0], $0xffff  }
0x241: {  	v3 =	vor.u32 $0xE0E, v0;
	_ =	sdelay $0x3  }
0x242: {  	[tilespmem:$0x2550] =	vst v2  }
0x243: {  	v2 =	vld.idx.msk [tilespmem:v3+s11+$0x0], $0xffff  }
0x244: {  	v3 =	vor.u32 $0x100E, v0;
	_ =	sdelay $0x3  }
0x245: {  	[tilespmem:$0x2560] =	vst v2  }
0x246: {  	v2 =	vld.idx.msk [tilespmem:v3+s11+$0x0], $0xffff  }
0x247: {  	v3 =	vor.u32 $0x120E, v0;
	_ =	sdelay $0x3  }
0x248: {  	[tilespmem:$0x2570] =	vst v2  }
0x249: {  	v2 =	vld.idx.msk [tilespmem:v3+s11+$0x0], $0xffff  }
0x24a: {  	v3 =	vor.u32 $0x140E, v0;
	_ =	sdelay $0x3  }
0x24b: {  	[tilespmem:$0x2580] =	vst v2  }
0x24c: {  	v2 =	vld.idx.msk [tilespmem:v3+s11+$0x0], $0xffff  }
0x24d: {  	v3 =	vor.u32 $0x160E, v0;
	_ =	sdelay $0x3  }
0x24e: {  	[tilespmem:$0x2590] =	vst v2  }
0x24f: {  	v2 =	vld.idx.msk [tilespmem:v3+s11+$0x0], $0xffff  }
0x250: {  	v3 =	vadd.s32 $0x170E, v0;
	_ =	sdelay $0x3  }
0x251: {  	[tilespmem:$0x25A0] =	vst v2  }
0x252: {  	v2 =	vld.idx.msk [tilespmem:v3+s11+$0x0], $0xffff  }
0x253: {  	v3 =	vor.u32 $0xF, v0;
	_ =	sdelay $0x3  }
0x254: {  	[tilespmem:$0x25A8] =	vst v2  }
0x255: {  	v2 =	vld.idx.msk [tilespmem:v3+s11+$0x0], $0xffff  }
0x256: {  	v3 =	vor.u32 $0x20F, v0;
	_ =	sdelay $0x3  }
0x257: {  	[tilespmem:$0x25B8] =	vst v2  }
0x258: {  	v2 =	vld.idx.msk [tilespmem:v3+s11+$0x0], $0xffff  }
0x259: {  	v3 =	vor.u32 $0x40F, v0;
	_ =	sdelay $0x3  }
0x25a: {  	[tilespmem:$0x25C8] =	vst v2  }
0x25b: {  	v2 =	vld.idx.msk [tilespmem:v3+s11+$0x0], $0xffff  }
0x25c: {  	v3 =	vor.u32 $0x60F, v0;
	_ =	sdelay $0x3  }
0x25d: {  	[tilespmem:$0x25D8] =	vst v2  }
0x25e: {  	v2 =	vld.idx.msk [tilespmem:v3+s11+$0x0], $0xffff  }
0x25f: {  	v3 =	vor.u32 $0x80F, v0;
	_ =	sdelay $0x3  }
0x260: {  	[tilespmem:$0x25E8] =	vst v2  }
0x261: {  	v2 =	vld.idx.msk [tilespmem:v3+s11+$0x0], $0xffff  }
0x262: {  	v3 =	vor.u32 $0xA0F, v0;
	_ =	sdelay $0x3  }
0x263: {  	[tilespmem:$0x25F8] =	vst v2  }
0x264: {  	v2 =	vld.idx.msk [tilespmem:v3+s11+$0x0], $0xffff  }
0x265: {  	v3 =	vor.u32 $0xC0F, v0;
	_ =	sdelay $0x3  }
0x266: {  	[tilespmem:$0x2608] =	vst v2  }
0x267: {  	v2 =	vld.idx.msk [tilespmem:v3+s11+$0x0], $0xffff  }
0x268: {  	v3 =	vor.u32 $0xE0F, v0;
	_ =	sdelay $0x3  }
0x269: {  	[tilespmem:$0x2618] =	vst v2  }
0x26a: {  	v2 =	vld.idx.msk [tilespmem:v3+s11+$0x0], $0xffff  }
0x26b: {  	v3 =	vor.u32 $0x100F, v0;
	_ =	sdelay $0x3  }
0x26c: {  	[tilespmem:$0x2628] =	vst v2  }
0x26d: {  	v2 =	vld.idx.msk [tilespmem:v3+s11+$0x0], $0xffff  }
0x26e: {  	v3 =	vor.u32 $0x120F, v0;
	_ =	sdelay $0x3  }
0x26f: {  	[tilespmem:$0x2638] =	vst v2  }
0x270: {  	v2 =	vld.idx.msk [tilespmem:v3+s11+$0x0], $0xffff  }
0x271: {  	v3 =	vor.u32 $0x140F, v0;
	_ =	sdelay $0x3  }
0x272: {  	[tilespmem:$0x2648] =	vst v2  }
0x273: {  	v2 =	vld.idx.msk [tilespmem:v3+s11+$0x0], $0xffff  }
0x274: {  	v3 =	vor.u32 $0x160F, v0;
	_ =	sdelay $0x3  }
0x275: {  	[tilespmem:$0x2658] =	vst v2  }
0x276: {  	v2 =	vld.idx.msk [tilespmem:v3+s11+$0x0], $0xffff  }
0x277: {  	v3 =	vadd.s32 $0x170F, v0;
	_ =	sdelay $0x3  }
0x278: {  	[tilespmem:$0x2668] =	vst v2  }
0x279: {  	v2 =	vld.idx.msk [tilespmem:v3+s11+$0x0], $0xffff  }
0x27a: {  	v3 =	vor.u32 $0x10, v0;
	_ =	sdelay $0x3  }
0x27b: {  	[tilespmem:$0x2670] =	vst v2  }
0x27c: {  	v2 =	vld.idx.msk [tilespmem:v3+s11+$0x0], $0xffff  }
0x27d: {  	v3 =	vor.u32 $0x210, v0;
	_ =	sdelay $0x3  }
0x27e: {  	[tilespmem:$0x2680] =	vst v2  }
0x27f: {  	v2 =	vld.idx.msk [tilespmem:v3+s11+$0x0], $0xffff  }
0x280: {  	v3 =	vor.u32 $0x410, v0;
	_ =	sdelay $0x3  }
0x281: {  	[tilespmem:$0x2690] =	vst v2  }
0x282: {  	v2 =	vld.idx.msk [tilespmem:v3+s11+$0x0], $0xffff  }
0x283: {  	v3 =	vor.u32 $0x610, v0;
	_ =	sdelay $0x3  }
0x284: {  	[tilespmem:$0x26A0] =	vst v2  }
0x285: {  	v2 =	vld.idx.msk [tilespmem:v3+s11+$0x0], $0xffff  }
0x286: {  	v3 =	vor.u32 $0x810, v0;
	_ =	sdelay $0x3  }
0x287: {  	[tilespmem:$0x26B0] =	vst v2  }
0x288: {  	v2 =	vld.idx.msk [tilespmem:v3+s11+$0x0], $0xffff  }
0x289: {  	v3 =	vor.u32 $0xA10, v0;
	_ =	sdelay $0x3  }
0x28a: {  	[tilespmem:$0x26C0] =	vst v2  }
0x28b: {  	v2 =	vld.idx.msk [tilespmem:v3+s11+$0x0], $0xffff  }
0x28c: {  	v3 =	vor.u32 $0xC10, v0;
	_ =	sdelay $0x3  }
0x28d: {  	[tilespmem:$0x26D0] =	vst v2  }
0x28e: {  	v2 =	vld.idx.msk [tilespmem:v3+s11+$0x0], $0xffff  }
0x28f: {  	v3 =	vor.u32 $0xE10, v0;
	_ =	sdelay $0x3  }
0x290: {  	[tilespmem:$0x26E0] =	vst v2  }
0x291: {  	v2 =	vld.idx.msk [tilespmem:v3+s11+$0x0], $0xffff  }
0x292: {  	v3 =	vor.u32 $0x1010, v0;
	_ =	sdelay $0x3  }
0x293: {  	[tilespmem:$0x26F0] =	vst v2  }
0x294: {  	v2 =	vld.idx.msk [tilespmem:v3+s11+$0x0], $0xffff  }
0x295: {  	v3 =	vor.u32 $0x1210, v0;
	_ =	sdelay $0x3  }
0x296: {  	[tilespmem:$0x2700] =	vst v2  }
0x297: {  	v2 =	vld.idx.msk [tilespmem:v3+s11+$0x0], $0xffff  }
0x298: {  	v3 =	vor.u32 $0x1410, v0;
	_ =	sdelay $0x3  }
0x299: {  	[tilespmem:$0x2710] =	vst v2  }
0x29a: {  	v2 =	vld.idx.msk [tilespmem:v3+s11+$0x0], $0xffff  }
0x29b: {  	v3 =	vor.u32 $0x1610, v0;
	_ =	sdelay $0x3  }
0x29c: {  	[tilespmem:$0x2720] =	vst v2  }
0x29d: {  	v2 =	vld.idx.msk [tilespmem:v3+s11+$0x0], $0xffff  }
0x29e: {  	v3 =	vadd.s32 $0x1710, v0;
	_ =	sdelay $0x3  }
0x29f: {  	[tilespmem:$0x2730] =	vst v2  }
0x2a0: {  	v2 =	vld.idx.msk [tilespmem:v3+s11+$0x0], $0xffff  }
0x2a1: {  	v3 =	vor.u32 $0x11, v0;
	_ =	sdelay $0x3  }
0x2a2: {  	[tilespmem:$0x2738] =	vst v2  }
0x2a3: {  	v2 =	vld.idx.msk [tilespmem:v3+s11+$0x0], $0xffff  }
0x2a4: {  	v3 =	vor.u32 $0x211, v0;
	_ =	sdelay $0x3  }
0x2a5: {  	[tilespmem:$0x2748] =	vst v2  }
0x2a6: {  	v2 =	vld.idx.msk [tilespmem:v3+s11+$0x0], $0xffff  }
0x2a7: {  	v3 =	vor.u32 $0x411, v0;
	_ =	sdelay $0x3  }
0x2a8: {  	[tilespmem:$0x2758] =	vst v2  }
0x2a9: {  	v2 =	vld.idx.msk [tilespmem:v3+s11+$0x0], $0xffff  }
0x2aa: {  	v3 =	vor.u32 $0x611, v0;
	_ =	sdelay $0x3  }
0x2ab: {  	[tilespmem:$0x2768] =	vst v2  }
0x2ac: {  	v2 =	vld.idx.msk [tilespmem:v3+s11+$0x0], $0xffff  }
0x2ad: {  	v3 =	vor.u32 $0x811, v0;
	_ =	sdelay $0x3  }
0x2ae: {  	[tilespmem:$0x2778] =	vst v2  }
0x2af: {  	v2 =	vld.idx.msk [tilespmem:v3+s11+$0x0], $0xffff  }
0x2b0: {  	v3 =	vor.u32 $0xA11, v0;
	_ =	sdelay $0x3  }
0x2b1: {  	[tilespmem:$0x2788] =	vst v2  }
0x2b2: {  	v2 =	vld.idx.msk [tilespmem:v3+s11+$0x0], $0xffff  }
0x2b3: {  	v3 =	vor.u32 $0xC11, v0;
	_ =	sdelay $0x3  }
0x2b4: {  	[tilespmem:$0x2798] =	vst v2  }
0x2b5: {  	v2 =	vld.idx.msk [tilespmem:v3+s11+$0x0], $0xffff  }
0x2b6: {  	v3 =	vor.u32 $0xE11, v0;
	_ =	sdelay $0x3  }
0x2b7: {  	[tilespmem:$0x27A8] =	vst v2  }
0x2b8: {  	v2 =	vld.idx.msk [tilespmem:v3+s11+$0x0], $0xffff  }
0x2b9: {  	v3 =	vor.u32 $0x1011, v0;
	_ =	sdelay $0x3  }
0x2ba: {  	[tilespmem:$0x27B8] =	vst v2  }
0x2bb: {  	v2 =	vld.idx.msk [tilespmem:v3+s11+$0x0], $0xffff  }
0x2bc: {  	v3 =	vor.u32 $0x1211, v0;
	_ =	sdelay $0x3  }
0x2bd: {  	[tilespmem:$0x27C8] =	vst v2  }
0x2be: {  	v2 =	vld.idx.msk [tilespmem:v3+s11+$0x0], $0xffff  }
0x2bf: {  	v3 =	vor.u32 $0x1411, v0;
	_ =	sdelay $0x3  }
0x2c0: {  	[tilespmem:$0x27D8] =	vst v2  }
0x2c1: {  	v2 =	vld.idx.msk [tilespmem:v3+s11+$0x0], $0xffff  }
0x2c2: {  	v3 =	vor.u32 $0x1611, v0;
	_ =	sdelay $0x3  }
0x2c3: {  	[tilespmem:$0x27E8] =	vst v2  }
0x2c4: {  	v2 =	vld.idx.msk [tilespmem:v3+s11+$0x0], $0xffff  }
0x2c5: {  	v3 =	vadd.s32 $0x1711, v0;
	_ =	sdelay $0x3  }
0x2c6: {  	[tilespmem:$0x27F8] =	vst v2  }
0x2c7: {  	v2 =	vld.idx.msk [tilespmem:v3+s11+$0x0], $0xffff  }
0x2c8: {  	v3 =	vor.u32 $0x12, v0;
	_ =	sdelay $0x3  }
0x2c9: {  	[tilespmem:$0x2800] =	vst v2  }
0x2ca: {  	v2 =	vld.idx.msk [tilespmem:v3+s11+$0x0], $0xffff  }
0x2cb: {  	v3 =	vor.u32 $0x212, v0;
	_ =	sdelay $0x3  }
0x2cc: {  	[tilespmem:$0x2810] =	vst v2  }
0x2cd: {  	v2 =	vld.idx.msk [tilespmem:v3+s11+$0x0], $0xffff  }
0x2ce: {  	v3 =	vor.u32 $0x412, v0;
	_ =	sdelay $0x3  }
0x2cf: {  	[tilespmem:$0x2820] =	vst v2  }
0x2d0: {  	v2 =	vld.idx.msk [tilespmem:v3+s11+$0x0], $0xffff  }
0x2d1: {  	v3 =	vor.u32 $0x612, v0;
	_ =	sdelay $0x3  }
0x2d2: {  	[tilespmem:$0x2830] =	vst v2  }
0x2d3: {  	v2 =	vld.idx.msk [tilespmem:v3+s11+$0x0], $0xffff  }
0x2d4: {  	v3 =	vor.u32 $0x812, v0;
	_ =	sdelay $0x3  }
0x2d5: {  	[tilespmem:$0x2840] =	vst v2  }
0x2d6: {  	v2 =	vld.idx.msk [tilespmem:v3+s11+$0x0], $0xffff  }
0x2d7: {  	v3 =	vor.u32 $0xA12, v0;
	_ =	sdelay $0x3  }
0x2d8: {  	[tilespmem:$0x2850] =	vst v2  }
0x2d9: {  	v2 =	vld.idx.msk [tilespmem:v3+s11+$0x0], $0xffff  }
0x2da: {  	v3 =	vor.u32 $0xC12, v0;
	_ =	sdelay $0x3  }
0x2db: {  	[tilespmem:$0x2860] =	vst v2  }
0x2dc: {  	v2 =	vld.idx.msk [tilespmem:v3+s11+$0x0], $0xffff  }
0x2dd: {  	v3 =	vor.u32 $0xE12, v0;
	_ =	sdelay $0x3  }
0x2de: {  	[tilespmem:$0x2870] =	vst v2  }
0x2df: {  	v2 =	vld.idx.msk [tilespmem:v3+s11+$0x0], $0xffff  }
0x2e0: {  	v3 =	vor.u32 $0x1012, v0;
	_ =	sdelay $0x3  }
0x2e1: {  	[tilespmem:$0x2880] =	vst v2  }
0x2e2: {  	v2 =	vld.idx.msk [tilespmem:v3+s11+$0x0], $0xffff  }
0x2e3: {  	v3 =	vor.u32 $0x1212, v0;
	_ =	sdelay $0x3  }
0x2e4: {  	[tilespmem:$0x2890] =	vst v2  }
0x2e5: {  	v2 =	vld.idx.msk [tilespmem:v3+s11+$0x0], $0xffff  }
0x2e6: {  	v3 =	vor.u32 $0x1412, v0;
	_ =	sdelay $0x3  }
0x2e7: {  	[tilespmem:$0x28A0] =	vst v2  }
0x2e8: {  	v2 =	vld.idx.msk [tilespmem:v3+s11+$0x0], $0xffff  }
0x2e9: {  	v3 =	vor.u32 $0x1612, v0;
	_ =	sdelay $0x3  }
0x2ea: {  	[tilespmem:$0x28B0] =	vst v2  }
0x2eb: {  	v2 =	vld.idx.msk [tilespmem:v3+s11+$0x0], $0xffff  }
0x2ec: {  	v3 =	vadd.s32 $0x1712, v0;
	_ =	sdelay $0x3  }
0x2ed: {  	[tilespmem:$0x28C0] =	vst v2  }
0x2ee: {  	v2 =	vld.idx.msk [tilespmem:v3+s11+$0x0], $0xffff  }
0x2ef: {  	v3 =	vor.u32 $0x13, v0;
	_ =	sdelay $0x3  }
0x2f0: {  	[tilespmem:$0x28C8] =	vst v2  }
0x2f1: {  	v2 =	vld.idx.msk [tilespmem:v3+s11+$0x0], $0xffff  }
0x2f2: {  	v3 =	vor.u32 $0x213, v0;
	_ =	sdelay $0x3  }
0x2f3: {  	[tilespmem:$0x28D8] =	vst v2  }
0x2f4: {  	v2 =	vld.idx.msk [tilespmem:v3+s11+$0x0], $0xffff  }
0x2f5: {  	v3 =	vor.u32 $0x413, v0;
	_ =	sdelay $0x3  }
0x2f6: {  	[tilespmem:$0x28E8] =	vst v2  }
0x2f7: {  	v2 =	vld.idx.msk [tilespmem:v3+s11+$0x0], $0xffff  }
0x2f8: {  	v3 =	vor.u32 $0x613, v0;
	_ =	sdelay $0x3  }
0x2f9: {  	[tilespmem:$0x28F8] =	vst v2  }
0x2fa: {  	v2 =	vld.idx.msk [tilespmem:v3+s11+$0x0], $0xffff  }
0x2fb: {  	v3 =	vor.u32 $0x813, v0;
	_ =	sdelay $0x3  }
0x2fc: {  	[tilespmem:$0x2908] =	vst v2  }
0x2fd: {  	v2 =	vld.idx.msk [tilespmem:v3+s11+$0x0], $0xffff  }
0x2fe: {  	v3 =	vor.u32 $0xA13, v0;
	_ =	sdelay $0x3  }
0x2ff: {  	[tilespmem:$0x2918] =	vst v2  }
0x300: {  	v2 =	vld.idx.msk [tilespmem:v3+s11+$0x0], $0xffff  }
0x301: {  	v3 =	vor.u32 $0xC13, v0;
	_ =	sdelay $0x3  }
0x302: {  	[tilespmem:$0x2928] =	vst v2  }
0x303: {  	v2 =	vld.idx.msk [tilespmem:v3+s11+$0x0], $0xffff  }
0x304: {  	v3 =	vor.u32 $0xE13, v0;
	_ =	sdelay $0x3  }
0x305: {  	[tilespmem:$0x2938] =	vst v2  }
0x306: {  	v2 =	vld.idx.msk [tilespmem:v3+s11+$0x0], $0xffff  }
0x307: {  	v3 =	vor.u32 $0x1013, v0;
	_ =	sdelay $0x3  }
0x308: {  	[tilespmem:$0x2948] =	vst v2  }
0x309: {  	v2 =	vld.idx.msk [tilespmem:v3+s11+$0x0], $0xffff  }
0x30a: {  	v3 =	vor.u32 $0x1213, v0;
	_ =	sdelay $0x3  }
0x30b: {  	[tilespmem:$0x2958] =	vst v2  }
0x30c: {  	v2 =	vld.idx.msk [tilespmem:v3+s11+$0x0], $0xffff  }
0x30d: {  	v3 =	vor.u32 $0x1413, v0;
	_ =	sdelay $0x3  }
0x30e: {  	[tilespmem:$0x2968] =	vst v2  }
0x30f: {  	v2 =	vld.idx.msk [tilespmem:v3+s11+$0x0], $0xffff  }
0x310: {  	v3 =	vor.u32 $0x1613, v0;
	_ =	sdelay $0x3  }
0x311: {  	[tilespmem:$0x2978] =	vst v2  }
0x312: {  	v2 =	vld.idx.msk [tilespmem:v3+s11+$0x0], $0xffff  }
0x313: {  	v3 =	vadd.s32 $0x1713, v0;
	_ =	sdelay $0x3  }
0x314: {  	[tilespmem:$0x2988] =	vst v2  }
0x315: {  	v2 =	vld.idx.msk [tilespmem:v3+s11+$0x0], $0xffff  }
0x316: {  	v3 =	vor.u32 $0x14, v0;
	_ =	sdelay $0x3  }
0x317: {  	[tilespmem:$0x2990] =	vst v2  }
0x318: {  	v2 =	vld.idx.msk [tilespmem:v3+s11+$0x0], $0xffff  }
0x319: {  	v3 =	vor.u32 $0x214, v0;
	_ =	sdelay $0x3  }
0x31a: {  	[tilespmem:$0x29A0] =	vst v2  }
0x31b: {  	v2 =	vld.idx.msk [tilespmem:v3+s11+$0x0], $0xffff  }
0x31c: {  	v3 =	vor.u32 $0x414, v0;
	_ =	sdelay $0x3  }
0x31d: {  	[tilespmem:$0x29B0] =	vst v2  }
0x31e: {  	v2 =	vld.idx.msk [tilespmem:v3+s11+$0x0], $0xffff  }
0x31f: {  	v3 =	vor.u32 $0x614, v0;
	_ =	sdelay $0x3  }
0x320: {  	[tilespmem:$0x29C0] =	vst v2  }
0x321: {  	v2 =	vld.idx.msk [tilespmem:v3+s11+$0x0], $0xffff  }
0x322: {  	v3 =	vor.u32 $0x814, v0;
	_ =	sdelay $0x3  }
0x323: {  	[tilespmem:$0x29D0] =	vst v2  }
0x324: {  	v2 =	vld.idx.msk [tilespmem:v3+s11+$0x0], $0xffff  }
0x325: {  	v3 =	vor.u32 $0xA14, v0;
	_ =	sdelay $0x3  }
0x326: {  	[tilespmem:$0x29E0] =	vst v2  }
0x327: {  	v2 =	vld.idx.msk [tilespmem:v3+s11+$0x0], $0xffff  }
0x328: {  	v3 =	vor.u32 $0xC14, v0;
	_ =	sdelay $0x3  }
0x329: {  	[tilespmem:$0x29F0] =	vst v2  }
0x32a: {  	v2 =	vld.idx.msk [tilespmem:v3+s11+$0x0], $0xffff  }
0x32b: {  	v3 =	vor.u32 $0xE14, v0;
	_ =	sdelay $0x3  }
0x32c: {  	[tilespmem:$0x2A00] =	vst v2  }
0x32d: {  	v2 =	vld.idx.msk [tilespmem:v3+s11+$0x0], $0xffff  }
0x32e: {  	v3 =	vor.u32 $0x1014, v0;
	_ =	sdelay $0x3  }
0x32f: {  	[tilespmem:$0x2A10] =	vst v2  }
0x330: {  	v2 =	vld.idx.msk [tilespmem:v3+s11+$0x0], $0xffff  }
0x331: {  	v3 =	vor.u32 $0x1214, v0;
	_ =	sdelay $0x3  }
0x332: {  	[tilespmem:$0x2A20] =	vst v2  }
0x333: {  	v2 =	vld.idx.msk [tilespmem:v3+s11+$0x0], $0xffff  }
0x334: {  	v3 =	vor.u32 $0x1414, v0;
	_ =	sdelay $0x3  }
0x335: {  	[tilespmem:$0x2A30] =	vst v2  }
0x336: {  	v2 =	vld.idx.msk [tilespmem:v3+s11+$0x0], $0xffff  }
0x337: {  	v3 =	vor.u32 $0x1614, v0;
	_ =	sdelay $0x3  }
0x338: {  	[tilespmem:$0x2A40] =	vst v2  }
0x339: {  	v2 =	vld.idx.msk [tilespmem:v3+s11+$0x0], $0xffff  }
0x33a: {  	v3 =	vadd.s32 $0x1714, v0;
	_ =	sdelay $0x3  }
0x33b: {  	[tilespmem:$0x2A50] =	vst v2  }
0x33c: {  	v2 =	vld.idx.msk [tilespmem:v3+s11+$0x0], $0xffff  }
0x33d: {  	v3 =	vor.u32 $0x15, v0;
	_ =	sdelay $0x3  }
0x33e: {  	[tilespmem:$0x2A58] =	vst v2  }
0x33f: {  	v2 =	vld.idx.msk [tilespmem:v3+s11+$0x0], $0xffff  }
0x340: {  	v3 =	vor.u32 $0x215, v0;
	_ =	sdelay $0x3  }
0x341: {  	[tilespmem:$0x2A68] =	vst v2  }
0x342: {  	v2 =	vld.idx.msk [tilespmem:v3+s11+$0x0], $0xffff  }
0x343: {  	v3 =	vor.u32 $0x415, v0;
	_ =	sdelay $0x3  }
0x344: {  	[tilespmem:$0x2A78] =	vst v2  }
0x345: {  	v2 =	vld.idx.msk [tilespmem:v3+s11+$0x0], $0xffff  }
0x346: {  	v3 =	vor.u32 $0x615, v0;
	_ =	sdelay $0x3  }
0x347: {  	[tilespmem:$0x2A88] =	vst v2  }
0x348: {  	v2 =	vld.idx.msk [tilespmem:v3+s11+$0x0], $0xffff  }
0x349: {  	v3 =	vor.u32 $0x815, v0;
	_ =	sdelay $0x3  }
0x34a: {  	[tilespmem:$0x2A98] =	vst v2  }
0x34b: {  	v2 =	vld.idx.msk [tilespmem:v3+s11+$0x0], $0xffff  }
0x34c: {  	v3 =	vor.u32 $0xA15, v0;
	_ =	sdelay $0x3  }
0x34d: {  	[tilespmem:$0x2AA8] =	vst v2  }
0x34e: {  	v2 =	vld.idx.msk [tilespmem:v3+s11+$0x0], $0xffff  }
0x34f: {  	v3 =	vor.u32 $0xC15, v0;
	_ =	sdelay $0x3  }
0x350: {  	[tilespmem:$0x2AB8] =	vst v2  }
0x351: {  	v2 =	vld.idx.msk [tilespmem:v3+s11+$0x0], $0xffff  }
0x352: {  	v3 =	vor.u32 $0xE15, v0;
	_ =	sdelay $0x3  }
0x353: {  	[tilespmem:$0x2AC8] =	vst v2  }
0x354: {  	v2 =	vld.idx.msk [tilespmem:v3+s11+$0x0], $0xffff  }
0x355: {  	v3 =	vor.u32 $0x1015, v0;
	_ =	sdelay $0x3  }
0x356: {  	[tilespmem:$0x2AD8] =	vst v2  }
0x357: {  	v2 =	vld.idx.msk [tilespmem:v3+s11+$0x0], $0xffff  }
0x358: {  	v3 =	vor.u32 $0x1215, v0;
	_ =	sdelay $0x3  }
0x359: {  	[tilespmem:$0x2AE8] =	vst v2  }
0x35a: {  	v2 =	vld.idx.msk [tilespmem:v3+s11+$0x0], $0xffff  }
0x35b: {  	v3 =	vor.u32 $0x1415, v0;
	_ =	sdelay $0x3  }
0x35c: {  	[tilespmem:$0x2AF8] =	vst v2  }
0x35d: {  	v2 =	vld.idx.msk [tilespmem:v3+s11+$0x0], $0xffff  }
0x35e: {  	v3 =	vor.u32 $0x1615, v0;
	_ =	sdelay $0x3  }
0x35f: {  	[tilespmem:$0x2B08] =	vst v2  }
0x360: {  	v2 =	vld.idx.msk [tilespmem:v3+s11+$0x0], $0xffff  }
0x361: {  	v3 =	vadd.s32 $0x1715, v0;
	_ =	sdelay $0x3  }
0x362: {  	[tilespmem:$0x2B18] =	vst v2  }
0x363: {  	v2 =	vld.idx.msk [tilespmem:v3+s11+$0x0], $0xffff  }
0x364: {  	v3 =	vor.u32 $0x16, v0;
	_ =	sdelay $0x3  }
0x365: {  	[tilespmem:$0x2B20] =	vst v2  }
0x366: {  	v2 =	vld.idx.msk [tilespmem:v3+s11+$0x0], $0xffff  }
0x367: {  	v3 =	vor.u32 $0x216, v0;
	_ =	sdelay $0x3  }
0x368: {  	[tilespmem:$0x2B30] =	vst v2  }
0x369: {  	v2 =	vld.idx.msk [tilespmem:v3+s11+$0x0], $0xffff  }
0x36a: {  	v3 =	vor.u32 $0x416, v0;
	_ =	sdelay $0x3  }
0x36b: {  	[tilespmem:$0x2B40] =	vst v2  }
0x36c: {  	v2 =	vld.idx.msk [tilespmem:v3+s11+$0x0], $0xffff  }
0x36d: {  	v3 =	vor.u32 $0x616, v0;
	_ =	sdelay $0x3  }
0x36e: {  	[tilespmem:$0x2B50] =	vst v2  }
0x36f: {  	v2 =	vld.idx.msk [tilespmem:v3+s11+$0x0], $0xffff  }
0x370: {  	v3 =	vor.u32 $0x816, v0;
	_ =	sdelay $0x3  }
0x371: {  	[tilespmem:$0x2B60] =	vst v2  }
0x372: {  	v2 =	vld.idx.msk [tilespmem:v3+s11+$0x0], $0xffff  }
0x373: {  	v3 =	vor.u32 $0xA16, v0;
	_ =	sdelay $0x3  }
0x374: {  	[tilespmem:$0x2B70] =	vst v2  }
0x375: {  	v2 =	vld.idx.msk [tilespmem:v3+s11+$0x0], $0xffff  }
0x376: {  	v3 =	vor.u32 $0xC16, v0;
	_ =	sdelay $0x3  }
0x377: {  	[tilespmem:$0x2B80] =	vst v2  }
0x378: {  	v2 =	vld.idx.msk [tilespmem:v3+s11+$0x0], $0xffff  }
0x379: {  	v3 =	vor.u32 $0xE16, v0;
	_ =	sdelay $0x3  }
0x37a: {  	[tilespmem:$0x2B90] =	vst v2  }
0x37b: {  	v2 =	vld.idx.msk [tilespmem:v3+s11+$0x0], $0xffff  }
0x37c: {  	v3 =	vor.u32 $0x1016, v0;
	_ =	sdelay $0x3  }
0x37d: {  	[tilespmem:$0x2BA0] =	vst v2  }
0x37e: {  	v2 =	vld.idx.msk [tilespmem:v3+s11+$0x0], $0xffff  }
0x37f: {  	v3 =	vor.u32 $0x1216, v0;
	_ =	sdelay $0x3  }
0x380: {  	[tilespmem:$0x2BB0] =	vst v2  }
0x381: {  	v2 =	vld.idx.msk [tilespmem:v3+s11+$0x0], $0xffff  }
0x382: {  	v3 =	vor.u32 $0x1416, v0;
	_ =	sdelay $0x3  }
0x383: {  	[tilespmem:$0x2BC0] =	vst v2  }
0x384: {  	v2 =	vld.idx.msk [tilespmem:v3+s11+$0x0], $0xffff  }
0x385: {  	v3 =	vor.u32 $0x1616, v0;
	_ =	sdelay $0x3  }
0x386: {  	[tilespmem:$0x2BD0] =	vst v2  }
0x387: {  	v2 =	vld.idx.msk [tilespmem:v3+s11+$0x0], $0xffff  }
0x388: {  	v3 =	vadd.s32 $0x1716, v0;
	_ =	sdelay $0x3  }
0x389: {  	[tilespmem:$0x2BE0] =	vst v2  }
0x38a: {  	v2 =	vld.idx.msk [tilespmem:v3+s11+$0x0], $0xffff  }
0x38b: {  	v3 =	vor.u32 $0x17, v0;
	_ =	sdelay $0x3  }
0x38c: {  	[tilespmem:$0x2BE8] =	vst v2  }
0x38d: {  	v2 =	vld.idx.msk [tilespmem:v3+s11+$0x0], $0xffff  }
0x38e: {  	v3 =	vor.u32 $0x217, v0;
	_ =	sdelay $0x3  }
0x38f: {  	[tilespmem:$0x2BF8] =	vst v2  }
0x390: {  	v2 =	vld.idx.msk [tilespmem:v3+s11+$0x0], $0xffff  }
0x391: {  	v3 =	vor.u32 $0x417, v0;
	_ =	sdelay $0x3  }
0x392: {  	[tilespmem:$0x2C08] =	vst v2  }
0x393: {  	v2 =	vld.idx.msk [tilespmem:v3+s11+$0x0], $0xffff  }
0x394: {  	v3 =	vor.u32 $0x617, v0;
	_ =	sdelay $0x3  }
0x395: {  	[tilespmem:$0x2C18] =	vst v2  }
0x396: {  	v2 =	vld.idx.msk [tilespmem:v3+s11+$0x0], $0xffff  }
0x397: {  	v3 =	vor.u32 $0x817, v0;
	_ =	sdelay $0x3  }
0x398: {  	[tilespmem:$0x2C28] =	vst v2  }
0x399: {  	v2 =	vld.idx.msk [tilespmem:v3+s11+$0x0], $0xffff  }
0x39a: {  	v3 =	vor.u32 $0xA17, v0;
	_ =	sdelay $0x3  }
0x39b: {  	[tilespmem:$0x2C38] =	vst v2  }
0x39c: {  	v2 =	vld.idx.msk [tilespmem:v3+s11+$0x0], $0xffff  }
0x39d: {  	v3 =	vor.u32 $0xC17, v0;
	_ =	sdelay $0x3  }
0x39e: {  	[tilespmem:$0x2C48] =	vst v2  }
0x39f: {  	v2 =	vld.idx.msk [tilespmem:v3+s11+$0x0], $0xffff  }
0x3a0: {  	v3 =	vor.u32 $0xE17, v0;
	_ =	sdelay $0x3  }
0x3a1: {  	[tilespmem:$0x2C58] =	vst v2  }
0x3a2: {  	v2 =	vld.idx.msk [tilespmem:v3+s11+$0x0], $0xffff  }
0x3a3: {  	v3 =	vor.u32 $0x1017, v0;
	_ =	sdelay $0x3  }
0x3a4: {  	[tilespmem:$0x2C68] =	vst v2  }
0x3a5: {  	v2 =	vld.idx.msk [tilespmem:v3+s11+$0x0], $0xffff  }
0x3a6: {  	v3 =	vor.u32 $0x1217, v0;
	_ =	sdelay $0x3  }
0x3a7: {  	[tilespmem:$0x2C78] =	vst v2  }
0x3a8: {  	v2 =	vld.idx.msk [tilespmem:v3+s11+$0x0], $0xffff  }
0x3a9: {  	v3 =	vor.u32 $0x1417, v0;
	_ =	sdelay $0x3  }
0x3aa: {  	[tilespmem:$0x2C88] =	vst v2  }
0x3ab: {  	v2 =	vld.idx.msk [tilespmem:v3+s11+$0x0], $0xffff  }
0x3ac: {  	v3 =	vor.u32 $0x1617, v0;
	_ =	sdelay $0x3  }
0x3ad: {  	[tilespmem:$0x2C98] =	vst v2  }
0x3ae: {  	v2 =	vld.idx.msk [tilespmem:v3+s11+$0x0], $0xffff  }
0x3af: {  	v3 =	vadd.s32 $0x1717, v0;
	_ =	sdelay $0x3  }
0x3b0: {  	[tilespmem:$0x2CA8] =	vst v2  }
0x3b1: {  	v2 =	vld.idx.msk [tilespmem:v3+s11+$0x0], $0xffff  }
0x3b2: {  	v3 =	vor.u32 $0x18, v0;
	_ =	sdelay $0x3  }
0x3b3: {  	[tilespmem:$0x2CB0] =	vst v2  }
0x3b4: {  	v2 =	vld.idx.msk [tilespmem:v3+s11+$0x0], $0xffff  }
0x3b5: {  	v3 =	vor.u32 $0x218, v0;
	_ =	sdelay $0x3  }
0x3b6: {  	[tilespmem:$0x2CC0] =	vst v2  }
0x3b7: {  	v2 =	vld.idx.msk [tilespmem:v3+s11+$0x0], $0xffff  }
0x3b8: {  	v3 =	vor.u32 $0x418, v0;
	_ =	sdelay $0x3  }
0x3b9: {  	[tilespmem:$0x2CD0] =	vst v2  }
0x3ba: {  	v2 =	vld.idx.msk [tilespmem:v3+s11+$0x0], $0xffff  }
0x3bb: {  	v3 =	vor.u32 $0x618, v0;
	_ =	sdelay $0x3  }
0x3bc: {  	[tilespmem:$0x2CE0] =	vst v2  }
0x3bd: {  	v2 =	vld.idx.msk [tilespmem:v3+s11+$0x0], $0xffff  }
0x3be: {  	v3 =	vor.u32 $0x818, v0;
	_ =	sdelay $0x3  }
0x3bf: {  	[tilespmem:$0x2CF0] =	vst v2  }
0x3c0: {  	v2 =	vld.idx.msk [tilespmem:v3+s11+$0x0], $0xffff  }
0x3c1: {  	v3 =	vor.u32 $0xA18, v0;
	_ =	sdelay $0x3  }
0x3c2: {  	[tilespmem:$0x2D00] =	vst v2  }
0x3c3: {  	v2 =	vld.idx.msk [tilespmem:v3+s11+$0x0], $0xffff  }
0x3c4: {  	v3 =	vor.u32 $0xC18, v0;
	_ =	sdelay $0x3  }
0x3c5: {  	[tilespmem:$0x2D10] =	vst v2  }
0x3c6: {  	v2 =	vld.idx.msk [tilespmem:v3+s11+$0x0], $0xffff  }
0x3c7: {  	v3 =	vor.u32 $0xE18, v0;
	_ =	sdelay $0x3  }
0x3c8: {  	[tilespmem:$0x2D20] =	vst v2  }
0x3c9: {  	v2 =	vld.idx.msk [tilespmem:v3+s11+$0x0], $0xffff  }
0x3ca: {  	v3 =	vor.u32 $0x1018, v0;
	_ =	sdelay $0x3  }
0x3cb: {  	[tilespmem:$0x2D30] =	vst v2  }
0x3cc: {  	v2 =	vld.idx.msk [tilespmem:v3+s11+$0x0], $0xffff  }
0x3cd: {  	v3 =	vor.u32 $0x1218, v0;
	_ =	sdelay $0x3  }
0x3ce: {  	[tilespmem:$0x2D40] =	vst v2  }
0x3cf: {  	v2 =	vld.idx.msk [tilespmem:v3+s11+$0x0], $0xffff  }
0x3d0: {  	v3 =	vor.u32 $0x1418, v0;
	_ =	sdelay $0x3  }
0x3d1: {  	[tilespmem:$0x2D50] =	vst v2  }
0x3d2: {  	v2 =	vld.idx.msk [tilespmem:v3+s11+$0x0], $0xffff  }
0x3d3: {  	v3 =	vor.u32 $0x1618, v0;
	_ =	sdelay $0x3  }
0x3d4: {  	[tilespmem:$0x2D60] =	vst v2  }
0x3d5: {  	v2 =	vld.idx.msk [tilespmem:v3+s11+$0x0], $0xffff  }
0x3d6: {  	v3 =	vadd.s32 $0x1718, v0;
	_ =	sdelay $0x3  }
0x3d7: {  	[tilespmem:$0x2D70] =	vst v2  }
0x3d8: {  	v2 =	vld.idx.msk [tilespmem:v3+s11+$0x0], $0xffff  }
0x3d9: {  	v3 =	vor.u32 $0x19, v0;
	_ =	sdelay $0x3  }
0x3da: {  	[tilespmem:$0x2D78] =	vst v2  }
0x3db: {  	v2 =	vld.idx.msk [tilespmem:v3+s11+$0x0], $0xffff  }
0x3dc: {  	v3 =	vor.u32 $0x219, v0;
	_ =	sdelay $0x3  }
0x3dd: {  	[tilespmem:$0x2D88] =	vst v2  }
0x3de: {  	v2 =	vld.idx.msk [tilespmem:v3+s11+$0x0], $0xffff  }
0x3df: {  	v3 =	vor.u32 $0x419, v0;
	_ =	sdelay $0x3  }
0x3e0: {  	[tilespmem:$0x2D98] =	vst v2  }
0x3e1: {  	v2 =	vld.idx.msk [tilespmem:v3+s11+$0x0], $0xffff  }
0x3e2: {  	v3 =	vor.u32 $0x619, v0;
	_ =	sdelay $0x3  }
0x3e3: {  	[tilespmem:$0x2DA8] =	vst v2  }
0x3e4: {  	v2 =	vld.idx.msk [tilespmem:v3+s11+$0x0], $0xffff  }
0x3e5: {  	v3 =	vor.u32 $0x819, v0;
	_ =	sdelay $0x3  }
0x3e6: {  	[tilespmem:$0x2DB8] =	vst v2  }
0x3e7: {  	v2 =	vld.idx.msk [tilespmem:v3+s11+$0x0], $0xffff  }
0x3e8: {  	v3 =	vor.u32 $0xA19, v0;
	_ =	sdelay $0x3  }
0x3e9: {  	[tilespmem:$0x2DC8] =	vst v2  }
0x3ea: {  	v2 =	vld.idx.msk [tilespmem:v3+s11+$0x0], $0xffff  }
0x3eb: {  	v3 =	vor.u32 $0xC19, v0;
	_ =	sdelay $0x3  }
0x3ec: {  	[tilespmem:$0x2DD8] =	vst v2  }
0x3ed: {  	v2 =	vld.idx.msk [tilespmem:v3+s11+$0x0], $0xffff  }
0x3ee: {  	v3 =	vor.u32 $0xE19, v0;
	_ =	sdelay $0x3  }
0x3ef: {  	[tilespmem:$0x2DE8] =	vst v2  }
0x3f0: {  	v2 =	vld.idx.msk [tilespmem:v3+s11+$0x0], $0xffff  }
0x3f1: {  	v3 =	vor.u32 $0x1019, v0;
	_ =	sdelay $0x3  }
0x3f2: {  	[tilespmem:$0x2DF8] =	vst v2  }
0x3f3: {  	v2 =	vld.idx.msk [tilespmem:v3+s11+$0x0], $0xffff  }
0x3f4: {  	v3 =	vor.u32 $0x1219, v0;
	_ =	sdelay $0x3  }
0x3f5: {  	[tilespmem:$0x2E08] =	vst v2  }
0x3f6: {  	v2 =	vld.idx.msk [tilespmem:v3+s11+$0x0], $0xffff  }
0x3f7: {  	v3 =	vor.u32 $0x1419, v0;
	_ =	sdelay $0x3  }
0x3f8: {  	[tilespmem:$0x2E18] =	vst v2  }
0x3f9: {  	v2 =	vld.idx.msk [tilespmem:v3+s11+$0x0], $0xffff  }
0x3fa: {  	v3 =	vor.u32 $0x1619, v0;
	_ =	sdelay $0x3  }
0x3fb: {  	[tilespmem:$0x2E28] =	vst v2  }
0x3fc: {  	v2 =	vld.idx.msk [tilespmem:v3+s11+$0x0], $0xffff  }
0x3fd: {  	v3 =	vadd.s32 $0x1719, v0;
	_ =	sdelay $0x3  }
0x3fe: {  	[tilespmem:$0x2E38] =	vst v2  }
0x3ff: {  	v2 =	vld.idx.msk [tilespmem:v3+s11+$0x0], $0xffff  }
0x400: {  	v3 =	vor.u32 $0x1A, v0;
	_ =	sdelay $0x3  }
0x401: {  	[tilespmem:$0x2E40] =	vst v2  }
0x402: {  	v2 =	vld.idx.msk [tilespmem:v3+s11+$0x0], $0xffff  }
0x403: {  	v3 =	vor.u32 $0x21A, v0;
	_ =	sdelay $0x3  }
0x404: {  	[tilespmem:$0x2E50] =	vst v2  }
0x405: {  	v2 =	vld.idx.msk [tilespmem:v3+s11+$0x0], $0xffff  }
0x406: {  	v3 =	vor.u32 $0x41A, v0;
	_ =	sdelay $0x3  }
0x407: {  	[tilespmem:$0x2E60] =	vst v2  }
0x408: {  	v2 =	vld.idx.msk [tilespmem:v3+s11+$0x0], $0xffff  }
0x409: {  	v3 =	vor.u32 $0x61A, v0;
	_ =	sdelay $0x3  }
0x40a: {  	[tilespmem:$0x2E70] =	vst v2  }
0x40b: {  	v2 =	vld.idx.msk [tilespmem:v3+s11+$0x0], $0xffff  }
0x40c: {  	v3 =	vor.u32 $0x81A, v0;
	_ =	sdelay $0x3  }
0x40d: {  	[tilespmem:$0x2E80] =	vst v2  }
0x40e: {  	v2 =	vld.idx.msk [tilespmem:v3+s11+$0x0], $0xffff  }
0x40f: {  	v3 =	vor.u32 $0xA1A, v0;
	_ =	sdelay $0x3  }
0x410: {  	[tilespmem:$0x2E90] =	vst v2  }
0x411: {  	v2 =	vld.idx.msk [tilespmem:v3+s11+$0x0], $0xffff  }
0x412: {  	v3 =	vor.u32 $0xC1A, v0;
	_ =	sdelay $0x3  }
0x413: {  	[tilespmem:$0x2EA0] =	vst v2  }
0x414: {  	v2 =	vld.idx.msk [tilespmem:v3+s11+$0x0], $0xffff  }
0x415: {  	v3 =	vor.u32 $0xE1A, v0;
	_ =	sdelay $0x3  }
0x416: {  	[tilespmem:$0x2EB0] =	vst v2  }
0x417: {  	v2 =	vld.idx.msk [tilespmem:v3+s11+$0x0], $0xffff  }
0x418: {  	v3 =	vor.u32 $0x101A, v0;
	_ =	sdelay $0x3  }
0x419: {  	[tilespmem:$0x2EC0] =	vst v2  }
0x41a: {  	v2 =	vld.idx.msk [tilespmem:v3+s11+$0x0], $0xffff  }
0x41b: {  	v3 =	vor.u32 $0x121A, v0;
	_ =	sdelay $0x3  }
0x41c: {  	[tilespmem:$0x2ED0] =	vst v2  }
0x41d: {  	v2 =	vld.idx.msk [tilespmem:v3+s11+$0x0], $0xffff  }
0x41e: {  	v3 =	vor.u32 $0x141A, v0;
	_ =	sdelay $0x3  }
0x41f: {  	[tilespmem:$0x2EE0] =	vst v2  }
0x420: {  	v2 =	vld.idx.msk [tilespmem:v3+s11+$0x0], $0xffff  }
0x421: {  	v3 =	vor.u32 $0x161A, v0;
	_ =	sdelay $0x3  }
0x422: {  	[tilespmem:$0x2EF0] =	vst v2  }
0x423: {  	v2 =	vld.idx.msk [tilespmem:v3+s11+$0x0], $0xffff  }
0x424: {  	v3 =	vadd.s32 $0x171A, v0;
	_ =	sdelay $0x3  }
0x425: {  	[tilespmem:$0x2F00] =	vst v2  }
0x426: {  	v2 =	vld.idx.msk [tilespmem:v3+s11+$0x0], $0xffff  }
0x427: {  	v3 =	vor.u32 $0x1B, v0;
	_ =	sdelay $0x3  }
0x428: {  	[tilespmem:$0x2F08] =	vst v2  }
0x429: {  	v2 =	vld.idx.msk [tilespmem:v3+s11+$0x0], $0xffff  }
0x42a: {  	v3 =	vor.u32 $0x21B, v0;
	_ =	sdelay $0x3  }
0x42b: {  	[tilespmem:$0x2F18] =	vst v2  }
0x42c: {  	v2 =	vld.idx.msk [tilespmem:v3+s11+$0x0], $0xffff  }
0x42d: {  	v3 =	vor.u32 $0x41B, v0;
	_ =	sdelay $0x3  }
0x42e: {  	[tilespmem:$0x2F28] =	vst v2  }
0x42f: {  	v2 =	vld.idx.msk [tilespmem:v3+s11+$0x0], $0xffff  }
0x430: {  	v3 =	vor.u32 $0x61B, v0;
	_ =	sdelay $0x3  }
0x431: {  	[tilespmem:$0x2F38] =	vst v2  }
0x432: {  	v2 =	vld.idx.msk [tilespmem:v3+s11+$0x0], $0xffff  }
0x433: {  	v3 =	vor.u32 $0x81B, v0;
	_ =	sdelay $0x3  }
0x434: {  	[tilespmem:$0x2F48] =	vst v2  }
0x435: {  	v2 =	vld.idx.msk [tilespmem:v3+s11+$0x0], $0xffff  }
0x436: {  	v3 =	vor.u32 $0xA1B, v0;
	_ =	sdelay $0x3  }
0x437: {  	[tilespmem:$0x2F58] =	vst v2  }
0x438: {  	v2 =	vld.idx.msk [tilespmem:v3+s11+$0x0], $0xffff  }
0x439: {  	v3 =	vor.u32 $0xC1B, v0;
	_ =	sdelay $0x3  }
0x43a: {  	[tilespmem:$0x2F68] =	vst v2  }
0x43b: {  	v2 =	vld.idx.msk [tilespmem:v3+s11+$0x0], $0xffff  }
0x43c: {  	v3 =	vor.u32 $0xE1B, v0;
	_ =	sdelay $0x3  }
0x43d: {  	[tilespmem:$0x2F78] =	vst v2  }
0x43e: {  	v2 =	vld.idx.msk [tilespmem:v3+s11+$0x0], $0xffff  }
0x43f: {  	v3 =	vor.u32 $0x101B, v0;
	_ =	sdelay $0x3  }
0x440: {  	[tilespmem:$0x2F88] =	vst v2  }
0x441: {  	v2 =	vld.idx.msk [tilespmem:v3+s11+$0x0], $0xffff  }
0x442: {  	v3 =	vor.u32 $0x121B, v0;
	_ =	sdelay $0x3  }
0x443: {  	[tilespmem:$0x2F98] =	vst v2  }
0x444: {  	v2 =	vld.idx.msk [tilespmem:v3+s11+$0x0], $0xffff  }
0x445: {  	v3 =	vor.u32 $0x141B, v0;
	_ =	sdelay $0x3  }
0x446: {  	[tilespmem:$0x2FA8] =	vst v2  }
0x447: {  	v2 =	vld.idx.msk [tilespmem:v3+s11+$0x0], $0xffff  }
0x448: {  	v3 =	vor.u32 $0x161B, v0;
	_ =	sdelay $0x3  }
0x449: {  	[tilespmem:$0x2FB8] =	vst v2  }
0x44a: {  	v2 =	vld.idx.msk [tilespmem:v3+s11+$0x0], $0xffff  }
0x44b: {  	v3 =	vadd.s32 $0x171B, v0;
	_ =	sdelay $0x3  }
0x44c: {  	[tilespmem:$0x2FC8] =	vst v2  }
0x44d: {  	v2 =	vld.idx.msk [tilespmem:v3+s11+$0x0], $0xffff  }
0x44e: {  	v3 =	vor.u32 $0x1C, v0;
	_ =	sdelay $0x3  }
0x44f: {  	[tilespmem:$0x2FD0] =	vst v2  }
0x450: {  	v2 =	vld.idx.msk [tilespmem:v3+s11+$0x0], $0xffff  }
0x451: {  	v3 =	vor.u32 $0x21C, v0;
	_ =	sdelay $0x3  }
0x452: {  	[tilespmem:$0x2FE0] =	vst v2  }
0x453: {  	v2 =	vld.idx.msk [tilespmem:v3+s11+$0x0], $0xffff  }
0x454: {  	v3 =	vor.u32 $0x41C, v0;
	_ =	sdelay $0x3  }
0x455: {  	[tilespmem:$0x2FF0] =	vst v2  }
0x456: {  	v2 =	vld.idx.msk [tilespmem:v3+s11+$0x0], $0xffff  }
0x457: {  	v3 =	vor.u32 $0x61C, v0;
	_ =	sdelay $0x3  }
0x458: {  	[tilespmem:$0x3000] =	vst v2  }
0x459: {  	v2 =	vld.idx.msk [tilespmem:v3+s11+$0x0], $0xffff  }
0x45a: {  	v3 =	vor.u32 $0x81C, v0;
	_ =	sdelay $0x3  }
0x45b: {  	[tilespmem:$0x3010] =	vst v2  }
0x45c: {  	v2 =	vld.idx.msk [tilespmem:v3+s11+$0x0], $0xffff  }
0x45d: {  	v3 =	vor.u32 $0xA1C, v0;
	_ =	sdelay $0x3  }
0x45e: {  	[tilespmem:$0x3020] =	vst v2  }
0x45f: {  	v2 =	vld.idx.msk [tilespmem:v3+s11+$0x0], $0xffff  }
0x460: {  	v3 =	vor.u32 $0xC1C, v0;
	_ =	sdelay $0x3  }
0x461: {  	[tilespmem:$0x3030] =	vst v2  }
0x462: {  	v2 =	vld.idx.msk [tilespmem:v3+s11+$0x0], $0xffff  }
0x463: {  	v3 =	vor.u32 $0xE1C, v0;
	_ =	sdelay $0x3  }
0x464: {  	[tilespmem:$0x3040] =	vst v2  }
0x465: {  	v2 =	vld.idx.msk [tilespmem:v3+s11+$0x0], $0xffff  }
0x466: {  	v3 =	vor.u32 $0x101C, v0;
	_ =	sdelay $0x3  }
0x467: {  	[tilespmem:$0x3050] =	vst v2  }
0x468: {  	v2 =	vld.idx.msk [tilespmem:v3+s11+$0x0], $0xffff  }
0x469: {  	v3 =	vor.u32 $0x121C, v0;
	_ =	sdelay $0x3  }
0x46a: {  	[tilespmem:$0x3060] =	vst v2  }
0x46b: {  	v2 =	vld.idx.msk [tilespmem:v3+s11+$0x0], $0xffff  }
0x46c: {  	v3 =	vor.u32 $0x141C, v0;
	_ =	sdelay $0x3  }
0x46d: {  	[tilespmem:$0x3070] =	vst v2  }
0x46e: {  	v2 =	vld.idx.msk [tilespmem:v3+s11+$0x0], $0xffff  }
0x46f: {  	v3 =	vor.u32 $0x161C, v0;
	_ =	sdelay $0x3  }
0x470: {  	[tilespmem:$0x3080] =	vst v2  }
0x471: {  	v2 =	vld.idx.msk [tilespmem:v3+s11+$0x0], $0xffff  }
0x472: {  	v3 =	vadd.s32 $0x171C, v0;
	_ =	sdelay $0x3  }
0x473: {  	[tilespmem:$0x3090] =	vst v2  }
0x474: {  	v2 =	vld.idx.msk [tilespmem:v3+s11+$0x0], $0xffff  }
0x475: {  	v3 =	vor.u32 $0x1D, v0;
	_ =	sdelay $0x3  }
0x476: {  	[tilespmem:$0x3098] =	vst v2  }
0x477: {  	v2 =	vld.idx.msk [tilespmem:v3+s11+$0x0], $0xffff  }
0x478: {  	v3 =	vor.u32 $0x21D, v0;
	_ =	sdelay $0x3  }
0x479: {  	[tilespmem:$0x30A8] =	vst v2  }
0x47a: {  	v2 =	vld.idx.msk [tilespmem:v3+s11+$0x0], $0xffff  }
0x47b: {  	v3 =	vor.u32 $0x41D, v0;
	_ =	sdelay $0x3  }
0x47c: {  	[tilespmem:$0x30B8] =	vst v2  }
0x47d: {  	v2 =	vld.idx.msk [tilespmem:v3+s11+$0x0], $0xffff  }
0x47e: {  	v3 =	vor.u32 $0x61D, v0;
	_ =	sdelay $0x3  }
0x47f: {  	[tilespmem:$0x30C8] =	vst v2  }
0x480: {  	v2 =	vld.idx.msk [tilespmem:v3+s11+$0x0], $0xffff  }
0x481: {  	v3 =	vor.u32 $0x81D, v0;
	_ =	sdelay $0x3  }
0x482: {  	[tilespmem:$0x30D8] =	vst v2  }
0x483: {  	v2 =	vld.idx.msk [tilespmem:v3+s11+$0x0], $0xffff  }
0x484: {  	v3 =	vor.u32 $0xA1D, v0;
	_ =	sdelay $0x3  }
0x485: {  	[tilespmem:$0x30E8] =	vst v2  }
0x486: {  	v2 =	vld.idx.msk [tilespmem:v3+s11+$0x0], $0xffff  }
0x487: {  	v3 =	vor.u32 $0xC1D, v0;
	_ =	sdelay $0x3  }
0x488: {  	[tilespmem:$0x30F8] =	vst v2  }
0x489: {  	v2 =	vld.idx.msk [tilespmem:v3+s11+$0x0], $0xffff  }
0x48a: {  	v3 =	vor.u32 $0xE1D, v0;
	_ =	sdelay $0x3  }
0x48b: {  	[tilespmem:$0x3108] =	vst v2  }
0x48c: {  	v2 =	vld.idx.msk [tilespmem:v3+s11+$0x0], $0xffff  }
0x48d: {  	v3 =	vor.u32 $0x101D, v0;
	_ =	sdelay $0x3  }
0x48e: {  	[tilespmem:$0x3118] =	vst v2  }
0x48f: {  	v2 =	vld.idx.msk [tilespmem:v3+s11+$0x0], $0xffff  }
0x490: {  	v3 =	vor.u32 $0x121D, v0;
	_ =	sdelay $0x3  }
0x491: {  	[tilespmem:$0x3128] =	vst v2  }
0x492: {  	v2 =	vld.idx.msk [tilespmem:v3+s11+$0x0], $0xffff  }
0x493: {  	v3 =	vor.u32 $0x141D, v0;
	_ =	sdelay $0x3  }
0x494: {  	[tilespmem:$0x3138] =	vst v2  }
0x495: {  	v2 =	vld.idx.msk [tilespmem:v3+s11+$0x0], $0xffff  }
0x496: {  	v3 =	vor.u32 $0x161D, v0;
	_ =	sdelay $0x3  }
0x497: {  	[tilespmem:$0x3148] =	vst v2  }
0x498: {  	v2 =	vld.idx.msk [tilespmem:v3+s11+$0x0], $0xffff  }
0x499: {  	v3 =	vadd.s32 $0x171D, v0;
	_ =	sdelay $0x3  }
0x49a: {  	[tilespmem:$0x3158] =	vst v2  }
0x49b: {  	v2 =	vld.idx.msk [tilespmem:v3+s11+$0x0], $0xffff  }
0x49c: {  	v3 =	vor.u32 $0x1E, v0;
	_ =	sdelay $0x3  }
0x49d: {  	[tilespmem:$0x3160] =	vst v2  }
0x49e: {  	v2 =	vld.idx.msk [tilespmem:v3+s11+$0x0], $0xffff  }
0x49f: {  	v3 =	vor.u32 $0x21E, v0;
	_ =	sdelay $0x3  }
0x4a0: {  	[tilespmem:$0x3170] =	vst v2  }
0x4a1: {  	v2 =	vld.idx.msk [tilespmem:v3+s11+$0x0], $0xffff  }
0x4a2: {  	v3 =	vor.u32 $0x41E, v0;
	_ =	sdelay $0x3  }
0x4a3: {  	[tilespmem:$0x3180] =	vst v2  }
0x4a4: {  	v2 =	vld.idx.msk [tilespmem:v3+s11+$0x0], $0xffff  }
0x4a5: {  	v3 =	vor.u32 $0x61E, v0;
	_ =	sdelay $0x3  }
0x4a6: {  	[tilespmem:$0x3190] =	vst v2  }
0x4a7: {  	v2 =	vld.idx.msk [tilespmem:v3+s11+$0x0], $0xffff  }
0x4a8: {  	v3 =	vor.u32 $0x81E, v0;
	_ =	sdelay $0x3  }
0x4a9: {  	[tilespmem:$0x31A0] =	vst v2  }
0x4aa: {  	v2 =	vld.idx.msk [tilespmem:v3+s11+$0x0], $0xffff  }
0x4ab: {  	v3 =	vor.u32 $0xA1E, v0;
	_ =	sdelay $0x3  }
0x4ac: {  	[tilespmem:$0x31B0] =	vst v2  }
0x4ad: {  	v2 =	vld.idx.msk [tilespmem:v3+s11+$0x0], $0xffff  }
0x4ae: {  	v3 =	vor.u32 $0xC1E, v0;
	_ =	sdelay $0x3  }
0x4af: {  	[tilespmem:$0x31C0] =	vst v2  }
0x4b0: {  	v2 =	vld.idx.msk [tilespmem:v3+s11+$0x0], $0xffff  }
0x4b1: {  	v3 =	vor.u32 $0xE1E, v0;
	_ =	sdelay $0x3  }
0x4b2: {  	[tilespmem:$0x31D0] =	vst v2  }
0x4b3: {  	v2 =	vld.idx.msk [tilespmem:v3+s11+$0x0], $0xffff  }
0x4b4: {  	v3 =	vor.u32 $0x101E, v0;
	_ =	sdelay $0x3  }
0x4b5: {  	[tilespmem:$0x31E0] =	vst v2  }
0x4b6: {  	v2 =	vld.idx.msk [tilespmem:v3+s11+$0x0], $0xffff  }
0x4b7: {  	v3 =	vor.u32 $0x121E, v0;
	_ =	sdelay $0x3  }
0x4b8: {  	[tilespmem:$0x31F0] =	vst v2  }
0x4b9: {  	v2 =	vld.idx.msk [tilespmem:v3+s11+$0x0], $0xffff  }
0x4ba: {  	v3 =	vor.u32 $0x141E, v0;
	_ =	sdelay $0x3  }
0x4bb: {  	[tilespmem:$0x3200] =	vst v2  }
0x4bc: {  	v2 =	vld.idx.msk [tilespmem:v3+s11+$0x0], $0xffff  }
0x4bd: {  	v3 =	vor.u32 $0x161E, v0;
	_ =	sdelay $0x3  }
0x4be: {  	[tilespmem:$0x3210] =	vst v2  }
0x4bf: {  	v2 =	vld.idx.msk [tilespmem:v3+s11+$0x0], $0xffff  }
0x4c0: {  	v3 =	vadd.s32 $0x171E, v0;
	_ =	sdelay $0x3  }
0x4c1: {  	[tilespmem:$0x3220] =	vst v2  }
0x4c2: {  	v2 =	vld.idx.msk [tilespmem:v3+s11+$0x0], $0xffff  }
0x4c3: {  	v3 =	vor.u32 $0x1F, v0;
	_ =	sdelay $0x3  }
0x4c4: {  	[tilespmem:$0x3228] =	vst v2  }
0x4c5: {  	v2 =	vld.idx.msk [tilespmem:v3+s11+$0x0], $0xffff  }
0x4c6: {  	v3 =	vor.u32 $0x21F, v0;
	_ =	sdelay $0x3  }
0x4c7: {  	[tilespmem:$0x3238] =	vst v2  }
0x4c8: {  	v2 =	vld.idx.msk [tilespmem:v3+s11+$0x0], $0xffff  }
0x4c9: {  	v3 =	vor.u32 $0x41F, v0;
	_ =	sdelay $0x3  }
0x4ca: {  	[tilespmem:$0x3248] =	vst v2  }
0x4cb: {  	v2 =	vld.idx.msk [tilespmem:v3+s11+$0x0], $0xffff  }
0x4cc: {  	v3 =	vor.u32 $0x61F, v0;
	_ =	sdelay $0x3  }
0x4cd: {  	[tilespmem:$0x3258] =	vst v2  }
0x4ce: {  	v2 =	vld.idx.msk [tilespmem:v3+s11+$0x0], $0xffff  }
0x4cf: {  	v3 =	vor.u32 $0x81F, v0;
	_ =	sdelay $0x3  }
0x4d0: {  	[tilespmem:$0x3268] =	vst v2  }
0x4d1: {  	v2 =	vld.idx.msk [tilespmem:v3+s11+$0x0], $0xffff  }
0x4d2: {  	v3 =	vor.u32 $0xA1F, v0;
	_ =	sdelay $0x3  }
0x4d3: {  	[tilespmem:$0x3278] =	vst v2  }
0x4d4: {  	v2 =	vld.idx.msk [tilespmem:v3+s11+$0x0], $0xffff  }
0x4d5: {  	v3 =	vor.u32 $0xC1F, v0;
	_ =	sdelay $0x3  }
0x4d6: {  	[tilespmem:$0x3288] =	vst v2  }
0x4d7: {  	v2 =	vld.idx.msk [tilespmem:v3+s11+$0x0], $0xffff  }
0x4d8: {  	v3 =	vor.u32 $0xE1F, v0;
	_ =	sdelay $0x3  }
0x4d9: {  	[tilespmem:$0x3298] =	vst v2  }
0x4da: {  	v2 =	vld.idx.msk [tilespmem:v3+s11+$0x0], $0xffff  }
0x4db: {  	v3 =	vor.u32 $0x101F, v0;
	_ =	sdelay $0x3  }
0x4dc: {  	[tilespmem:$0x32A8] =	vst v2  }
0x4dd: {  	v2 =	vld.idx.msk [tilespmem:v3+s11+$0x0], $0xffff  }
0x4de: {  	v3 =	vor.u32 $0x121F, v0;
	_ =	sdelay $0x3  }
0x4df: {  	[tilespmem:$0x32B8] =	vst v2  }
0x4e0: {  	v2 =	vld.idx.msk [tilespmem:v3+s11+$0x0], $0xffff  }
0x4e1: {  	v3 =	vor.u32 $0x141F, v0;
	_ =	sdelay $0x3  }
0x4e2: {  	[tilespmem:$0x32C8] =	vst v2  }
0x4e3: {  	v2 =	vld.idx.msk [tilespmem:v3+s11+$0x0], $0xffff  }
0x4e4: {  	v3 =	vor.u32 $0x161F, v0;
	_ =	sdelay $0x3  }
0x4e5: {  	[tilespmem:$0x32D8] =	vst v2  }
0x4e6: {  	v2 =	vld.idx.msk [tilespmem:v3+s11+$0x0], $0xffff  }
0x4e7: {  	v3 =	vadd.s32 $0x171F, v0;
	_ =	sdelay $0x3  }
0x4e8: {  	[tilespmem:$0x32E8] =	vst v2  }
0x4e9: {  	v2 =	vld.idx.msk [tilespmem:v3+s11+$0x0], $0xffff;
	_ =	sdelay $0x3  }
0x4ea: {  	p0 =	sne.s32 s21, $0x7F  }
.Ltmp0:
0x4eb: {  	[tilespmem:$0x32F0] =	vst v2;
	(pc) =	sbr.rel @p0 .LBB2_2-.Ltmp0, $4  }
0x4ec: {  	[hbm4b:s18+s1] =	stream.linear.scatter [tilespmem:s16], [sflag:$0x2], $0x1900, $0x38;
	[tilespmem:$0x3380] =	vst v63  }
0x4ed: {  	_ =	swait.ge [sflag:s9], $0x1900  }
0x4ee: {  	s19 =	sadd.s32 $0x19, s19;
	s20 =	sadd.s32 $0x19, s20;
	[sflag:s9] =	ssyncset.done $0x0  }
0x4ef: {  	s21 =	sadd.s32 $0x1, s21;
	s18 =	sadd.s32 $0x320, s18;
	[sflag:s9] =	ssyncadd.s32 $0xFFFFE700  }
0x4f0: {  	s17 =	sadd.s32 $0x1, s17  }
0x4f1: {  	p0 =	sne.s32 s17, s5  }
.Ltmp1:
0x4f2: {  	_ = 	snop;
	(pc) =	sbr.rel @p0 .LBB2_1-.Ltmp1, $4  }
0x4f3: {  	[hbm4b:s4+s1] =	stream.linear.scatter [tilespmem:s14], [sflag:$0x2], $0x80, $0x38;
	[tilespmem:$0x3380] =	vst v63  }
0x4f4: {  	_ =	swait.ge [sflag:s9], $0x80  }
0x4f5: {  	[sflag:s9] =	ssyncset.done $0x0  }
0x4f6: {  	[sflag:s9] =	ssyncadd.s32 $0xFFFFFF80  }
0x4f7: {  	_ =	sfence.sel $0x180000  }
0x4f8: {  	[bflag:$0x0] =	sbarrier.arrive $0xFFFF  }
0x4f9: {  	p0 =	sne.s32 s2, $0x0;
	_ =	strace $0x90000047  }
0x4fa: {  	s0 =	sadd.s32 @!p0 $0x100000, s0;
	[bflag:$0x2] =	sbarrier.arrive $0xFFFF  }
0x4fb: {  	[sflag:s0] =	ssyncadd.tile.s32 @!p0 $0x1;
	_ =	shalt  }
.Lfunc_end2:
_tile_overlayer_lowered:
.L_overlay_start_2:
0x4fc: {  	(tag) =	ssettag $0x2  }
0x4fd: {  	s0 =	rddreg [dreg:$0x0];
	s2 =	stileid.u32  }
0x4fe: {  	s1 =	rddreg [dreg:$0x1];
	p0 =	sne.s32 s2, $0x0  }
0x4ff: {  	s3 =	rddreg [dreg:$0x2];
	[bflag:$0x3] =	sbarrier.arrive $0xFFFF;
	s2 =	simm.s32 @!p0 $0x1C02  }
0x500: {  	[timem:s3], [sflag:s2] =	dma.local @!p0 [hbm:s0], s1  }
0x501: {  	s0 =	simm.s32 @!p0 $0x2  }
0x502: {  	_ =	swait.ge @!p0 [sflag:s0], s1  }
0x503: {  	s1 =	ssub.s32 @!p0 $0x0, s1;
	[sflag:s0] =	ssyncset.done @!p0 $0x0  }
0x504: {  	[sflag:s0] =	ssyncadd.s32 @!p0 s1  }
0x505: {  	[bflag:$0x3] =	sbarrier.arrive $0xFFFF  }
0x506: {  	_ =	shalt  }

// kernel: sparse-core-data-format-call.cloned.1.call-start
scs
called_computation_lowered:
.L_overlay_start_0:
0x0: {  	s2 =	sld [smem:$0x3FD9]  }
0x1: {  	s3 =	sld [smem:$0x3FFE];
	_ =	sdelay $0x1  }
0x2: {  	s1 =	srdreg.scid  }
0x3: {  	s0 =	sand.u32 $0x1, s1  }
0x4: {  	s15 =	sshll.u32 s0, $0xA;
	s2 =	sadd.s32 s3, s2  }
0x5: {  	s2 =	sadd.s32 s2, s15  }
0x6: {  	[smem:$0x3FC6] =	sst s2  }
0x7: {  	_ = 	snop  }
0x8: {  	s2 =	sld [smem:$0x3FD0];
	_ =	sdelay $0x2  }
0x9: {  	s16 =	simm.s32 $0xA;
	s4 =	simm.s32 $0x10  }
0xa: {  	[smem:s4], [sflag:s16] =	dma.local [hbm:s2], $0x1  }
0xb: {  	_ =	swait.eq [sflag:s16], $0x1  }
0xc: {  	[sflag:s16] =	ssyncset.done $0x0  }
0xd: {  	[sflag:s16] =	ssyncadd.s32 $0xFFFFFFFF  }
0xe: {  	s17 =	sld [smem:$0x10];
	(tm) =	ssettm $0x1  }
0xf: {  	s18 =	sld [smem:$0x3FFB];
	_ =	sdelay $0x3  }
0x10: {  	_ =	strace s18  }
0x11: {  	s3 =	sld [smem:$0x3FFC];
	_ =	sdelay $0x3  }
0x12: {  	_ =	strace s3  }
0x13: {  	s3 =	sld [smem:$0x3FFD];
	_ =	sdelay $0x3  }
0x14: {  	_ =	strace s3  }
0x15: {  	_ =	strace $0x8FFFFFFF  }
0x16: {  	s19 =	sld [smem:$0x3FDB];
	_ =	sdelay $0x1  }
0x17: {  	s20 =	simm.s32 $_scs_section_size  }
0x18: {  	s5 =	simm.s32 $_size__tile_overlayer_lowered;
	s6 =	simm.s32 $_tile_overlayer_lowered  }
0x19: {  	s23 =	simm.s32 $0x1BFF;
	s22 =	sshll.u32 s6, $0x1;
	s3 =	sadd.s32 s20, s19  }
0x1a: {  	s7 =	simm.s32 $0x0;
	s21 =	sshll.u32 s5, $0x1;
	s5 =	sadd.s32 s22, s3  }
0x1b: {  	[timem:s7], [sflag:s23] =	dma.local [hbm:s5], s21  }
0x1c: {  	_ =	swait.ge [sflag:s23], s21  }
0x1d: {  	s4 =	ssub.s32 $0x0, s21;
	[sflag:s23] =	ssyncset.done $0x0  }
0x1e: {  	[sflag:s23] =	ssyncadd.s32 s4;
	_ =	sdelay $0x1  }
0x1f: {  	s24 =	simm.s32 $0x1B8B  }
0x20: {  	_ =	swait.ge [sflag:s24], $0x1  }
0x21: {  	[sflag:s24] =	ssyncset.done $0x0  }
0x22: {  	s26 =	simm.s32 $0x1B8E;
	s25 =	sld [smem:$0x3FFE];
	[sflag:s24] =	ssyncadd.s32 $0xFFFFFFFF  }
0x23: {  	s27 =	simm.s32 $execute0_lowered;
	[smem:$0x3FD2] =	sst s26  }
0x24: {  	s5 =	sshll.u32 s27, $0x1;
	_ =	strace $0x80000049;
	[dreg:$0x1] =	wrdreg $0xFFFFFFFF  }
0x25: {  	s28 =	simm.s32 $_size_execute0_lowered;
	s3 =	sadd.s32 s3, s5;
	[dreg:$0x0] =	wrdreg $0x0  }
0x26: {  	s5 =	sshll.u32 s28, $0x1;
	[dreg:$0x2] =	wrdreg s3  }
0x27: {  	[dreg:$0x3] =	wrdreg s5  }
0x28: {  	[dreg:$0x4] =	wrdreg $0xC0  }
0x29: {  	_ =	task [dreg:s7], $0x5FFFF  }
0x2a: {  	[dreg:$0x1] =	wrdreg $0xFFFFFFFF  }
0x2b: {  	[dreg:$0x0] =	wrdreg $0x60  }
0x2c: {  	[dreg:$0x2] =	wrdreg s25  }
0x2d: {  	[dreg:$0x3] =	wrdreg s17  }
0x2e: {  	[dreg:$0x4] =	wrdreg $0x9  }
0x2f: {  	_ =	task.clear_ibuf [dreg:s7], $0x5FFFF;
	_ =	strace $0x90000049  }
0x30: {  	s29 =	simm.s32 $0x9;
	_ =	strace $0x8000004B  }
0x31: {  	_ =	swait.ge [sflag:s29], $0x1  }
0x32: {  	[sflag:s29] =	ssyncadd.s32 $0xFFFFFFFF  }
0x33: {  	_ =	strace $0x9000004B  }
0x34: {  	_ =	sfence  }
0x35: {  	s30 =	sld [smem:$0x0];
	_ =	sdelay $0x2  }
0x36: {  	s31 =	sshll.u32 s1, $0xD;
	s1 =	sshrl.u32 s1, $0x2  }
0x37: {  	s3 =	sand.u32 $0x4000, s31;
	s1 =	sadd.s32 s1, s30  }
0x38: {  	s0 =	sor.u32 s3, s0;
	s1 =	sshll.u32 s1, $0x11  }
0x39: {  	s0 =	sor.u32 s1, s0  }
0x3a: {  	s0 =	sadd.s32 $0x8F2B, s0  }
0x3b: {  	[sflag:s0] =	ssyncadd.remote.s32 $0x1  }
0x3c: {  	_ =	sfence.sel $0xFFFF  }
0x3d: {  	[dreg:$0x0] =	wrdreg $0xFFFFFFFF;
	(pc) =	sbr.abs _section_cstart, $3  }
0x3e: {  	[dreg:$0x1] =	wrdreg $0xFFFFFFFF  }
0x3f: {  	_ =	task.clear_ibuf [dreg:s7], $0x2FFFF;
	_ =	strace $0x9FFFFFFF  }
0x40: {  	(tm) =	ssettm $0x7FFFFFFF  }
0x41: {  	_ =	shalt  }
tec
execute0_lowered:
.L_overlay_start_1:
0x0: {  	(tag) =	ssettag $0x1  }
0x1: {  	s5 =	rddreg [dreg:$0x0]  }
0x2: {  	s0 =	srdreg.scid;
	s3 =	rddreg [dreg:$0x1];
	s7 =	simm.s32 $0x1  }
0x3: {  	s8 =	simm.s32 $0x2;
	s16 =	simm.s32 $0x0;
	s1 =	sshll.u32 s0, $0x4  }
0x4: {  	s18 =	simm.s32 $0x0;
	s0 =	stileid.u32;
	s1 =	sand.u32 $0x10, s1  }
0x5: {  	s17 =	simm.s32 $0x0;
	s9 =	simm.s32 $0x0;
	s1 =	sor.u32 s0, s1  }
0x6: {  	s10 =	simm.s32 $0x0;
	s11 =	simm.s32 $0x0;
	s2 =	sshll.u32 s1, $0x7  }
0x7: {  	s12 =	simm.s32 $0x0;
	s13 =	simm.s32 $0x0;
	s6 =	ssub.s32 $0x1000, s2  }
0x8: {  	s15 =	simm.s32 $0x0;
	s5 =	sadd.s32 $0xE00, s5;
	s4 =	sand.u32 $0xF80, s6  }
.Ltmp0:
0x9: {  	s1 =	rddreg [dreg:$0x2];
	p0 =	sne.s32 s4, $0x0;
	(pc) =	sbr.rel .LBB1_1-.Ltmp0, $4  }
0xa: {  	_ =	strace $0x8000004A;
	s6 =	sshrl.u32 s6, $0xC;
	s7 =	simm.s32 @!p0 $0x0  }
0xb: {  	s14 =	smov.u32 s2;
	s4 =	simm.s32 $0x1;
	s6 =	sadd.s32 s7, s6  }
0xc: {  	[sflag:s4] =	ssyncpa.u1 $0x0;
	p0 =	por $0x0, $0x0;
	s6 =	sshll.u32 s6, $0x6  }
0xd: {  	[sflag:s8] =	ssyncpa.u1 $0x0;
	s8 =	simm.s32 $0x8000;
	s7 =	sor.u32 $0x1, s6  }
.LBB1_4:
0xe: {  	s23 =	sshra.s32 s23, $0x2;
	s30 =	sshll.u32 s9, $0xC  }
0xf: {  	p1 =	sgt.s32 s10, $0x1F;
	s24 =	smov.u32 s10;
	s25 =	sshra.s32 s10, $0x1F  }
0x10: {  	s26 =	sshll.u32 s11, $0x3;
	s28 =	smov.u32 s11;
	s29 =	sshra.s32 s11, $0x1F  }
0x11: {  	s22 =	sadd.s32 s23, s22;
	s24 =	simm.s32 @!p1 $0x1F;
	s25 =	sand.u32 s25, s10  }
0x12: {  	s23 =	sand.u32 $0xFFFF8000, s30;
	s27 =	sand.u32 $0xFFFFFC00, s26;
	p1 =	sgt.s32 s9, $0x48  }
0x13: {  	s31 =	sand.u32 s29, s11;
	s29 =	sshll.u32 s9, $0x7;
	s30 =	sshra.s32 s9, $0x1F  }
0x14: {  	[tilespmem:s21+$0x2040 ss:$0x81] =	vst.msk $0xffff, v4;
	s24 =	ssub.s32 s24, s25;
	s23 =	sadd.s32 s27, s23;
	s27 =	smov.u32 s9  }
0x15: {  	[tilespmem:s21+$0x2850 ss:$0x81] =	vst.msk $0xffff, v3;
	s29 =	sand.u32 $0x380, s29;
	s25 =	sadd.s32 $0xFFFFFFE1, s24;
	s27 =	simm.s32 @!p1 $0x48  }
0x16: {  	v5 =	vld [tilespmem:s20+$0xFFFFFFD0];
	[tilespmem:s21+$0x3060 ss:$0x81] =	vst.msk $0xffff, v2;
	p1 =	sgt.s32 s11, $0xF80;
	s23 =	sshrl.u32 s23, $0xC;
	s24 =	ssub.s32 $0x20, s24  }
0x17: {  	v58 =	vld [tilespmem:s20+$0xFFFFFFE0];
	[tilespmem:s21+$0x0 ss:$0x81] =	vst.msk $0xffff, v1;
	s28 =	simm.s32 @!p1 $0xF80;
	p1 =	sgt.s32 s25, $0x0;
	s21 =	smulhi.u32 $0x147AE15, s23  }
0x18: {  	v59 =	vld [tilespmem:s20+$0xFFFFFFF0];
	s25 =	ssub.s32 s28, s31;
	s28 =	sand.u32 s30, s9;
	s24 =	simm.s32 @p1 $0x0  }
0x19: {  	v60 =	vld [tilespmem:s20+$0x0];
	s27 =	ssub.s32 s27, s28;
	s31 =	sadd.s32 $0xFFFFF080, s25;
	s25 =	ssub.s32 $0x1000, s25  }
0x1a: {  	v61 =	vld [tilespmem:s20+$0x10];
	[tilespmem:s22+$0x3870 ss:$0x81] =	vst.msk $0xffff, v0;
	s21 =	smul.u32 $0xC8, s21;
	s28 =	sand.u32 $0x7, s11;
	p1 =	sgt.s32 s31, $0x7F  }
0x1b: {  	v62 =	vld [tilespmem:s20+$0x20];
	[tilespmem:s22+$0x810 ss:$0x81] =	vst.msk $0xffff, v5;
	s30 =	sadd.s32 $0xFFFFFFB8, s27;
	s31 =	sand.u32 $0x78, s11;
	s25 =	simm.s32 @p1 $0x0  }
0x1c: {  	v63 =	vld [tilespmem:s20+$0xFFFFFFC0];
	[tilespmem:s22+$0x1020 ss:$0x81] =	vst.msk $0xffff, v58;
	p1 =	sgt.s32 s30, $0x7F;
	s30 =	sand.u32 $0xC00, s26;
	s24 =	smul.u32 s25, s24  }
0x1d: {  	[tilespmem:s22+$0x1830 ss:$0x81] =	vst.msk $0xffff, v59;
	s26 =	ssub.s32 $0xC8, s27;
	s20 =	sor.u32 s31, s30;
	s31 =	smul.u32 $0x19000, s10  }
0x1e: {  	[tilespmem:s22+$0x2040 ss:$0x81] =	vst.msk $0xffff, v60;
	s21 =	ssub.s32 s23, s21;
	s26 =	simm.s32 @p1 $0x0;
	s20 =	sor.u32 s29, s20  }
0x1f: {  	[tilespmem:s22+$0x2850 ss:$0x81] =	vst.msk $0xffff, v61;
	s26 =	smul.u32 s26, s24;
	s20 =	sshrl.u32 s20, $0x3;
	s27 =	sadd.s32 s3, s31  }
0x20: {  	[tilespmem:s22+$0x3060 ss:$0x81] =	vst.msk $0xffff, v62;
	s21 =	sshll.u32 s21, $0x9;
	s29 =	sshll.u32 s28, $0x12;
	s20 =	sadd.s32 s20, s27  }
0x21: {  	[tilespmem:s22+$0x0 ss:$0x81] =	vst.msk $0xffff, v63;
	s31 =	sor.u32 $0x400, s29;
	s30 =	sand.u32 $0x3FFFFFFF, s26;
	s20 =	sadd.s32 s21, s20  }
0x22: {  	[hbm4b:s20+s31] =	stream.strided.scatter [tilespmem:s19], [sflag:$0x2], s30, s8, s31, $0x20;
	[tilespmem:$0x10100] =	vst v63  }
.LBB1_5:
0x23: {  	p1 =	slt.u32 s15, $0x2  }
0x24: {  	p2 =	sgt.s32 @!p1 s18, $0x1F  }
0x25: {  	s19 =	smov.u32 s18;
	s20 =	sshra.s32 @!p1 s18, $0x1F;
	p2 =	por !p2, p1  }
0x26: {  	s18 =	sand.u32 @!p1 s20, s18;
	s19 =	simm.s32 @p2 $0x1F  }
0x27: {  	p3 =	sgt.s32 @!p1 s16, $0x48;
	s18 =	ssub.s32 @!p1 s19, s18  }
0x28: {  	p4 =	sgt.s32 @!p1 s17, $0xF80;
	s21 =	sshra.s32 @!p1 s17, $0x1F;
	s19 =	sadd.s32 @!p1 $0xFFFFFFE1, s18  }
0x29: {  	s20 =	smov.u32 s16;
	p2 =	sgt.s32 @!p1 s19, $0x0;
	s19 =	sshra.s32 @!p1 s16, $0x1F  }
0x2a: {  	p4 =	por !p4, p1;
	s16 =	sand.u32 @!p1 s19, s16;
	s19 =	smov.u32 s17  }
0x2b: {  	p3 =	por !p3, p1;
	s17 =	sand.u32 @!p1 s21, s17;
	s19 =	simm.s32 @p4 $0xF80  }
0x2c: {  	s20 =	simm.s32 @p3 $0x48;
	s18 =	ssub.s32 @!p1 $0x20, s18;
	s17 =	ssub.s32 @!p1 s19, s17  }
0x2d: {  	p2 =	por !p2, p1;
	s16 =	ssub.s32 @!p1 s20, s16;
	s20 =	sadd.s32 @!p1 $0xFFFFF080, s17  }
0x2e: {  	s18 =	simm.s32 @!p2 $0x0;
	p3 =	sgt.s32 @!p1 s20, $0x7F  }
0x2f: {  	s19 =	sadd.s32 @!p1 $0xFFFFFFB8, s16;
	s17 =	ssub.s32 @!p1 $0x1000, s17;
	p3 =	por !p3, p1  }
0x30: {  	p2 =	sgt.s32 @!p1 s19, $0x7F;
	s19 =	sadd.s32 $0x80, s12;
	s17 =	simm.s32 @!p3 $0x0  }
0x31: {  	p3 =	sgt.s32 s19, $0xC7;
	s17 =	smul.u32 @!p1 s17, s18;
	s18 =	simm.s32 $0x1  }
0x32: {  	s16 =	ssub.s32 @!p1 $0xC8, s16;
	p2 =	por !p2, p1;
	s18 =	simm.s32 @!p3 $0x0  }
0x33: {  	s21 =	smov.u32 s14;
	s16 =	simm.s32 @!p2 $0x0;
	s20 =	sadd.s32 s18, s13  }
0x34: {  	s16 =	smul.u32 @!p1 s16, s17;
	s17 =	sadd.s32 $0x1000, s14;
	p2 =	sgt.s32 s20, $0x1F  }
0x35: {  	p0 =	por !p0, !p0;
	s22 =	simm.s32 @!p1 $0x2;
	s21 =	smov.u32 @p2 s17  }
0x36: {  	s19 =	simm.s32 @p3 $0x0;
	s20 =	simm.s32 @p2 $0x0;
	p2 =	sgt.s32 s21, $0xFFF  }
0x37: {  	s18 =	smov.u32 s10;
	s21 =	smov.u32 @p2 s2;
	p2 =	sne.s32 s15, s7  }
.Ltmp1:
0x38: {  	s10 =	smov.u32 s13;
	s16 =	sand.u32 @!p1 $0x3FFFFFFF, s16;
	(pc) =	sbr.rel @!p2 .LBB1_6-.Ltmp1, $4  }
0x39: {  	s17 =	smov.u32 s11;
	s11 =	smov.u32 s14;
	_ =	swait.ge @!p1 [sflag:s22], s16  }
0x3a: {  	s23 =	ssub.s32 @!p1 $0x0, s16;
	s16 =	smov.u32 s9;
	s9 =	smov.u32 s12  }
0x3b: {  	s12 =	smov.u32 s19;
	s13 =	smov.u32 s20;
	[sflag:s22] =	ssyncset.done @!p1 $0x0  }
0x3c: {  	s15 =	sadd.s32 $0x1, s15;
	[sflag:s22] =	ssyncadd.s32 @!p1 s23;
	s14 =	smov.u32 s21  }
.LBB1_1:
0x3d: {  	p1 =	sge.u32 s15, s6  }
0x3e: {  	s31 =	sadd.s32 $0xFFFFFFFF, s15;
	s19 =	sxor.u32 @!p1 $0xFFFFFFFF, s15  }
0x3f: {  	s20 =	sshll.u32 @!p1 s13, $0x8;
	s21 =	sshll.u32 @!p1 s12, $0x3;
	s22 =	sshll.u32 @!p1 s13, $0x7  }
0x40: {  	s23 =	sand.u32 @!p1 $0x78, s12;
	s20 =	sand.u32 @!p1 $0x1800, s20;
	s21 =	sand.u32 @!p1 $0x1C00, s21  }
0x41: {  	s19 =	sshll.u32 @!p1 s19, $0xE;
	s20 =	sadd.s32 @!p1 s20, s21;
	s21 =	sand.u32 @!p1 $0x300, s22  }
0x42: {  	s19 =	sand.u32 @!p1 $0x4000, s19;
	s20 =	sor.u32 @!p1 s21, s20;
	s21 =	sand.u32 @!p1 $0x80, s22  }
0x43: {  	s22 =	sshll.u32 @!p1 s14, $0xA;
	s21 =	sor.u32 @!p1 s23, s21;
	s20 =	sshrl.u32 @!p1 s20, $0x3  }
0x44: {  	s22 =	sadd.s32 @!p1 s5, s22;
	s23 =	sand.u32 @!p1 $0x7, s12;
	s21 =	sshrl.u32 @!p1 s21, $0x3  }
0x45: {  	s20 =	sand.u32 @!p1 $0x3E0, s20;
	s21 =	sadd.s32 @!p1 s21, s22;
	s22 =	sshll.u32 @!p1 s23, $0x12  }
0x46: {  	s20 =	sadd.s32 @!p1 s20, s21;
	s21 =	sor.u32 @!p1 $0x80, s22;
	s22 =	simm.s32 @!p1 $0x2000  }
0x47: {  	[tilespmem:s19], [sflag:$0x1] =	stream.strided.gather @!p1 [hbm4b:s20+s21], $0x4000, s22, s21, $0x38;
	[tilespmem:$0x10100] =	vst v63  }
0x48: {  	p1 =	sge.u32 s31, s6  }
.Ltmp2:
0x49: {  	_ = 	snop;
	(pc) =	sbr.rel @p1 .LBB1_5-.Ltmp2, $1  }
0x4a: {  	_ =	sdelay $0x3  }
0x4b: {  	s19 =	simm.s32 $0x1  }
0x4c: {  	_ =	swait.ge [sflag:s4], $0x4000;
	s19 =	simm.s32 @!p0 $0x0  }
0x4d: {  	[sflag:s4] =	ssyncset.done $0x0;
	s20 =	sshll.u32 s19, $0xE  }
0x4e: {  	[sflag:s4] =	ssyncadd.s32 $0xFFFFC000;
	s20 =	sor.u32 $0x40, s20  }
0x4f: {  	s19 =	smul.u32 $0x10200, s19;
	v0 =	vld [tilespmem:s20+$0x30]  }
0x50: {  	v1 =	vld [tilespmem:s20+$0xFFFFFFD0]  }
0x51: {  	s19 =	sshrl.u32 s19, $0x2;
	v5 =	vld [tilespmem:s20+$0xFFFFFFE0]  }
0x52: {  	v6 =	vld [tilespmem:s20+$0xFFFFFFF0];
	s22 =	sor.u32 $0x8000, s19  }
0x53: {  	s31 =	sand.u32 $0x1, s15;
	v4 =	vld [tilespmem:s20+$0x0];
	s21 =	sadd.s32 $0x0, s22  }
0x54: {  	v3 =	vld [tilespmem:s20+$0x10];
	s19 =	smul.u32 $0x10200, s31;
	[tilespmem:s21+$0x3870 ss:$0x81] =	vst.msk $0xffff, v0  }
0x55: {  	v2 =	vld [tilespmem:s20+$0x20];
	[tilespmem:s21+$0x810 ss:$0x81] =	vst.msk $0xffff, v1  }
0x56: {  	s19 =	sshrl.u32 s19, $0x2;
	v1 =	vld [tilespmem:s20+$0xFFFFFFC0];
	[tilespmem:s21+$0x1020 ss:$0x81] =	vst.msk $0xffff, v5;
	s20 =	sadd.s32 $0x80, s20  }
0x57: {  	s23 =	simm.s32 $0x4;
	s24 =	simm.s32 $0x8;
	s19 =	sor.u32 $0x8000, s19;
	[tilespmem:s21+$0x1830 ss:$0x81] =	vst.msk $0xffff, v6;
	v0 =	vld [tilespmem:s20+$0x30]  }
.LBB1_3:
0x58: {  	p1 =	sne.s32 s24, $0x1FC;
	v5 =	vld [tilespmem:s20+$0xFFFFFFD0];
	[tilespmem:s21+$0x2040 ss:$0x81] =	vst.msk $0xffff, v4  }
0x59: {  	v6 =	vld [tilespmem:s20+$0xFFFFFFE0];
	[tilespmem:s21+$0x2850 ss:$0x81] =	vst.msk $0xffff, v3  }
0x5a: {  	s25 =	sshra.s32 s23, $0x2;
	s23 =	smov.u32 s24;
	v7 =	vld [tilespmem:s20+$0xFFFFFFF0];
	[tilespmem:s21+$0x3060 ss:$0x81] =	vst.msk $0xffff, v2  }
.Ltmp3:
0x5b: {  	v4 =	vld [tilespmem:s20+$0x0];
	[tilespmem:s21+$0x0 ss:$0x81] =	vst.msk $0xffff, v1;
	s21 =	sadd.s32 s25, s22;
	(pc) =	sbr.rel @p1 .LBB1_3-.Ltmp3, $4  }
0x5c: {  	v3 =	vld [tilespmem:s20+$0x10];
	[tilespmem:s21+$0x3870 ss:$0x81] =	vst.msk $0xffff, v0  }
0x5d: {  	[tilespmem:s21+$0x810 ss:$0x81] =	vst.msk $0xffff, v5;
	v2 =	vld [tilespmem:s20+$0x20]  }
0x5e: {  	v1 =	vld [tilespmem:s20+$0xFFFFFFC0];
	[tilespmem:s21+$0x1020 ss:$0x81] =	vst.msk $0xffff, v6;
	s20 =	sadd.s32 $0x80, s20  }
0x5f: {  	s24 =	sadd.s32 $0x4, s24;
	v0 =	vld [tilespmem:s20+$0x30];
	[tilespmem:s21+$0x1830 ss:$0x81] =	vst.msk $0xffff, v7  }
.Ltmp4:
0x60: {  	_ = 	snop;
	(pc) =	sbr.rel .LBB1_4-.Ltmp4, $1  }
0x61: {  	_ =	sdelay $0x3  }
.LBB1_6:
0x62: {  	_ =	sfence.sel $0x180000  }
0x63: {  	s2 =	simm.s32 $0x1;
	[bflag:$0x0] =	sbarrier.arrive $0xFFFF  }
0x64: {  	s31 =	simm.s32 $0x2;
	[sflag:s2] =	ssyncpa.u1 $0x1  }
0x65: {  	[sflag:s31] =	ssyncpa.u1 $0x1  }
0x66: {  	p0 =	sne.s32 s0, $0x0;
	_ =	strace $0x9000004A  }
0x67: {  	s0 =	sadd.s32 @!p0 $0x100000, s1;
	[bflag:$0x2] =	sbarrier.arrive $0xFFFF  }
0x68: {  	[sflag:s0] =	ssyncadd.tile.s32 @!p0 $0x1;
	_ =	shalt  }
.Lfunc_end1:
_tile_overlayer_lowered:
.L_overlay_start_2:
0x69: {  	(tag) =	ssettag $0x2  }
0x6a: {  	s0 =	rddreg [dreg:$0x0];
	s2 =	stileid.u32  }
0x6b: {  	s1 =	rddreg [dreg:$0x1];
	p0 =	sne.s32 s2, $0x0  }
0x6c: {  	s3 =	rddreg [dreg:$0x2];
	[bflag:$0x3] =	sbarrier.arrive $0xFFFF;
	s2 =	simm.s32 @!p0 $0x1C01  }
0x6d: {  	[timem:s3], [sflag:s2] =	dma.local @!p0 [hbm:s0], s1  }
0x6e: {  	s0 =	simm.s32 @!p0 $0x1  }
0x6f: {  	_ =	swait.ge @!p0 [sflag:s0], s1  }
0x70: {  	s1 =	ssub.s32 @!p0 $0x0, s1;
	[sflag:s0] =	ssyncset.done @!p0 $0x0  }
0x71: {  	[sflag:s0] =	ssyncadd.s32 @!p0 s1  }
0x72: {  	[bflag:$0x3] =	sbarrier.arrive $0xFFFF  }
0x73: {  	_ =	shalt  }

</sc_bundles>
